<compile_context>
chip_gen: v7x
topology: tpu7x:2x2x1
jax: 0.10.2.dev20260603
libtpu: 0.0.44.dev20260713+nightly
codegen_flags: <defaults>
</compile_context>

<pallas_src>
import functools
import jax
import jax.numpy as jnp
from jax import lax
from jax.experimental import pallas as pl
from jax.experimental.pallas import tpu as pltpu
from jax.experimental.pallas import tpu_sc as plsc

N = 10000
E = 160000
IN = 16
H = 4
C = 128
HC = H * C
NC = 2
NS = 16
NW = NC * NS

EP = 172032
CHUNK = 64
B_PER_W = EP // NW
G_ITERS = B_PER_W // CHUNK

MW = HC + 128

NCH = 2688
NB2 = 22528
NB_PER_W = NB2 // NW
NB_ITERS = NB_PER_W // CHUNK

@functools.lru_cache(maxsize=1)
def _sc_kernels():
  mesh = plsc.VectorSubcoreMesh(core_axis_name="c", subcore_axis_name="s")

  def _make_gather(n_rows, width, iters):
    @functools.partial(
        pl.kernel, mesh=mesh,
        out_type=jax.ShapeDtypeStruct((n_rows, width), jnp.float32),
        scratch_types=[
            pltpu.VMEM((CHUNK,), jnp.int32),
            pltpu.VMEM((CHUNK, width), jnp.float32),
            pltpu.SemaphoreType.DMA,
        ],
    )
    def _g(table_hbm, idx_hbm, out_hbm, idx_v, rows_v, sem):
      wid = lax.axis_index("s") * NC + lax.axis_index("c")
      base = wid * (n_rows // NW)

      def body(j, _):
        eb = base + j * CHUNK
        pltpu.sync_copy(idx_hbm.at[pl.ds(eb, CHUNK)], idx_v)
        pltpu.async_copy(table_hbm.at[idx_v], rows_v, sem).wait()
        pltpu.sync_copy(rows_v, out_hbm.at[pl.ds(eb, CHUNK)])
        return 0

      lax.fori_loop(0, iters, body, 0)

    return _g

  _sc_gather = _make_gather(EP, HC, G_ITERS)
  _sc_gather_b = _make_gather(NB2, MW, NB_ITERS)

  @functools.partial(
      pl.kernel, mesh=mesh,
      out_type=jax.ShapeDtypeStruct((NCH, MW), jnp.float32),
      scratch_types=[
          pltpu.VMEM((CHUNK, MW), jnp.float32),
          pltpu.VMEM((MW,), jnp.float32),
      ],
  )
  def _sc_psum(msg_hbm, out_hbm, buf, acc):
    wid = lax.axis_index("s") * NC + lax.axis_index("c")
    base = wid * B_PER_W

    def chunk(j, _):
      pltpu.sync_copy(msg_hbm.at[pl.ds(base + j * CHUNK, CHUNK)], buf)
      for k in range(MW // 16):
        acc[pl.ds(k * 16, 16)] = jnp.zeros((16,), jnp.float32)

      def row(r, _):
        for k in range(MW // 16):
          s = pl.ds(k * 16, 16)
          acc[s] = acc[s] + buf[r, s]
        return 0

      lax.fori_loop(0, CHUNK, row, 0)
      pltpu.sync_copy(acc, out_hbm.at[wid * G_ITERS + j])
      return 0

    lax.fori_loop(0, G_ITERS, chunk, 0)

  @functools.partial(
      pl.kernel, mesh=mesh,
      out_type=jax.ShapeDtypeStruct((EP, MW), jnp.float32),
      scratch_types=[
          pltpu.VMEM((CHUNK, MW), jnp.float32),
          pltpu.VMEM((MW,), jnp.float32),
      ],
  )
  def _sc_cumsum(msg_hbm, out_hbm, buf, acc):
    wid = lax.axis_index("s") * NC + lax.axis_index("c")
    base = wid * B_PER_W

    def chunk(j, _):
      eb = base + j * CHUNK
      pltpu.sync_copy(msg_hbm.at[pl.ds(eb, CHUNK)], buf)
      for k in range(MW // 16):
        acc[pl.ds(k * 16, 16)] = jnp.zeros((16,), jnp.float32)

      def row(r, _):
        for k in range(MW // 16):
          s = pl.ds(k * 16, 16)
          a = acc[s] + buf[r, s]
          acc[s] = a
          buf[r, s] = a
        return 0

      lax.fori_loop(0, CHUNK, row, 0)
      pltpu.sync_copy(buf, out_hbm.at[pl.ds(eb, CHUNK)])
      return 0

    lax.fori_loop(0, G_ITERS, chunk, 0)

  return _sc_gather, _sc_gather_b, _sc_psum, _sc_cumsum


def _proj_body(x_ref, wl_ref, bl_ref, wr_ref, br_ref, xl_ref, xr_ref):
    x = x_ref[...]
    xl_ref[...] = jnp.dot(x, wl_ref[...],
                          preferred_element_type=jnp.float32) + bl_ref[...]
    xr_ref[...] = jnp.dot(x, wr_ref[...],
                          preferred_element_type=jnp.float32) + br_ref[...]


def _edge_body(gl_ref, gr_ref, att_ref, s_ref, st_ref, sp_ref, msg_ref):
    z = gl_ref[...] + gr_ref[...]
    z = jnp.where(z > 0, z, 0.2 * z)
    prod = z * att_ref[...]
    logits = jnp.dot(prod, s_ref[...], preferred_element_type=jnp.float32)
    ex = jnp.exp(logits)
    pexp = jnp.dot(ex, st_ref[...], preferred_element_type=jnp.float32)
    exfull = jnp.dot(ex, sp_ref[...], preferred_element_type=jnp.float32)
    msg_ref[...] = jnp.concatenate([gl_ref[...] * pexp, exfull], axis=1)


def _scan_body(ltri_ref, ps_ref, out_ref):
    out_ref[...] = jnp.dot(ltri_ref[...], ps_ref[...],
                           preferred_element_type=jnp.float32)


def _final_body(chi_ref, clo_ref, mask_ref, offd_ref, dsel_ref, bias_ref,
                out_ref):
    diff = chi_ref[...] - clo_ref[...] * mask_ref[...] + offd_ref[...]
    dexp = jnp.dot(diff, dsel_ref[...], preferred_element_type=jnp.float32)
    out_ref[...] = diff[:, :HC] / dexp + bias_ref[...]


def kernel(node_edge_feat, node_to_node_index, W_l, b_l, W_r, b_r, att, bias):
    f32 = jnp.float32
    n = N
    sc_gather, sc_gather_b, sc_psum, sc_cumsum = _sc_kernels()

    loop = jnp.arange(n, dtype=jnp.int32)
    src = jnp.concatenate([node_to_node_index[0].astype(jnp.int32), loop,
                           jnp.zeros((EP - E - n,), jnp.int32)])
    dst = jnp.concatenate([node_to_node_index[1].astype(jnp.int32), loop,
                           jnp.full((EP - E - n,), n, jnp.int32)])
    perm = jnp.argsort(dst)
    srcp = src[perm]
    dstp = dst[perm]
    src_g = jnp.where(srcp < n, srcp, 0)
    dst_g = jnp.where(dstp < n, dstp, 0)
    start_lo = jnp.searchsorted(dstp, loop).astype(jnp.int32)
    start_hi = jnp.searchsorted(
        dstp, jnp.arange(1, n + 1, dtype=jnp.int32)).astype(jnp.int32)
    hi_idx = start_hi - 1
    lo_idx = jnp.clip(start_lo - 1, 0, EP - 1)
    gidx = jnp.concatenate([hi_idx, lo_idx,
                            jnp.zeros((NB2 - 2 * n,), jnp.int32)])
    mask = (start_lo > 0).astype(f32).reshape(n, 1)

    att_b = att.reshape(1, HC).astype(f32)
    sel = (jnp.arange(HC)[:, None] // C == jnp.arange(H)[None, :]
           ).astype(f32)
    sel_t = sel.T
    sel_p = (jnp.arange(H)[:, None] == jnp.arange(128)[None, :]
             ).astype(f32)
    dsel = (jnp.arange(MW)[:, None] == (jnp.arange(HC)[None, :] // C + HC)
            ).astype(f32)
    chlo = jnp.where(start_lo > 0, (start_lo - 1) // CHUNK, 0)
    chhi = (start_hi - 1) // CHUNK
    ch = jnp.arange(NCH, dtype=jnp.int32)
    wspan = ((ch[None, :] >= chlo[:, None]) &
             (ch[None, :] < chhi[:, None])).astype(f32)
    bias_b = bias.reshape(1, HC).astype(f32)

    xl, xr = pl.pallas_call(
        _proj_body,
        grid=(10,),
        in_specs=[
            pl.BlockSpec((1000, IN), lambda i: (i, 0)),
            pl.BlockSpec((IN, HC), lambda i: (0, 0)),
            pl.BlockSpec((1, HC), lambda i: (0, 0)),
            pl.BlockSpec((IN, HC), lambda i: (0, 0)),
            pl.BlockSpec((1, HC), lambda i: (0, 0)),
        ],
        out_specs=[
            pl.BlockSpec((1000, HC), lambda i: (i, 0)),
            pl.BlockSpec((1000, HC), lambda i: (i, 0)),
        ],
        out_shape=[
            jax.ShapeDtypeStruct((n, HC), f32),
            jax.ShapeDtypeStruct((n, HC), f32),
        ],
    )(node_edge_feat.astype(f32), W_l.astype(f32), b_l.reshape(1, HC),
      W_r.astype(f32), b_r.reshape(1, HC))

    gl = sc_gather(xl, src_g)
    gr = sc_gather(xr, dst_g)

    msg = pl.pallas_call(
        _edge_body,
        grid=(EP // 2048,),
        in_specs=[
            pl.BlockSpec((2048, HC), lambda i: (i, 0)),
            pl.BlockSpec((2048, HC), lambda i: (i, 0)),
            pl.BlockSpec((1, HC), lambda i: (0, 0)),
            pl.BlockSpec((HC, H), lambda i: (0, 0)),
            pl.BlockSpec((H, HC), lambda i: (0, 0)),
            pl.BlockSpec((H, 128), lambda i: (0, 0)),
        ],
        out_specs=pl.BlockSpec((2048, MW), lambda i: (i, 0)),
        out_shape=jax.ShapeDtypeStruct((EP, MW), f32),
    )(gl, gr, att_b, sel, sel_t, sel_p)

    psums = sc_psum(msg)

    offd = pl.pallas_call(
        _scan_body,
        grid=(10,),
        in_specs=[
            pl.BlockSpec((1000, NCH), lambda i: (i, 0)),
            pl.BlockSpec((NCH, MW), lambda i: (0, 0)),
        ],
        out_specs=pl.BlockSpec((1000, MW), lambda i: (i, 0)),
        out_shape=jax.ShapeDtypeStruct((n, MW), f32),
    )(wspan, psums)

    cum = sc_cumsum(msg)

    bnd = sc_gather_b(cum, gidx)

    out = pl.pallas_call(
        _final_body,
        grid=(10,),
        in_specs=[
            pl.BlockSpec((1000, MW), lambda i: (i, 0)),
            pl.BlockSpec((1000, MW), lambda i: (i + 10, 0)),
            pl.BlockSpec((1000, 1), lambda i: (i, 0)),
            pl.BlockSpec((1000, MW), lambda i: (i, 0)),
            pl.BlockSpec((MW, HC), lambda i: (0, 0)),
            pl.BlockSpec((1, HC), lambda i: (0, 0)),
        ],
        out_specs=pl.BlockSpec((1000, HC), lambda i: (i, 0)),
        out_shape=jax.ShapeDtypeStruct((n, HC), f32),
    )(bnd, bnd, mask, offd, dsel, bias_b)
    return out

# --- scband reference (transcript-rebuilt; emitter-appended) ---
"""Pipeline reference for scband-edge-to-node-aggregation-188978561192 (READ-ONLY COPY).

The authoritative reference and input builder live on the scoring server;
editing this copy changes nothing except your own understanding.
"""

import jax, jax.numpy as jnp
import numpy as np

N = 10000
E = 160000
IN = 16
H = 4
C = 128


def setup_inputs(seed: int = 0) -> dict:
    key = jax.random.key(seed)
    ks = jax.random.split(key, 8)
    node_edge_feat = jax.random.normal(ks[0], (N, IN), dtype=jnp.float32)
    node_to_node_index = jax.random.randint(ks[1], (2, E), 0, N, dtype=jnp.int32)
    s_in = 1.0 / np.sqrt(IN)
    W_l = jax.random.normal(ks[2], (IN, H * C), dtype=jnp.float32) * s_in
    b_l = jnp.zeros((H * C,), dtype=jnp.float32)
    W_r = jax.random.normal(ks[3], (IN, H * C), dtype=jnp.float32) * s_in
    b_r = jnp.zeros((H * C,), dtype=jnp.float32)
    att = jax.random.normal(ks[4], (H, C), dtype=jnp.float32) * (1.0 / np.sqrt(C))
    bias = jnp.zeros((H * C,), dtype=jnp.float32)
    return {
        "node_edge_feat": node_edge_feat,
        "node_to_node_index": node_to_node_index,
        "W_l": W_l,
        "b_l": b_l,
        "W_r": W_r,
        "b_r": b_r,
        "att": att,
        "bias": bias,
    }


def reference(node_edge_feat, node_to_node_index, W_l, b_l, W_r, b_r, att, bias):
    # Faithful GATv2Conv (PyG semantics): heads=4, concat=True, add_self_loops=True,
    # negative_slope=0.2, dropout inactive (eval mode).
    n = node_edge_feat.shape[0]
    loop = jnp.arange(n, dtype=node_to_node_index.dtype)
    ei = jnp.concatenate([node_to_node_index, jnp.stack([loop, loop])], axis=1)
    src, dst = ei[0], ei[1]
    x_l = (node_edge_feat @ W_l + b_l).reshape(n, H, C)
    x_r = (node_edge_feat @ W_r + b_r).reshape(n, H, C)
    e = x_l[src] + x_r[dst]                      # gather: [E', H, C]
    e = jax.nn.leaky_relu(e, negative_slope=0.2)
    logits = jnp.einsum('ehc,hc->eh', e, att)    # [E', H]
    m = jax.ops.segment_max(logits, dst, num_segments=n)
    ex = jnp.exp(logits - m[dst])
    denom = jax.ops.segment_sum(ex, dst, num_segments=n)
    alpha = ex / denom[dst]                      # segment softmax over incoming edges
    msgs = x_l[src] * alpha[:, :, None]          # [E', H, C]
    out = jax.ops.segment_sum(msgs, dst, num_segments=n).reshape(n, H * C) + bias
    return out

if __name__ == "__main__":
    import jax
    _d = setup_inputs()
    print(jax.jit(kernel)(*tuple(_d.values())))

</pallas_src>

<mosaic_0001>
#map = affine_map<(d0, d1) -> (0, 0)>
#map1 = affine_map<(d0, d1) -> (0)>
module attributes {stable_mosaic.version = 14 : i64} {
  func.func @_g(%arg0: i32, %arg1: i32, %arg2: memref<10000x512xf32, #tpu.memory_space<hbm>>, %arg3: memref<172032xi32, #tpu.memory_space<hbm>>, %arg4: memref<172032x512xf32, #tpu.memory_space<hbm>>, %arg5: memref<64xi32, #tpu.memory_space<vmem>>, %arg6: memref<64x512xf32, #tpu.memory_space<vmem>>, %arg7: memref<!tpu.dma_semaphore, #tpu.memory_space<semaphore_mem>>) attributes {dimension_semantics = [#tpu.dimension_semantics<core_parallel>, #tpu.dimension_semantics<subcore_parallel>], iteration_bounds = array<i64: 2, 16>, scalar_prefetch = 0 : i64, scratch_operands = 3 : i64, tpu.core_type = #tpu.core_type<sc_vector_subcore>, window_params = [{transform_indices = #map}, {transform_indices = #map1}, {transform_indices = #map}]} {
    %mul3A = arith.constant 2 : i32
    %mul3A_0 = arith.muli %arg1, %mul3A : i32
    %add3A = arith.addi %mul3A_0, %arg0 : i32
    %mul3A_1 = arith.constant 5376 : i32
    %mul3A_2 = arith.muli %add3A, %mul3A_1 : i32
    %scan3A = arith.constant 0 : i32
    %scan3A_3 = arith.constant 0 : i32
    %scan3A_4 = arith.constant 84 : i32
    %scan3A_5 = arith.addi %scan3A_3, %scan3A_4 : i32
    %scan3A_6 = arith.constant 1 : i32
    %scan3A_7 = scf.for %scan3A_9 = %scan3A_3 to %scan3A_5 step %scan3A_6 iter_args(%scan3A_10 = %scan3A) -> (i32)  : i32 {
      %mul3A_11 = arith.constant 64 : i32
      %mul3A_12 = arith.muli %scan3A_9, %mul3A_11 : i32
      %add3A_13 = arith.addi %mul3A_2, %mul3A_12 : i32
      "tpu.region"() ({
        %run_scoped3A = tpu.sem_alloc : memref<!tpu.dma_semaphore, #tpu.memory_space<semaphore_mem>>
        %dma_start3A_19 = tpu.memref_slice %arg3[%add3A_13] : memref<172032xi32, #tpu.memory_space<hbm>> -> memref<64xi32, #tpu.memory_space<hbm>>
        %dma_start3A_20 = tpu.memref_slice %arg3[%add3A_13] : memref<172032xi32, #tpu.memory_space<hbm>> -> memref<64xi32, #tpu.memory_space<hbm>>
        tpu.enqueue_dma source(%dma_start3A_20 : memref<64xi32, #tpu.memory_space<hbm>>) target(%arg5 : memref<64xi32, #tpu.memory_space<vmem>>) target_semaphore(%run_scoped3A : memref<!tpu.dma_semaphore, #tpu.memory_space<semaphore_mem>>)
        %dma_wait3A_21 = tpu.memref_slice %arg3[%add3A_13] : memref<172032xi32, #tpu.memory_space<hbm>> -> memref<64xi32, #tpu.memory_space<hbm>>
        %dma_wait3A_22 = tpu.memref_slice %arg3[%add3A_13] : memref<172032xi32, #tpu.memory_space<hbm>> -> memref<64xi32, #tpu.memory_space<hbm>>
        tpu.wait_dma2 semaphore(%run_scoped3A : memref<!tpu.dma_semaphore, #tpu.memory_space<semaphore_mem>>) src(%dma_wait3A_22 : memref<64xi32, #tpu.memory_space<hbm>>) dst(%arg5 : memref<64xi32, #tpu.memory_space<vmem>>)
        tpu.yield
      }) : () -> ()
      %dma_start3A = arith.constant 0 : i32
      %dma_start3A_14 = arith.constant 0 : i32
      %dma_start3A_15 = tpu.memref_slice %arg2[%dma_start3A, %dma_start3A_14] : memref<10000x512xf32, #tpu.memory_space<hbm>> -> memref<10000x512xf32, #tpu.memory_space<hbm>>
      tpu.enqueue_indirect_dma source(%dma_start3A_15 : memref<10000x512xf32, #tpu.memory_space<hbm>>) target(%arg6 : memref<64x512xf32, #tpu.memory_space<vmem>>) offsets(%arg5 : memref<64xi32, #tpu.memory_space<vmem>>) semaphore(%arg7 : memref<!tpu.dma_semaphore, #tpu.memory_space<semaphore_mem>>)
      %dma_wait3A = arith.constant 0 : i32
      %dma_wait3A_16 = arith.constant 0 : i32
      %dma_wait3A_17 = tpu.memref_slice %arg2[%dma_wait3A, %dma_wait3A_16] : memref<10000x512xf32, #tpu.memory_space<hbm>> -> memref<10000x512xf32, #tpu.memory_space<hbm>>
      tpu.wait_indirect_dma semaphore(%arg7 : memref<!tpu.dma_semaphore, #tpu.memory_space<semaphore_mem>>) src(%dma_wait3A_17 : memref<10000x512xf32, #tpu.memory_space<hbm>>) dst(%arg6 : memref<64x512xf32, #tpu.memory_space<vmem>>)
      "tpu.region"() ({
        %run_scoped3A = tpu.sem_alloc : memref<!tpu.dma_semaphore, #tpu.memory_space<semaphore_mem>>
        %dma_start3A_19 = arith.constant 0 : i32
        %dma_start3A_20 = tpu.memref_slice %arg4[%add3A_13, %dma_start3A_19] : memref<172032x512xf32, #tpu.memory_space<hbm>> -> memref<64x512xf32, #tpu.memory_space<hbm>>
        %dma_start3A_21 = arith.constant 0 : i32
        %dma_start3A_22 = tpu.memref_slice %arg4[%add3A_13, %dma_start3A_21] : memref<172032x512xf32, #tpu.memory_space<hbm>> -> memref<64x512xf32, #tpu.memory_space<hbm>>
        tpu.enqueue_dma source(%arg6 : memref<64x512xf32, #tpu.memory_space<vmem>>) target(%dma_start3A_22 : memref<64x512xf32, #tpu.memory_space<hbm>>) target_semaphore(%run_scoped3A : memref<!tpu.dma_semaphore, #tpu.memory_space<semaphore_mem>>)
        %dma_wait3A_23 = arith.constant 0 : i32
        %dma_wait3A_24 = tpu.memref_slice %arg4[%add3A_13, %dma_wait3A_23] : memref<172032x512xf32, #tpu.memory_space<hbm>> -> memref<64x512xf32, #tpu.memory_space<hbm>>
        %dma_wait3A_25 = arith.constant 0 : i32
        %dma_wait3A_26 = tpu.memref_slice %arg4[%add3A_13, %dma_wait3A_25] : memref<172032x512xf32, #tpu.memory_space<hbm>> -> memref<64x512xf32, #tpu.memory_space<hbm>>
        tpu.wait_dma2 semaphore(%run_scoped3A : memref<!tpu.dma_semaphore, #tpu.memory_space<semaphore_mem>>) src(%arg6 : memref<64x512xf32, #tpu.memory_space<vmem>>) dst(%dma_wait3A_26 : memref<64x512xf32, #tpu.memory_space<hbm>>)
        tpu.yield
      }) : () -> ()
      %scan3A_18 = arith.constant 0 : i32
      scf.yield %scan3A_18 : i32
    }
    %scan3A_8 = arith.constant 84 : i32
    return
  }
}

#map = affine_map<(d0, d1) -> (0, 0)>
module attributes {stable_mosaic.version = 14 : i64} {
  func.func @_sc_cumsum(%arg0: i32, %arg1: i32, %arg2: memref<172032x640xf32, #tpu.memory_space<hbm>>, %arg3: memref<172032x640xf32, #tpu.memory_space<hbm>>, %arg4: memref<64x640xf32, #tpu.memory_space<vmem>>, %arg5: memref<640xf32, #tpu.memory_space<vmem>>) attributes {dimension_semantics = [#tpu.dimension_semantics<core_parallel>, #tpu.dimension_semantics<subcore_parallel>], iteration_bounds = array<i64: 2, 16>, scalar_prefetch = 0 : i64, scratch_operands = 2 : i64, tpu.core_type = #tpu.core_type<sc_vector_subcore>, window_params = [{transform_indices = #map}, {transform_indices = #map}]} {
    %mul3A = arith.constant 2 : i32
    %mul3A_0 = arith.muli %arg1, %mul3A : i32
    %add3A = arith.addi %mul3A_0, %arg0 : i32
    %mul3A_1 = arith.constant 5376 : i32
    %mul3A_2 = arith.muli %add3A, %mul3A_1 : i32
    %scan3A = arith.constant 0 : i32
    %scan3A_3 = arith.constant 0 : i32
    %scan3A_4 = arith.constant 84 : i32
    %scan3A_5 = arith.addi %scan3A_3, %scan3A_4 : i32
    %scan3A_6 = arith.constant 1 : i32
    %scan3A_7 = scf.for %scan3A_9 = %scan3A_3 to %scan3A_5 step %scan3A_6 iter_args(%scan3A_10 = %scan3A) -> (i32)  : i32 {
      %mul3A_11 = arith.constant 64 : i32
      %mul3A_12 = arith.muli %scan3A_9, %mul3A_11 : i32
      %add3A_13 = arith.addi %mul3A_2, %mul3A_12 : i32
      "tpu.region"() ({
        %run_scoped3A = tpu.sem_alloc : memref<!tpu.dma_semaphore, #tpu.memory_space<semaphore_mem>>
        %dma_start3A = arith.constant 0 : i32
        %dma_start3A_260 = tpu.memref_slice %arg2[%add3A_13, %dma_start3A] : memref<172032x640xf32, #tpu.memory_space<hbm>> -> memref<64x640xf32, #tpu.memory_space<hbm>>
        %dma_start3A_261 = arith.constant 0 : i32
        %dma_start3A_262 = tpu.memref_slice %arg2[%add3A_13, %dma_start3A_261] : memref<172032x640xf32, #tpu.memory_space<hbm>> -> memref<64x640xf32, #tpu.memory_space<hbm>>
        tpu.enqueue_dma source(%dma_start3A_262 : memref<64x640xf32, #tpu.memory_space<hbm>>) target(%arg4 : memref<64x640xf32, #tpu.memory_space<vmem>>) target_semaphore(%run_scoped3A : memref<!tpu.dma_semaphore, #tpu.memory_space<semaphore_mem>>)
        %dma_wait3A = arith.constant 0 : i32
        %dma_wait3A_263 = tpu.memref_slice %arg2[%add3A_13, %dma_wait3A] : memref<172032x640xf32, #tpu.memory_space<hbm>> -> memref<64x640xf32, #tpu.memory_space<hbm>>
        %dma_wait3A_264 = arith.constant 0 : i32
        %dma_wait3A_265 = tpu.memref_slice %arg2[%add3A_13, %dma_wait3A_264] : memref<172032x640xf32, #tpu.memory_space<hbm>> -> memref<64x640xf32, #tpu.memory_space<hbm>>
        tpu.wait_dma2 semaphore(%run_scoped3A : memref<!tpu.dma_semaphore, #tpu.memory_space<semaphore_mem>>) src(%dma_wait3A_265 : memref<64x640xf32, #tpu.memory_space<hbm>>) dst(%arg4 : memref<64x640xf32, #tpu.memory_space<vmem>>)
        tpu.yield
      }) : () -> ()
      %broadcast_in_dim3A = arith.constant 0.000000e+00 : f32
      %broadcast_in_dim3A_14 = vector.broadcast %broadcast_in_dim3A : f32 to vector<16xf32>
      %swap3A = arith.constant 0 : index
      %swap3A_15 = tpu.vector_load %arg5[%swap3A] {strides = array<i32>} : memref<640xf32, #tpu.memory_space<vmem>>, vector<16xf32>,
      %swap3A_16 = vector.shape_cast %swap3A_15 : vector<16xf32> to vector<16xf32>
      %swap3A_17 = vector.shape_cast %broadcast_in_dim3A_14 : vector<16xf32> to vector<16xf32>
      tpu.vector_store %arg5[%swap3A], %swap3A_17 {strides = array<i32>} : memref<640xf32, #tpu.memory_space<vmem>>, vector<16xf32>,
      %broadcast_in_dim3A_18 = arith.constant 0.000000e+00 : f32
      %broadcast_in_dim3A_19 = vector.broadcast %broadcast_in_dim3A_18 : f32 to vector<16xf32>
      %swap3A_20 = arith.constant 16 : index
      %swap3A_21 = tpu.vector_load %arg5[%swap3A_20] {strides = array<i32>} : memref<640xf32, #tpu.memory_space<vmem>>, vector<16xf32>,
      %swap3A_22 = vector.shape_cast %swap3A_21 : vector<16xf32> to vector<16xf32>
      %swap3A_23 = vector.shape_cast %broadcast_in_dim3A_19 : vector<16xf32> to vector<16xf32>
      tpu.vector_store %arg5[%swap3A_20], %swap3A_23 {strides = array<i32>} : memref<640xf32, #tpu.memory_space<vmem>>, vector<16xf32>,
      %broadcast_in_dim3A_24 = arith.constant 0.000000e+00 : f32
      %broadcast_in_dim3A_25 = vector.broadcast %broadcast_in_dim3A_24 : f32 to vector<16xf32>
      %swap3A_26 = arith.constant 32 : index
      %swap3A_27 = tpu.vector_load %arg5[%swap3A_26] {strides = array<i32>} : memref<640xf32, #tpu.memory_space<vmem>>, vector<16xf32>,
      %swap3A_28 = vector.shape_cast %swap3A_27 : vector<16xf32> to vector<16xf32>
      %swap3A_29 = vector.shape_cast %broadcast_in_dim3A_25 : vector<16xf32> to vector<16xf32>
      tpu.vector_store %arg5[%swap3A_26], %swap3A_29 {strides = array<i32>} : memref<640xf32, #tpu.memory_space<vmem>>, vector<16xf32>,
      %broadcast_in_dim3A_30 = arith.constant 0.000000e+00 : f32
      %broadcast_in_dim3A_31 = vector.broadcast %broadcast_in_dim3A_30 : f32 to vector<16xf32>
      %swap3A_32 = arith.constant 48 : index
      %swap3A_33 = tpu.vector_load %arg5[%swap3A_32] {strides = array<i32>} : memref<640xf32, #tpu.memory_space<vmem>>, vector<16xf32>,
      %swap3A_34 = vector.shape_cast %swap3A_33 : vector<16xf32> to vector<16xf32>
      %swap3A_35 = vector.shape_cast %broadcast_in_dim3A_31 : vector<16xf32> to vector<16xf32>
      tpu.vector_store %arg5[%swap3A_32], %swap3A_35 {strides = array<i32>} : memref<640xf32, #tpu.memory_space<vmem>>, vector<16xf32>,
      %broadcast_in_dim3A_36 = arith.constant 0.000000e+00 : f32
      %broadcast_in_dim3A_37 = vector.broadcast %broadcast_in_dim3A_36 : f32 to vector<16xf32>
      %swap3A_38 = arith.constant 64 : index
      %swap3A_39 = tpu.vector_load %arg5[%swap3A_38] {strides = array<i32>} : memref<640xf32, #tpu.memory_space<vmem>>, vector<16xf32>,
      %swap3A_40 = vector.shape_cast %swap3A_39 : vector<16xf32> to vector<16xf32>
      %swap3A_41 = vector.shape_cast %broadcast_in_dim3A_37 : vector<16xf32> to vector<16xf32>
      tpu.vector_store %arg5[%swap3A_38], %swap3A_41 {strides = array<i32>} : memref<640xf32, #tpu.memory_space<vmem>>, vector<16xf32>,
      %broadcast_in_dim3A_42 = arith.constant 0.000000e+00 : f32
      %broadcast_in_dim3A_43 = vector.broadcast %broadcast_in_dim3A_42 : f32 to vector<16xf32>
      %swap3A_44 = arith.constant 80 : index
      %swap3A_45 = tpu.vector_load %arg5[%swap3A_44] {strides = array<i32>} : memref<640xf32, #tpu.memory_space<vmem>>, vector<16xf32>,
      %swap3A_46 = vector.shape_cast %swap3A_45 : vector<16xf32> to vector<16xf32>
      %swap3A_47 = vector.shape_cast %broadcast_in_dim3A_43 : vector<16xf32> to vector<16xf32>
      tpu.vector_store %arg5[%swap3A_44], %swap3A_47 {strides = array<i32>} : memref<640xf32, #tpu.memory_space<vmem>>, vector<16xf32>,
      %broadcast_in_dim3A_48 = arith.constant 0.000000e+00 : f32
      %broadcast_in_dim3A_49 = vector.broadcast %broadcast_in_dim3A_48 : f32 to vector<16xf32>
      %swap3A_50 = arith.constant 96 : index
      %swap3A_51 = tpu.vector_load %arg5[%swap3A_50] {strides = array<i32>} : memref<640xf32, #tpu.memory_space<vmem>>, vector<16xf32>,
      %swap3A_52 = vector.shape_cast %swap3A_51 : vector<16xf32> to vector<16xf32>
      %swap3A_53 = vector.shape_cast %broadcast_in_dim3A_49 : vector<16xf32> to vector<16xf32>
      tpu.vector_store %arg5[%swap3A_50], %swap3A_53 {strides = array<i32>} : memref<640xf32, #tpu.memory_space<vmem>>, vector<16xf32>,
      %broadcast_in_dim3A_54 = arith.constant 0.000000e+00 : f32
      %broadcast_in_dim3A_55 = vector.broadcast %broadcast_in_dim3A_54 : f32 to vector<16xf32>
      %swap3A_56 = arith.constant 112 : index
      %swap3A_57 = tpu.vector_load %arg5[%swap3A_56] {strides = array<i32>} : memref<640xf32, #tpu.memory_space<vmem>>, vector<16xf32>,
      %swap3A_58 = vector.shape_cast %swap3A_57 : vector<16xf32> to vector<16xf32>
      %swap3A_59 = vector.shape_cast %broadcast_in_dim3A_55 : vector<16xf32> to vector<16xf32>
      tpu.vector_store %arg5[%swap3A_56], %swap3A_59 {strides = array<i32>} : memref<640xf32, #tpu.memory_space<vmem>>, vector<16xf32>,
      %broadcast_in_dim3A_60 = arith.constant 0.000000e+00 : f32
      %broadcast_in_dim3A_61 = vector.broadcast %broadcast_in_dim3A_60 : f32 to vector<16xf32>
      %swap3A_62 = arith.constant 128 : index
      %swap3A_63 = tpu.vector_load %arg5[%swap3A_62] {strides = array<i32>} : memref<640xf32, #tpu.memory_space<vmem>>, vector<16xf32>,
      %swap3A_64 = vector.shape_cast %swap3A_63 : vector<16xf32> to vector<16xf32>
      %swap3A_65 = vector.shape_cast %broadcast_in_dim3A_61 : vector<16xf32> to vector<16xf32>
      tpu.vector_store %arg5[%swap3A_62], %swap3A_65 {strides = array<i32>} : memref<640xf32, #tpu.memory_space<vmem>>, vector<16xf32>,
      %broadcast_in_dim3A_66 = arith.constant 0.000000e+00 : f32
      %broadcast_in_dim3A_67 = vector.broadcast %broadcast_in_dim3A_66 : f32 to vector<16xf32>
      %swap3A_68 = arith.constant 144 : index
      %swap3A_69 = tpu.vector_load %arg5[%swap3A_68] {strides = array<i32>} : memref<640xf32, #tpu.memory_space<vmem>>, vector<16xf32>,
      %swap3A_70 = vector.shape_cast %swap3A_69 : vector<16xf32> to vector<16xf32>
      %swap3A_71 = vector.shape_cast %broadcast_in_dim3A_67 : vector<16xf32> to vector<16xf32>
      tpu.vector_store %arg5[%swap3A_68], %swap3A_71 {strides = array<i32>} : memref<640xf32, #tpu.memory_space<vmem>>, vector<16xf32>,
      %broadcast_in_dim3A_72 = arith.constant 0.000000e+00 : f32
      %broadcast_in_dim3A_73 = vector.broadcast %broadcast_in_dim3A_72 : f32 to vector<16xf32>
      %swap3A_74 = arith.constant 160 : index
      %swap3A_75 = tpu.vector_load %arg5[%swap3A_74] {strides = array<i32>} : memref<640xf32, #tpu.memory_space<vmem>>, vector<16xf32>,
      %swap3A_76 = vector.shape_cast %swap3A_75 : vector<16xf32> to vector<16xf32>
      %swap3A_77 = vector.shape_cast %broadcast_in_dim3A_73 : vector<16xf32> to vector<16xf32>
      tpu.vector_store %arg5[%swap3A_74], %swap3A_77 {strides = array<i32>} : memref<640xf32, #tpu.memory_space<vmem>>, vector<16xf32>,
      %broadcast_in_dim3A_78 = arith.constant 0.000000e+00 : f32
      %broadcast_in_dim3A_79 = vector.broadcast %broadcast_in_dim3A_78 : f32 to vector<16xf32>
      %swap3A_80 = arith.constant 176 : index
      %swap3A_81 = tpu.vector_load %arg5[%swap3A_80] {strides = array<i32>} : memref<640xf32, #tpu.memory_space<vmem>>, vector<16xf32>,
      %swap3A_82 = vector.shape_cast %swap3A_81 : vector<16xf32> to vector<16xf32>
      %swap3A_83 = vector.shape_cast %broadcast_in_dim3A_79 : vector<16xf32> to vector<16xf32>
      tpu.vector_store %arg5[%swap3A_80], %swap3A_83 {strides = array<i32>} : memref<640xf32, #tpu.memory_space<vmem>>, vector<16xf32>,
      %broadcast_in_dim3A_84 = arith.constant 0.000000e+00 : f32
      %broadcast_in_dim3A_85 = vector.broadcast %broadcast_in_dim3A_84 : f32 to vector<16xf32>
      %swap3A_86 = arith.constant 192 : index
      %swap3A_87 = tpu.vector_load %arg5[%swap3A_86] {strides = array<i32>} : memref<640xf32, #tpu.memory_space<vmem>>, vector<16xf32>,
      %swap3A_88 = vector.shape_cast %swap3A_87 : vector<16xf32> to vector<16xf32>
      %swap3A_89 = vector.shape_cast %broadcast_in_dim3A_85 : vector<16xf32> to vector<16xf32>
      tpu.vector_store %arg5[%swap3A_86], %swap3A_89 {strides = array<i32>} : memref<640xf32, #tpu.memory_space<vmem>>, vector<16xf32>,
      %broadcast_in_dim3A_90 = arith.constant 0.000000e+00 : f32
      %broadcast_in_dim3A_91 = vector.broadcast %broadcast_in_dim3A_90 : f32 to vector<16xf32>
      %swap3A_92 = arith.constant 208 : index
      %swap3A_93 = tpu.vector_load %arg5[%swap3A_92] {strides = array<i32>} : memref<640xf32, #tpu.memory_space<vmem>>, vector<16xf32>,
      %swap3A_94 = vector.shape_cast %swap3A_93 : vector<16xf32> to vector<16xf32>
      %swap3A_95 = vector.shape_cast %broadcast_in_dim3A_91 : vector<16xf32> to vector<16xf32>
      tpu.vector_store %arg5[%swap3A_92], %swap3A_95 {strides = array<i32>} : memref<640xf32, #tpu.memory_space<vmem>>, vector<16xf32>,
      %broadcast_in_dim3A_96 = arith.constant 0.000000e+00 : f32
      %broadcast_in_dim3A_97 = vector.broadcast %broadcast_in_dim3A_96 : f32 to vector<16xf32>
      %swap3A_98 = arith.constant 224 : index
      %swap3A_99 = tpu.vector_load %arg5[%swap3A_98] {strides = array<i32>} : memref<640xf32, #tpu.memory_space<vmem>>, vector<16xf32>,
      %swap3A_100 = vector.shape_cast %swap3A_99 : vector<16xf32> to vector<16xf32>
      %swap3A_101 = vector.shape_cast %broadcast_in_dim3A_97 : vector<16xf32> to vector<16xf32>
      tpu.vector_store %arg5[%swap3A_98], %swap3A_101 {strides = array<i32>} : memref<640xf32, #tpu.memory_space<vmem>>, vector<16xf32>,
      %broadcast_in_dim3A_102 = arith.constant 0.000000e+00 : f32
      %broadcast_in_dim3A_103 = vector.broadcast %broadcast_in_dim3A_102 : f32 to vector<16xf32>
      %swap3A_104 = arith.constant 240 : index
      %swap3A_105 = tpu.vector_load %arg5[%swap3A_104] {strides = array<i32>} : memref<640xf32, #tpu.memory_space<vmem>>, vector<16xf32>,
      %swap3A_106 = vector.shape_cast %swap3A_105 : vector<16xf32> to vector<16xf32>
      %swap3A_107 = vector.shape_cast %broadcast_in_dim3A_103 : vector<16xf32> to vector<16xf32>
      tpu.vector_store %arg5[%swap3A_104], %swap3A_107 {strides = array<i32>} : memref<640xf32, #tpu.memory_space<vmem>>, vector<16xf32>,
      %broadcast_in_dim3A_108 = arith.constant 0.000000e+00 : f32
      %broadcast_in_dim3A_109 = vector.broadcast %broadcast_in_dim3A_108 : f32 to vector<16xf32>
      %swap3A_110 = arith.constant 256 : index
      %swap3A_111 = tpu.vector_load %arg5[%swap3A_110] {strides = array<i32>} : memref<640xf32, #tpu.memory_space<vmem>>, vector<16xf32>,
      %swap3A_112 = vector.shape_cast %swap3A_111 : vector<16xf32> to vector<16xf32>
      %swap3A_113 = vector.shape_cast %broadcast_in_dim3A_109 : vector<16xf32> to vector<16xf32>
      tpu.vector_store %arg5[%swap3A_110], %swap3A_113 {strides = array<i32>} : memref<640xf32, #tpu.memory_space<vmem>>, vector<16xf32>,
      %broadcast_in_dim3A_114 = arith.constant 0.000000e+00 : f32
      %broadcast_in_dim3A_115 = vector.broadcast %broadcast_in_dim3A_114 : f32 to vector<16xf32>
      %swap3A_116 = arith.constant 272 : index
      %swap3A_117 = tpu.vector_load %arg5[%swap3A_116] {strides = array<i32>} : memref<640xf32, #tpu.memory_space<vmem>>, vector<16xf32>,
      %swap3A_118 = vector.shape_cast %swap3A_117 : vector<16xf32> to vector<16xf32>
      %swap3A_119 = vector.shape_cast %broadcast_in_dim3A_115 : vector<16xf32> to vector<16xf32>
      tpu.vector_store %arg5[%swap3A_116], %swap3A_119 {strides = array<i32>} : memref<640xf32, #tpu.memory_space<vmem>>, vector<16xf32>,
      %broadcast_in_dim3A_120 = arith.constant 0.000000e+00 : f32
      %broadcast_in_dim3A_121 = vector.broadcast %broadcast_in_dim3A_120 : f32 to vector<16xf32>
      %swap3A_122 = arith.constant 288 : index
      %swap3A_123 = tpu.vector_load %arg5[%swap3A_122] {strides = array<i32>} : memref<640xf32, #tpu.memory_space<vmem>>, vector<16xf32>,
      %swap3A_124 = vector.shape_cast %swap3A_123 : vector<16xf32> to vector<16xf32>
      %swap3A_125 = vector.shape_cast %broadcast_in_dim3A_121 : vector<16xf32> to vector<16xf32>
      tpu.vector_store %arg5[%swap3A_122], %swap3A_125 {strides = array<i32>} : memref<640xf32, #tpu.memory_space<vmem>>, vector<16xf32>,
      %broadcast_in_dim3A_126 = arith.constant 0.000000e+00 : f32
      %broadcast_in_dim3A_127 = vector.broadcast %broadcast_in_dim3A_126 : f32 to vector<16xf32>
      %swap3A_128 = arith.constant 304 : index
      %swap3A_129 = tpu.vector_load %arg5[%swap3A_128] {strides = array<i32>} : memref<640xf32, #tpu.memory_space<vmem>>, vector<16xf32>,
      %swap3A_130 = vector.shape_cast %swap3A_129 : vector<16xf32> to vector<16xf32>
      %swap3A_131 = vector.shape_cast %broadcast_in_dim3A_127 : vector<16xf32> to vector<16xf32>
      tpu.vector_store %arg5[%swap3A_128], %swap3A_131 {strides = array<i32>} : memref<640xf32, #tpu.memory_space<vmem>>, vector<16xf32>,
      %broadcast_in_dim3A_132 = arith.constant 0.000000e+00 : f32
      %broadcast_in_dim3A_133 = vector.broadcast %broadcast_in_dim3A_132 : f32 to vector<16xf32>
      %swap3A_134 = arith.constant 320 : index
      %swap3A_135 = tpu.vector_load %arg5[%swap3A_134] {strides = array<i32>} : memref<640xf32, #tpu.memory_space<vmem>>, vector<16xf32>,
      %swap3A_136 = vector.shape_cast %swap3A_135 : vector<16xf32> to vector<16xf32>
      %swap3A_137 = vector.shape_cast %broadcast_in_dim3A_133 : vector<16xf32> to vector<16xf32>
      tpu.vector_store %arg5[%swap3A_134], %swap3A_137 {strides = array<i32>} : memref<640xf32, #tpu.memory_space<vmem>>, vector<16xf32>,
      %broadcast_in_dim3A_138 = arith.constant 0.000000e+00 : f32
      %broadcast_in_dim3A_139 = vector.broadcast %broadcast_in_dim3A_138 : f32 to vector<16xf32>
      %swap3A_140 = arith.constant 336 : index
      %swap3A_141 = tpu.vector_load %arg5[%swap3A_140] {strides = array<i32>} : memref<640xf32, #tpu.memory_space<vmem>>, vector<16xf32>,
      %swap3A_142 = vector.shape_cast %swap3A_141 : vector<16xf32> to vector<16xf32>
      %swap3A_143 = vector.shape_cast %broadcast_in_dim3A_139 : vector<16xf32> to vector<16xf32>
      tpu.vector_store %arg5[%swap3A_140], %swap3A_143 {strides = array<i32>} : memref<640xf32, #tpu.memory_space<vmem>>, vector<16xf32>,
      %broadcast_in_dim3A_144 = arith.constant 0.000000e+00 : f32
      %broadcast_in_dim3A_145 = vector.broadcast %broadcast_in_dim3A_144 : f32 to vector<16xf32>
      %swap3A_146 = arith.constant 352 : index
      %swap3A_147 = tpu.vector_load %arg5[%swap3A_146] {strides = array<i32>} : memref<640xf32, #tpu.memory_space<vmem>>, vector<16xf32>,
      %swap3A_148 = vector.shape_cast %swap3A_147 : vector<16xf32> to vector<16xf32>
      %swap3A_149 = vector.shape_cast %broadcast_in_dim3A_145 : vector<16xf32> to vector<16xf32>
      tpu.vector_store %arg5[%swap3A_146], %swap3A_149 {strides = array<i32>} : memref<640xf32, #tpu.memory_space<vmem>>, vector<16xf32>,
      %broadcast_in_dim3A_150 = arith.constant 0.000000e+00 : f32
      %broadcast_in_dim3A_151 = vector.broadcast %broadcast_in_dim3A_150 : f32 to vector<16xf32>
      %swap3A_152 = arith.constant 368 : index
      %swap3A_153 = tpu.vector_load %arg5[%swap3A_152] {strides = array<i32>} : memref<640xf32, #tpu.memory_space<vmem>>, vector<16xf32>,
      %swap3A_154 = vector.shape_cast %swap3A_153 : vector<16xf32> to vector<16xf32>
      %swap3A_155 = vector.shape_cast %broadcast_in_dim3A_151 : vector<16xf32> to vector<16xf32>
      tpu.vector_store %arg5[%swap3A_152], %swap3A_155 {strides = array<i32>} : memref<640xf32, #tpu.memory_space<vmem>>, vector<16xf32>,
      %broadcast_in_dim3A_156 = arith.constant 0.000000e+00 : f32
      %broadcast_in_dim3A_157 = vector.broadcast %broadcast_in_dim3A_156 : f32 to vector<16xf32>
      %swap3A_158 = arith.constant 384 : index
      %swap3A_159 = tpu.vector_load %arg5[%swap3A_158] {strides = array<i32>} : memref<640xf32, #tpu.memory_space<vmem>>, vector<16xf32>,
      %swap3A_160 = vector.shape_cast %swap3A_159 : vector<16xf32> to vector<16xf32>
      %swap3A_161 = vector.shape_cast %broadcast_in_dim3A_157 : vector<16xf32> to vector<16xf32>
      tpu.vector_store %arg5[%swap3A_158], %swap3A_161 {strides = array<i32>} : memref<640xf32, #tpu.memory_space<vmem>>, vector<16xf32>,
      %broadcast_in_dim3A_162 = arith.constant 0.000000e+00 : f32
      %broadcast_in_dim3A_163 = vector.broadcast %broadcast_in_dim3A_162 : f32 to vector<16xf32>
      %swap3A_164 = arith.constant 400 : index
      %swap3A_165 = tpu.vector_load %arg5[%swap3A_164] {strides = array<i32>} : memref<640xf32, #tpu.memory_space<vmem>>, vector<16xf32>,
      %swap3A_166 = vector.shape_cast %swap3A_165 : vector<16xf32> to vector<16xf32>
      %swap3A_167 = vector.shape_cast %broadcast_in_dim3A_163 : vector<16xf32> to vector<16xf32>
      tpu.vector_store %arg5[%swap3A_164], %swap3A_167 {strides = array<i32>} : memref<640xf32, #tpu.memory_space<vmem>>, vector<16xf32>,
      %broadcast_in_dim3A_168 = arith.constant 0.000000e+00 : f32
      %broadcast_in_dim3A_169 = vector.broadcast %broadcast_in_dim3A_168 : f32 to vector<16xf32>
      %swap3A_170 = arith.constant 416 : index
      %swap3A_171 = tpu.vector_load %arg5[%swap3A_170] {strides = array<i32>} : memref<640xf32, #tpu.memory_space<vmem>>, vector<16xf32>,
      %swap3A_172 = vector.shape_cast %swap3A_171 : vector<16xf32> to vector<16xf32>
      %swap3A_173 = vector.shape_cast %broadcast_in_dim3A_169 : vector<16xf32> to vector<16xf32>
      tpu.vector_store %arg5[%swap3A_170], %swap3A_173 {strides = array<i32>} : memref<640xf32, #tpu.memory_space<vmem>>, vector<16xf32>,
      %broadcast_in_dim3A_174 = arith.constant 0.000000e+00 : f32
      %broadcast_in_dim3A_175 = vector.broadcast %broadcast_in_dim3A_174 : f32 to vector<16xf32>
      %swap3A_176 = arith.constant 432 : index
      %swap3A_177 = tpu.vector_load %arg5[%swap3A_176] {strides = array<i32>} : memref<640xf32, #tpu.memory_space<vmem>>, vector<16xf32>,
      %swap3A_178 = vector.shape_cast %swap3A_177 : vector<16xf32> to vector<16xf32>
      %swap3A_179 = vector.shape_cast %broadcast_in_dim3A_175 : vector<16xf32> to vector<16xf32>
      tpu.vector_store %arg5[%swap3A_176], %swap3A_179 {strides = array<i32>} : memref<640xf32, #tpu.memory_space<vmem>>, vector<16xf32>,
      %broadcast_in_dim3A_180 = arith.constant 0.000000e+00 : f32
      %broadcast_in_dim3A_181 = vector.broadcast %broadcast_in_dim3A_180 : f32 to vector<16xf32>
      %swap3A_182 = arith.constant 448 : index
      %swap3A_183 = tpu.vector_load %arg5[%swap3A_182] {strides = array<i32>} : memref<640xf32, #tpu.memory_space<vmem>>, vector<16xf32>,
      %swap3A_184 = vector.shape_cast %swap3A_183 : vector<16xf32> to vector<16xf32>
      %swap3A_185 = vector.shape_cast %broadcast_in_dim3A_181 : vector<16xf32> to vector<16xf32>
      tpu.vector_store %arg5[%swap3A_182], %swap3A_185 {strides = array<i32>} : memref<640xf32, #tpu.memory_space<vmem>>, vector<16xf32>,
      %broadcast_in_dim3A_186 = arith.constant 0.000000e+00 : f32
      %broadcast_in_dim3A_187 = vector.broadcast %broadcast_in_dim3A_186 : f32 to vector<16xf32>
      %swap3A_188 = arith.constant 464 : index
      %swap3A_189 = tpu.vector_load %arg5[%swap3A_188] {strides = array<i32>} : memref<640xf32, #tpu.memory_space<vmem>>, vector<16xf32>,
      %swap3A_190 = vector.shape_cast %swap3A_189 : vector<16xf32> to vector<16xf32>
      %swap3A_191 = vector.shape_cast %broadcast_in_dim3A_187 : vector<16xf32> to vector<16xf32>
      tpu.vector_store %arg5[%swap3A_188], %swap3A_191 {strides = array<i32>} : memref<640xf32, #tpu.memory_space<vmem>>, vector<16xf32>,
      %broadcast_in_dim3A_192 = arith.constant 0.000000e+00 : f32
      %broadcast_in_dim3A_193 = vector.broadcast %broadcast_in_dim3A_192 : f32 to vector<16xf32>
      %swap3A_194 = arith.constant 480 : index
      %swap3A_195 = tpu.vector_load %arg5[%swap3A_194] {strides = array<i32>} : memref<640xf32, #tpu.memory_space<vmem>>, vector<16xf32>,
      %swap3A_196 = vector.shape_cast %swap3A_195 : vector<16xf32> to vector<16xf32>
      %swap3A_197 = vector.shape_cast %broadcast_in_dim3A_193 : vector<16xf32> to vector<16xf32>
      tpu.vector_store %arg5[%swap3A_194], %swap3A_197 {strides = array<i32>} : memref<640xf32, #tpu.memory_space<vmem>>, vector<16xf32>,
      %broadcast_in_dim3A_198 = arith.constant 0.000000e+00 : f32
      %broadcast_in_dim3A_199 = vector.broadcast %broadcast_in_dim3A_198 : f32 to vector<16xf32>
      %swap3A_200 = arith.constant 496 : index
      %swap3A_201 = tpu.vector_load %arg5[%swap3A_200] {strides = array<i32>} : memref<640xf32, #tpu.memory_space<vmem>>, vector<16xf32>,
      %swap3A_202 = vector.shape_cast %swap3A_201 : vector<16xf32> to vector<16xf32>
      %swap3A_203 = vector.shape_cast %broadcast_in_dim3A_199 : vector<16xf32> to vector<16xf32>
      tpu.vector_store %arg5[%swap3A_200], %swap3A_203 {strides = array<i32>} : memref<640xf32, #tpu.memory_space<vmem>>, vector<16xf32>,
      %broadcast_in_dim3A_204 = arith.constant 0.000000e+00 : f32
      %broadcast_in_dim3A_205 = vector.broadcast %broadcast_in_dim3A_204 : f32 to vector<16xf32>
      %swap3A_206 = arith.constant 512 : index
      %swap3A_207 = tpu.vector_load %arg5[%swap3A_206] {strides = array<i32>} : memref<640xf32, #tpu.memory_space<vmem>>, vector<16xf32>,
      %swap3A_208 = vector.shape_cast %swap3A_207 : vector<16xf32> to vector<16xf32>
      %swap3A_209 = vector.shape_cast %broadcast_in_dim3A_205 : vector<16xf32> to vector<16xf32>
      tpu.vector_store %arg5[%swap3A_206], %swap3A_209 {strides = array<i32>} : memref<640xf32, #tpu.memory_space<vmem>>, vector<16xf32>,
      %broadcast_in_dim3A_210 = arith.constant 0.000000e+00 : f32
      %broadcast_in_dim3A_211 = vector.broadcast %broadcast_in_dim3A_210 : f32 to vector<16xf32>
      %swap3A_212 = arith.constant 528 : index
      %swap3A_213 = tpu.vector_load %arg5[%swap3A_212] {strides = array<i32>} : memref<640xf32, #tpu.memory_space<vmem>>, vector<16xf32>,
      %swap3A_214 = vector.shape_cast %swap3A_213 : vector<16xf32> to vector<16xf32>
      %swap3A_215 = vector.shape_cast %broadcast_in_dim3A_211 : vector<16xf32> to vector<16xf32>
      tpu.vector_store %arg5[%swap3A_212], %swap3A_215 {strides = array<i32>} : memref<640xf32, #tpu.memory_space<vmem>>, vector<16xf32>,
      %broadcast_in_dim3A_216 = arith.constant 0.000000e+00 : f32
      %broadcast_in_dim3A_217 = vector.broadcast %broadcast_in_dim3A_216 : f32 to vector<16xf32>
      %swap3A_218 = arith.constant 544 : index
      %swap3A_219 = tpu.vector_load %arg5[%swap3A_218] {strides = array<i32>} : memref<640xf32, #tpu.memory_space<vmem>>, vector<16xf32>,
      %swap3A_220 = vector.shape_cast %swap3A_219 : vector<16xf32> to vector<16xf32>
      %swap3A_221 = vector.shape_cast %broadcast_in_dim3A_217 : vector<16xf32> to vector<16xf32>
      tpu.vector_store %arg5[%swap3A_218], %swap3A_221 {strides = array<i32>} : memref<640xf32, #tpu.memory_space<vmem>>, vector<16xf32>,
      %broadcast_in_dim3A_222 = arith.constant 0.000000e+00 : f32
      %broadcast_in_dim3A_223 = vector.broadcast %broadcast_in_dim3A_222 : f32 to vector<16xf32>
      %swap3A_224 = arith.constant 560 : index
      %swap3A_225 = tpu.vector_load %arg5[%swap3A_224] {strides = array<i32>} : memref<640xf32, #tpu.memory_space<vmem>>, vector<16xf32>,
      %swap3A_226 = vector.shape_cast %swap3A_225 : vector<16xf32> to vector<16xf32>
      %swap3A_227 = vector.shape_cast %broadcast_in_dim3A_223 : vector<16xf32> to vector<16xf32>
      tpu.vector_store %arg5[%swap3A_224], %swap3A_227 {strides = array<i32>} : memref<640xf32, #tpu.memory_space<vmem>>, vector<16xf32>,
      %broadcast_in_dim3A_228 = arith.constant 0.000000e+00 : f32
      %broadcast_in_dim3A_229 = vector.broadcast %broadcast_in_dim3A_228 : f32 to vector<16xf32>
      %swap3A_230 = arith.constant 576 : index
      %swap3A_231 = tpu.vector_load %arg5[%swap3A_230] {strides = array<i32>} : memref<640xf32, #tpu.memory_space<vmem>>, vector<16xf32>,
      %swap3A_232 = vector.shape_cast %swap3A_231 : vector<16xf32> to vector<16xf32>
      %swap3A_233 = vector.shape_cast %broadcast_in_dim3A_229 : vector<16xf32> to vector<16xf32>
      tpu.vector_store %arg5[%swap3A_230], %swap3A_233 {strides = array<i32>} : memref<640xf32, #tpu.memory_space<vmem>>, vector<16xf32>,
      %broadcast_in_dim3A_234 = arith.constant 0.000000e+00 : f32
      %broadcast_in_dim3A_235 = vector.broadcast %broadcast_in_dim3A_234 : f32 to vector<16xf32>
      %swap3A_236 = arith.constant 592 : index
      %swap3A_237 = tpu.vector_load %arg5[%swap3A_236] {strides = array<i32>} : memref<640xf32, #tpu.memory_space<vmem>>, vector<16xf32>,
      %swap3A_238 = vector.shape_cast %swap3A_237 : vector<16xf32> to vector<16xf32>
      %swap3A_239 = vector.shape_cast %broadcast_in_dim3A_235 : vector<16xf32> to vector<16xf32>
      tpu.vector_store %arg5[%swap3A_236], %swap3A_239 {strides = array<i32>} : memref<640xf32, #tpu.memory_space<vmem>>, vector<16xf32>,
      %broadcast_in_dim3A_240 = arith.constant 0.000000e+00 : f32
      %broadcast_in_dim3A_241 = vector.broadcast %broadcast_in_dim3A_240 : f32 to vector<16xf32>
      %swap3A_242 = arith.constant 608 : index
      %swap3A_243 = tpu.vector_load %arg5[%swap3A_242] {strides = array<i32>} : memref<640xf32, #tpu.memory_space<vmem>>, vector<16xf32>,
      %swap3A_244 = vector.shape_cast %swap3A_243 : vector<16xf32> to vector<16xf32>
      %swap3A_245 = vector.shape_cast %broadcast_in_dim3A_241 : vector<16xf32> to vector<16xf32>
      tpu.vector_store %arg5[%swap3A_242], %swap3A_245 {strides = array<i32>} : memref<640xf32, #tpu.memory_space<vmem>>, vector<16xf32>,
      %broadcast_in_dim3A_246 = arith.constant 0.000000e+00 : f32
      %broadcast_in_dim3A_247 = vector.broadcast %broadcast_in_dim3A_246 : f32 to vector<16xf32>
      %swap3A_248 = arith.constant 624 : index
      %swap3A_249 = tpu.vector_load %arg5[%swap3A_248] {strides = array<i32>} : memref<640xf32, #tpu.memory_space<vmem>>, vector<16xf32>,
      %swap3A_250 = vector.shape_cast %swap3A_249 : vector<16xf32> to vector<16xf32>
      %swap3A_251 = vector.shape_cast %broadcast_in_dim3A_247 : vector<16xf32> to vector<16xf32>
      tpu.vector_store %arg5[%swap3A_248], %swap3A_251 {strides = array<i32>} : memref<640xf32, #tpu.memory_space<vmem>>, vector<16xf32>,
      %scan3A_252 = arith.constant 0 : i32
      %scan3A_253 = arith.constant 0 : i32
      %scan3A_254 = arith.constant 64 : i32
      %scan3A_255 = arith.addi %scan3A_253, %scan3A_254 : i32
      %scan3A_256 = arith.constant 1 : i32
      %scan3A_257 = scf.for %scan3A_260 = %scan3A_253 to %scan3A_255 step %scan3A_256 iter_args(%scan3A_261 = %scan3A_252) -> (i32)  : i32 {
        %get3A = arith.constant 0 : index
        %get3A_262 = tpu.vector_load %arg5[%get3A] {strides = array<i32>} : memref<640xf32, #tpu.memory_space<vmem>>, vector<16xf32>,
        %get3A_263 = vector.shape_cast %get3A_262 : vector<16xf32> to vector<16xf32>
        %get3A_264 = arith.index_cast %scan3A_260 : i32 to index
        %get3A_265 = arith.constant 0 : index
        %get3A_266 = tpu.vector_load %arg4[%get3A_264, %get3A_265] {strides = array<i32>} : memref<64x640xf32, #tpu.memory_space<vmem>>, vector<1x16xf32>,
        %get3A_267 = vector.shape_cast %get3A_266 : vector<1x16xf32> to vector<16xf32>
        %add3A_268 = arith.addf %get3A_263, %get3A_267 : vector<16xf32>
        %swap3A_269 = arith.constant 0 : index
        %swap3A_270 = tpu.vector_load %arg5[%swap3A_269] {strides = array<i32>} : memref<640xf32, #tpu.memory_space<vmem>>, vector<16xf32>,
        %swap3A_271 = vector.shape_cast %swap3A_270 : vector<16xf32> to vector<16xf32>
        %swap3A_272 = vector.shape_cast %add3A_268 : vector<16xf32> to vector<16xf32>
        tpu.vector_store %arg5[%swap3A_269], %swap3A_272 {strides = array<i32>} : memref<640xf32, #tpu.memory_space<vmem>>, vector<16xf32>,
        %swap3A_273 = arith.index_cast %scan3A_260 : i32 to index
        %swap3A_274 = arith.constant 0 : index
        %swap3A_275 = tpu.vector_load %arg4[%swap3A_273, %swap3A_274] {strides = array<i32>} : memref<64x640xf32, #tpu.memory_space<vmem>>, vector<1x16xf32>,
        %swap3A_276 = vector.shape_cast %swap3A_275 : vector<1x16xf32> to vector<16xf32>
        %swap3A_277 = vector.shape_cast %add3A_268 : vector<16xf32> to vector<1x16xf32>
        tpu.vector_store %arg4[%swap3A_273, %swap3A_274], %swap3A_277 {strides = array<i32>} : memref<64x640xf32, #tpu.memory_space<vmem>>, vector<1x16xf32>,
        %get3A_278 = arith.constant 16 : index
        %get3A_279 = tpu.vector_load %arg5[%get3A_278] {strides = array<i32>} : memref<640xf32, #tpu.memory_space<vmem>>, vector<16xf32>,
        %get3A_280 = vector.shape_cast %get3A_279 : vector<16xf32> to vector<16xf32>
        %get3A_281 = arith.index_cast %scan3A_260 : i32 to index
        %get3A_282 = arith.constant 16 : index
        %get3A_283 = tpu.vector_load %arg4[%get3A_281, %get3A_282] {strides = array<i32>} : memref<64x640xf32, #tpu.memory_space<vmem>>, vector<1x16xf32>,
        %get3A_284 = vector.shape_cast %get3A_283 : vector<1x16xf32> to vector<16xf32>
        %add3A_285 = arith.addf %get3A_280, %get3A_284 : vector<16xf32>
        %swap3A_286 = arith.constant 16 : index
        %swap3A_287 = tpu.vector_load %arg5[%swap3A_286] {strides = array<i32>} : memref<640xf32, #tpu.memory_space<vmem>>, vector<16xf32>,
        %swap3A_288 = vector.shape_cast %swap3A_287 : vector<16xf32> to vector<16xf32>
        %swap3A_289 = vector.shape_cast %add3A_285 : vector<16xf32> to vector<16xf32>
        tpu.vector_store %arg5[%swap3A_286], %swap3A_289 {strides = array<i32>} : memref<640xf32, #tpu.memory_space<vmem>>, vector<16xf32>,
        %swap3A_290 = arith.index_cast %scan3A_260 : i32 to index
        %swap3A_291 = arith.constant 16 : index
        %swap3A_292 = tpu.vector_load %arg4[%swap3A_290, %swap3A_291] {strides = array<i32>} : memref<64x640xf32, #tpu.memory_space<vmem>>, vector<1x16xf32>,
        %swap3A_293 = vector.shape_cast %swap3A_292 : vector<1x16xf32> to vector<16xf32>
        %swap3A_294 = vector.shape_cast %add3A_285 : vector<16xf32> to vector<1x16xf32>
        tpu.vector_store %arg4[%swap3A_290, %swap3A_291], %swap3A_294 {strides = array<i32>} : memref<64x640xf32, #tpu.memory_space<vmem>>, vector<1x16xf32>,
        %get3A_295 = arith.constant 32 : index
        %get3A_296 = tpu.vector_load %arg5[%get3A_295] {strides = array<i32>} : memref<640xf32, #tpu.memory_space<vmem>>, vector<16xf32>,
        %get3A_297 = vector.shape_cast %get3A_296 : vector<16xf32> to vector<16xf32>
        %get3A_298 = arith.index_cast %scan3A_260 : i32 to index
        %get3A_299 = arith.constant 32 : index
        %get3A_300 = tpu.vector_load %arg4[%get3A_298, %get3A_299] {strides = array<i32>} : memref<64x640xf32, #tpu.memory_space<vmem>>, vector<1x16xf32>,
        %get3A_301 = vector.shape_cast %get3A_300 : vector<1x16xf32> to vector<16xf32>
        %add3A_302 = arith.addf %get3A_297, %get3A_301 : vector<16xf32>
        %swap3A_303 = arith.constant 32 : index
        %swap3A_304 = tpu.vector_load %arg5[%swap3A_303] {strides = array<i32>} : memref<640xf32, #tpu.memory_space<vmem>>, vector<16xf32>,
        %swap3A_305 = vector.shape_cast %swap3A_304 : vector<16xf32> to vector<16xf32>
        %swap3A_306 = vector.shape_cast %add3A_302 : vector<16xf32> to vector<16xf32>
        tpu.vector_store %arg5[%swap3A_303], %swap3A_306 {strides = array<i32>} : memref<640xf32, #tpu.memory_space<vmem>>, vector<16xf32>,
        %swap3A_307 = arith.index_cast %scan3A_260 : i32 to index
        %swap3A_308 = arith.constant 32 : index
        %swap3A_309 = tpu.vector_load %arg4[%swap3A_307, %swap3A_308] {strides = array<i32>} : memref<64x640xf32, #tpu.memory_space<vmem>>, vector<1x16xf32>,
        %swap3A_310 = vector.shape_cast %swap3A_309 : vector<1x16xf32> to vector<16xf32>
        %swap3A_311 = vector.shape_cast %add3A_302 : vector<16xf32> to vector<1x16xf32>
        tpu.vector_store %arg4[%swap3A_307, %swap3A_308], %swap3A_311 {strides = array<i32>} : memref<64x640xf32, #tpu.memory_space<vmem>>, vector<1x16xf32>,
        %get3A_312 = arith.constant 48 : index
        %get3A_313 = tpu.vector_load %arg5[%get3A_312] {strides = array<i32>} : memref<640xf32, #tpu.memory_space<vmem>>, vector<16xf32>,
        %get3A_314 = vector.shape_cast %get3A_313 : vector<16xf32> to vector<16xf32>
        %get3A_315 = arith.index_cast %scan3A_260 : i32 to index
        %get3A_316 = arith.constant 48 : index
        %get3A_317 = tpu.vector_load %arg4[%get3A_315, %get3A_316] {strides = array<i32>} : memref<64x640xf32, #tpu.memory_space<vmem>>, vector<1x16xf32>,
        %get3A_318 = vector.shape_cast %get3A_317 : vector<1x16xf32> to vector<16xf32>
        %add3A_319 = arith.addf %get3A_314, %get3A_318 : vector<16xf32>
        %swap3A_320 = arith.constant 48 : index
        %swap3A_321 = tpu.vector_load %arg5[%swap3A_320] {strides = array<i32>} : memref<640xf32, #tpu.memory_space<vmem>>, vector<16xf32>,
        %swap3A_322 = vector.shape_cast %swap3A_321 : vector<16xf32> to vector<16xf32>
        %swap3A_323 = vector.shape_cast %add3A_319 : vector<16xf32> to vector<16xf32>
        tpu.vector_store %arg5[%swap3A_320], %swap3A_323 {strides = array<i32>} : memref<640xf32, #tpu.memory_space<vmem>>, vector<16xf32>,
        %swap3A_324 = arith.index_cast %scan3A_260 : i32 to index
        %swap3A_325 = arith.constant 48 : index
        %swap3A_326 = tpu.vector_load %arg4[%swap3A_324, %swap3A_325] {strides = array<i32>} : memref<64x640xf32, #tpu.memory_space<vmem>>, vector<1x16xf32>,
        %swap3A_327 = vector.shape_cast %swap3A_326 : vector<1x16xf32> to vector<16xf32>
        %swap3A_328 = vector.shape_cast %add3A_319 : vector<16xf32> to vector<1x16xf32>
        tpu.vector_store %arg4[%swap3A_324, %swap3A_325], %swap3A_328 {strides = array<i32>} : memref<64x640xf32, #tpu.memory_space<vmem>>, vector<1x16xf32>,
        %get3A_329 = arith.constant 64 : index
        %get3A_330 = tpu.vector_load %arg5[%get3A_329] {strides = array<i32>} : memref<640xf32, #tpu.memory_space<vmem>>, vector<16xf32>,
        %get3A_331 = vector.shape_cast %get3A_330 : vector<16xf32> to vector<16xf32>
        %get3A_332 = arith.index_cast %scan3A_260 : i32 to index
        %get3A_333 = arith.constant 64 : index
        %get3A_334 = tpu.vector_load %arg4[%get3A_332, %get3A_333] {strides = array<i32>} : memref<64x640xf32, #tpu.memory_space<vmem>>, vector<1x16xf32>,
        %get3A_335 = vector.shape_cast %get3A_334 : vector<1x16xf32> to vector<16xf32>
        %add3A_336 = arith.addf %get3A_331, %get3A_335 : vector<16xf32>
        %swap3A_337 = arith.constant 64 : index
        %swap3A_338 = tpu.vector_load %arg5[%swap3A_337] {strides = array<i32>} : memref<640xf32, #tpu.memory_space<vmem>>, vector<16xf32>,
        %swap3A_339 = vector.shape_cast %swap3A_338 : vector<16xf32> to vector<16xf32>
        %swap3A_340 = vector.shape_cast %add3A_336 : vector<16xf32> to vector<16xf32>
        tpu.vector_store %arg5[%swap3A_337], %swap3A_340 {strides = array<i32>} : memref<640xf32, #tpu.memory_space<vmem>>, vector<16xf32>,
        %swap3A_341 = arith.index_cast %scan3A_260 : i32 to index
        %swap3A_342 = arith.constant 64 : index
        %swap3A_343 = tpu.vector_load %arg4[%swap3A_341, %swap3A_342] {strides = array<i32>} : memref<64x640xf32, #tpu.memory_space<vmem>>, vector<1x16xf32>,
        %swap3A_344 = vector.shape_cast %swap3A_343 : vector<1x16xf32> to vector<16xf32>
        %swap3A_345 = vector.shape_cast %add3A_336 : vector<16xf32> to vector<1x16xf32>
        tpu.vector_store %arg4[%swap3A_341, %swap3A_342], %swap3A_345 {strides = array<i32>} : memref<64x640xf32, #tpu.memory_space<vmem>>, vector<1x16xf32>,
        %get3A_346 = arith.constant 80 : index
        %get3A_347 = tpu.vector_load %arg5[%get3A_346] {strides = array<i32>} : memref<640xf32, #tpu.memory_space<vmem>>, vector<16xf32>,
        %get3A_348 = vector.shape_cast %get3A_347 : vector<16xf32> to vector<16xf32>
        %get3A_349 = arith.index_cast %scan3A_260 : i32 to index
        %get3A_350 = arith.constant 80 : index
        %get3A_351 = tpu.vector_load %arg4[%get3A_349, %get3A_350] {strides = array<i32>} : memref<64x640xf32, #tpu.memory_space<vmem>>, vector<1x16xf32>,
        %get3A_352 = vector.shape_cast %get3A_351 : vector<1x16xf32> to vector<16xf32>
        %add3A_353 = arith.addf %get3A_348, %get3A_352 : vector<16xf32>
        %swap3A_354 = arith.constant 80 : index
        %swap3A_355 = tpu.vector_load %arg5[%swap3A_354] {strides = array<i32>} : memref<640xf32, #tpu.memory_space<vmem>>, vector<16xf32>,
        %swap3A_356 = vector.shape_cast %swap3A_355 : vector<16xf32> to vector<16xf32>
        %swap3A_357 = vector.shape_cast %add3A_353 : vector<16xf32> to vector<16xf32>
        tpu.vector_store %arg5[%swap3A_354], %swap3A_357 {strides = array<i32>} : memref<640xf32, #tpu.memory_space<vmem>>, vector<16xf32>,
        %swap3A_358 = arith.index_cast %scan3A_260 : i32 to index
        %swap3A_359 = arith.constant 80 : index
        %swap3A_360 = tpu.vector_load %arg4[%swap3A_358, %swap3A_359] {strides = array<i32>} : memref<64x640xf32, #tpu.memory_space<vmem>>, vector<1x16xf32>,
        %swap3A_361 = vector.shape_cast %swap3A_360 : vector<1x16xf32> to vector<16xf32>
        %swap3A_362 = vector.shape_cast %add3A_353 : vector<16xf32> to vector<1x16xf32>
        tpu.vector_store %arg4[%swap3A_358, %swap3A_359], %swap3A_362 {strides = array<i32>} : memref<64x640xf32, #tpu.memory_space<vmem>>, vector<1x16xf32>,
        %get3A_363 = arith.constant 96 : index
        %get3A_364 = tpu.vector_load %arg5[%get3A_363] {strides = array<i32>} : memref<640xf32, #tpu.memory_space<vmem>>, vector<16xf32>,
        %get3A_365 = vector.shape_cast %get3A_364 : vector<16xf32> to vector<16xf32>
        %get3A_366 = arith.index_cast %scan3A_260 : i32 to index
        %get3A_367 = arith.constant 96 : index
        %get3A_368 = tpu.vector_load %arg4[%get3A_366, %get3A_367] {strides = array<i32>} : memref<64x640xf32, #tpu.memory_space<vmem>>, vector<1x16xf32>,
        %get3A_369 = vector.shape_cast %get3A_368 : vector<1x16xf32> to vector<16xf32>
        %add3A_370 = arith.addf %get3A_365, %get3A_369 : vector<16xf32>
        %swap3A_371 = arith.constant 96 : index
        %swap3A_372 = tpu.vector_load %arg5[%swap3A_371] {strides = array<i32>} : memref<640xf32, #tpu.memory_space<vmem>>, vector<16xf32>,
        %swap3A_373 = vector.shape_cast %swap3A_372 : vector<16xf32> to vector<16xf32>
        %swap3A_374 = vector.shape_cast %add3A_370 : vector<16xf32> to vector<16xf32>
        tpu.vector_store %arg5[%swap3A_371], %swap3A_374 {strides = array<i32>} : memref<640xf32, #tpu.memory_space<vmem>>, vector<16xf32>,
        %swap3A_375 = arith.index_cast %scan3A_260 : i32 to index
        %swap3A_376 = arith.constant 96 : index
        %swap3A_377 = tpu.vector_load %arg4[%swap3A_375, %swap3A_376] {strides = array<i32>} : memref<64x640xf32, #tpu.memory_space<vmem>>, vector<1x16xf32>,
        %swap3A_378 = vector.shape_cast %swap3A_377 : vector<1x16xf32> to vector<16xf32>
        %swap3A_379 = vector.shape_cast %add3A_370 : vector<16xf32> to vector<1x16xf32>
        tpu.vector_store %arg4[%swap3A_375, %swap3A_376], %swap3A_379 {strides = array<i32>} : memref<64x640xf32, #tpu.memory_space<vmem>>, vector<1x16xf32>,
        %get3A_380 = arith.constant 112 : index
        %get3A_381 = tpu.vector_load %arg5[%get3A_380] {strides = array<i32>} : memref<640xf32, #tpu.memory_space<vmem>>, vector<16xf32>,
        %get3A_382 = vector.shape_cast %get3A_381 : vector<16xf32> to vector<16xf32>
        %get3A_383 = arith.index_cast %scan3A_260 : i32 to index
        %get3A_384 = arith.constant 112 : index
        %get3A_385 = tpu.vector_load %arg4[%get3A_383, %get3A_384] {strides = array<i32>} : memref<64x640xf32, #tpu.memory_space<vmem>>, vector<1x16xf32>,
        %get3A_386 = vector.shape_cast %get3A_385 : vector<1x16xf32> to vector<16xf32>
        %add3A_387 = arith.addf %get3A_382, %get3A_386 : vector<16xf32>
        %swap3A_388 = arith.constant 112 : index
        %swap3A_389 = tpu.vector_load %arg5[%swap3A_388] {strides = array<i32>} : memref<640xf32, #tpu.memory_space<vmem>>, vector<16xf32>,
        %swap3A_390 = vector.shape_cast %swap3A_389 : vector<16xf32> to vector<16xf32>
        %swap3A_391 = vector.shape_cast %add3A_387 : vector<16xf32> to vector<16xf32>
        tpu.vector_store %arg5[%swap3A_388], %swap3A_391 {strides = array<i32>} : memref<640xf32, #tpu.memory_space<vmem>>, vector<16xf32>,
        %swap3A_392 = arith.index_cast %scan3A_260 : i32 to index
        %swap3A_393 = arith.constant 112 : index
        %swap3A_394 = tpu.vector_load %arg4[%swap3A_392, %swap3A_393] {strides = array<i32>} : memref<64x640xf32, #tpu.memory_space<vmem>>, vector<1x16xf32>,
        %swap3A_395 = vector.shape_cast %swap3A_394 : vector<1x16xf32> to vector<16xf32>
        %swap3A_396 = vector.shape_cast %add3A_387 : vector<16xf32> to vector<1x16xf32>
        tpu.vector_store %arg4[%swap3A_392, %swap3A_393], %swap3A_396 {strides = array<i32>} : memref<64x640xf32, #tpu.memory_space<vmem>>, vector<1x16xf32>,
        %get3A_397 = arith.constant 128 : index
        %get3A_398 = tpu.vector_load %arg5[%get3A_397] {strides = array<i32>} : memref<640xf32, #tpu.memory_space<vmem>>, vector<16xf32>,
        %get3A_399 = vector.shape_cast %get3A_398 : vector<16xf32> to vector<16xf32>
        %get3A_400 = arith.index_cast %scan3A_260 : i32 to index
        %get3A_401 = arith.constant 128 : index
        %get3A_402 = tpu.vector_load %arg4[%get3A_400, %get3A_401] {strides = array<i32>} : memref<64x640xf32, #tpu.memory_space<vmem>>, vector<1x16xf32>,
        %get3A_403 = vector.shape_cast %get3A_402 : vector<1x16xf32> to vector<16xf32>
        %add3A_404 = arith.addf %get3A_399, %get3A_403 : vector<16xf32>
        %swap3A_405 = arith.constant 128 : index
        %swap3A_406 = tpu.vector_load %arg5[%swap3A_405] {strides = array<i32>} : memref<640xf32, #tpu.memory_space<vmem>>, vector<16xf32>,
        %swap3A_407 = vector.shape_cast %swap3A_406 : vector<16xf32> to vector<16xf32>
        %swap3A_408 = vector.shape_cast %add3A_404 : vector<16xf32> to vector<16xf32>
        tpu.vector_store %arg5[%swap3A_405], %swap3A_408 {strides = array<i32>} : memref<640xf32, #tpu.memory_space<vmem>>, vector<16xf32>,
        %swap3A_409 = arith.index_cast %scan3A_260 : i32 to index
        %swap3A_410 = arith.constant 128 : index
        %swap3A_411 = tpu.vector_load %arg4[%swap3A_409, %swap3A_410] {strides = array<i32>} : memref<64x640xf32, #tpu.memory_space<vmem>>, vector<1x16xf32>,
        %swap3A_412 = vector.shape_cast %swap3A_411 : vector<1x16xf32> to vector<16xf32>
        %swap3A_413 = vector.shape_cast %add3A_404 : vector<16xf32> to vector<1x16xf32>
        tpu.vector_store %arg4[%swap3A_409, %swap3A_410], %swap3A_413 {strides = array<i32>} : memref<64x640xf32, #tpu.memory_space<vmem>>, vector<1x16xf32>,
        %get3A_414 = arith.constant 144 : index
        %get3A_415 = tpu.vector_load %arg5[%get3A_414] {strides = array<i32>} : memref<640xf32, #tpu.memory_space<vmem>>, vector<16xf32>,
        %get3A_416 = vector.shape_cast %get3A_415 : vector<16xf32> to vector<16xf32>
        %get3A_417 = arith.index_cast %scan3A_260 : i32 to index
        %get3A_418 = arith.constant 144 : index
        %get3A_419 = tpu.vector_load %arg4[%get3A_417, %get3A_418] {strides = array<i32>} : memref<64x640xf32, #tpu.memory_space<vmem>>, vector<1x16xf32>,
        %get3A_420 = vector.shape_cast %get3A_419 : vector<1x16xf32> to vector<16xf32>
        %add3A_421 = arith.addf %get3A_416, %get3A_420 : vector<16xf32>
        %swap3A_422 = arith.constant 144 : index
        %swap3A_423 = tpu.vector_load %arg5[%swap3A_422] {strides = array<i32>} : memref<640xf32, #tpu.memory_space<vmem>>, vector<16xf32>,
        %swap3A_424 = vector.shape_cast %swap3A_423 : vector<16xf32> to vector<16xf32>
        %swap3A_425 = vector.shape_cast %add3A_421 : vector<16xf32> to vector<16xf32>
        tpu.vector_store %arg5[%swap3A_422], %swap3A_425 {strides = array<i32>} : memref<640xf32, #tpu.memory_space<vmem>>, vector<16xf32>,
        %swap3A_426 = arith.index_cast %scan3A_260 : i32 to index
        %swap3A_427 = arith.constant 144 : index
        %swap3A_428 = tpu.vector_load %arg4[%swap3A_426, %swap3A_427] {strides = array<i32>} : memref<64x640xf32, #tpu.memory_space<vmem>>, vector<1x16xf32>,
        %swap3A_429 = vector.shape_cast %swap3A_428 : vector<1x16xf32> to vector<16xf32>
        %swap3A_430 = vector.shape_cast %add3A_421 : vector<16xf32> to vector<1x16xf32>
        tpu.vector_store %arg4[%swap3A_426, %swap3A_427], %swap3A_430 {strides = array<i32>} : memref<64x640xf32, #tpu.memory_space<vmem>>, vector<1x16xf32>,
        %get3A_431 = arith.constant 160 : index
        %get3A_432 = tpu.vector_load %arg5[%get3A_431] {strides = array<i32>} : memref<640xf32, #tpu.memory_space<vmem>>, vector<16xf32>,
        %get3A_433 = vector.shape_cast %get3A_432 : vector<16xf32> to vector<16xf32>
        %get3A_434 = arith.index_cast %scan3A_260 : i32 to index
        %get3A_435 = arith.constant 160 : index
        %get3A_436 = tpu.vector_load %arg4[%get3A_434, %get3A_435] {strides = array<i32>} : memref<64x640xf32, #tpu.memory_space<vmem>>, vector<1x16xf32>,
        %get3A_437 = vector.shape_cast %get3A_436 : vector<1x16xf32> to vector<16xf32>
        %add3A_438 = arith.addf %get3A_433, %get3A_437 : vector<16xf32>
        %swap3A_439 = arith.constant 160 : index
        %swap3A_440 = tpu.vector_load %arg5[%swap3A_439] {strides = array<i32>} : memref<640xf32, #tpu.memory_space<vmem>>, vector<16xf32>,
        %swap3A_441 = vector.shape_cast %swap3A_440 : vector<16xf32> to vector<16xf32>
        %swap3A_442 = vector.shape_cast %add3A_438 : vector<16xf32> to vector<16xf32>
        tpu.vector_store %arg5[%swap3A_439], %swap3A_442 {strides = array<i32>} : memref<640xf32, #tpu.memory_space<vmem>>, vector<16xf32>,
        %swap3A_443 = arith.index_cast %scan3A_260 : i32 to index
        %swap3A_444 = arith.constant 160 : index
        %swap3A_445 = tpu.vector_load %arg4[%swap3A_443, %swap3A_444] {strides = array<i32>} : memref<64x640xf32, #tpu.memory_space<vmem>>, vector<1x16xf32>,
        %swap3A_446 = vector.shape_cast %swap3A_445 : vector<1x16xf32> to vector<16xf32>
        %swap3A_447 = vector.shape_cast %add3A_438 : vector<16xf32> to vector<1x16xf32>
        tpu.vector_store %arg4[%swap3A_443, %swap3A_444], %swap3A_447 {strides = array<i32>} : memref<64x640xf32, #tpu.memory_space<vmem>>, vector<1x16xf32>,
        %get3A_448 = arith.constant 176 : index
        %get3A_449 = tpu.vector_load %arg5[%get3A_448] {strides = array<i32>} : memref<640xf32, #tpu.memory_space<vmem>>, vector<16xf32>,
        %get3A_450 = vector.shape_cast %get3A_449 : vector<16xf32> to vector<16xf32>
        %get3A_451 = arith.index_cast %scan3A_260 : i32 to index
        %get3A_452 = arith.constant 176 : index
        %get3A_453 = tpu.vector_load %arg4[%get3A_451, %get3A_452] {strides = array<i32>} : memref<64x640xf32, #tpu.memory_space<vmem>>, vector<1x16xf32>,
        %get3A_454 = vector.shape_cast %get3A_453 : vector<1x16xf32> to vector<16xf32>
        %add3A_455 = arith.addf %get3A_450, %get3A_454 : vector<16xf32>
        %swap3A_456 = arith.constant 176 : index
        %swap3A_457 = tpu.vector_load %arg5[%swap3A_456] {strides = array<i32>} : memref<640xf32, #tpu.memory_space<vmem>>, vector<16xf32>,
        %swap3A_458 = vector.shape_cast %swap3A_457 : vector<16xf32> to vector<16xf32>
        %swap3A_459 = vector.shape_cast %add3A_455 : vector<16xf32> to vector<16xf32>
        tpu.vector_store %arg5[%swap3A_456], %swap3A_459 {strides = array<i32>} : memref<640xf32, #tpu.memory_space<vmem>>, vector<16xf32>,
        %swap3A_460 = arith.index_cast %scan3A_260 : i32 to index
        %swap3A_461 = arith.constant 176 : index
        %swap3A_462 = tpu.vector_load %arg4[%swap3A_460, %swap3A_461] {strides = array<i32>} : memref<64x640xf32, #tpu.memory_space<vmem>>, vector<1x16xf32>,
        %swap3A_463 = vector.shape_cast %swap3A_462 : vector<1x16xf32> to vector<16xf32>
        %swap3A_464 = vector.shape_cast %add3A_455 : vector<16xf32> to vector<1x16xf32>
        tpu.vector_store %arg4[%swap3A_460, %swap3A_461], %swap3A_464 {strides = array<i32>} : memref<64x640xf32, #tpu.memory_space<vmem>>, vector<1x16xf32>,
        %get3A_465 = arith.constant 192 : index
        %get3A_466 = tpu.vector_load %arg5[%get3A_465] {strides = array<i32>} : memref<640xf32, #tpu.memory_space<vmem>>, vector<16xf32>,
        %get3A_467 = vector.shape_cast %get3A_466 : vector<16xf32> to vector<16xf32>
        %get3A_468 = arith.index_cast %scan3A_260 : i32 to index
        %get3A_469 = arith.constant 192 : index
        %get3A_470 = tpu.vector_load %arg4[%get3A_468, %get3A_469] {strides = array<i32>} : memref<64x640xf32, #tpu.memory_space<vmem>>, vector<1x16xf32>,
        %get3A_471 = vector.shape_cast %get3A_470 : vector<1x16xf32> to vector<16xf32>
        %add3A_472 = arith.addf %get3A_467, %get3A_471 : vector<16xf32>
        %swap3A_473 = arith.constant 192 : index
        %swap3A_474 = tpu.vector_load %arg5[%swap3A_473] {strides = array<i32>} : memref<640xf32, #tpu.memory_space<vmem>>, vector<16xf32>,
        %swap3A_475 = vector.shape_cast %swap3A_474 : vector<16xf32> to vector<16xf32>
        %swap3A_476 = vector.shape_cast %add3A_472 : vector<16xf32> to vector<16xf32>
        tpu.vector_store %arg5[%swap3A_473], %swap3A_476 {strides = array<i32>} : memref<640xf32, #tpu.memory_space<vmem>>, vector<16xf32>,
        %swap3A_477 = arith.index_cast %scan3A_260 : i32 to index
        %swap3A_478 = arith.constant 192 : index
        %swap3A_479 = tpu.vector_load %arg4[%swap3A_477, %swap3A_478] {strides = array<i32>} : memref<64x640xf32, #tpu.memory_space<vmem>>, vector<1x16xf32>,
        %swap3A_480 = vector.shape_cast %swap3A_479 : vector<1x16xf32> to vector<16xf32>
        %swap3A_481 = vector.shape_cast %add3A_472 : vector<16xf32> to vector<1x16xf32>
        tpu.vector_store %arg4[%swap3A_477, %swap3A_478], %swap3A_481 {strides = array<i32>} : memref<64x640xf32, #tpu.memory_space<vmem>>, vector<1x16xf32>,
        %get3A_482 = arith.constant 208 : index
        %get3A_483 = tpu.vector_load %arg5[%get3A_482] {strides = array<i32>} : memref<640xf32, #tpu.memory_space<vmem>>, vector<16xf32>,
        %get3A_484 = vector.shape_cast %get3A_483 : vector<16xf32> to vector<16xf32>
        %get3A_485 = arith.index_cast %scan3A_260 : i32 to index
        %get3A_486 = arith.constant 208 : index
        %get3A_487 = tpu.vector_load %arg4[%get3A_485, %get3A_486] {strides = array<i32>} : memref<64x640xf32, #tpu.memory_space<vmem>>, vector<1x16xf32>,
        %get3A_488 = vector.shape_cast %get3A_487 : vector<1x16xf32> to vector<16xf32>
        %add3A_489 = arith.addf %get3A_484, %get3A_488 : vector<16xf32>
        %swap3A_490 = arith.constant 208 : index
        %swap3A_491 = tpu.vector_load %arg5[%swap3A_490] {strides = array<i32>} : memref<640xf32, #tpu.memory_space<vmem>>, vector<16xf32>,
        %swap3A_492 = vector.shape_cast %swap3A_491 : vector<16xf32> to vector<16xf32>
        %swap3A_493 = vector.shape_cast %add3A_489 : vector<16xf32> to vector<16xf32>
        tpu.vector_store %arg5[%swap3A_490], %swap3A_493 {strides = array<i32>} : memref<640xf32, #tpu.memory_space<vmem>>, vector<16xf32>,
        %swap3A_494 = arith.index_cast %scan3A_260 : i32 to index
        %swap3A_495 = arith.constant 208 : index
        %swap3A_496 = tpu.vector_load %arg4[%swap3A_494, %swap3A_495] {strides = array<i32>} : memref<64x640xf32, #tpu.memory_space<vmem>>, vector<1x16xf32>,
        %swap3A_497 = vector.shape_cast %swap3A_496 : vector<1x16xf32> to vector<16xf32>
        %swap3A_498 = vector.shape_cast %add3A_489 : vector<16xf32> to vector<1x16xf32>
        tpu.vector_store %arg4[%swap3A_494, %swap3A_495], %swap3A_498 {strides = array<i32>} : memref<64x640xf32, #tpu.memory_space<vmem>>, vector<1x16xf32>,
        %get3A_499 = arith.constant 224 : index
        %get3A_500 = tpu.vector_load %arg5[%get3A_499] {strides = array<i32>} : memref<640xf32, #tpu.memory_space<vmem>>, vector<16xf32>,
        %get3A_501 = vector.shape_cast %get3A_500 : vector<16xf32> to vector<16xf32>
        %get3A_502 = arith.index_cast %scan3A_260 : i32 to index
        %get3A_503 = arith.constant 224 : index
        %get3A_504 = tpu.vector_load %arg4[%get3A_502, %get3A_503] {strides = array<i32>} : memref<64x640xf32, #tpu.memory_space<vmem>>, vector<1x16xf32>,
        %get3A_505 = vector.shape_cast %get3A_504 : vector<1x16xf32> to vector<16xf32>
        %add3A_506 = arith.addf %get3A_501, %get3A_505 : vector<16xf32>
        %swap3A_507 = arith.constant 224 : index
        %swap3A_508 = tpu.vector_load %arg5[%swap3A_507] {strides = array<i32>} : memref<640xf32, #tpu.memory_space<vmem>>, vector<16xf32>,
        %swap3A_509 = vector.shape_cast %swap3A_508 : vector<16xf32> to vector<16xf32>
        %swap3A_510 = vector.shape_cast %add3A_506 : vector<16xf32> to vector<16xf32>
        tpu.vector_store %arg5[%swap3A_507], %swap3A_510 {strides = array<i32>} : memref<640xf32, #tpu.memory_space<vmem>>, vector<16xf32>,
        %swap3A_511 = arith.index_cast %scan3A_260 : i32 to index
        %swap3A_512 = arith.constant 224 : index
        %swap3A_513 = tpu.vector_load %arg4[%swap3A_511, %swap3A_512] {strides = array<i32>} : memref<64x640xf32, #tpu.memory_space<vmem>>, vector<1x16xf32>,
        %swap3A_514 = vector.shape_cast %swap3A_513 : vector<1x16xf32> to vector<16xf32>
        %swap3A_515 = vector.shape_cast %add3A_506 : vector<16xf32> to vector<1x16xf32>
        tpu.vector_store %arg4[%swap3A_511, %swap3A_512], %swap3A_515 {strides = array<i32>} : memref<64x640xf32, #tpu.memory_space<vmem>>, vector<1x16xf32>,
        %get3A_516 = arith.constant 240 : index
        %get3A_517 = tpu.vector_load %arg5[%get3A_516] {strides = array<i32>} : memref<640xf32, #tpu.memory_space<vmem>>, vector<16xf32>,
        %get3A_518 = vector.shape_cast %get3A_517 : vector<16xf32> to vector<16xf32>
        %get3A_519 = arith.index_cast %scan3A_260 : i32 to index
        %get3A_520 = arith.constant 240 : index
        %get3A_521 = tpu.vector_load %arg4[%get3A_519, %get3A_520] {strides = array<i32>} : memref<64x640xf32, #tpu.memory_space<vmem>>, vector<1x16xf32>,
        %get3A_522 = vector.shape_cast %get3A_521 : vector<1x16xf32> to vector<16xf32>
        %add3A_523 = arith.addf %get3A_518, %get3A_522 : vector<16xf32>
        %swap3A_524 = arith.constant 240 : index
        %swap3A_525 = tpu.vector_load %arg5[%swap3A_524] {strides = array<i32>} : memref<640xf32, #tpu.memory_space<vmem>>, vector<16xf32>,
        %swap3A_526 = vector.shape_cast %swap3A_525 : vector<16xf32> to vector<16xf32>
        %swap3A_527 = vector.shape_cast %add3A_523 : vector<16xf32> to vector<16xf32>
        tpu.vector_store %arg5[%swap3A_524], %swap3A_527 {strides = array<i32>} : memref<640xf32, #tpu.memory_space<vmem>>, vector<16xf32>,
        %swap3A_528 = arith.index_cast %scan3A_260 : i32 to index
        %swap3A_529 = arith.constant 240 : index
        %swap3A_530 = tpu.vector_load %arg4[%swap3A_528, %swap3A_529] {strides = array<i32>} : memref<64x640xf32, #tpu.memory_space<vmem>>, vector<1x16xf32>,
        %swap3A_531 = vector.shape_cast %swap3A_530 : vector<1x16xf32> to vector<16xf32>
        %swap3A_532 = vector.shape_cast %add3A_523 : vector<16xf32> to vector<1x16xf32>
        tpu.vector_store %arg4[%swap3A_528, %swap3A_529], %swap3A_532 {strides = array<i32>} : memref<64x640xf32, #tpu.memory_space<vmem>>, vector<1x16xf32>,
        %get3A_533 = arith.constant 256 : index
        %get3A_534 = tpu.vector_load %arg5[%get3A_533] {strides = array<i32>} : memref<640xf32, #tpu.memory_space<vmem>>, vector<16xf32>,
        %get3A_535 = vector.shape_cast %get3A_534 : vector<16xf32> to vector<16xf32>
        %get3A_536 = arith.index_cast %scan3A_260 : i32 to index
        %get3A_537 = arith.constant 256 : index
        %get3A_538 = tpu.vector_load %arg4[%get3A_536, %get3A_537] {strides = array<i32>} : memref<64x640xf32, #tpu.memory_space<vmem>>, vector<1x16xf32>,
        %get3A_539 = vector.shape_cast %get3A_538 : vector<1x16xf32> to vector<16xf32>
        %add3A_540 = arith.addf %get3A_535, %get3A_539 : vector<16xf32>
        %swap3A_541 = arith.constant 256 : index
        %swap3A_542 = tpu.vector_load %arg5[%swap3A_541] {strides = array<i32>} : memref<640xf32, #tpu.memory_space<vmem>>, vector<16xf32>,
        %swap3A_543 = vector.shape_cast %swap3A_542 : vector<16xf32> to vector<16xf32>
        %swap3A_544 = vector.shape_cast %add3A_540 : vector<16xf32> to vector<16xf32>
        tpu.vector_store %arg5[%swap3A_541], %swap3A_544 {strides = array<i32>} : memref<640xf32, #tpu.memory_space<vmem>>, vector<16xf32>,
        %swap3A_545 = arith.index_cast %scan3A_260 : i32 to index
        %swap3A_546 = arith.constant 256 : index
        %swap3A_547 = tpu.vector_load %arg4[%swap3A_545, %swap3A_546] {strides = array<i32>} : memref<64x640xf32, #tpu.memory_space<vmem>>, vector<1x16xf32>,
        %swap3A_548 = vector.shape_cast %swap3A_547 : vector<1x16xf32> to vector<16xf32>
        %swap3A_549 = vector.shape_cast %add3A_540 : vector<16xf32> to vector<1x16xf32>
        tpu.vector_store %arg4[%swap3A_545, %swap3A_546], %swap3A_549 {strides = array<i32>} : memref<64x640xf32, #tpu.memory_space<vmem>>, vector<1x16xf32>,
        %get3A_550 = arith.constant 272 : index
        %get3A_551 = tpu.vector_load %arg5[%get3A_550] {strides = array<i32>} : memref<640xf32, #tpu.memory_space<vmem>>, vector<16xf32>,
        %get3A_552 = vector.shape_cast %get3A_551 : vector<16xf32> to vector<16xf32>
        %get3A_553 = arith.index_cast %scan3A_260 : i32 to index
        %get3A_554 = arith.constant 272 : index
        %get3A_555 = tpu.vector_load %arg4[%get3A_553, %get3A_554] {strides = array<i32>} : memref<64x640xf32, #tpu.memory_space<vmem>>, vector<1x16xf32>,
        %get3A_556 = vector.shape_cast %get3A_555 : vector<1x16xf32> to vector<16xf32>
        %add3A_557 = arith.addf %get3A_552, %get3A_556 : vector<16xf32>
        %swap3A_558 = arith.constant 272 : index
        %swap3A_559 = tpu.vector_load %arg5[%swap3A_558] {strides = array<i32>} : memref<640xf32, #tpu.memory_space<vmem>>, vector<16xf32>,
        %swap3A_560 = vector.shape_cast %swap3A_559 : vector<16xf32> to vector<16xf32>
        %swap3A_561 = vector.shape_cast %add3A_557 : vector<16xf32> to vector<16xf32>
        tpu.vector_store %arg5[%swap3A_558], %swap3A_561 {strides = array<i32>} : memref<640xf32, #tpu.memory_space<vmem>>, vector<16xf32>,
        %swap3A_562 = arith.index_cast %scan3A_260 : i32 to index
        %swap3A_563 = arith.constant 272 : index
        %swap3A_564 = tpu.vector_load %arg4[%swap3A_562, %swap3A_563] {strides = array<i32>} : memref<64x640xf32, #tpu.memory_space<vmem>>, vector<1x16xf32>,
        %swap3A_565 = vector.shape_cast %swap3A_564 : vector<1x16xf32> to vector<16xf32>
        %swap3A_566 = vector.shape_cast %add3A_557 : vector<16xf32> to vector<1x16xf32>
        tpu.vector_store %arg4[%swap3A_562, %swap3A_563], %swap3A_566 {strides = array<i32>} : memref<64x640xf32, #tpu.memory_space<vmem>>, vector<1x16xf32>,
        %get3A_567 = arith.constant 288 : index
        %get3A_568 = tpu.vector_load %arg5[%get3A_567] {strides = array<i32>} : memref<640xf32, #tpu.memory_space<vmem>>, vector<16xf32>,
        %get3A_569 = vector.shape_cast %get3A_568 : vector<16xf32> to vector<16xf32>
        %get3A_570 = arith.index_cast %scan3A_260 : i32 to index
        %get3A_571 = arith.constant 288 : index
        %get3A_572 = tpu.vector_load %arg4[%get3A_570, %get3A_571] {strides = array<i32>} : memref<64x640xf32, #tpu.memory_space<vmem>>, vector<1x16xf32>,
        %get3A_573 = vector.shape_cast %get3A_572 : vector<1x16xf32> to vector<16xf32>
        %add3A_574 = arith.addf %get3A_569, %get3A_573 : vector<16xf32>
        %swap3A_575 = arith.constant 288 : index
        %swap3A_576 = tpu.vector_load %arg5[%swap3A_575] {strides = array<i32>} : memref<640xf32, #tpu.memory_space<vmem>>, vector<16xf32>,
        %swap3A_577 = vector.shape_cast %swap3A_576 : vector<16xf32> to vector<16xf32>
        %swap3A_578 = vector.shape_cast %add3A_574 : vector<16xf32> to vector<16xf32>
        tpu.vector_store %arg5[%swap3A_575], %swap3A_578 {strides = array<i32>} : memref<640xf32, #tpu.memory_space<vmem>>, vector<16xf32>,
        %swap3A_579 = arith.index_cast %scan3A_260 : i32 to index
        %swap3A_580 = arith.constant 288 : index
        %swap3A_581 = tpu.vector_load %arg4[%swap3A_579, %swap3A_580] {strides = array<i32>} : memref<64x640xf32, #tpu.memory_space<vmem>>, vector<1x16xf32>,
        %swap3A_582 = vector.shape_cast %swap3A_581 : vector<1x16xf32> to vector<16xf32>
        %swap3A_583 = vector.shape_cast %add3A_574 : vector<16xf32> to vector<1x16xf32>
        tpu.vector_store %arg4[%swap3A_579, %swap3A_580], %swap3A_583 {strides = array<i32>} : memref<64x640xf32, #tpu.memory_space<vmem>>, vector<1x16xf32>,
        %get3A_584 = arith.constant 304 : index
        %get3A_585 = tpu.vector_load %arg5[%get3A_584] {strides = array<i32>} : memref<640xf32, #tpu.memory_space<vmem>>, vector<16xf32>,
        %get3A_586 = vector.shape_cast %get3A_585 : vector<16xf32> to vector<16xf32>
        %get3A_587 = arith.index_cast %scan3A_260 : i32 to index
        %get3A_588 = arith.constant 304 : index
        %get3A_589 = tpu.vector_load %arg4[%get3A_587, %get3A_588] {strides = array<i32>} : memref<64x640xf32, #tpu.memory_space<vmem>>, vector<1x16xf32>,
        %get3A_590 = vector.shape_cast %get3A_589 : vector<1x16xf32> to vector<16xf32>
        %add3A_591 = arith.addf %get3A_586, %get3A_590 : vector<16xf32>
        %swap3A_592 = arith.constant 304 : index
        %swap3A_593 = tpu.vector_load %arg5[%swap3A_592] {strides = array<i32>} : memref<640xf32, #tpu.memory_space<vmem>>, vector<16xf32>,
        %swap3A_594 = vector.shape_cast %swap3A_593 : vector<16xf32> to vector<16xf32>
        %swap3A_595 = vector.shape_cast %add3A_591 : vector<16xf32> to vector<16xf32>
        tpu.vector_store %arg5[%swap3A_592], %swap3A_595 {strides = array<i32>} : memref<640xf32, #tpu.memory_space<vmem>>, vector<16xf32>,
        %swap3A_596 = arith.index_cast %scan3A_260 : i32 to index
        %swap3A_597 = arith.constant 304 : index
        %swap3A_598 = tpu.vector_load %arg4[%swap3A_596, %swap3A_597] {strides = array<i32>} : memref<64x640xf32, #tpu.memory_space<vmem>>, vector<1x16xf32>,
        %swap3A_599 = vector.shape_cast %swap3A_598 : vector<1x16xf32> to vector<16xf32>
        %swap3A_600 = vector.shape_cast %add3A_591 : vector<16xf32> to vector<1x16xf32>
        tpu.vector_store %arg4[%swap3A_596, %swap3A_597], %swap3A_600 {strides = array<i32>} : memref<64x640xf32, #tpu.memory_space<vmem>>, vector<1x16xf32>,
        %get3A_601 = arith.constant 320 : index
        %get3A_602 = tpu.vector_load %arg5[%get3A_601] {strides = array<i32>} : memref<640xf32, #tpu.memory_space<vmem>>, vector<16xf32>,
        %get3A_603 = vector.shape_cast %get3A_602 : vector<16xf32> to vector<16xf32>
        %get3A_604 = arith.index_cast %scan3A_260 : i32 to index
        %get3A_605 = arith.constant 320 : index
        %get3A_606 = tpu.vector_load %arg4[%get3A_604, %get3A_605] {strides = array<i32>} : memref<64x640xf32, #tpu.memory_space<vmem>>, vector<1x16xf32>,
        %get3A_607 = vector.shape_cast %get3A_606 : vector<1x16xf32> to vector<16xf32>
        %add3A_608 = arith.addf %get3A_603, %get3A_607 : vector<16xf32>
        %swap3A_609 = arith.constant 320 : index
        %swap3A_610 = tpu.vector_load %arg5[%swap3A_609] {strides = array<i32>} : memref<640xf32, #tpu.memory_space<vmem>>, vector<16xf32>,
        %swap3A_611 = vector.shape_cast %swap3A_610 : vector<16xf32> to vector<16xf32>
        %swap3A_612 = vector.shape_cast %add3A_608 : vector<16xf32> to vector<16xf32>
        tpu.vector_store %arg5[%swap3A_609], %swap3A_612 {strides = array<i32>} : memref<640xf32, #tpu.memory_space<vmem>>, vector<16xf32>,
        %swap3A_613 = arith.index_cast %scan3A_260 : i32 to index
        %swap3A_614 = arith.constant 320 : index
        %swap3A_615 = tpu.vector_load %arg4[%swap3A_613, %swap3A_614] {strides = array<i32>} : memref<64x640xf32, #tpu.memory_space<vmem>>, vector<1x16xf32>,
        %swap3A_616 = vector.shape_cast %swap3A_615 : vector<1x16xf32> to vector<16xf32>
        %swap3A_617 = vector.shape_cast %add3A_608 : vector<16xf32> to vector<1x16xf32>
        tpu.vector_store %arg4[%swap3A_613, %swap3A_614], %swap3A_617 {strides = array<i32>} : memref<64x640xf32, #tpu.memory_space<vmem>>, vector<1x16xf32>,
        %get3A_618 = arith.constant 336 : index
        %get3A_619 = tpu.vector_load %arg5[%get3A_618] {strides = array<i32>} : memref<640xf32, #tpu.memory_space<vmem>>, vector<16xf32>,
        %get3A_620 = vector.shape_cast %get3A_619 : vector<16xf32> to vector<16xf32>
        %get3A_621 = arith.index_cast %scan3A_260 : i32 to index
        %get3A_622 = arith.constant 336 : index
        %get3A_623 = tpu.vector_load %arg4[%get3A_621, %get3A_622] {strides = array<i32>} : memref<64x640xf32, #tpu.memory_space<vmem>>, vector<1x16xf32>,
        %get3A_624 = vector.shape_cast %get3A_623 : vector<1x16xf32> to vector<16xf32>
        %add3A_625 = arith.addf %get3A_620, %get3A_624 : vector<16xf32>
        %swap3A_626 = arith.constant 336 : index
        %swap3A_627 = tpu.vector_load %arg5[%swap3A_626] {strides = array<i32>} : memref<640xf32, #tpu.memory_space<vmem>>, vector<16xf32>,
        %swap3A_628 = vector.shape_cast %swap3A_627 : vector<16xf32> to vector<16xf32>
        %swap3A_629 = vector.shape_cast %add3A_625 : vector<16xf32> to vector<16xf32>
        tpu.vector_store %arg5[%swap3A_626], %swap3A_629 {strides = array<i32>} : memref<640xf32, #tpu.memory_space<vmem>>, vector<16xf32>,
        %swap3A_630 = arith.index_cast %scan3A_260 : i32 to index
        %swap3A_631 = arith.constant 336 : index
        %swap3A_632 = tpu.vector_load %arg4[%swap3A_630, %swap3A_631] {strides = array<i32>} : memref<64x640xf32, #tpu.memory_space<vmem>>, vector<1x16xf32>,
        %swap3A_633 = vector.shape_cast %swap3A_632 : vector<1x16xf32> to vector<16xf32>
        %swap3A_634 = vector.shape_cast %add3A_625 : vector<16xf32> to vector<1x16xf32>
        tpu.vector_store %arg4[%swap3A_630, %swap3A_631], %swap3A_634 {strides = array<i32>} : memref<64x640xf32, #tpu.memory_space<vmem>>, vector<1x16xf32>,
        %get3A_635 = arith.constant 352 : index
        %get3A_636 = tpu.vector_load %arg5[%get3A_635] {strides = array<i32>} : memref<640xf32, #tpu.memory_space<vmem>>, vector<16xf32>,
        %get3A_637 = vector.shape_cast %get3A_636 : vector<16xf32> to vector<16xf32>
        %get3A_638 = arith.index_cast %scan3A_260 : i32 to index
        %get3A_639 = arith.constant 352 : index
        %get3A_640 = tpu.vector_load %arg4[%get3A_638, %get3A_639] {strides = array<i32>} : memref<64x640xf32, #tpu.memory_space<vmem>>, vector<1x16xf32>,
        %get3A_641 = vector.shape_cast %get3A_640 : vector<1x16xf32> to vector<16xf32>
        %add3A_642 = arith.addf %get3A_637, %get3A_641 : vector<16xf32>
        %swap3A_643 = arith.constant 352 : index
        %swap3A_644 = tpu.vector_load %arg5[%swap3A_643] {strides = array<i32>} : memref<640xf32, #tpu.memory_space<vmem>>, vector<16xf32>,
        %swap3A_645 = vector.shape_cast %swap3A_644 : vector<16xf32> to vector<16xf32>
        %swap3A_646 = vector.shape_cast %add3A_642 : vector<16xf32> to vector<16xf32>
        tpu.vector_store %arg5[%swap3A_643], %swap3A_646 {strides = array<i32>} : memref<640xf32, #tpu.memory_space<vmem>>, vector<16xf32>,
        %swap3A_647 = arith.index_cast %scan3A_260 : i32 to index
        %swap3A_648 = arith.constant 352 : index
        %swap3A_649 = tpu.vector_load %arg4[%swap3A_647, %swap3A_648] {strides = array<i32>} : memref<64x640xf32, #tpu.memory_space<vmem>>, vector<1x16xf32>,
        %swap3A_650 = vector.shape_cast %swap3A_649 : vector<1x16xf32> to vector<16xf32>
        %swap3A_651 = vector.shape_cast %add3A_642 : vector<16xf32> to vector<1x16xf32>
        tpu.vector_store %arg4[%swap3A_647, %swap3A_648], %swap3A_651 {strides = array<i32>} : memref<64x640xf32, #tpu.memory_space<vmem>>, vector<1x16xf32>,
        %get3A_652 = arith.constant 368 : index
        %get3A_653 = tpu.vector_load %arg5[%get3A_652] {strides = array<i32>} : memref<640xf32, #tpu.memory_space<vmem>>, vector<16xf32>,
        %get3A_654 = vector.shape_cast %get3A_653 : vector<16xf32> to vector<16xf32>
        %get3A_655 = arith.index_cast %scan3A_260 : i32 to index
        %get3A_656 = arith.constant 368 : index
        %get3A_657 = tpu.vector_load %arg4[%get3A_655, %get3A_656] {strides = array<i32>} : memref<64x640xf32, #tpu.memory_space<vmem>>, vector<1x16xf32>,
        %get3A_658 = vector.shape_cast %get3A_657 : vector<1x16xf32> to vector<16xf32>
        %add3A_659 = arith.addf %get3A_654, %get3A_658 : vector<16xf32>
        %swap3A_660 = arith.constant 368 : index
        %swap3A_661 = tpu.vector_load %arg5[%swap3A_660] {strides = array<i32>} : memref<640xf32, #tpu.memory_space<vmem>>, vector<16xf32>,
        %swap3A_662 = vector.shape_cast %swap3A_661 : vector<16xf32> to vector<16xf32>
        %swap3A_663 = vector.shape_cast %add3A_659 : vector<16xf32> to vector<16xf32>
        tpu.vector_store %arg5[%swap3A_660], %swap3A_663 {strides = array<i32>} : memref<640xf32, #tpu.memory_space<vmem>>, vector<16xf32>,
        %swap3A_664 = arith.index_cast %scan3A_260 : i32 to index
        %swap3A_665 = arith.constant 368 : index
        %swap3A_666 = tpu.vector_load %arg4[%swap3A_664, %swap3A_665] {strides = array<i32>} : memref<64x640xf32, #tpu.memory_space<vmem>>, vector<1x16xf32>,
        %swap3A_667 = vector.shape_cast %swap3A_666 : vector<1x16xf32> to vector<16xf32>
        %swap3A_668 = vector.shape_cast %add3A_659 : vector<16xf32> to vector<1x16xf32>
        tpu.vector_store %arg4[%swap3A_664, %swap3A_665], %swap3A_668 {strides = array<i32>} : memref<64x640xf32, #tpu.memory_space<vmem>>, vector<1x16xf32>,
        %get3A_669 = arith.constant 384 : index
        %get3A_670 = tpu.vector_load %arg5[%get3A_669] {strides = array<i32>} : memref<640xf32, #tpu.memory_space<vmem>>, vector<16xf32>,
        %get3A_671 = vector.shape_cast %get3A_670 : vector<16xf32> to vector<16xf32>
        %get3A_672 = arith.index_cast %scan3A_260 : i32 to index
        %get3A_673 = arith.constant 384 : index
        %get3A_674 = tpu.vector_load %arg4[%get3A_672, %get3A_673] {strides = array<i32>} : memref<64x640xf32, #tpu.memory_space<vmem>>, vector<1x16xf32>,
        %get3A_675 = vector.shape_cast %get3A_674 : vector<1x16xf32> to vector<16xf32>
        %add3A_676 = arith.addf %get3A_671, %get3A_675 : vector<16xf32>
        %swap3A_677 = arith.constant 384 : index
        %swap3A_678 = tpu.vector_load %arg5[%swap3A_677] {strides = array<i32>} : memref<640xf32, #tpu.memory_space<vmem>>, vector<16xf32>,
        %swap3A_679 = vector.shape_cast %swap3A_678 : vector<16xf32> to vector<16xf32>
        %swap3A_680 = vector.shape_cast %add3A_676 : vector<16xf32> to vector<16xf32>
        tpu.vector_store %arg5[%swap3A_677], %swap3A_680 {strides = array<i32>} : memref<640xf32, #tpu.memory_space<vmem>>, vector<16xf32>,
        %swap3A_681 = arith.index_cast %scan3A_260 : i32 to index
        %swap3A_682 = arith.constant 384 : index
        %swap3A_683 = tpu.vector_load %arg4[%swap3A_681, %swap3A_682] {strides = array<i32>} : memref<64x640xf32, #tpu.memory_space<vmem>>, vector<1x16xf32>,
        %swap3A_684 = vector.shape_cast %swap3A_683 : vector<1x16xf32> to vector<16xf32>
        %swap3A_685 = vector.shape_cast %add3A_676 : vector<16xf32> to vector<1x16xf32>
        tpu.vector_store %arg4[%swap3A_681, %swap3A_682], %swap3A_685 {strides = array<i32>} : memref<64x640xf32, #tpu.memory_space<vmem>>, vector<1x16xf32>,
        %get3A_686 = arith.constant 400 : index
        %get3A_687 = tpu.vector_load %arg5[%get3A_686] {strides = array<i32>} : memref<640xf32, #tpu.memory_space<vmem>>, vector<16xf32>,
        %get3A_688 = vector.shape_cast %get3A_687 : vector<16xf32> to vector<16xf32>
        %get3A_689 = arith.index_cast %scan3A_260 : i32 to index
        %get3A_690 = arith.constant 400 : index
        %get3A_691 = tpu.vector_load %arg4[%get3A_689, %get3A_690] {strides = array<i32>} : memref<64x640xf32, #tpu.memory_space<vmem>>, vector<1x16xf32>,
        %get3A_692 = vector.shape_cast %get3A_691 : vector<1x16xf32> to vector<16xf32>
        %add3A_693 = arith.addf %get3A_688, %get3A_692 : vector<16xf32>
        %swap3A_694 = arith.constant 400 : index
        %swap3A_695 = tpu.vector_load %arg5[%swap3A_694] {strides = array<i32>} : memref<640xf32, #tpu.memory_space<vmem>>, vector<16xf32>,
        %swap3A_696 = vector.shape_cast %swap3A_695 : vector<16xf32> to vector<16xf32>
        %swap3A_697 = vector.shape_cast %add3A_693 : vector<16xf32> to vector<16xf32>
        tpu.vector_store %arg5[%swap3A_694], %swap3A_697 {strides = array<i32>} : memref<640xf32, #tpu.memory_space<vmem>>, vector<16xf32>,
        %swap3A_698 = arith.index_cast %scan3A_260 : i32 to index
        %swap3A_699 = arith.constant 400 : index
        %swap3A_700 = tpu.vector_load %arg4[%swap3A_698, %swap3A_699] {strides = array<i32>} : memref<64x640xf32, #tpu.memory_space<vmem>>, vector<1x16xf32>,
        %swap3A_701 = vector.shape_cast %swap3A_700 : vector<1x16xf32> to vector<16xf32>
        %swap3A_702 = vector.shape_cast %add3A_693 : vector<16xf32> to vector<1x16xf32>
        tpu.vector_store %arg4[%swap3A_698, %swap3A_699], %swap3A_702 {strides = array<i32>} : memref<64x640xf32, #tpu.memory_space<vmem>>, vector<1x16xf32>,
        %get3A_703 = arith.constant 416 : index
        %get3A_704 = tpu.vector_load %arg5[%get3A_703] {strides = array<i32>} : memref<640xf32, #tpu.memory_space<vmem>>, vector<16xf32>,
        %get3A_705 = vector.shape_cast %get3A_704 : vector<16xf32> to vector<16xf32>
        %get3A_706 = arith.index_cast %scan3A_260 : i32 to index
        %get3A_707 = arith.constant 416 : index
        %get3A_708 = tpu.vector_load %arg4[%get3A_706, %get3A_707] {strides = array<i32>} : memref<64x640xf32, #tpu.memory_space<vmem>>, vector<1x16xf32>,
        %get3A_709 = vector.shape_cast %get3A_708 : vector<1x16xf32> to vector<16xf32>
        %add3A_710 = arith.addf %get3A_705, %get3A_709 : vector<16xf32>
        %swap3A_711 = arith.constant 416 : index
        %swap3A_712 = tpu.vector_load %arg5[%swap3A_711] {strides = array<i32>} : memref<640xf32, #tpu.memory_space<vmem>>, vector<16xf32>,
        %swap3A_713 = vector.shape_cast %swap3A_712 : vector<16xf32> to vector<16xf32>
        %swap3A_714 = vector.shape_cast %add3A_710 : vector<16xf32> to vector<16xf32>
        tpu.vector_store %arg5[%swap3A_711], %swap3A_714 {strides = array<i32>} : memref<640xf32, #tpu.memory_space<vmem>>, vector<16xf32>,
        %swap3A_715 = arith.index_cast %scan3A_260 : i32 to index
        %swap3A_716 = arith.constant 416 : index
        %swap3A_717 = tpu.vector_load %arg4[%swap3A_715, %swap3A_716] {strides = array<i32>} : memref<64x640xf32, #tpu.memory_space<vmem>>, vector<1x16xf32>,
        %swap3A_718 = vector.shape_cast %swap3A_717 : vector<1x16xf32> to vector<16xf32>
        %swap3A_719 = vector.shape_cast %add3A_710 : vector<16xf32> to vector<1x16xf32>
        tpu.vector_store %arg4[%swap3A_715, %swap3A_716], %swap3A_719 {strides = array<i32>} : memref<64x640xf32, #tpu.memory_space<vmem>>, vector<1x16xf32>,
        %get3A_720 = arith.constant 432 : index
        %get3A_721 = tpu.vector_load %arg5[%get3A_720] {strides = array<i32>} : memref<640xf32, #tpu.memory_space<vmem>>, vector<16xf32>,
        %get3A_722 = vector.shape_cast %get3A_721 : vector<16xf32> to vector<16xf32>
        %get3A_723 = arith.index_cast %scan3A_260 : i32 to index
        %get3A_724 = arith.constant 432 : index
        %get3A_725 = tpu.vector_load %arg4[%get3A_723, %get3A_724] {strides = array<i32>} : memref<64x640xf32, #tpu.memory_space<vmem>>, vector<1x16xf32>,
        %get3A_726 = vector.shape_cast %get3A_725 : vector<1x16xf32> to vector<16xf32>
        %add3A_727 = arith.addf %get3A_722, %get3A_726 : vector<16xf32>
        %swap3A_728 = arith.constant 432 : index
        %swap3A_729 = tpu.vector_load %arg5[%swap3A_728] {strides = array<i32>} : memref<640xf32, #tpu.memory_space<vmem>>, vector<16xf32>,
        %swap3A_730 = vector.shape_cast %swap3A_729 : vector<16xf32> to vector<16xf32>
        %swap3A_731 = vector.shape_cast %add3A_727 : vector<16xf32> to vector<16xf32>
        tpu.vector_store %arg5[%swap3A_728], %swap3A_731 {strides = array<i32>} : memref<640xf32, #tpu.memory_space<vmem>>, vector<16xf32>,
        %swap3A_732 = arith.index_cast %scan3A_260 : i32 to index
        %swap3A_733 = arith.constant 432 : index
        %swap3A_734 = tpu.vector_load %arg4[%swap3A_732, %swap3A_733] {strides = array<i32>} : memref<64x640xf32, #tpu.memory_space<vmem>>, vector<1x16xf32>,
        %swap3A_735 = vector.shape_cast %swap3A_734 : vector<1x16xf32> to vector<16xf32>
        %swap3A_736 = vector.shape_cast %add3A_727 : vector<16xf32> to vector<1x16xf32>
        tpu.vector_store %arg4[%swap3A_732, %swap3A_733], %swap3A_736 {strides = array<i32>} : memref<64x640xf32, #tpu.memory_space<vmem>>, vector<1x16xf32>,
        %get3A_737 = arith.constant 448 : index
        %get3A_738 = tpu.vector_load %arg5[%get3A_737] {strides = array<i32>} : memref<640xf32, #tpu.memory_space<vmem>>, vector<16xf32>,
        %get3A_739 = vector.shape_cast %get3A_738 : vector<16xf32> to vector<16xf32>
        %get3A_740 = arith.index_cast %scan3A_260 : i32 to index
        %get3A_741 = arith.constant 448 : index
        %get3A_742 = tpu.vector_load %arg4[%get3A_740, %get3A_741] {strides = array<i32>} : memref<64x640xf32, #tpu.memory_space<vmem>>, vector<1x16xf32>,
        %get3A_743 = vector.shape_cast %get3A_742 : vector<1x16xf32> to vector<16xf32>
        %add3A_744 = arith.addf %get3A_739, %get3A_743 : vector<16xf32>
        %swap3A_745 = arith.constant 448 : index
        %swap3A_746 = tpu.vector_load %arg5[%swap3A_745] {strides = array<i32>} : memref<640xf32, #tpu.memory_space<vmem>>, vector<16xf32>,
        %swap3A_747 = vector.shape_cast %swap3A_746 : vector<16xf32> to vector<16xf32>
        %swap3A_748 = vector.shape_cast %add3A_744 : vector<16xf32> to vector<16xf32>
        tpu.vector_store %arg5[%swap3A_745], %swap3A_748 {strides = array<i32>} : memref<640xf32, #tpu.memory_space<vmem>>, vector<16xf32>,
        %swap3A_749 = arith.index_cast %scan3A_260 : i32 to index
        %swap3A_750 = arith.constant 448 : index
        %swap3A_751 = tpu.vector_load %arg4[%swap3A_749, %swap3A_750] {strides = array<i32>} : memref<64x640xf32, #tpu.memory_space<vmem>>, vector<1x16xf32>,
        %swap3A_752 = vector.shape_cast %swap3A_751 : vector<1x16xf32> to vector<16xf32>
        %swap3A_753 = vector.shape_cast %add3A_744 : vector<16xf32> to vector<1x16xf32>
        tpu.vector_store %arg4[%swap3A_749, %swap3A_750], %swap3A_753 {strides = array<i32>} : memref<64x640xf32, #tpu.memory_space<vmem>>, vector<1x16xf32>,
        %get3A_754 = arith.constant 464 : index
        %get3A_755 = tpu.vector_load %arg5[%get3A_754] {strides = array<i32>} : memref<640xf32, #tpu.memory_space<vmem>>, vector<16xf32>,
        %get3A_756 = vector.shape_cast %get3A_755 : vector<16xf32> to vector<16xf32>
        %get3A_757 = arith.index_cast %scan3A_260 : i32 to index
        %get3A_758 = arith.constant 464 : index
        %get3A_759 = tpu.vector_load %arg4[%get3A_757, %get3A_758] {strides = array<i32>} : memref<64x640xf32, #tpu.memory_space<vmem>>, vector<1x16xf32>,
        %get3A_760 = vector.shape_cast %get3A_759 : vector<1x16xf32> to vector<16xf32>
        %add3A_761 = arith.addf %get3A_756, %get3A_760 : vector<16xf32>
        %swap3A_762 = arith.constant 464 : index
        %swap3A_763 = tpu.vector_load %arg5[%swap3A_762] {strides = array<i32>} : memref<640xf32, #tpu.memory_space<vmem>>, vector<16xf32>,
        %swap3A_764 = vector.shape_cast %swap3A_763 : vector<16xf32> to vector<16xf32>
        %swap3A_765 = vector.shape_cast %add3A_761 : vector<16xf32> to vector<16xf32>
        tpu.vector_store %arg5[%swap3A_762], %swap3A_765 {strides = array<i32>} : memref<640xf32, #tpu.memory_space<vmem>>, vector<16xf32>,
        %swap3A_766 = arith.index_cast %scan3A_260 : i32 to index
        %swap3A_767 = arith.constant 464 : index
        %swap3A_768 = tpu.vector_load %arg4[%swap3A_766, %swap3A_767] {strides = array<i32>} : memref<64x640xf32, #tpu.memory_space<vmem>>, vector<1x16xf32>,
        %swap3A_769 = vector.shape_cast %swap3A_768 : vector<1x16xf32> to vector<16xf32>
        %swap3A_770 = vector.shape_cast %add3A_761 : vector<16xf32> to vector<1x16xf32>
        tpu.vector_store %arg4[%swap3A_766, %swap3A_767], %swap3A_770 {strides = array<i32>} : memref<64x640xf32, #tpu.memory_space<vmem>>, vector<1x16xf32>,
        %get3A_771 = arith.constant 480 : index
        %get3A_772 = tpu.vector_load %arg5[%get3A_771] {strides = array<i32>} : memref<640xf32, #tpu.memory_space<vmem>>, vector<16xf32>,
        %get3A_773 = vector.shape_cast %get3A_772 : vector<16xf32> to vector<16xf32>
        %get3A_774 = arith.index_cast %scan3A_260 : i32 to index
        %get3A_775 = arith.constant 480 : index
        %get3A_776 = tpu.vector_load %arg4[%get3A_774, %get3A_775] {strides = array<i32>} : memref<64x640xf32, #tpu.memory_space<vmem>>, vector<1x16xf32>,
        %get3A_777 = vector.shape_cast %get3A_776 : vector<1x16xf32> to vector<16xf32>
        %add3A_778 = arith.addf %get3A_773, %get3A_777 : vector<16xf32>
        %swap3A_779 = arith.constant 480 : index
        %swap3A_780 = tpu.vector_load %arg5[%swap3A_779] {strides = array<i32>} : memref<640xf32, #tpu.memory_space<vmem>>, vector<16xf32>,
        %swap3A_781 = vector.shape_cast %swap3A_780 : vector<16xf32> to vector<16xf32>
        %swap3A_782 = vector.shape_cast %add3A_778 : vector<16xf32> to vector<16xf32>
        tpu.vector_store %arg5[%swap3A_779], %swap3A_782 {strides = array<i32>} : memref<640xf32, #tpu.memory_space<vmem>>, vector<16xf32>,
        %swap3A_783 = arith.index_cast %scan3A_260 : i32 to index
        %swap3A_784 = arith.constant 480 : index
        %swap3A_785 = tpu.vector_load %arg4[%swap3A_783, %swap3A_784] {strides = array<i32>} : memref<64x640xf32, #tpu.memory_space<vmem>>, vector<1x16xf32>,
        %swap3A_786 = vector.shape_cast %swap3A_785 : vector<1x16xf32> to vector<16xf32>
        %swap3A_787 = vector.shape_cast %add3A_778 : vector<16xf32> to vector<1x16xf32>
        tpu.vector_store %arg4[%swap3A_783, %swap3A_784], %swap3A_787 {strides = array<i32>} : memref<64x640xf32, #tpu.memory_space<vmem>>, vector<1x16xf32>,
        %get3A_788 = arith.constant 496 : index
        %get3A_789 = tpu.vector_load %arg5[%get3A_788] {strides = array<i32>} : memref<640xf32, #tpu.memory_space<vmem>>, vector<16xf32>,
        %get3A_790 = vector.shape_cast %get3A_789 : vector<16xf32> to vector<16xf32>
        %get3A_791 = arith.index_cast %scan3A_260 : i32 to index
        %get3A_792 = arith.constant 496 : index
        %get3A_793 = tpu.vector_load %arg4[%get3A_791, %get3A_792] {strides = array<i32>} : memref<64x640xf32, #tpu.memory_space<vmem>>, vector<1x16xf32>,
        %get3A_794 = vector.shape_cast %get3A_793 : vector<1x16xf32> to vector<16xf32>
        %add3A_795 = arith.addf %get3A_790, %get3A_794 : vector<16xf32>
        %swap3A_796 = arith.constant 496 : index
        %swap3A_797 = tpu.vector_load %arg5[%swap3A_796] {strides = array<i32>} : memref<640xf32, #tpu.memory_space<vmem>>, vector<16xf32>,
        %swap3A_798 = vector.shape_cast %swap3A_797 : vector<16xf32> to vector<16xf32>
        %swap3A_799 = vector.shape_cast %add3A_795 : vector<16xf32> to vector<16xf32>
        tpu.vector_store %arg5[%swap3A_796], %swap3A_799 {strides = array<i32>} : memref<640xf32, #tpu.memory_space<vmem>>, vector<16xf32>,
        %swap3A_800 = arith.index_cast %scan3A_260 : i32 to index
        %swap3A_801 = arith.constant 496 : index
        %swap3A_802 = tpu.vector_load %arg4[%swap3A_800, %swap3A_801] {strides = array<i32>} : memref<64x640xf32, #tpu.memory_space<vmem>>, vector<1x16xf32>,
        %swap3A_803 = vector.shape_cast %swap3A_802 : vector<1x16xf32> to vector<16xf32>
        %swap3A_804 = vector.shape_cast %add3A_795 : vector<16xf32> to vector<1x16xf32>
        tpu.vector_store %arg4[%swap3A_800, %swap3A_801], %swap3A_804 {strides = array<i32>} : memref<64x640xf32, #tpu.memory_space<vmem>>, vector<1x16xf32>,
        %get3A_805 = arith.constant 512 : index
        %get3A_806 = tpu.vector_load %arg5[%get3A_805] {strides = array<i32>} : memref<640xf32, #tpu.memory_space<vmem>>, vector<16xf32>,
        %get3A_807 = vector.shape_cast %get3A_806 : vector<16xf32> to vector<16xf32>
        %get3A_808 = arith.index_cast %scan3A_260 : i32 to index
        %get3A_809 = arith.constant 512 : index
        %get3A_810 = tpu.vector_load %arg4[%get3A_808, %get3A_809] {strides = array<i32>} : memref<64x640xf32, #tpu.memory_space<vmem>>, vector<1x16xf32>,
        %get3A_811 = vector.shape_cast %get3A_810 : vector<1x16xf32> to vector<16xf32>
        %add3A_812 = arith.addf %get3A_807, %get3A_811 : vector<16xf32>
        %swap3A_813 = arith.constant 512 : index
        %swap3A_814 = tpu.vector_load %arg5[%swap3A_813] {strides = array<i32>} : memref<640xf32, #tpu.memory_space<vmem>>, vector<16xf32>,
        %swap3A_815 = vector.shape_cast %swap3A_814 : vector<16xf32> to vector<16xf32>
        %swap3A_816 = vector.shape_cast %add3A_812 : vector<16xf32> to vector<16xf32>
        tpu.vector_store %arg5[%swap3A_813], %swap3A_816 {strides = array<i32>} : memref<640xf32, #tpu.memory_space<vmem>>, vector<16xf32>,
        %swap3A_817 = arith.index_cast %scan3A_260 : i32 to index
        %swap3A_818 = arith.constant 512 : index
        %swap3A_819 = tpu.vector_load %arg4[%swap3A_817, %swap3A_818] {strides = array<i32>} : memref<64x640xf32, #tpu.memory_space<vmem>>, vector<1x16xf32>,
        %swap3A_820 = vector.shape_cast %swap3A_819 : vector<1x16xf32> to vector<16xf32>
        %swap3A_821 = vector.shape_cast %add3A_812 : vector<16xf32> to vector<1x16xf32>
        tpu.vector_store %arg4[%swap3A_817, %swap3A_818], %swap3A_821 {strides = array<i32>} : memref<64x640xf32, #tpu.memory_space<vmem>>, vector<1x16xf32>,
        %get3A_822 = arith.constant 528 : index
        %get3A_823 = tpu.vector_load %arg5[%get3A_822] {strides = array<i32>} : memref<640xf32, #tpu.memory_space<vmem>>, vector<16xf32>,
        %get3A_824 = vector.shape_cast %get3A_823 : vector<16xf32> to vector<16xf32>
        %get3A_825 = arith.index_cast %scan3A_260 : i32 to index
        %get3A_826 = arith.constant 528 : index
        %get3A_827 = tpu.vector_load %arg4[%get3A_825, %get3A_826] {strides = array<i32>} : memref<64x640xf32, #tpu.memory_space<vmem>>, vector<1x16xf32>,
        %get3A_828 = vector.shape_cast %get3A_827 : vector<1x16xf32> to vector<16xf32>
        %add3A_829 = arith.addf %get3A_824, %get3A_828 : vector<16xf32>
        %swap3A_830 = arith.constant 528 : index
        %swap3A_831 = tpu.vector_load %arg5[%swap3A_830] {strides = array<i32>} : memref<640xf32, #tpu.memory_space<vmem>>, vector<16xf32>,
        %swap3A_832 = vector.shape_cast %swap3A_831 : vector<16xf32> to vector<16xf32>
        %swap3A_833 = vector.shape_cast %add3A_829 : vector<16xf32> to vector<16xf32>
        tpu.vector_store %arg5[%swap3A_830], %swap3A_833 {strides = array<i32>} : memref<640xf32, #tpu.memory_space<vmem>>, vector<16xf32>,
        %swap3A_834 = arith.index_cast %scan3A_260 : i32 to index
        %swap3A_835 = arith.constant 528 : index
        %swap3A_836 = tpu.vector_load %arg4[%swap3A_834, %swap3A_835] {strides = array<i32>} : memref<64x640xf32, #tpu.memory_space<vmem>>, vector<1x16xf32>,
        %swap3A_837 = vector.shape_cast %swap3A_836 : vector<1x16xf32> to vector<16xf32>
        %swap3A_838 = vector.shape_cast %add3A_829 : vector<16xf32> to vector<1x16xf32>
        tpu.vector_store %arg4[%swap3A_834, %swap3A_835], %swap3A_838 {strides = array<i32>} : memref<64x640xf32, #tpu.memory_space<vmem>>, vector<1x16xf32>,
        %get3A_839 = arith.constant 544 : index
        %get3A_840 = tpu.vector_load %arg5[%get3A_839] {strides = array<i32>} : memref<640xf32, #tpu.memory_space<vmem>>, vector<16xf32>,
        %get3A_841 = vector.shape_cast %get3A_840 : vector<16xf32> to vector<16xf32>
        %get3A_842 = arith.index_cast %scan3A_260 : i32 to index
        %get3A_843 = arith.constant 544 : index
        %get3A_844 = tpu.vector_load %arg4[%get3A_842, %get3A_843] {strides = array<i32>} : memref<64x640xf32, #tpu.memory_space<vmem>>, vector<1x16xf32>,
        %get3A_845 = vector.shape_cast %get3A_844 : vector<1x16xf32> to vector<16xf32>
        %add3A_846 = arith.addf %get3A_841, %get3A_845 : vector<16xf32>
        %swap3A_847 = arith.constant 544 : index
        %swap3A_848 = tpu.vector_load %arg5[%swap3A_847] {strides = array<i32>} : memref<640xf32, #tpu.memory_space<vmem>>, vector<16xf32>,
        %swap3A_849 = vector.shape_cast %swap3A_848 : vector<16xf32> to vector<16xf32>
        %swap3A_850 = vector.shape_cast %add3A_846 : vector<16xf32> to vector<16xf32>
        tpu.vector_store %arg5[%swap3A_847], %swap3A_850 {strides = array<i32>} : memref<640xf32, #tpu.memory_space<vmem>>, vector<16xf32>,
        %swap3A_851 = arith.index_cast %scan3A_260 : i32 to index
        %swap3A_852 = arith.constant 544 : index
        %swap3A_853 = tpu.vector_load %arg4[%swap3A_851, %swap3A_852] {strides = array<i32>} : memref<64x640xf32, #tpu.memory_space<vmem>>, vector<1x16xf32>,
        %swap3A_854 = vector.shape_cast %swap3A_853 : vector<1x16xf32> to vector<16xf32>
        %swap3A_855 = vector.shape_cast %add3A_846 : vector<16xf32> to vector<1x16xf32>
        tpu.vector_store %arg4[%swap3A_851, %swap3A_852], %swap3A_855 {strides = array<i32>} : memref<64x640xf32, #tpu.memory_space<vmem>>, vector<1x16xf32>,
        %get3A_856 = arith.constant 560 : index
        %get3A_857 = tpu.vector_load %arg5[%get3A_856] {strides = array<i32>} : memref<640xf32, #tpu.memory_space<vmem>>, vector<16xf32>,
        %get3A_858 = vector.shape_cast %get3A_857 : vector<16xf32> to vector<16xf32>
        %get3A_859 = arith.index_cast %scan3A_260 : i32 to index
        %get3A_860 = arith.constant 560 : index
        %get3A_861 = tpu.vector_load %arg4[%get3A_859, %get3A_860] {strides = array<i32>} : memref<64x640xf32, #tpu.memory_space<vmem>>, vector<1x16xf32>,
        %get3A_862 = vector.shape_cast %get3A_861 : vector<1x16xf32> to vector<16xf32>
        %add3A_863 = arith.addf %get3A_858, %get3A_862 : vector<16xf32>
        %swap3A_864 = arith.constant 560 : index
        %swap3A_865 = tpu.vector_load %arg5[%swap3A_864] {strides = array<i32>} : memref<640xf32, #tpu.memory_space<vmem>>, vector<16xf32>,
        %swap3A_866 = vector.shape_cast %swap3A_865 : vector<16xf32> to vector<16xf32>
        %swap3A_867 = vector.shape_cast %add3A_863 : vector<16xf32> to vector<16xf32>
        tpu.vector_store %arg5[%swap3A_864], %swap3A_867 {strides = array<i32>} : memref<640xf32, #tpu.memory_space<vmem>>, vector<16xf32>,
        %swap3A_868 = arith.index_cast %scan3A_260 : i32 to index
        %swap3A_869 = arith.constant 560 : index
        %swap3A_870 = tpu.vector_load %arg4[%swap3A_868, %swap3A_869] {strides = array<i32>} : memref<64x640xf32, #tpu.memory_space<vmem>>, vector<1x16xf32>,
        %swap3A_871 = vector.shape_cast %swap3A_870 : vector<1x16xf32> to vector<16xf32>
        %swap3A_872 = vector.shape_cast %add3A_863 : vector<16xf32> to vector<1x16xf32>
        tpu.vector_store %arg4[%swap3A_868, %swap3A_869], %swap3A_872 {strides = array<i32>} : memref<64x640xf32, #tpu.memory_space<vmem>>, vector<1x16xf32>,
        %get3A_873 = arith.constant 576 : index
        %get3A_874 = tpu.vector_load %arg5[%get3A_873] {strides = array<i32>} : memref<640xf32, #tpu.memory_space<vmem>>, vector<16xf32>,
        %get3A_875 = vector.shape_cast %get3A_874 : vector<16xf32> to vector<16xf32>
        %get3A_876 = arith.index_cast %scan3A_260 : i32 to index
        %get3A_877 = arith.constant 576 : index
        %get3A_878 = tpu.vector_load %arg4[%get3A_876, %get3A_877] {strides = array<i32>} : memref<64x640xf32, #tpu.memory_space<vmem>>, vector<1x16xf32>,
        %get3A_879 = vector.shape_cast %get3A_878 : vector<1x16xf32> to vector<16xf32>
        %add3A_880 = arith.addf %get3A_875, %get3A_879 : vector<16xf32>
        %swap3A_881 = arith.constant 576 : index
        %swap3A_882 = tpu.vector_load %arg5[%swap3A_881] {strides = array<i32>} : memref<640xf32, #tpu.memory_space<vmem>>, vector<16xf32>,
        %swap3A_883 = vector.shape_cast %swap3A_882 : vector<16xf32> to vector<16xf32>
        %swap3A_884 = vector.shape_cast %add3A_880 : vector<16xf32> to vector<16xf32>
        tpu.vector_store %arg5[%swap3A_881], %swap3A_884 {strides = array<i32>} : memref<640xf32, #tpu.memory_space<vmem>>, vector<16xf32>,
        %swap3A_885 = arith.index_cast %scan3A_260 : i32 to index
        %swap3A_886 = arith.constant 576 : index
        %swap3A_887 = tpu.vector_load %arg4[%swap3A_885, %swap3A_886] {strides = array<i32>} : memref<64x640xf32, #tpu.memory_space<vmem>>, vector<1x16xf32>,
        %swap3A_888 = vector.shape_cast %swap3A_887 : vector<1x16xf32> to vector<16xf32>
        %swap3A_889 = vector.shape_cast %add3A_880 : vector<16xf32> to vector<1x16xf32>
        tpu.vector_store %arg4[%swap3A_885, %swap3A_886], %swap3A_889 {strides = array<i32>} : memref<64x640xf32, #tpu.memory_space<vmem>>, vector<1x16xf32>,
        %get3A_890 = arith.constant 592 : index
        %get3A_891 = tpu.vector_load %arg5[%get3A_890] {strides = array<i32>} : memref<640xf32, #tpu.memory_space<vmem>>, vector<16xf32>,
        %get3A_892 = vector.shape_cast %get3A_891 : vector<16xf32> to vector<16xf32>
        %get3A_893 = arith.index_cast %scan3A_260 : i32 to index
        %get3A_894 = arith.constant 592 : index
        %get3A_895 = tpu.vector_load %arg4[%get3A_893, %get3A_894] {strides = array<i32>} : memref<64x640xf32, #tpu.memory_space<vmem>>, vector<1x16xf32>,
        %get3A_896 = vector.shape_cast %get3A_895 : vector<1x16xf32> to vector<16xf32>
        %add3A_897 = arith.addf %get3A_892, %get3A_896 : vector<16xf32>
        %swap3A_898 = arith.constant 592 : index
        %swap3A_899 = tpu.vector_load %arg5[%swap3A_898] {strides = array<i32>} : memref<640xf32, #tpu.memory_space<vmem>>, vector<16xf32>,
        %swap3A_900 = vector.shape_cast %swap3A_899 : vector<16xf32> to vector<16xf32>
        %swap3A_901 = vector.shape_cast %add3A_897 : vector<16xf32> to vector<16xf32>
        tpu.vector_store %arg5[%swap3A_898], %swap3A_901 {strides = array<i32>} : memref<640xf32, #tpu.memory_space<vmem>>, vector<16xf32>,
        %swap3A_902 = arith.index_cast %scan3A_260 : i32 to index
        %swap3A_903 = arith.constant 592 : index
        %swap3A_904 = tpu.vector_load %arg4[%swap3A_902, %swap3A_903] {strides = array<i32>} : memref<64x640xf32, #tpu.memory_space<vmem>>, vector<1x16xf32>,
        %swap3A_905 = vector.shape_cast %swap3A_904 : vector<1x16xf32> to vector<16xf32>
        %swap3A_906 = vector.shape_cast %add3A_897 : vector<16xf32> to vector<1x16xf32>
        tpu.vector_store %arg4[%swap3A_902, %swap3A_903], %swap3A_906 {strides = array<i32>} : memref<64x640xf32, #tpu.memory_space<vmem>>, vector<1x16xf32>,
        %get3A_907 = arith.constant 608 : index
        %get3A_908 = tpu.vector_load %arg5[%get3A_907] {strides = array<i32>} : memref<640xf32, #tpu.memory_space<vmem>>, vector<16xf32>,
        %get3A_909 = vector.shape_cast %get3A_908 : vector<16xf32> to vector<16xf32>
        %get3A_910 = arith.index_cast %scan3A_260 : i32 to index
        %get3A_911 = arith.constant 608 : index
        %get3A_912 = tpu.vector_load %arg4[%get3A_910, %get3A_911] {strides = array<i32>} : memref<64x640xf32, #tpu.memory_space<vmem>>, vector<1x16xf32>,
        %get3A_913 = vector.shape_cast %get3A_912 : vector<1x16xf32> to vector<16xf32>
        %add3A_914 = arith.addf %get3A_909, %get3A_913 : vector<16xf32>
        %swap3A_915 = arith.constant 608 : index
        %swap3A_916 = tpu.vector_load %arg5[%swap3A_915] {strides = array<i32>} : memref<640xf32, #tpu.memory_space<vmem>>, vector<16xf32>,
        %swap3A_917 = vector.shape_cast %swap3A_916 : vector<16xf32> to vector<16xf32>
        %swap3A_918 = vector.shape_cast %add3A_914 : vector<16xf32> to vector<16xf32>
        tpu.vector_store %arg5[%swap3A_915], %swap3A_918 {strides = array<i32>} : memref<640xf32, #tpu.memory_space<vmem>>, vector<16xf32>,
        %swap3A_919 = arith.index_cast %scan3A_260 : i32 to index
        %swap3A_920 = arith.constant 608 : index
        %swap3A_921 = tpu.vector_load %arg4[%swap3A_919, %swap3A_920] {strides = array<i32>} : memref<64x640xf32, #tpu.memory_space<vmem>>, vector<1x16xf32>,
        %swap3A_922 = vector.shape_cast %swap3A_921 : vector<1x16xf32> to vector<16xf32>
        %swap3A_923 = vector.shape_cast %add3A_914 : vector<16xf32> to vector<1x16xf32>
        tpu.vector_store %arg4[%swap3A_919, %swap3A_920], %swap3A_923 {strides = array<i32>} : memref<64x640xf32, #tpu.memory_space<vmem>>, vector<1x16xf32>,
        %get3A_924 = arith.constant 624 : index
        %get3A_925 = tpu.vector_load %arg5[%get3A_924] {strides = array<i32>} : memref<640xf32, #tpu.memory_space<vmem>>, vector<16xf32>,
        %get3A_926 = vector.shape_cast %get3A_925 : vector<16xf32> to vector<16xf32>
        %get3A_927 = arith.index_cast %scan3A_260 : i32 to index
        %get3A_928 = arith.constant 624 : index
        %get3A_929 = tpu.vector_load %arg4[%get3A_927, %get3A_928] {strides = array<i32>} : memref<64x640xf32, #tpu.memory_space<vmem>>, vector<1x16xf32>,
        %get3A_930 = vector.shape_cast %get3A_929 : vector<1x16xf32> to vector<16xf32>
        %add3A_931 = arith.addf %get3A_926, %get3A_930 : vector<16xf32>
        %swap3A_932 = arith.constant 624 : index
        %swap3A_933 = tpu.vector_load %arg5[%swap3A_932] {strides = array<i32>} : memref<640xf32, #tpu.memory_space<vmem>>, vector<16xf32>,
        %swap3A_934 = vector.shape_cast %swap3A_933 : vector<16xf32> to vector<16xf32>
        %swap3A_935 = vector.shape_cast %add3A_931 : vector<16xf32> to vector<16xf32>
        tpu.vector_store %arg5[%swap3A_932], %swap3A_935 {strides = array<i32>} : memref<640xf32, #tpu.memory_space<vmem>>, vector<16xf32>,
        %swap3A_936 = arith.index_cast %scan3A_260 : i32 to index
        %swap3A_937 = arith.constant 624 : index
        %swap3A_938 = tpu.vector_load %arg4[%swap3A_936, %swap3A_937] {strides = array<i32>} : memref<64x640xf32, #tpu.memory_space<vmem>>, vector<1x16xf32>,
        %swap3A_939 = vector.shape_cast %swap3A_938 : vector<1x16xf32> to vector<16xf32>
        %swap3A_940 = vector.shape_cast %add3A_931 : vector<16xf32> to vector<1x16xf32>
        tpu.vector_store %arg4[%swap3A_936, %swap3A_937], %swap3A_940 {strides = array<i32>} : memref<64x640xf32, #tpu.memory_space<vmem>>, vector<1x16xf32>,
        %scan3A_941 = arith.constant 0 : i32
        scf.yield %scan3A_941 : i32
      }
      %scan3A_258 = arith.constant 64 : i32
      "tpu.region"() ({
        %run_scoped3A = tpu.sem_alloc : memref<!tpu.dma_semaphore, #tpu.memory_space<semaphore_mem>>
        %dma_start3A = arith.constant 0 : i32
        %dma_start3A_260 = tpu.memref_slice %arg3[%add3A_13, %dma_start3A] : memref<172032x640xf32, #tpu.memory_space<hbm>> -> memref<64x640xf32, #tpu.memory_space<hbm>>
        %dma_start3A_261 = arith.constant 0 : i32
        %dma_start3A_262 = tpu.memref_slice %arg3[%add3A_13, %dma_start3A_261] : memref<172032x640xf32, #tpu.memory_space<hbm>> -> memref<64x640xf32, #tpu.memory_space<hbm>>
        tpu.enqueue_dma source(%arg4 : memref<64x640xf32, #tpu.memory_space<vmem>>) target(%dma_start3A_262 : memref<64x640xf32, #tpu.memory_space<hbm>>) target_semaphore(%run_scoped3A : memref<!tpu.dma_semaphore, #tpu.memory_space<semaphore_mem>>)
        %dma_wait3A = arith.constant 0 : i32
        %dma_wait3A_263 = tpu.memref_slice %arg3[%add3A_13, %dma_wait3A] : memref<172032x640xf32, #tpu.memory_space<hbm>> -> memref<64x640xf32, #tpu.memory_space<hbm>>
        %dma_wait3A_264 = arith.constant 0 : i32
        %dma_wait3A_265 = tpu.memref_slice %arg3[%add3A_13, %dma_wait3A_264] : memref<172032x640xf32, #tpu.memory_space<hbm>> -> memref<64x640xf32, #tpu.memory_space<hbm>>
        tpu.wait_dma2 semaphore(%run_scoped3A : memref<!tpu.dma_semaphore, #tpu.memory_space<semaphore_mem>>) src(%arg4 : memref<64x640xf32, #tpu.memory_space<vmem>>) dst(%dma_wait3A_265 : memref<64x640xf32, #tpu.memory_space<hbm>>)
        tpu.yield
      }) : () -> ()
      %scan3A_259 = arith.constant 0 : i32
      scf.yield %scan3A_259 : i32
    }
    %scan3A_8 = arith.constant 84 : i32
    return
  }
}

#map = affine_map<(d0, d1) -> (0, 0)>
#map1 = affine_map<(d0, d1) -> (0)>
module attributes {stable_mosaic.version = 14 : i64} {
  func.func @_g(%arg0: i32, %arg1: i32, %arg2: memref<10000x512xf32, #tpu.memory_space<hbm>>, %arg3: memref<172032xi32, #tpu.memory_space<hbm>>, %arg4: memref<172032x512xf32, #tpu.memory_space<hbm>>, %arg5: memref<64xi32, #tpu.memory_space<vmem>>, %arg6: memref<64x512xf32, #tpu.memory_space<vmem>>, %arg7: memref<!tpu.dma_semaphore, #tpu.memory_space<semaphore_mem>>) attributes {dimension_semantics = [#tpu.dimension_semantics<core_parallel>, #tpu.dimension_semantics<subcore_parallel>], iteration_bounds = array<i64: 2, 16>, scalar_prefetch = 0 : i64, scratch_operands = 3 : i64, tpu.core_type = #tpu.core_type<sc_vector_subcore>, window_params = [{transform_indices = #map}, {transform_indices = #map1}, {transform_indices = #map}]} {
    %mul3A = arith.constant 2 : i32
    %mul3A_0 = arith.muli %arg1, %mul3A : i32
    %add3A = arith.addi %mul3A_0, %arg0 : i32
    %mul3A_1 = arith.constant 5376 : i32
    %mul3A_2 = arith.muli %add3A, %mul3A_1 : i32
    %scan3A = arith.constant 0 : i32
    %scan3A_3 = arith.constant 0 : i32
    %scan3A_4 = arith.constant 84 : i32
    %scan3A_5 = arith.addi %scan3A_3, %scan3A_4 : i32
    %scan3A_6 = arith.constant 1 : i32
    %scan3A_7 = scf.for %scan3A_9 = %scan3A_3 to %scan3A_5 step %scan3A_6 iter_args(%scan3A_10 = %scan3A) -> (i32)  : i32 {
      %mul3A_11 = arith.constant 64 : i32
      %mul3A_12 = arith.muli %scan3A_9, %mul3A_11 : i32
      %add3A_13 = arith.addi %mul3A_2, %mul3A_12 : i32
      "tpu.region"() ({
        %run_scoped3A = tpu.sem_alloc : memref<!tpu.dma_semaphore, #tpu.memory_space<semaphore_mem>>
        %dma_start3A_19 = tpu.memref_slice %arg3[%add3A_13] : memref<172032xi32, #tpu.memory_space<hbm>> -> memref<64xi32, #tpu.memory_space<hbm>>
        %dma_start3A_20 = tpu.memref_slice %arg3[%add3A_13] : memref<172032xi32, #tpu.memory_space<hbm>> -> memref<64xi32, #tpu.memory_space<hbm>>
        tpu.enqueue_dma source(%dma_start3A_20 : memref<64xi32, #tpu.memory_space<hbm>>) target(%arg5 : memref<64xi32, #tpu.memory_space<vmem>>) target_semaphore(%run_scoped3A : memref<!tpu.dma_semaphore, #tpu.memory_space<semaphore_mem>>)
        %dma_wait3A_21 = tpu.memref_slice %arg3[%add3A_13] : memref<172032xi32, #tpu.memory_space<hbm>> -> memref<64xi32, #tpu.memory_space<hbm>>
        %dma_wait3A_22 = tpu.memref_slice %arg3[%add3A_13] : memref<172032xi32, #tpu.memory_space<hbm>> -> memref<64xi32, #tpu.memory_space<hbm>>
        tpu.wait_dma2 semaphore(%run_scoped3A : memref<!tpu.dma_semaphore, #tpu.memory_space<semaphore_mem>>) src(%dma_wait3A_22 : memref<64xi32, #tpu.memory_space<hbm>>) dst(%arg5 : memref<64xi32, #tpu.memory_space<vmem>>)
        tpu.yield
      }) : () -> ()
      %dma_start3A = arith.constant 0 : i32
      %dma_start3A_14 = arith.constant 0 : i32
      %dma_start3A_15 = tpu.memref_slice %arg2[%dma_start3A, %dma_start3A_14] : memref<10000x512xf32, #tpu.memory_space<hbm>> -> memref<10000x512xf32, #tpu.memory_space<hbm>>
      tpu.enqueue_indirect_dma source(%dma_start3A_15 : memref<10000x512xf32, #tpu.memory_space<hbm>>) target(%arg6 : memref<64x512xf32, #tpu.memory_space<vmem>>) offsets(%arg5 : memref<64xi32, #tpu.memory_space<vmem>>) semaphore(%arg7 : memref<!tpu.dma_semaphore, #tpu.memory_space<semaphore_mem>>)
      %dma_wait3A = arith.constant 0 : i32
      %dma_wait3A_16 = arith.constant 0 : i32
      %dma_wait3A_17 = tpu.memref_slice %arg2[%dma_wait3A, %dma_wait3A_16] : memref<10000x512xf32, #tpu.memory_space<hbm>> -> memref<10000x512xf32, #tpu.memory_space<hbm>>
      tpu.wait_indirect_dma semaphore(%arg7 : memref<!tpu.dma_semaphore, #tpu.memory_space<semaphore_mem>>) src(%dma_wait3A_17 : memref<10000x512xf32, #tpu.memory_space<hbm>>) dst(%arg6 : memref<64x512xf32, #tpu.memory_space<vmem>>)
      "tpu.region"() ({
        %run_scoped3A = tpu.sem_alloc : memref<!tpu.dma_semaphore, #tpu.memory_space<semaphore_mem>>
        %dma_start3A_19 = arith.constant 0 : i32
        %dma_start3A_20 = tpu.memref_slice %arg4[%add3A_13, %dma_start3A_19] : memref<172032x512xf32, #tpu.memory_space<hbm>> -> memref<64x512xf32, #tpu.memory_space<hbm>>
        %dma_start3A_21 = arith.constant 0 : i32
        %dma_start3A_22 = tpu.memref_slice %arg4[%add3A_13, %dma_start3A_21] : memref<172032x512xf32, #tpu.memory_space<hbm>> -> memref<64x512xf32, #tpu.memory_space<hbm>>
        tpu.enqueue_dma source(%arg6 : memref<64x512xf32, #tpu.memory_space<vmem>>) target(%dma_start3A_22 : memref<64x512xf32, #tpu.memory_space<hbm>>) target_semaphore(%run_scoped3A : memref<!tpu.dma_semaphore, #tpu.memory_space<semaphore_mem>>)
        %dma_wait3A_23 = arith.constant 0 : i32
        %dma_wait3A_24 = tpu.memref_slice %arg4[%add3A_13, %dma_wait3A_23] : memref<172032x512xf32, #tpu.memory_space<hbm>> -> memref<64x512xf32, #tpu.memory_space<hbm>>
        %dma_wait3A_25 = arith.constant 0 : i32
        %dma_wait3A_26 = tpu.memref_slice %arg4[%add3A_13, %dma_wait3A_25] : memref<172032x512xf32, #tpu.memory_space<hbm>> -> memref<64x512xf32, #tpu.memory_space<hbm>>
        tpu.wait_dma2 semaphore(%run_scoped3A : memref<!tpu.dma_semaphore, #tpu.memory_space<semaphore_mem>>) src(%arg6 : memref<64x512xf32, #tpu.memory_space<vmem>>) dst(%dma_wait3A_26 : memref<64x512xf32, #tpu.memory_space<hbm>>)
        tpu.yield
      }) : () -> ()
      %scan3A_18 = arith.constant 0 : i32
      scf.yield %scan3A_18 : i32
    }
    %scan3A_8 = arith.constant 84 : i32
    return
  }
}

#map = affine_map<(d0, d1) -> (0, 0)>
module attributes {stable_mosaic.version = 14 : i64} {
  func.func @_sc_psum(%arg0: i32, %arg1: i32, %arg2: memref<172032x640xf32, #tpu.memory_space<hbm>>, %arg3: memref<2688x640xf32, #tpu.memory_space<hbm>>, %arg4: memref<64x640xf32, #tpu.memory_space<vmem>>, %arg5: memref<640xf32, #tpu.memory_space<vmem>>) attributes {dimension_semantics = [#tpu.dimension_semantics<core_parallel>, #tpu.dimension_semantics<subcore_parallel>], iteration_bounds = array<i64: 2, 16>, scalar_prefetch = 0 : i64, scratch_operands = 2 : i64, tpu.core_type = #tpu.core_type<sc_vector_subcore>, window_params = [{transform_indices = #map}, {transform_indices = #map}]} {
    %mul3A = arith.constant 2 : i32
    %mul3A_0 = arith.muli %arg1, %mul3A : i32
    %add3A = arith.addi %mul3A_0, %arg0 : i32
    %mul3A_1 = arith.constant 5376 : i32
    %mul3A_2 = arith.muli %add3A, %mul3A_1 : i32
    %scan3A = arith.constant 0 : i32
    %scan3A_3 = arith.constant 0 : i32
    %scan3A_4 = arith.constant 84 : i32
    %scan3A_5 = arith.addi %scan3A_3, %scan3A_4 : i32
    %scan3A_6 = arith.constant 1 : i32
    %scan3A_7 = scf.for %scan3A_9 = %scan3A_3 to %scan3A_5 step %scan3A_6 iter_args(%scan3A_10 = %scan3A) -> (i32)  : i32 {
      %mul3A_11 = arith.constant 64 : i32
      %mul3A_12 = arith.muli %scan3A_9, %mul3A_11 : i32
      %add3A_13 = arith.addi %mul3A_2, %mul3A_12 : i32
      "tpu.region"() ({
        %run_scoped3A = tpu.sem_alloc : memref<!tpu.dma_semaphore, #tpu.memory_space<semaphore_mem>>
        %dma_start3A = arith.constant 0 : i32
        %dma_start3A_263 = tpu.memref_slice %arg2[%add3A_13, %dma_start3A] : memref<172032x640xf32, #tpu.memory_space<hbm>> -> memref<64x640xf32, #tpu.memory_space<hbm>>
        %dma_start3A_264 = arith.constant 0 : i32
        %dma_start3A_265 = tpu.memref_slice %arg2[%add3A_13, %dma_start3A_264] : memref<172032x640xf32, #tpu.memory_space<hbm>> -> memref<64x640xf32, #tpu.memory_space<hbm>>
        tpu.enqueue_dma source(%dma_start3A_265 : memref<64x640xf32, #tpu.memory_space<hbm>>) target(%arg4 : memref<64x640xf32, #tpu.memory_space<vmem>>) target_semaphore(%run_scoped3A : memref<!tpu.dma_semaphore, #tpu.memory_space<semaphore_mem>>)
        %dma_wait3A = arith.constant 0 : i32
        %dma_wait3A_266 = tpu.memref_slice %arg2[%add3A_13, %dma_wait3A] : memref<172032x640xf32, #tpu.memory_space<hbm>> -> memref<64x640xf32, #tpu.memory_space<hbm>>
        %dma_wait3A_267 = arith.constant 0 : i32
        %dma_wait3A_268 = tpu.memref_slice %arg2[%add3A_13, %dma_wait3A_267] : memref<172032x640xf32, #tpu.memory_space<hbm>> -> memref<64x640xf32, #tpu.memory_space<hbm>>
        tpu.wait_dma2 semaphore(%run_scoped3A : memref<!tpu.dma_semaphore, #tpu.memory_space<semaphore_mem>>) src(%dma_wait3A_268 : memref<64x640xf32, #tpu.memory_space<hbm>>) dst(%arg4 : memref<64x640xf32, #tpu.memory_space<vmem>>)
        tpu.yield
      }) : () -> ()
      %broadcast_in_dim3A = arith.constant 0.000000e+00 : f32
      %broadcast_in_dim3A_14 = vector.broadcast %broadcast_in_dim3A : f32 to vector<16xf32>
      %swap3A = arith.constant 0 : index
      %swap3A_15 = tpu.vector_load %arg5[%swap3A] {strides = array<i32>} : memref<640xf32, #tpu.memory_space<vmem>>, vector<16xf32>,
      %swap3A_16 = vector.shape_cast %swap3A_15 : vector<16xf32> to vector<16xf32>
      %swap3A_17 = vector.shape_cast %broadcast_in_dim3A_14 : vector<16xf32> to vector<16xf32>
      tpu.vector_store %arg5[%swap3A], %swap3A_17 {strides = array<i32>} : memref<640xf32, #tpu.memory_space<vmem>>, vector<16xf32>,
      %broadcast_in_dim3A_18 = arith.constant 0.000000e+00 : f32
      %broadcast_in_dim3A_19 = vector.broadcast %broadcast_in_dim3A_18 : f32 to vector<16xf32>
      %swap3A_20 = arith.constant 16 : index
      %swap3A_21 = tpu.vector_load %arg5[%swap3A_20] {strides = array<i32>} : memref<640xf32, #tpu.memory_space<vmem>>, vector<16xf32>,
      %swap3A_22 = vector.shape_cast %swap3A_21 : vector<16xf32> to vector<16xf32>
      %swap3A_23 = vector.shape_cast %broadcast_in_dim3A_19 : vector<16xf32> to vector<16xf32>
      tpu.vector_store %arg5[%swap3A_20], %swap3A_23 {strides = array<i32>} : memref<640xf32, #tpu.memory_space<vmem>>, vector<16xf32>,
      %broadcast_in_dim3A_24 = arith.constant 0.000000e+00 : f32
      %broadcast_in_dim3A_25 = vector.broadcast %broadcast_in_dim3A_24 : f32 to vector<16xf32>
      %swap3A_26 = arith.constant 32 : index
      %swap3A_27 = tpu.vector_load %arg5[%swap3A_26] {strides = array<i32>} : memref<640xf32, #tpu.memory_space<vmem>>, vector<16xf32>,
      %swap3A_28 = vector.shape_cast %swap3A_27 : vector<16xf32> to vector<16xf32>
      %swap3A_29 = vector.shape_cast %broadcast_in_dim3A_25 : vector<16xf32> to vector<16xf32>
      tpu.vector_store %arg5[%swap3A_26], %swap3A_29 {strides = array<i32>} : memref<640xf32, #tpu.memory_space<vmem>>, vector<16xf32>,
      %broadcast_in_dim3A_30 = arith.constant 0.000000e+00 : f32
      %broadcast_in_dim3A_31 = vector.broadcast %broadcast_in_dim3A_30 : f32 to vector<16xf32>
      %swap3A_32 = arith.constant 48 : index
      %swap3A_33 = tpu.vector_load %arg5[%swap3A_32] {strides = array<i32>} : memref<640xf32, #tpu.memory_space<vmem>>, vector<16xf32>,
      %swap3A_34 = vector.shape_cast %swap3A_33 : vector<16xf32> to vector<16xf32>
      %swap3A_35 = vector.shape_cast %broadcast_in_dim3A_31 : vector<16xf32> to vector<16xf32>
      tpu.vector_store %arg5[%swap3A_32], %swap3A_35 {strides = array<i32>} : memref<640xf32, #tpu.memory_space<vmem>>, vector<16xf32>,
      %broadcast_in_dim3A_36 = arith.constant 0.000000e+00 : f32
      %broadcast_in_dim3A_37 = vector.broadcast %broadcast_in_dim3A_36 : f32 to vector<16xf32>
      %swap3A_38 = arith.constant 64 : index
      %swap3A_39 = tpu.vector_load %arg5[%swap3A_38] {strides = array<i32>} : memref<640xf32, #tpu.memory_space<vmem>>, vector<16xf32>,
      %swap3A_40 = vector.shape_cast %swap3A_39 : vector<16xf32> to vector<16xf32>
      %swap3A_41 = vector.shape_cast %broadcast_in_dim3A_37 : vector<16xf32> to vector<16xf32>
      tpu.vector_store %arg5[%swap3A_38], %swap3A_41 {strides = array<i32>} : memref<640xf32, #tpu.memory_space<vmem>>, vector<16xf32>,
      %broadcast_in_dim3A_42 = arith.constant 0.000000e+00 : f32
      %broadcast_in_dim3A_43 = vector.broadcast %broadcast_in_dim3A_42 : f32 to vector<16xf32>
      %swap3A_44 = arith.constant 80 : index
      %swap3A_45 = tpu.vector_load %arg5[%swap3A_44] {strides = array<i32>} : memref<640xf32, #tpu.memory_space<vmem>>, vector<16xf32>,
      %swap3A_46 = vector.shape_cast %swap3A_45 : vector<16xf32> to vector<16xf32>
      %swap3A_47 = vector.shape_cast %broadcast_in_dim3A_43 : vector<16xf32> to vector<16xf32>
      tpu.vector_store %arg5[%swap3A_44], %swap3A_47 {strides = array<i32>} : memref<640xf32, #tpu.memory_space<vmem>>, vector<16xf32>,
      %broadcast_in_dim3A_48 = arith.constant 0.000000e+00 : f32
      %broadcast_in_dim3A_49 = vector.broadcast %broadcast_in_dim3A_48 : f32 to vector<16xf32>
      %swap3A_50 = arith.constant 96 : index
      %swap3A_51 = tpu.vector_load %arg5[%swap3A_50] {strides = array<i32>} : memref<640xf32, #tpu.memory_space<vmem>>, vector<16xf32>,
      %swap3A_52 = vector.shape_cast %swap3A_51 : vector<16xf32> to vector<16xf32>
      %swap3A_53 = vector.shape_cast %broadcast_in_dim3A_49 : vector<16xf32> to vector<16xf32>
      tpu.vector_store %arg5[%swap3A_50], %swap3A_53 {strides = array<i32>} : memref<640xf32, #tpu.memory_space<vmem>>, vector<16xf32>,
      %broadcast_in_dim3A_54 = arith.constant 0.000000e+00 : f32
      %broadcast_in_dim3A_55 = vector.broadcast %broadcast_in_dim3A_54 : f32 to vector<16xf32>
      %swap3A_56 = arith.constant 112 : index
      %swap3A_57 = tpu.vector_load %arg5[%swap3A_56] {strides = array<i32>} : memref<640xf32, #tpu.memory_space<vmem>>, vector<16xf32>,
      %swap3A_58 = vector.shape_cast %swap3A_57 : vector<16xf32> to vector<16xf32>
      %swap3A_59 = vector.shape_cast %broadcast_in_dim3A_55 : vector<16xf32> to vector<16xf32>
      tpu.vector_store %arg5[%swap3A_56], %swap3A_59 {strides = array<i32>} : memref<640xf32, #tpu.memory_space<vmem>>, vector<16xf32>,
      %broadcast_in_dim3A_60 = arith.constant 0.000000e+00 : f32
      %broadcast_in_dim3A_61 = vector.broadcast %broadcast_in_dim3A_60 : f32 to vector<16xf32>
      %swap3A_62 = arith.constant 128 : index
      %swap3A_63 = tpu.vector_load %arg5[%swap3A_62] {strides = array<i32>} : memref<640xf32, #tpu.memory_space<vmem>>, vector<16xf32>,
      %swap3A_64 = vector.shape_cast %swap3A_63 : vector<16xf32> to vector<16xf32>
      %swap3A_65 = vector.shape_cast %broadcast_in_dim3A_61 : vector<16xf32> to vector<16xf32>
      tpu.vector_store %arg5[%swap3A_62], %swap3A_65 {strides = array<i32>} : memref<640xf32, #tpu.memory_space<vmem>>, vector<16xf32>,
      %broadcast_in_dim3A_66 = arith.constant 0.000000e+00 : f32
      %broadcast_in_dim3A_67 = vector.broadcast %broadcast_in_dim3A_66 : f32 to vector<16xf32>
      %swap3A_68 = arith.constant 144 : index
      %swap3A_69 = tpu.vector_load %arg5[%swap3A_68] {strides = array<i32>} : memref<640xf32, #tpu.memory_space<vmem>>, vector<16xf32>,
      %swap3A_70 = vector.shape_cast %swap3A_69 : vector<16xf32> to vector<16xf32>
      %swap3A_71 = vector.shape_cast %broadcast_in_dim3A_67 : vector<16xf32> to vector<16xf32>
      tpu.vector_store %arg5[%swap3A_68], %swap3A_71 {strides = array<i32>} : memref<640xf32, #tpu.memory_space<vmem>>, vector<16xf32>,
      %broadcast_in_dim3A_72 = arith.constant 0.000000e+00 : f32
      %broadcast_in_dim3A_73 = vector.broadcast %broadcast_in_dim3A_72 : f32 to vector<16xf32>
      %swap3A_74 = arith.constant 160 : index
      %swap3A_75 = tpu.vector_load %arg5[%swap3A_74] {strides = array<i32>} : memref<640xf32, #tpu.memory_space<vmem>>, vector<16xf32>,
      %swap3A_76 = vector.shape_cast %swap3A_75 : vector<16xf32> to vector<16xf32>
      %swap3A_77 = vector.shape_cast %broadcast_in_dim3A_73 : vector<16xf32> to vector<16xf32>
      tpu.vector_store %arg5[%swap3A_74], %swap3A_77 {strides = array<i32>} : memref<640xf32, #tpu.memory_space<vmem>>, vector<16xf32>,
      %broadcast_in_dim3A_78 = arith.constant 0.000000e+00 : f32
      %broadcast_in_dim3A_79 = vector.broadcast %broadcast_in_dim3A_78 : f32 to vector<16xf32>
      %swap3A_80 = arith.constant 176 : index
      %swap3A_81 = tpu.vector_load %arg5[%swap3A_80] {strides = array<i32>} : memref<640xf32, #tpu.memory_space<vmem>>, vector<16xf32>,
      %swap3A_82 = vector.shape_cast %swap3A_81 : vector<16xf32> to vector<16xf32>
      %swap3A_83 = vector.shape_cast %broadcast_in_dim3A_79 : vector<16xf32> to vector<16xf32>
      tpu.vector_store %arg5[%swap3A_80], %swap3A_83 {strides = array<i32>} : memref<640xf32, #tpu.memory_space<vmem>>, vector<16xf32>,
      %broadcast_in_dim3A_84 = arith.constant 0.000000e+00 : f32
      %broadcast_in_dim3A_85 = vector.broadcast %broadcast_in_dim3A_84 : f32 to vector<16xf32>
      %swap3A_86 = arith.constant 192 : index
      %swap3A_87 = tpu.vector_load %arg5[%swap3A_86] {strides = array<i32>} : memref<640xf32, #tpu.memory_space<vmem>>, vector<16xf32>,
      %swap3A_88 = vector.shape_cast %swap3A_87 : vector<16xf32> to vector<16xf32>
      %swap3A_89 = vector.shape_cast %broadcast_in_dim3A_85 : vector<16xf32> to vector<16xf32>
      tpu.vector_store %arg5[%swap3A_86], %swap3A_89 {strides = array<i32>} : memref<640xf32, #tpu.memory_space<vmem>>, vector<16xf32>,
      %broadcast_in_dim3A_90 = arith.constant 0.000000e+00 : f32
      %broadcast_in_dim3A_91 = vector.broadcast %broadcast_in_dim3A_90 : f32 to vector<16xf32>
      %swap3A_92 = arith.constant 208 : index
      %swap3A_93 = tpu.vector_load %arg5[%swap3A_92] {strides = array<i32>} : memref<640xf32, #tpu.memory_space<vmem>>, vector<16xf32>,
      %swap3A_94 = vector.shape_cast %swap3A_93 : vector<16xf32> to vector<16xf32>
      %swap3A_95 = vector.shape_cast %broadcast_in_dim3A_91 : vector<16xf32> to vector<16xf32>
      tpu.vector_store %arg5[%swap3A_92], %swap3A_95 {strides = array<i32>} : memref<640xf32, #tpu.memory_space<vmem>>, vector<16xf32>,
      %broadcast_in_dim3A_96 = arith.constant 0.000000e+00 : f32
      %broadcast_in_dim3A_97 = vector.broadcast %broadcast_in_dim3A_96 : f32 to vector<16xf32>
      %swap3A_98 = arith.constant 224 : index
      %swap3A_99 = tpu.vector_load %arg5[%swap3A_98] {strides = array<i32>} : memref<640xf32, #tpu.memory_space<vmem>>, vector<16xf32>,
      %swap3A_100 = vector.shape_cast %swap3A_99 : vector<16xf32> to vector<16xf32>
      %swap3A_101 = vector.shape_cast %broadcast_in_dim3A_97 : vector<16xf32> to vector<16xf32>
      tpu.vector_store %arg5[%swap3A_98], %swap3A_101 {strides = array<i32>} : memref<640xf32, #tpu.memory_space<vmem>>, vector<16xf32>,
      %broadcast_in_dim3A_102 = arith.constant 0.000000e+00 : f32
      %broadcast_in_dim3A_103 = vector.broadcast %broadcast_in_dim3A_102 : f32 to vector<16xf32>
      %swap3A_104 = arith.constant 240 : index
      %swap3A_105 = tpu.vector_load %arg5[%swap3A_104] {strides = array<i32>} : memref<640xf32, #tpu.memory_space<vmem>>, vector<16xf32>,
      %swap3A_106 = vector.shape_cast %swap3A_105 : vector<16xf32> to vector<16xf32>
      %swap3A_107 = vector.shape_cast %broadcast_in_dim3A_103 : vector<16xf32> to vector<16xf32>
      tpu.vector_store %arg5[%swap3A_104], %swap3A_107 {strides = array<i32>} : memref<640xf32, #tpu.memory_space<vmem>>, vector<16xf32>,
      %broadcast_in_dim3A_108 = arith.constant 0.000000e+00 : f32
      %broadcast_in_dim3A_109 = vector.broadcast %broadcast_in_dim3A_108 : f32 to vector<16xf32>
      %swap3A_110 = arith.constant 256 : index
      %swap3A_111 = tpu.vector_load %arg5[%swap3A_110] {strides = array<i32>} : memref<640xf32, #tpu.memory_space<vmem>>, vector<16xf32>,
      %swap3A_112 = vector.shape_cast %swap3A_111 : vector<16xf32> to vector<16xf32>
      %swap3A_113 = vector.shape_cast %broadcast_in_dim3A_109 : vector<16xf32> to vector<16xf32>
      tpu.vector_store %arg5[%swap3A_110], %swap3A_113 {strides = array<i32>} : memref<640xf32, #tpu.memory_space<vmem>>, vector<16xf32>,
      %broadcast_in_dim3A_114 = arith.constant 0.000000e+00 : f32
      %broadcast_in_dim3A_115 = vector.broadcast %broadcast_in_dim3A_114 : f32 to vector<16xf32>
      %swap3A_116 = arith.constant 272 : index
      %swap3A_117 = tpu.vector_load %arg5[%swap3A_116] {strides = array<i32>} : memref<640xf32, #tpu.memory_space<vmem>>, vector<16xf32>,
      %swap3A_118 = vector.shape_cast %swap3A_117 : vector<16xf32> to vector<16xf32>
      %swap3A_119 = vector.shape_cast %broadcast_in_dim3A_115 : vector<16xf32> to vector<16xf32>
      tpu.vector_store %arg5[%swap3A_116], %swap3A_119 {strides = array<i32>} : memref<640xf32, #tpu.memory_space<vmem>>, vector<16xf32>,
      %broadcast_in_dim3A_120 = arith.constant 0.000000e+00 : f32
      %broadcast_in_dim3A_121 = vector.broadcast %broadcast_in_dim3A_120 : f32 to vector<16xf32>
      %swap3A_122 = arith.constant 288 : index
      %swap3A_123 = tpu.vector_load %arg5[%swap3A_122] {strides = array<i32>} : memref<640xf32, #tpu.memory_space<vmem>>, vector<16xf32>,
      %swap3A_124 = vector.shape_cast %swap3A_123 : vector<16xf32> to vector<16xf32>
      %swap3A_125 = vector.shape_cast %broadcast_in_dim3A_121 : vector<16xf32> to vector<16xf32>
      tpu.vector_store %arg5[%swap3A_122], %swap3A_125 {strides = array<i32>} : memref<640xf32, #tpu.memory_space<vmem>>, vector<16xf32>,
      %broadcast_in_dim3A_126 = arith.constant 0.000000e+00 : f32
      %broadcast_in_dim3A_127 = vector.broadcast %broadcast_in_dim3A_126 : f32 to vector<16xf32>
      %swap3A_128 = arith.constant 304 : index
      %swap3A_129 = tpu.vector_load %arg5[%swap3A_128] {strides = array<i32>} : memref<640xf32, #tpu.memory_space<vmem>>, vector<16xf32>,
      %swap3A_130 = vector.shape_cast %swap3A_129 : vector<16xf32> to vector<16xf32>
      %swap3A_131 = vector.shape_cast %broadcast_in_dim3A_127 : vector<16xf32> to vector<16xf32>
      tpu.vector_store %arg5[%swap3A_128], %swap3A_131 {strides = array<i32>} : memref<640xf32, #tpu.memory_space<vmem>>, vector<16xf32>,
      %broadcast_in_dim3A_132 = arith.constant 0.000000e+00 : f32
      %broadcast_in_dim3A_133 = vector.broadcast %broadcast_in_dim3A_132 : f32 to vector<16xf32>
      %swap3A_134 = arith.constant 320 : index
      %swap3A_135 = tpu.vector_load %arg5[%swap3A_134] {strides = array<i32>} : memref<640xf32, #tpu.memory_space<vmem>>, vector<16xf32>,
      %swap3A_136 = vector.shape_cast %swap3A_135 : vector<16xf32> to vector<16xf32>
      %swap3A_137 = vector.shape_cast %broadcast_in_dim3A_133 : vector<16xf32> to vector<16xf32>
      tpu.vector_store %arg5[%swap3A_134], %swap3A_137 {strides = array<i32>} : memref<640xf32, #tpu.memory_space<vmem>>, vector<16xf32>,
      %broadcast_in_dim3A_138 = arith.constant 0.000000e+00 : f32
      %broadcast_in_dim3A_139 = vector.broadcast %broadcast_in_dim3A_138 : f32 to vector<16xf32>
      %swap3A_140 = arith.constant 336 : index
      %swap3A_141 = tpu.vector_load %arg5[%swap3A_140] {strides = array<i32>} : memref<640xf32, #tpu.memory_space<vmem>>, vector<16xf32>,
      %swap3A_142 = vector.shape_cast %swap3A_141 : vector<16xf32> to vector<16xf32>
      %swap3A_143 = vector.shape_cast %broadcast_in_dim3A_139 : vector<16xf32> to vector<16xf32>
      tpu.vector_store %arg5[%swap3A_140], %swap3A_143 {strides = array<i32>} : memref<640xf32, #tpu.memory_space<vmem>>, vector<16xf32>,
      %broadcast_in_dim3A_144 = arith.constant 0.000000e+00 : f32
      %broadcast_in_dim3A_145 = vector.broadcast %broadcast_in_dim3A_144 : f32 to vector<16xf32>
      %swap3A_146 = arith.constant 352 : index
      %swap3A_147 = tpu.vector_load %arg5[%swap3A_146] {strides = array<i32>} : memref<640xf32, #tpu.memory_space<vmem>>, vector<16xf32>,
      %swap3A_148 = vector.shape_cast %swap3A_147 : vector<16xf32> to vector<16xf32>
      %swap3A_149 = vector.shape_cast %broadcast_in_dim3A_145 : vector<16xf32> to vector<16xf32>
      tpu.vector_store %arg5[%swap3A_146], %swap3A_149 {strides = array<i32>} : memref<640xf32, #tpu.memory_space<vmem>>, vector<16xf32>,
      %broadcast_in_dim3A_150 = arith.constant 0.000000e+00 : f32
      %broadcast_in_dim3A_151 = vector.broadcast %broadcast_in_dim3A_150 : f32 to vector<16xf32>
      %swap3A_152 = arith.constant 368 : index
      %swap3A_153 = tpu.vector_load %arg5[%swap3A_152] {strides = array<i32>} : memref<640xf32, #tpu.memory_space<vmem>>, vector<16xf32>,
      %swap3A_154 = vector.shape_cast %swap3A_153 : vector<16xf32> to vector<16xf32>
      %swap3A_155 = vector.shape_cast %broadcast_in_dim3A_151 : vector<16xf32> to vector<16xf32>
      tpu.vector_store %arg5[%swap3A_152], %swap3A_155 {strides = array<i32>} : memref<640xf32, #tpu.memory_space<vmem>>, vector<16xf32>,
      %broadcast_in_dim3A_156 = arith.constant 0.000000e+00 : f32
      %broadcast_in_dim3A_157 = vector.broadcast %broadcast_in_dim3A_156 : f32 to vector<16xf32>
      %swap3A_158 = arith.constant 384 : index
      %swap3A_159 = tpu.vector_load %arg5[%swap3A_158] {strides = array<i32>} : memref<640xf32, #tpu.memory_space<vmem>>, vector<16xf32>,
      %swap3A_160 = vector.shape_cast %swap3A_159 : vector<16xf32> to vector<16xf32>
      %swap3A_161 = vector.shape_cast %broadcast_in_dim3A_157 : vector<16xf32> to vector<16xf32>
      tpu.vector_store %arg5[%swap3A_158], %swap3A_161 {strides = array<i32>} : memref<640xf32, #tpu.memory_space<vmem>>, vector<16xf32>,
      %broadcast_in_dim3A_162 = arith.constant 0.000000e+00 : f32
      %broadcast_in_dim3A_163 = vector.broadcast %broadcast_in_dim3A_162 : f32 to vector<16xf32>
      %swap3A_164 = arith.constant 400 : index
      %swap3A_165 = tpu.vector_load %arg5[%swap3A_164] {strides = array<i32>} : memref<640xf32, #tpu.memory_space<vmem>>, vector<16xf32>,
      %swap3A_166 = vector.shape_cast %swap3A_165 : vector<16xf32> to vector<16xf32>
      %swap3A_167 = vector.shape_cast %broadcast_in_dim3A_163 : vector<16xf32> to vector<16xf32>
      tpu.vector_store %arg5[%swap3A_164], %swap3A_167 {strides = array<i32>} : memref<640xf32, #tpu.memory_space<vmem>>, vector<16xf32>,
      %broadcast_in_dim3A_168 = arith.constant 0.000000e+00 : f32
      %broadcast_in_dim3A_169 = vector.broadcast %broadcast_in_dim3A_168 : f32 to vector<16xf32>
      %swap3A_170 = arith.constant 416 : index
      %swap3A_171 = tpu.vector_load %arg5[%swap3A_170] {strides = array<i32>} : memref<640xf32, #tpu.memory_space<vmem>>, vector<16xf32>,
      %swap3A_172 = vector.shape_cast %swap3A_171 : vector<16xf32> to vector<16xf32>
      %swap3A_173 = vector.shape_cast %broadcast_in_dim3A_169 : vector<16xf32> to vector<16xf32>
      tpu.vector_store %arg5[%swap3A_170], %swap3A_173 {strides = array<i32>} : memref<640xf32, #tpu.memory_space<vmem>>, vector<16xf32>,
      %broadcast_in_dim3A_174 = arith.constant 0.000000e+00 : f32
      %broadcast_in_dim3A_175 = vector.broadcast %broadcast_in_dim3A_174 : f32 to vector<16xf32>
      %swap3A_176 = arith.constant 432 : index
      %swap3A_177 = tpu.vector_load %arg5[%swap3A_176] {strides = array<i32>} : memref<640xf32, #tpu.memory_space<vmem>>, vector<16xf32>,
      %swap3A_178 = vector.shape_cast %swap3A_177 : vector<16xf32> to vector<16xf32>
      %swap3A_179 = vector.shape_cast %broadcast_in_dim3A_175 : vector<16xf32> to vector<16xf32>
      tpu.vector_store %arg5[%swap3A_176], %swap3A_179 {strides = array<i32>} : memref<640xf32, #tpu.memory_space<vmem>>, vector<16xf32>,
      %broadcast_in_dim3A_180 = arith.constant 0.000000e+00 : f32
      %broadcast_in_dim3A_181 = vector.broadcast %broadcast_in_dim3A_180 : f32 to vector<16xf32>
      %swap3A_182 = arith.constant 448 : index
      %swap3A_183 = tpu.vector_load %arg5[%swap3A_182] {strides = array<i32>} : memref<640xf32, #tpu.memory_space<vmem>>, vector<16xf32>,
      %swap3A_184 = vector.shape_cast %swap3A_183 : vector<16xf32> to vector<16xf32>
      %swap3A_185 = vector.shape_cast %broadcast_in_dim3A_181 : vector<16xf32> to vector<16xf32>
      tpu.vector_store %arg5[%swap3A_182], %swap3A_185 {strides = array<i32>} : memref<640xf32, #tpu.memory_space<vmem>>, vector<16xf32>,
      %broadcast_in_dim3A_186 = arith.constant 0.000000e+00 : f32
      %broadcast_in_dim3A_187 = vector.broadcast %broadcast_in_dim3A_186 : f32 to vector<16xf32>
      %swap3A_188 = arith.constant 464 : index
      %swap3A_189 = tpu.vector_load %arg5[%swap3A_188] {strides = array<i32>} : memref<640xf32, #tpu.memory_space<vmem>>, vector<16xf32>,
      %swap3A_190 = vector.shape_cast %swap3A_189 : vector<16xf32> to vector<16xf32>
      %swap3A_191 = vector.shape_cast %broadcast_in_dim3A_187 : vector<16xf32> to vector<16xf32>
      tpu.vector_store %arg5[%swap3A_188], %swap3A_191 {strides = array<i32>} : memref<640xf32, #tpu.memory_space<vmem>>, vector<16xf32>,
      %broadcast_in_dim3A_192 = arith.constant 0.000000e+00 : f32
      %broadcast_in_dim3A_193 = vector.broadcast %broadcast_in_dim3A_192 : f32 to vector<16xf32>
      %swap3A_194 = arith.constant 480 : index
      %swap3A_195 = tpu.vector_load %arg5[%swap3A_194] {strides = array<i32>} : memref<640xf32, #tpu.memory_space<vmem>>, vector<16xf32>,
      %swap3A_196 = vector.shape_cast %swap3A_195 : vector<16xf32> to vector<16xf32>
      %swap3A_197 = vector.shape_cast %broadcast_in_dim3A_193 : vector<16xf32> to vector<16xf32>
      tpu.vector_store %arg5[%swap3A_194], %swap3A_197 {strides = array<i32>} : memref<640xf32, #tpu.memory_space<vmem>>, vector<16xf32>,
      %broadcast_in_dim3A_198 = arith.constant 0.000000e+00 : f32
      %broadcast_in_dim3A_199 = vector.broadcast %broadcast_in_dim3A_198 : f32 to vector<16xf32>
      %swap3A_200 = arith.constant 496 : index
      %swap3A_201 = tpu.vector_load %arg5[%swap3A_200] {strides = array<i32>} : memref<640xf32, #tpu.memory_space<vmem>>, vector<16xf32>,
      %swap3A_202 = vector.shape_cast %swap3A_201 : vector<16xf32> to vector<16xf32>
      %swap3A_203 = vector.shape_cast %broadcast_in_dim3A_199 : vector<16xf32> to vector<16xf32>
      tpu.vector_store %arg5[%swap3A_200], %swap3A_203 {strides = array<i32>} : memref<640xf32, #tpu.memory_space<vmem>>, vector<16xf32>,
      %broadcast_in_dim3A_204 = arith.constant 0.000000e+00 : f32
      %broadcast_in_dim3A_205 = vector.broadcast %broadcast_in_dim3A_204 : f32 to vector<16xf32>
      %swap3A_206 = arith.constant 512 : index
      %swap3A_207 = tpu.vector_load %arg5[%swap3A_206] {strides = array<i32>} : memref<640xf32, #tpu.memory_space<vmem>>, vector<16xf32>,
      %swap3A_208 = vector.shape_cast %swap3A_207 : vector<16xf32> to vector<16xf32>
      %swap3A_209 = vector.shape_cast %broadcast_in_dim3A_205 : vector<16xf32> to vector<16xf32>
      tpu.vector_store %arg5[%swap3A_206], %swap3A_209 {strides = array<i32>} : memref<640xf32, #tpu.memory_space<vmem>>, vector<16xf32>,
      %broadcast_in_dim3A_210 = arith.constant 0.000000e+00 : f32
      %broadcast_in_dim3A_211 = vector.broadcast %broadcast_in_dim3A_210 : f32 to vector<16xf32>
      %swap3A_212 = arith.constant 528 : index
      %swap3A_213 = tpu.vector_load %arg5[%swap3A_212] {strides = array<i32>} : memref<640xf32, #tpu.memory_space<vmem>>, vector<16xf32>,
      %swap3A_214 = vector.shape_cast %swap3A_213 : vector<16xf32> to vector<16xf32>
      %swap3A_215 = vector.shape_cast %broadcast_in_dim3A_211 : vector<16xf32> to vector<16xf32>
      tpu.vector_store %arg5[%swap3A_212], %swap3A_215 {strides = array<i32>} : memref<640xf32, #tpu.memory_space<vmem>>, vector<16xf32>,
      %broadcast_in_dim3A_216 = arith.constant 0.000000e+00 : f32
      %broadcast_in_dim3A_217 = vector.broadcast %broadcast_in_dim3A_216 : f32 to vector<16xf32>
      %swap3A_218 = arith.constant 544 : index
      %swap3A_219 = tpu.vector_load %arg5[%swap3A_218] {strides = array<i32>} : memref<640xf32, #tpu.memory_space<vmem>>, vector<16xf32>,
      %swap3A_220 = vector.shape_cast %swap3A_219 : vector<16xf32> to vector<16xf32>
      %swap3A_221 = vector.shape_cast %broadcast_in_dim3A_217 : vector<16xf32> to vector<16xf32>
      tpu.vector_store %arg5[%swap3A_218], %swap3A_221 {strides = array<i32>} : memref<640xf32, #tpu.memory_space<vmem>>, vector<16xf32>,
      %broadcast_in_dim3A_222 = arith.constant 0.000000e+00 : f32
      %broadcast_in_dim3A_223 = vector.broadcast %broadcast_in_dim3A_222 : f32 to vector<16xf32>
      %swap3A_224 = arith.constant 560 : index
      %swap3A_225 = tpu.vector_load %arg5[%swap3A_224] {strides = array<i32>} : memref<640xf32, #tpu.memory_space<vmem>>, vector<16xf32>,
      %swap3A_226 = vector.shape_cast %swap3A_225 : vector<16xf32> to vector<16xf32>
      %swap3A_227 = vector.shape_cast %broadcast_in_dim3A_223 : vector<16xf32> to vector<16xf32>
      tpu.vector_store %arg5[%swap3A_224], %swap3A_227 {strides = array<i32>} : memref<640xf32, #tpu.memory_space<vmem>>, vector<16xf32>,
      %broadcast_in_dim3A_228 = arith.constant 0.000000e+00 : f32
      %broadcast_in_dim3A_229 = vector.broadcast %broadcast_in_dim3A_228 : f32 to vector<16xf32>
      %swap3A_230 = arith.constant 576 : index
      %swap3A_231 = tpu.vector_load %arg5[%swap3A_230] {strides = array<i32>} : memref<640xf32, #tpu.memory_space<vmem>>, vector<16xf32>,
      %swap3A_232 = vector.shape_cast %swap3A_231 : vector<16xf32> to vector<16xf32>
      %swap3A_233 = vector.shape_cast %broadcast_in_dim3A_229 : vector<16xf32> to vector<16xf32>
      tpu.vector_store %arg5[%swap3A_230], %swap3A_233 {strides = array<i32>} : memref<640xf32, #tpu.memory_space<vmem>>, vector<16xf32>,
      %broadcast_in_dim3A_234 = arith.constant 0.000000e+00 : f32
      %broadcast_in_dim3A_235 = vector.broadcast %broadcast_in_dim3A_234 : f32 to vector<16xf32>
      %swap3A_236 = arith.constant 592 : index
      %swap3A_237 = tpu.vector_load %arg5[%swap3A_236] {strides = array<i32>} : memref<640xf32, #tpu.memory_space<vmem>>, vector<16xf32>,
      %swap3A_238 = vector.shape_cast %swap3A_237 : vector<16xf32> to vector<16xf32>
      %swap3A_239 = vector.shape_cast %broadcast_in_dim3A_235 : vector<16xf32> to vector<16xf32>
      tpu.vector_store %arg5[%swap3A_236], %swap3A_239 {strides = array<i32>} : memref<640xf32, #tpu.memory_space<vmem>>, vector<16xf32>,
      %broadcast_in_dim3A_240 = arith.constant 0.000000e+00 : f32
      %broadcast_in_dim3A_241 = vector.broadcast %broadcast_in_dim3A_240 : f32 to vector<16xf32>
      %swap3A_242 = arith.constant 608 : index
      %swap3A_243 = tpu.vector_load %arg5[%swap3A_242] {strides = array<i32>} : memref<640xf32, #tpu.memory_space<vmem>>, vector<16xf32>,
      %swap3A_244 = vector.shape_cast %swap3A_243 : vector<16xf32> to vector<16xf32>
      %swap3A_245 = vector.shape_cast %broadcast_in_dim3A_241 : vector<16xf32> to vector<16xf32>
      tpu.vector_store %arg5[%swap3A_242], %swap3A_245 {strides = array<i32>} : memref<640xf32, #tpu.memory_space<vmem>>, vector<16xf32>,
      %broadcast_in_dim3A_246 = arith.constant 0.000000e+00 : f32
      %broadcast_in_dim3A_247 = vector.broadcast %broadcast_in_dim3A_246 : f32 to vector<16xf32>
      %swap3A_248 = arith.constant 624 : index
      %swap3A_249 = tpu.vector_load %arg5[%swap3A_248] {strides = array<i32>} : memref<640xf32, #tpu.memory_space<vmem>>, vector<16xf32>,
      %swap3A_250 = vector.shape_cast %swap3A_249 : vector<16xf32> to vector<16xf32>
      %swap3A_251 = vector.shape_cast %broadcast_in_dim3A_247 : vector<16xf32> to vector<16xf32>
      tpu.vector_store %arg5[%swap3A_248], %swap3A_251 {strides = array<i32>} : memref<640xf32, #tpu.memory_space<vmem>>, vector<16xf32>,
      %scan3A_252 = arith.constant 0 : i32
      %scan3A_253 = arith.constant 0 : i32
      %scan3A_254 = arith.constant 64 : i32
      %scan3A_255 = arith.addi %scan3A_253, %scan3A_254 : i32
      %scan3A_256 = arith.constant 1 : i32
      %scan3A_257 = scf.for %scan3A_263 = %scan3A_253 to %scan3A_255 step %scan3A_256 iter_args(%scan3A_264 = %scan3A_252) -> (i32)  : i32 {
        %get3A = arith.constant 0 : index
        %get3A_265 = tpu.vector_load %arg5[%get3A] {strides = array<i32>} : memref<640xf32, #tpu.memory_space<vmem>>, vector<16xf32>,
        %get3A_266 = vector.shape_cast %get3A_265 : vector<16xf32> to vector<16xf32>
        %get3A_267 = arith.index_cast %scan3A_263 : i32 to index
        %get3A_268 = arith.constant 0 : index
        %get3A_269 = tpu.vector_load %arg4[%get3A_267, %get3A_268] {strides = array<i32>} : memref<64x640xf32, #tpu.memory_space<vmem>>, vector<1x16xf32>,
        %get3A_270 = vector.shape_cast %get3A_269 : vector<1x16xf32> to vector<16xf32>
        %add3A_271 = arith.addf %get3A_266, %get3A_270 : vector<16xf32>
        %swap3A_272 = arith.constant 0 : index
        %swap3A_273 = tpu.vector_load %arg5[%swap3A_272] {strides = array<i32>} : memref<640xf32, #tpu.memory_space<vmem>>, vector<16xf32>,
        %swap3A_274 = vector.shape_cast %swap3A_273 : vector<16xf32> to vector<16xf32>
        %swap3A_275 = vector.shape_cast %add3A_271 : vector<16xf32> to vector<16xf32>
        tpu.vector_store %arg5[%swap3A_272], %swap3A_275 {strides = array<i32>} : memref<640xf32, #tpu.memory_space<vmem>>, vector<16xf32>,
        %get3A_276 = arith.constant 16 : index
        %get3A_277 = tpu.vector_load %arg5[%get3A_276] {strides = array<i32>} : memref<640xf32, #tpu.memory_space<vmem>>, vector<16xf32>,
        %get3A_278 = vector.shape_cast %get3A_277 : vector<16xf32> to vector<16xf32>
        %get3A_279 = arith.index_cast %scan3A_263 : i32 to index
        %get3A_280 = arith.constant 16 : index
        %get3A_281 = tpu.vector_load %arg4[%get3A_279, %get3A_280] {strides = array<i32>} : memref<64x640xf32, #tpu.memory_space<vmem>>, vector<1x16xf32>,
        %get3A_282 = vector.shape_cast %get3A_281 : vector<1x16xf32> to vector<16xf32>
        %add3A_283 = arith.addf %get3A_278, %get3A_282 : vector<16xf32>
        %swap3A_284 = arith.constant 16 : index
        %swap3A_285 = tpu.vector_load %arg5[%swap3A_284] {strides = array<i32>} : memref<640xf32, #tpu.memory_space<vmem>>, vector<16xf32>,
        %swap3A_286 = vector.shape_cast %swap3A_285 : vector<16xf32> to vector<16xf32>
        %swap3A_287 = vector.shape_cast %add3A_283 : vector<16xf32> to vector<16xf32>
        tpu.vector_store %arg5[%swap3A_284], %swap3A_287 {strides = array<i32>} : memref<640xf32, #tpu.memory_space<vmem>>, vector<16xf32>,
        %get3A_288 = arith.constant 32 : index
        %get3A_289 = tpu.vector_load %arg5[%get3A_288] {strides = array<i32>} : memref<640xf32, #tpu.memory_space<vmem>>, vector<16xf32>,
        %get3A_290 = vector.shape_cast %get3A_289 : vector<16xf32> to vector<16xf32>
        %get3A_291 = arith.index_cast %scan3A_263 : i32 to index
        %get3A_292 = arith.constant 32 : index
        %get3A_293 = tpu.vector_load %arg4[%get3A_291, %get3A_292] {strides = array<i32>} : memref<64x640xf32, #tpu.memory_space<vmem>>, vector<1x16xf32>,
        %get3A_294 = vector.shape_cast %get3A_293 : vector<1x16xf32> to vector<16xf32>
        %add3A_295 = arith.addf %get3A_290, %get3A_294 : vector<16xf32>
        %swap3A_296 = arith.constant 32 : index
        %swap3A_297 = tpu.vector_load %arg5[%swap3A_296] {strides = array<i32>} : memref<640xf32, #tpu.memory_space<vmem>>, vector<16xf32>,
        %swap3A_298 = vector.shape_cast %swap3A_297 : vector<16xf32> to vector<16xf32>
        %swap3A_299 = vector.shape_cast %add3A_295 : vector<16xf32> to vector<16xf32>
        tpu.vector_store %arg5[%swap3A_296], %swap3A_299 {strides = array<i32>} : memref<640xf32, #tpu.memory_space<vmem>>, vector<16xf32>,
        %get3A_300 = arith.constant 48 : index
        %get3A_301 = tpu.vector_load %arg5[%get3A_300] {strides = array<i32>} : memref<640xf32, #tpu.memory_space<vmem>>, vector<16xf32>,
        %get3A_302 = vector.shape_cast %get3A_301 : vector<16xf32> to vector<16xf32>
        %get3A_303 = arith.index_cast %scan3A_263 : i32 to index
        %get3A_304 = arith.constant 48 : index
        %get3A_305 = tpu.vector_load %arg4[%get3A_303, %get3A_304] {strides = array<i32>} : memref<64x640xf32, #tpu.memory_space<vmem>>, vector<1x16xf32>,
        %get3A_306 = vector.shape_cast %get3A_305 : vector<1x16xf32> to vector<16xf32>
        %add3A_307 = arith.addf %get3A_302, %get3A_306 : vector<16xf32>
        %swap3A_308 = arith.constant 48 : index
        %swap3A_309 = tpu.vector_load %arg5[%swap3A_308] {strides = array<i32>} : memref<640xf32, #tpu.memory_space<vmem>>, vector<16xf32>,
        %swap3A_310 = vector.shape_cast %swap3A_309 : vector<16xf32> to vector<16xf32>
        %swap3A_311 = vector.shape_cast %add3A_307 : vector<16xf32> to vector<16xf32>
        tpu.vector_store %arg5[%swap3A_308], %swap3A_311 {strides = array<i32>} : memref<640xf32, #tpu.memory_space<vmem>>, vector<16xf32>,
        %get3A_312 = arith.constant 64 : index
        %get3A_313 = tpu.vector_load %arg5[%get3A_312] {strides = array<i32>} : memref<640xf32, #tpu.memory_space<vmem>>, vector<16xf32>,
        %get3A_314 = vector.shape_cast %get3A_313 : vector<16xf32> to vector<16xf32>
        %get3A_315 = arith.index_cast %scan3A_263 : i32 to index
        %get3A_316 = arith.constant 64 : index
        %get3A_317 = tpu.vector_load %arg4[%get3A_315, %get3A_316] {strides = array<i32>} : memref<64x640xf32, #tpu.memory_space<vmem>>, vector<1x16xf32>,
        %get3A_318 = vector.shape_cast %get3A_317 : vector<1x16xf32> to vector<16xf32>
        %add3A_319 = arith.addf %get3A_314, %get3A_318 : vector<16xf32>
        %swap3A_320 = arith.constant 64 : index
        %swap3A_321 = tpu.vector_load %arg5[%swap3A_320] {strides = array<i32>} : memref<640xf32, #tpu.memory_space<vmem>>, vector<16xf32>,
        %swap3A_322 = vector.shape_cast %swap3A_321 : vector<16xf32> to vector<16xf32>
        %swap3A_323 = vector.shape_cast %add3A_319 : vector<16xf32> to vector<16xf32>
        tpu.vector_store %arg5[%swap3A_320], %swap3A_323 {strides = array<i32>} : memref<640xf32, #tpu.memory_space<vmem>>, vector<16xf32>,
        %get3A_324 = arith.constant 80 : index
        %get3A_325 = tpu.vector_load %arg5[%get3A_324] {strides = array<i32>} : memref<640xf32, #tpu.memory_space<vmem>>, vector<16xf32>,
        %get3A_326 = vector.shape_cast %get3A_325 : vector<16xf32> to vector<16xf32>
        %get3A_327 = arith.index_cast %scan3A_263 : i32 to index
        %get3A_328 = arith.constant 80 : index
        %get3A_329 = tpu.vector_load %arg4[%get3A_327, %get3A_328] {strides = array<i32>} : memref<64x640xf32, #tpu.memory_space<vmem>>, vector<1x16xf32>,
        %get3A_330 = vector.shape_cast %get3A_329 : vector<1x16xf32> to vector<16xf32>
        %add3A_331 = arith.addf %get3A_326, %get3A_330 : vector<16xf32>
        %swap3A_332 = arith.constant 80 : index
        %swap3A_333 = tpu.vector_load %arg5[%swap3A_332] {strides = array<i32>} : memref<640xf32, #tpu.memory_space<vmem>>, vector<16xf32>,
        %swap3A_334 = vector.shape_cast %swap3A_333 : vector<16xf32> to vector<16xf32>
        %swap3A_335 = vector.shape_cast %add3A_331 : vector<16xf32> to vector<16xf32>
        tpu.vector_store %arg5[%swap3A_332], %swap3A_335 {strides = array<i32>} : memref<640xf32, #tpu.memory_space<vmem>>, vector<16xf32>,
        %get3A_336 = arith.constant 96 : index
        %get3A_337 = tpu.vector_load %arg5[%get3A_336] {strides = array<i32>} : memref<640xf32, #tpu.memory_space<vmem>>, vector<16xf32>,
        %get3A_338 = vector.shape_cast %get3A_337 : vector<16xf32> to vector<16xf32>
        %get3A_339 = arith.index_cast %scan3A_263 : i32 to index
        %get3A_340 = arith.constant 96 : index
        %get3A_341 = tpu.vector_load %arg4[%get3A_339, %get3A_340] {strides = array<i32>} : memref<64x640xf32, #tpu.memory_space<vmem>>, vector<1x16xf32>,
        %get3A_342 = vector.shape_cast %get3A_341 : vector<1x16xf32> to vector<16xf32>
        %add3A_343 = arith.addf %get3A_338, %get3A_342 : vector<16xf32>
        %swap3A_344 = arith.constant 96 : index
        %swap3A_345 = tpu.vector_load %arg5[%swap3A_344] {strides = array<i32>} : memref<640xf32, #tpu.memory_space<vmem>>, vector<16xf32>,
        %swap3A_346 = vector.shape_cast %swap3A_345 : vector<16xf32> to vector<16xf32>
        %swap3A_347 = vector.shape_cast %add3A_343 : vector<16xf32> to vector<16xf32>
        tpu.vector_store %arg5[%swap3A_344], %swap3A_347 {strides = array<i32>} : memref<640xf32, #tpu.memory_space<vmem>>, vector<16xf32>,
        %get3A_348 = arith.constant 112 : index
        %get3A_349 = tpu.vector_load %arg5[%get3A_348] {strides = array<i32>} : memref<640xf32, #tpu.memory_space<vmem>>, vector<16xf32>,
        %get3A_350 = vector.shape_cast %get3A_349 : vector<16xf32> to vector<16xf32>
        %get3A_351 = arith.index_cast %scan3A_263 : i32 to index
        %get3A_352 = arith.constant 112 : index
        %get3A_353 = tpu.vector_load %arg4[%get3A_351, %get3A_352] {strides = array<i32>} : memref<64x640xf32, #tpu.memory_space<vmem>>, vector<1x16xf32>,
        %get3A_354 = vector.shape_cast %get3A_353 : vector<1x16xf32> to vector<16xf32>
        %add3A_355 = arith.addf %get3A_350, %get3A_354 : vector<16xf32>
        %swap3A_356 = arith.constant 112 : index
        %swap3A_357 = tpu.vector_load %arg5[%swap3A_356] {strides = array<i32>} : memref<640xf32, #tpu.memory_space<vmem>>, vector<16xf32>,
        %swap3A_358 = vector.shape_cast %swap3A_357 : vector<16xf32> to vector<16xf32>
        %swap3A_359 = vector.shape_cast %add3A_355 : vector<16xf32> to vector<16xf32>
        tpu.vector_store %arg5[%swap3A_356], %swap3A_359 {strides = array<i32>} : memref<640xf32, #tpu.memory_space<vmem>>, vector<16xf32>,
        %get3A_360 = arith.constant 128 : index
        %get3A_361 = tpu.vector_load %arg5[%get3A_360] {strides = array<i32>} : memref<640xf32, #tpu.memory_space<vmem>>, vector<16xf32>,
        %get3A_362 = vector.shape_cast %get3A_361 : vector<16xf32> to vector<16xf32>
        %get3A_363 = arith.index_cast %scan3A_263 : i32 to index
        %get3A_364 = arith.constant 128 : index
        %get3A_365 = tpu.vector_load %arg4[%get3A_363, %get3A_364] {strides = array<i32>} : memref<64x640xf32, #tpu.memory_space<vmem>>, vector<1x16xf32>,
        %get3A_366 = vector.shape_cast %get3A_365 : vector<1x16xf32> to vector<16xf32>
        %add3A_367 = arith.addf %get3A_362, %get3A_366 : vector<16xf32>
        %swap3A_368 = arith.constant 128 : index
        %swap3A_369 = tpu.vector_load %arg5[%swap3A_368] {strides = array<i32>} : memref<640xf32, #tpu.memory_space<vmem>>, vector<16xf32>,
        %swap3A_370 = vector.shape_cast %swap3A_369 : vector<16xf32> to vector<16xf32>
        %swap3A_371 = vector.shape_cast %add3A_367 : vector<16xf32> to vector<16xf32>
        tpu.vector_store %arg5[%swap3A_368], %swap3A_371 {strides = array<i32>} : memref<640xf32, #tpu.memory_space<vmem>>, vector<16xf32>,
        %get3A_372 = arith.constant 144 : index
        %get3A_373 = tpu.vector_load %arg5[%get3A_372] {strides = array<i32>} : memref<640xf32, #tpu.memory_space<vmem>>, vector<16xf32>,
        %get3A_374 = vector.shape_cast %get3A_373 : vector<16xf32> to vector<16xf32>
        %get3A_375 = arith.index_cast %scan3A_263 : i32 to index
        %get3A_376 = arith.constant 144 : index
        %get3A_377 = tpu.vector_load %arg4[%get3A_375, %get3A_376] {strides = array<i32>} : memref<64x640xf32, #tpu.memory_space<vmem>>, vector<1x16xf32>,
        %get3A_378 = vector.shape_cast %get3A_377 : vector<1x16xf32> to vector<16xf32>
        %add3A_379 = arith.addf %get3A_374, %get3A_378 : vector<16xf32>
        %swap3A_380 = arith.constant 144 : index
        %swap3A_381 = tpu.vector_load %arg5[%swap3A_380] {strides = array<i32>} : memref<640xf32, #tpu.memory_space<vmem>>, vector<16xf32>,
        %swap3A_382 = vector.shape_cast %swap3A_381 : vector<16xf32> to vector<16xf32>
        %swap3A_383 = vector.shape_cast %add3A_379 : vector<16xf32> to vector<16xf32>
        tpu.vector_store %arg5[%swap3A_380], %swap3A_383 {strides = array<i32>} : memref<640xf32, #tpu.memory_space<vmem>>, vector<16xf32>,
        %get3A_384 = arith.constant 160 : index
        %get3A_385 = tpu.vector_load %arg5[%get3A_384] {strides = array<i32>} : memref<640xf32, #tpu.memory_space<vmem>>, vector<16xf32>,
        %get3A_386 = vector.shape_cast %get3A_385 : vector<16xf32> to vector<16xf32>
        %get3A_387 = arith.index_cast %scan3A_263 : i32 to index
        %get3A_388 = arith.constant 160 : index
        %get3A_389 = tpu.vector_load %arg4[%get3A_387, %get3A_388] {strides = array<i32>} : memref<64x640xf32, #tpu.memory_space<vmem>>, vector<1x16xf32>,
        %get3A_390 = vector.shape_cast %get3A_389 : vector<1x16xf32> to vector<16xf32>
        %add3A_391 = arith.addf %get3A_386, %get3A_390 : vector<16xf32>
        %swap3A_392 = arith.constant 160 : index
        %swap3A_393 = tpu.vector_load %arg5[%swap3A_392] {strides = array<i32>} : memref<640xf32, #tpu.memory_space<vmem>>, vector<16xf32>,
        %swap3A_394 = vector.shape_cast %swap3A_393 : vector<16xf32> to vector<16xf32>
        %swap3A_395 = vector.shape_cast %add3A_391 : vector<16xf32> to vector<16xf32>
        tpu.vector_store %arg5[%swap3A_392], %swap3A_395 {strides = array<i32>} : memref<640xf32, #tpu.memory_space<vmem>>, vector<16xf32>,
        %get3A_396 = arith.constant 176 : index
        %get3A_397 = tpu.vector_load %arg5[%get3A_396] {strides = array<i32>} : memref<640xf32, #tpu.memory_space<vmem>>, vector<16xf32>,
        %get3A_398 = vector.shape_cast %get3A_397 : vector<16xf32> to vector<16xf32>
        %get3A_399 = arith.index_cast %scan3A_263 : i32 to index
        %get3A_400 = arith.constant 176 : index
        %get3A_401 = tpu.vector_load %arg4[%get3A_399, %get3A_400] {strides = array<i32>} : memref<64x640xf32, #tpu.memory_space<vmem>>, vector<1x16xf32>,
        %get3A_402 = vector.shape_cast %get3A_401 : vector<1x16xf32> to vector<16xf32>
        %add3A_403 = arith.addf %get3A_398, %get3A_402 : vector<16xf32>
        %swap3A_404 = arith.constant 176 : index
        %swap3A_405 = tpu.vector_load %arg5[%swap3A_404] {strides = array<i32>} : memref<640xf32, #tpu.memory_space<vmem>>, vector<16xf32>,
        %swap3A_406 = vector.shape_cast %swap3A_405 : vector<16xf32> to vector<16xf32>
        %swap3A_407 = vector.shape_cast %add3A_403 : vector<16xf32> to vector<16xf32>
        tpu.vector_store %arg5[%swap3A_404], %swap3A_407 {strides = array<i32>} : memref<640xf32, #tpu.memory_space<vmem>>, vector<16xf32>,
        %get3A_408 = arith.constant 192 : index
        %get3A_409 = tpu.vector_load %arg5[%get3A_408] {strides = array<i32>} : memref<640xf32, #tpu.memory_space<vmem>>, vector<16xf32>,
        %get3A_410 = vector.shape_cast %get3A_409 : vector<16xf32> to vector<16xf32>
        %get3A_411 = arith.index_cast %scan3A_263 : i32 to index
        %get3A_412 = arith.constant 192 : index
        %get3A_413 = tpu.vector_load %arg4[%get3A_411, %get3A_412] {strides = array<i32>} : memref<64x640xf32, #tpu.memory_space<vmem>>, vector<1x16xf32>,
        %get3A_414 = vector.shape_cast %get3A_413 : vector<1x16xf32> to vector<16xf32>
        %add3A_415 = arith.addf %get3A_410, %get3A_414 : vector<16xf32>
        %swap3A_416 = arith.constant 192 : index
        %swap3A_417 = tpu.vector_load %arg5[%swap3A_416] {strides = array<i32>} : memref<640xf32, #tpu.memory_space<vmem>>, vector<16xf32>,
        %swap3A_418 = vector.shape_cast %swap3A_417 : vector<16xf32> to vector<16xf32>
        %swap3A_419 = vector.shape_cast %add3A_415 : vector<16xf32> to vector<16xf32>
        tpu.vector_store %arg5[%swap3A_416], %swap3A_419 {strides = array<i32>} : memref<640xf32, #tpu.memory_space<vmem>>, vector<16xf32>,
        %get3A_420 = arith.constant 208 : index
        %get3A_421 = tpu.vector_load %arg5[%get3A_420] {strides = array<i32>} : memref<640xf32, #tpu.memory_space<vmem>>, vector<16xf32>,
        %get3A_422 = vector.shape_cast %get3A_421 : vector<16xf32> to vector<16xf32>
        %get3A_423 = arith.index_cast %scan3A_263 : i32 to index
        %get3A_424 = arith.constant 208 : index
        %get3A_425 = tpu.vector_load %arg4[%get3A_423, %get3A_424] {strides = array<i32>} : memref<64x640xf32, #tpu.memory_space<vmem>>, vector<1x16xf32>,
        %get3A_426 = vector.shape_cast %get3A_425 : vector<1x16xf32> to vector<16xf32>
        %add3A_427 = arith.addf %get3A_422, %get3A_426 : vector<16xf32>
        %swap3A_428 = arith.constant 208 : index
        %swap3A_429 = tpu.vector_load %arg5[%swap3A_428] {strides = array<i32>} : memref<640xf32, #tpu.memory_space<vmem>>, vector<16xf32>,
        %swap3A_430 = vector.shape_cast %swap3A_429 : vector<16xf32> to vector<16xf32>
        %swap3A_431 = vector.shape_cast %add3A_427 : vector<16xf32> to vector<16xf32>
        tpu.vector_store %arg5[%swap3A_428], %swap3A_431 {strides = array<i32>} : memref<640xf32, #tpu.memory_space<vmem>>, vector<16xf32>,
        %get3A_432 = arith.constant 224 : index
        %get3A_433 = tpu.vector_load %arg5[%get3A_432] {strides = array<i32>} : memref<640xf32, #tpu.memory_space<vmem>>, vector<16xf32>,
        %get3A_434 = vector.shape_cast %get3A_433 : vector<16xf32> to vector<16xf32>
        %get3A_435 = arith.index_cast %scan3A_263 : i32 to index
        %get3A_436 = arith.constant 224 : index
        %get3A_437 = tpu.vector_load %arg4[%get3A_435, %get3A_436] {strides = array<i32>} : memref<64x640xf32, #tpu.memory_space<vmem>>, vector<1x16xf32>,
        %get3A_438 = vector.shape_cast %get3A_437 : vector<1x16xf32> to vector<16xf32>
        %add3A_439 = arith.addf %get3A_434, %get3A_438 : vector<16xf32>
        %swap3A_440 = arith.constant 224 : index
        %swap3A_441 = tpu.vector_load %arg5[%swap3A_440] {strides = array<i32>} : memref<640xf32, #tpu.memory_space<vmem>>, vector<16xf32>,
        %swap3A_442 = vector.shape_cast %swap3A_441 : vector<16xf32> to vector<16xf32>
        %swap3A_443 = vector.shape_cast %add3A_439 : vector<16xf32> to vector<16xf32>
        tpu.vector_store %arg5[%swap3A_440], %swap3A_443 {strides = array<i32>} : memref<640xf32, #tpu.memory_space<vmem>>, vector<16xf32>,
        %get3A_444 = arith.constant 240 : index
        %get3A_445 = tpu.vector_load %arg5[%get3A_444] {strides = array<i32>} : memref<640xf32, #tpu.memory_space<vmem>>, vector<16xf32>,
        %get3A_446 = vector.shape_cast %get3A_445 : vector<16xf32> to vector<16xf32>
        %get3A_447 = arith.index_cast %scan3A_263 : i32 to index
        %get3A_448 = arith.constant 240 : index
        %get3A_449 = tpu.vector_load %arg4[%get3A_447, %get3A_448] {strides = array<i32>} : memref<64x640xf32, #tpu.memory_space<vmem>>, vector<1x16xf32>,
        %get3A_450 = vector.shape_cast %get3A_449 : vector<1x16xf32> to vector<16xf32>
        %add3A_451 = arith.addf %get3A_446, %get3A_450 : vector<16xf32>
        %swap3A_452 = arith.constant 240 : index
        %swap3A_453 = tpu.vector_load %arg5[%swap3A_452] {strides = array<i32>} : memref<640xf32, #tpu.memory_space<vmem>>, vector<16xf32>,
        %swap3A_454 = vector.shape_cast %swap3A_453 : vector<16xf32> to vector<16xf32>
        %swap3A_455 = vector.shape_cast %add3A_451 : vector<16xf32> to vector<16xf32>
        tpu.vector_store %arg5[%swap3A_452], %swap3A_455 {strides = array<i32>} : memref<640xf32, #tpu.memory_space<vmem>>, vector<16xf32>,
        %get3A_456 = arith.constant 256 : index
        %get3A_457 = tpu.vector_load %arg5[%get3A_456] {strides = array<i32>} : memref<640xf32, #tpu.memory_space<vmem>>, vector<16xf32>,
        %get3A_458 = vector.shape_cast %get3A_457 : vector<16xf32> to vector<16xf32>
        %get3A_459 = arith.index_cast %scan3A_263 : i32 to index
        %get3A_460 = arith.constant 256 : index
        %get3A_461 = tpu.vector_load %arg4[%get3A_459, %get3A_460] {strides = array<i32>} : memref<64x640xf32, #tpu.memory_space<vmem>>, vector<1x16xf32>,
        %get3A_462 = vector.shape_cast %get3A_461 : vector<1x16xf32> to vector<16xf32>
        %add3A_463 = arith.addf %get3A_458, %get3A_462 : vector<16xf32>
        %swap3A_464 = arith.constant 256 : index
        %swap3A_465 = tpu.vector_load %arg5[%swap3A_464] {strides = array<i32>} : memref<640xf32, #tpu.memory_space<vmem>>, vector<16xf32>,
        %swap3A_466 = vector.shape_cast %swap3A_465 : vector<16xf32> to vector<16xf32>
        %swap3A_467 = vector.shape_cast %add3A_463 : vector<16xf32> to vector<16xf32>
        tpu.vector_store %arg5[%swap3A_464], %swap3A_467 {strides = array<i32>} : memref<640xf32, #tpu.memory_space<vmem>>, vector<16xf32>,
        %get3A_468 = arith.constant 272 : index
        %get3A_469 = tpu.vector_load %arg5[%get3A_468] {strides = array<i32>} : memref<640xf32, #tpu.memory_space<vmem>>, vector<16xf32>,
        %get3A_470 = vector.shape_cast %get3A_469 : vector<16xf32> to vector<16xf32>
        %get3A_471 = arith.index_cast %scan3A_263 : i32 to index
        %get3A_472 = arith.constant 272 : index
        %get3A_473 = tpu.vector_load %arg4[%get3A_471, %get3A_472] {strides = array<i32>} : memref<64x640xf32, #tpu.memory_space<vmem>>, vector<1x16xf32>,
        %get3A_474 = vector.shape_cast %get3A_473 : vector<1x16xf32> to vector<16xf32>
        %add3A_475 = arith.addf %get3A_470, %get3A_474 : vector<16xf32>
        %swap3A_476 = arith.constant 272 : index
        %swap3A_477 = tpu.vector_load %arg5[%swap3A_476] {strides = array<i32>} : memref<640xf32, #tpu.memory_space<vmem>>, vector<16xf32>,
        %swap3A_478 = vector.shape_cast %swap3A_477 : vector<16xf32> to vector<16xf32>
        %swap3A_479 = vector.shape_cast %add3A_475 : vector<16xf32> to vector<16xf32>
        tpu.vector_store %arg5[%swap3A_476], %swap3A_479 {strides = array<i32>} : memref<640xf32, #tpu.memory_space<vmem>>, vector<16xf32>,
        %get3A_480 = arith.constant 288 : index
        %get3A_481 = tpu.vector_load %arg5[%get3A_480] {strides = array<i32>} : memref<640xf32, #tpu.memory_space<vmem>>, vector<16xf32>,
        %get3A_482 = vector.shape_cast %get3A_481 : vector<16xf32> to vector<16xf32>
        %get3A_483 = arith.index_cast %scan3A_263 : i32 to index
        %get3A_484 = arith.constant 288 : index
        %get3A_485 = tpu.vector_load %arg4[%get3A_483, %get3A_484] {strides = array<i32>} : memref<64x640xf32, #tpu.memory_space<vmem>>, vector<1x16xf32>,
        %get3A_486 = vector.shape_cast %get3A_485 : vector<1x16xf32> to vector<16xf32>
        %add3A_487 = arith.addf %get3A_482, %get3A_486 : vector<16xf32>
        %swap3A_488 = arith.constant 288 : index
        %swap3A_489 = tpu.vector_load %arg5[%swap3A_488] {strides = array<i32>} : memref<640xf32, #tpu.memory_space<vmem>>, vector<16xf32>,
        %swap3A_490 = vector.shape_cast %swap3A_489 : vector<16xf32> to vector<16xf32>
        %swap3A_491 = vector.shape_cast %add3A_487 : vector<16xf32> to vector<16xf32>
        tpu.vector_store %arg5[%swap3A_488], %swap3A_491 {strides = array<i32>} : memref<640xf32, #tpu.memory_space<vmem>>, vector<16xf32>,
        %get3A_492 = arith.constant 304 : index
        %get3A_493 = tpu.vector_load %arg5[%get3A_492] {strides = array<i32>} : memref<640xf32, #tpu.memory_space<vmem>>, vector<16xf32>,
        %get3A_494 = vector.shape_cast %get3A_493 : vector<16xf32> to vector<16xf32>
        %get3A_495 = arith.index_cast %scan3A_263 : i32 to index
        %get3A_496 = arith.constant 304 : index
        %get3A_497 = tpu.vector_load %arg4[%get3A_495, %get3A_496] {strides = array<i32>} : memref<64x640xf32, #tpu.memory_space<vmem>>, vector<1x16xf32>,
        %get3A_498 = vector.shape_cast %get3A_497 : vector<1x16xf32> to vector<16xf32>
        %add3A_499 = arith.addf %get3A_494, %get3A_498 : vector<16xf32>
        %swap3A_500 = arith.constant 304 : index
        %swap3A_501 = tpu.vector_load %arg5[%swap3A_500] {strides = array<i32>} : memref<640xf32, #tpu.memory_space<vmem>>, vector<16xf32>,
        %swap3A_502 = vector.shape_cast %swap3A_501 : vector<16xf32> to vector<16xf32>
        %swap3A_503 = vector.shape_cast %add3A_499 : vector<16xf32> to vector<16xf32>
        tpu.vector_store %arg5[%swap3A_500], %swap3A_503 {strides = array<i32>} : memref<640xf32, #tpu.memory_space<vmem>>, vector<16xf32>,
        %get3A_504 = arith.constant 320 : index
        %get3A_505 = tpu.vector_load %arg5[%get3A_504] {strides = array<i32>} : memref<640xf32, #tpu.memory_space<vmem>>, vector<16xf32>,
        %get3A_506 = vector.shape_cast %get3A_505 : vector<16xf32> to vector<16xf32>
        %get3A_507 = arith.index_cast %scan3A_263 : i32 to index
        %get3A_508 = arith.constant 320 : index
        %get3A_509 = tpu.vector_load %arg4[%get3A_507, %get3A_508] {strides = array<i32>} : memref<64x640xf32, #tpu.memory_space<vmem>>, vector<1x16xf32>,
        %get3A_510 = vector.shape_cast %get3A_509 : vector<1x16xf32> to vector<16xf32>
        %add3A_511 = arith.addf %get3A_506, %get3A_510 : vector<16xf32>
        %swap3A_512 = arith.constant 320 : index
        %swap3A_513 = tpu.vector_load %arg5[%swap3A_512] {strides = array<i32>} : memref<640xf32, #tpu.memory_space<vmem>>, vector<16xf32>,
        %swap3A_514 = vector.shape_cast %swap3A_513 : vector<16xf32> to vector<16xf32>
        %swap3A_515 = vector.shape_cast %add3A_511 : vector<16xf32> to vector<16xf32>
        tpu.vector_store %arg5[%swap3A_512], %swap3A_515 {strides = array<i32>} : memref<640xf32, #tpu.memory_space<vmem>>, vector<16xf32>,
        %get3A_516 = arith.constant 336 : index
        %get3A_517 = tpu.vector_load %arg5[%get3A_516] {strides = array<i32>} : memref<640xf32, #tpu.memory_space<vmem>>, vector<16xf32>,
        %get3A_518 = vector.shape_cast %get3A_517 : vector<16xf32> to vector<16xf32>
        %get3A_519 = arith.index_cast %scan3A_263 : i32 to index
        %get3A_520 = arith.constant 336 : index
        %get3A_521 = tpu.vector_load %arg4[%get3A_519, %get3A_520] {strides = array<i32>} : memref<64x640xf32, #tpu.memory_space<vmem>>, vector<1x16xf32>,
        %get3A_522 = vector.shape_cast %get3A_521 : vector<1x16xf32> to vector<16xf32>
        %add3A_523 = arith.addf %get3A_518, %get3A_522 : vector<16xf32>
        %swap3A_524 = arith.constant 336 : index
        %swap3A_525 = tpu.vector_load %arg5[%swap3A_524] {strides = array<i32>} : memref<640xf32, #tpu.memory_space<vmem>>, vector<16xf32>,
        %swap3A_526 = vector.shape_cast %swap3A_525 : vector<16xf32> to vector<16xf32>
        %swap3A_527 = vector.shape_cast %add3A_523 : vector<16xf32> to vector<16xf32>
        tpu.vector_store %arg5[%swap3A_524], %swap3A_527 {strides = array<i32>} : memref<640xf32, #tpu.memory_space<vmem>>, vector<16xf32>,
        %get3A_528 = arith.constant 352 : index
        %get3A_529 = tpu.vector_load %arg5[%get3A_528] {strides = array<i32>} : memref<640xf32, #tpu.memory_space<vmem>>, vector<16xf32>,
        %get3A_530 = vector.shape_cast %get3A_529 : vector<16xf32> to vector<16xf32>
        %get3A_531 = arith.index_cast %scan3A_263 : i32 to index
        %get3A_532 = arith.constant 352 : index
        %get3A_533 = tpu.vector_load %arg4[%get3A_531, %get3A_532] {strides = array<i32>} : memref<64x640xf32, #tpu.memory_space<vmem>>, vector<1x16xf32>,
        %get3A_534 = vector.shape_cast %get3A_533 : vector<1x16xf32> to vector<16xf32>
        %add3A_535 = arith.addf %get3A_530, %get3A_534 : vector<16xf32>
        %swap3A_536 = arith.constant 352 : index
        %swap3A_537 = tpu.vector_load %arg5[%swap3A_536] {strides = array<i32>} : memref<640xf32, #tpu.memory_space<vmem>>, vector<16xf32>,
        %swap3A_538 = vector.shape_cast %swap3A_537 : vector<16xf32> to vector<16xf32>
        %swap3A_539 = vector.shape_cast %add3A_535 : vector<16xf32> to vector<16xf32>
        tpu.vector_store %arg5[%swap3A_536], %swap3A_539 {strides = array<i32>} : memref<640xf32, #tpu.memory_space<vmem>>, vector<16xf32>,
        %get3A_540 = arith.constant 368 : index
        %get3A_541 = tpu.vector_load %arg5[%get3A_540] {strides = array<i32>} : memref<640xf32, #tpu.memory_space<vmem>>, vector<16xf32>,
        %get3A_542 = vector.shape_cast %get3A_541 : vector<16xf32> to vector<16xf32>
        %get3A_543 = arith.index_cast %scan3A_263 : i32 to index
        %get3A_544 = arith.constant 368 : index
        %get3A_545 = tpu.vector_load %arg4[%get3A_543, %get3A_544] {strides = array<i32>} : memref<64x640xf32, #tpu.memory_space<vmem>>, vector<1x16xf32>,
        %get3A_546 = vector.shape_cast %get3A_545 : vector<1x16xf32> to vector<16xf32>
        %add3A_547 = arith.addf %get3A_542, %get3A_546 : vector<16xf32>
        %swap3A_548 = arith.constant 368 : index
        %swap3A_549 = tpu.vector_load %arg5[%swap3A_548] {strides = array<i32>} : memref<640xf32, #tpu.memory_space<vmem>>, vector<16xf32>,
        %swap3A_550 = vector.shape_cast %swap3A_549 : vector<16xf32> to vector<16xf32>
        %swap3A_551 = vector.shape_cast %add3A_547 : vector<16xf32> to vector<16xf32>
        tpu.vector_store %arg5[%swap3A_548], %swap3A_551 {strides = array<i32>} : memref<640xf32, #tpu.memory_space<vmem>>, vector<16xf32>,
        %get3A_552 = arith.constant 384 : index
        %get3A_553 = tpu.vector_load %arg5[%get3A_552] {strides = array<i32>} : memref<640xf32, #tpu.memory_space<vmem>>, vector<16xf32>,
        %get3A_554 = vector.shape_cast %get3A_553 : vector<16xf32> to vector<16xf32>
        %get3A_555 = arith.index_cast %scan3A_263 : i32 to index
        %get3A_556 = arith.constant 384 : index
        %get3A_557 = tpu.vector_load %arg4[%get3A_555, %get3A_556] {strides = array<i32>} : memref<64x640xf32, #tpu.memory_space<vmem>>, vector<1x16xf32>,
        %get3A_558 = vector.shape_cast %get3A_557 : vector<1x16xf32> to vector<16xf32>
        %add3A_559 = arith.addf %get3A_554, %get3A_558 : vector<16xf32>
        %swap3A_560 = arith.constant 384 : index
        %swap3A_561 = tpu.vector_load %arg5[%swap3A_560] {strides = array<i32>} : memref<640xf32, #tpu.memory_space<vmem>>, vector<16xf32>,
        %swap3A_562 = vector.shape_cast %swap3A_561 : vector<16xf32> to vector<16xf32>
        %swap3A_563 = vector.shape_cast %add3A_559 : vector<16xf32> to vector<16xf32>
        tpu.vector_store %arg5[%swap3A_560], %swap3A_563 {strides = array<i32>} : memref<640xf32, #tpu.memory_space<vmem>>, vector<16xf32>,
        %get3A_564 = arith.constant 400 : index
        %get3A_565 = tpu.vector_load %arg5[%get3A_564] {strides = array<i32>} : memref<640xf32, #tpu.memory_space<vmem>>, vector<16xf32>,
        %get3A_566 = vector.shape_cast %get3A_565 : vector<16xf32> to vector<16xf32>
        %get3A_567 = arith.index_cast %scan3A_263 : i32 to index
        %get3A_568 = arith.constant 400 : index
        %get3A_569 = tpu.vector_load %arg4[%get3A_567, %get3A_568] {strides = array<i32>} : memref<64x640xf32, #tpu.memory_space<vmem>>, vector<1x16xf32>,
        %get3A_570 = vector.shape_cast %get3A_569 : vector<1x16xf32> to vector<16xf32>
        %add3A_571 = arith.addf %get3A_566, %get3A_570 : vector<16xf32>
        %swap3A_572 = arith.constant 400 : index
        %swap3A_573 = tpu.vector_load %arg5[%swap3A_572] {strides = array<i32>} : memref<640xf32, #tpu.memory_space<vmem>>, vector<16xf32>,
        %swap3A_574 = vector.shape_cast %swap3A_573 : vector<16xf32> to vector<16xf32>
        %swap3A_575 = vector.shape_cast %add3A_571 : vector<16xf32> to vector<16xf32>
        tpu.vector_store %arg5[%swap3A_572], %swap3A_575 {strides = array<i32>} : memref<640xf32, #tpu.memory_space<vmem>>, vector<16xf32>,
        %get3A_576 = arith.constant 416 : index
        %get3A_577 = tpu.vector_load %arg5[%get3A_576] {strides = array<i32>} : memref<640xf32, #tpu.memory_space<vmem>>, vector<16xf32>,
        %get3A_578 = vector.shape_cast %get3A_577 : vector<16xf32> to vector<16xf32>
        %get3A_579 = arith.index_cast %scan3A_263 : i32 to index
        %get3A_580 = arith.constant 416 : index
        %get3A_581 = tpu.vector_load %arg4[%get3A_579, %get3A_580] {strides = array<i32>} : memref<64x640xf32, #tpu.memory_space<vmem>>, vector<1x16xf32>,
        %get3A_582 = vector.shape_cast %get3A_581 : vector<1x16xf32> to vector<16xf32>
        %add3A_583 = arith.addf %get3A_578, %get3A_582 : vector<16xf32>
        %swap3A_584 = arith.constant 416 : index
        %swap3A_585 = tpu.vector_load %arg5[%swap3A_584] {strides = array<i32>} : memref<640xf32, #tpu.memory_space<vmem>>, vector<16xf32>,
        %swap3A_586 = vector.shape_cast %swap3A_585 : vector<16xf32> to vector<16xf32>
        %swap3A_587 = vector.shape_cast %add3A_583 : vector<16xf32> to vector<16xf32>
        tpu.vector_store %arg5[%swap3A_584], %swap3A_587 {strides = array<i32>} : memref<640xf32, #tpu.memory_space<vmem>>, vector<16xf32>,
        %get3A_588 = arith.constant 432 : index
        %get3A_589 = tpu.vector_load %arg5[%get3A_588] {strides = array<i32>} : memref<640xf32, #tpu.memory_space<vmem>>, vector<16xf32>,
        %get3A_590 = vector.shape_cast %get3A_589 : vector<16xf32> to vector<16xf32>
        %get3A_591 = arith.index_cast %scan3A_263 : i32 to index
        %get3A_592 = arith.constant 432 : index
        %get3A_593 = tpu.vector_load %arg4[%get3A_591, %get3A_592] {strides = array<i32>} : memref<64x640xf32, #tpu.memory_space<vmem>>, vector<1x16xf32>,
        %get3A_594 = vector.shape_cast %get3A_593 : vector<1x16xf32> to vector<16xf32>
        %add3A_595 = arith.addf %get3A_590, %get3A_594 : vector<16xf32>
        %swap3A_596 = arith.constant 432 : index
        %swap3A_597 = tpu.vector_load %arg5[%swap3A_596] {strides = array<i32>} : memref<640xf32, #tpu.memory_space<vmem>>, vector<16xf32>,
        %swap3A_598 = vector.shape_cast %swap3A_597 : vector<16xf32> to vector<16xf32>
        %swap3A_599 = vector.shape_cast %add3A_595 : vector<16xf32> to vector<16xf32>
        tpu.vector_store %arg5[%swap3A_596], %swap3A_599 {strides = array<i32>} : memref<640xf32, #tpu.memory_space<vmem>>, vector<16xf32>,
        %get3A_600 = arith.constant 448 : index
        %get3A_601 = tpu.vector_load %arg5[%get3A_600] {strides = array<i32>} : memref<640xf32, #tpu.memory_space<vmem>>, vector<16xf32>,
        %get3A_602 = vector.shape_cast %get3A_601 : vector<16xf32> to vector<16xf32>
        %get3A_603 = arith.index_cast %scan3A_263 : i32 to index
        %get3A_604 = arith.constant 448 : index
        %get3A_605 = tpu.vector_load %arg4[%get3A_603, %get3A_604] {strides = array<i32>} : memref<64x640xf32, #tpu.memory_space<vmem>>, vector<1x16xf32>,
        %get3A_606 = vector.shape_cast %get3A_605 : vector<1x16xf32> to vector<16xf32>
        %add3A_607 = arith.addf %get3A_602, %get3A_606 : vector<16xf32>
        %swap3A_608 = arith.constant 448 : index
        %swap3A_609 = tpu.vector_load %arg5[%swap3A_608] {strides = array<i32>} : memref<640xf32, #tpu.memory_space<vmem>>, vector<16xf32>,
        %swap3A_610 = vector.shape_cast %swap3A_609 : vector<16xf32> to vector<16xf32>
        %swap3A_611 = vector.shape_cast %add3A_607 : vector<16xf32> to vector<16xf32>
        tpu.vector_store %arg5[%swap3A_608], %swap3A_611 {strides = array<i32>} : memref<640xf32, #tpu.memory_space<vmem>>, vector<16xf32>,
        %get3A_612 = arith.constant 464 : index
        %get3A_613 = tpu.vector_load %arg5[%get3A_612] {strides = array<i32>} : memref<640xf32, #tpu.memory_space<vmem>>, vector<16xf32>,
        %get3A_614 = vector.shape_cast %get3A_613 : vector<16xf32> to vector<16xf32>
        %get3A_615 = arith.index_cast %scan3A_263 : i32 to index
        %get3A_616 = arith.constant 464 : index
        %get3A_617 = tpu.vector_load %arg4[%get3A_615, %get3A_616] {strides = array<i32>} : memref<64x640xf32, #tpu.memory_space<vmem>>, vector<1x16xf32>,
        %get3A_618 = vector.shape_cast %get3A_617 : vector<1x16xf32> to vector<16xf32>
        %add3A_619 = arith.addf %get3A_614, %get3A_618 : vector<16xf32>
        %swap3A_620 = arith.constant 464 : index
        %swap3A_621 = tpu.vector_load %arg5[%swap3A_620] {strides = array<i32>} : memref<640xf32, #tpu.memory_space<vmem>>, vector<16xf32>,
        %swap3A_622 = vector.shape_cast %swap3A_621 : vector<16xf32> to vector<16xf32>
        %swap3A_623 = vector.shape_cast %add3A_619 : vector<16xf32> to vector<16xf32>
        tpu.vector_store %arg5[%swap3A_620], %swap3A_623 {strides = array<i32>} : memref<640xf32, #tpu.memory_space<vmem>>, vector<16xf32>,
        %get3A_624 = arith.constant 480 : index
        %get3A_625 = tpu.vector_load %arg5[%get3A_624] {strides = array<i32>} : memref<640xf32, #tpu.memory_space<vmem>>, vector<16xf32>,
        %get3A_626 = vector.shape_cast %get3A_625 : vector<16xf32> to vector<16xf32>
        %get3A_627 = arith.index_cast %scan3A_263 : i32 to index
        %get3A_628 = arith.constant 480 : index
        %get3A_629 = tpu.vector_load %arg4[%get3A_627, %get3A_628] {strides = array<i32>} : memref<64x640xf32, #tpu.memory_space<vmem>>, vector<1x16xf32>,
        %get3A_630 = vector.shape_cast %get3A_629 : vector<1x16xf32> to vector<16xf32>
        %add3A_631 = arith.addf %get3A_626, %get3A_630 : vector<16xf32>
        %swap3A_632 = arith.constant 480 : index
        %swap3A_633 = tpu.vector_load %arg5[%swap3A_632] {strides = array<i32>} : memref<640xf32, #tpu.memory_space<vmem>>, vector<16xf32>,
        %swap3A_634 = vector.shape_cast %swap3A_633 : vector<16xf32> to vector<16xf32>
        %swap3A_635 = vector.shape_cast %add3A_631 : vector<16xf32> to vector<16xf32>
        tpu.vector_store %arg5[%swap3A_632], %swap3A_635 {strides = array<i32>} : memref<640xf32, #tpu.memory_space<vmem>>, vector<16xf32>,
        %get3A_636 = arith.constant 496 : index
        %get3A_637 = tpu.vector_load %arg5[%get3A_636] {strides = array<i32>} : memref<640xf32, #tpu.memory_space<vmem>>, vector<16xf32>,
        %get3A_638 = vector.shape_cast %get3A_637 : vector<16xf32> to vector<16xf32>
        %get3A_639 = arith.index_cast %scan3A_263 : i32 to index
        %get3A_640 = arith.constant 496 : index
        %get3A_641 = tpu.vector_load %arg4[%get3A_639, %get3A_640] {strides = array<i32>} : memref<64x640xf32, #tpu.memory_space<vmem>>, vector<1x16xf32>,
        %get3A_642 = vector.shape_cast %get3A_641 : vector<1x16xf32> to vector<16xf32>
        %add3A_643 = arith.addf %get3A_638, %get3A_642 : vector<16xf32>
        %swap3A_644 = arith.constant 496 : index
        %swap3A_645 = tpu.vector_load %arg5[%swap3A_644] {strides = array<i32>} : memref<640xf32, #tpu.memory_space<vmem>>, vector<16xf32>,
        %swap3A_646 = vector.shape_cast %swap3A_645 : vector<16xf32> to vector<16xf32>
        %swap3A_647 = vector.shape_cast %add3A_643 : vector<16xf32> to vector<16xf32>
        tpu.vector_store %arg5[%swap3A_644], %swap3A_647 {strides = array<i32>} : memref<640xf32, #tpu.memory_space<vmem>>, vector<16xf32>,
        %get3A_648 = arith.constant 512 : index
        %get3A_649 = tpu.vector_load %arg5[%get3A_648] {strides = array<i32>} : memref<640xf32, #tpu.memory_space<vmem>>, vector<16xf32>,
        %get3A_650 = vector.shape_cast %get3A_649 : vector<16xf32> to vector<16xf32>
        %get3A_651 = arith.index_cast %scan3A_263 : i32 to index
        %get3A_652 = arith.constant 512 : index
        %get3A_653 = tpu.vector_load %arg4[%get3A_651, %get3A_652] {strides = array<i32>} : memref<64x640xf32, #tpu.memory_space<vmem>>, vector<1x16xf32>,
        %get3A_654 = vector.shape_cast %get3A_653 : vector<1x16xf32> to vector<16xf32>
        %add3A_655 = arith.addf %get3A_650, %get3A_654 : vector<16xf32>
        %swap3A_656 = arith.constant 512 : index
        %swap3A_657 = tpu.vector_load %arg5[%swap3A_656] {strides = array<i32>} : memref<640xf32, #tpu.memory_space<vmem>>, vector<16xf32>,
        %swap3A_658 = vector.shape_cast %swap3A_657 : vector<16xf32> to vector<16xf32>
        %swap3A_659 = vector.shape_cast %add3A_655 : vector<16xf32> to vector<16xf32>
        tpu.vector_store %arg5[%swap3A_656], %swap3A_659 {strides = array<i32>} : memref<640xf32, #tpu.memory_space<vmem>>, vector<16xf32>,
        %get3A_660 = arith.constant 528 : index
        %get3A_661 = tpu.vector_load %arg5[%get3A_660] {strides = array<i32>} : memref<640xf32, #tpu.memory_space<vmem>>, vector<16xf32>,
        %get3A_662 = vector.shape_cast %get3A_661 : vector<16xf32> to vector<16xf32>
        %get3A_663 = arith.index_cast %scan3A_263 : i32 to index
        %get3A_664 = arith.constant 528 : index
        %get3A_665 = tpu.vector_load %arg4[%get3A_663, %get3A_664] {strides = array<i32>} : memref<64x640xf32, #tpu.memory_space<vmem>>, vector<1x16xf32>,
        %get3A_666 = vector.shape_cast %get3A_665 : vector<1x16xf32> to vector<16xf32>
        %add3A_667 = arith.addf %get3A_662, %get3A_666 : vector<16xf32>
        %swap3A_668 = arith.constant 528 : index
        %swap3A_669 = tpu.vector_load %arg5[%swap3A_668] {strides = array<i32>} : memref<640xf32, #tpu.memory_space<vmem>>, vector<16xf32>,
        %swap3A_670 = vector.shape_cast %swap3A_669 : vector<16xf32> to vector<16xf32>
        %swap3A_671 = vector.shape_cast %add3A_667 : vector<16xf32> to vector<16xf32>
        tpu.vector_store %arg5[%swap3A_668], %swap3A_671 {strides = array<i32>} : memref<640xf32, #tpu.memory_space<vmem>>, vector<16xf32>,
        %get3A_672 = arith.constant 544 : index
        %get3A_673 = tpu.vector_load %arg5[%get3A_672] {strides = array<i32>} : memref<640xf32, #tpu.memory_space<vmem>>, vector<16xf32>,
        %get3A_674 = vector.shape_cast %get3A_673 : vector<16xf32> to vector<16xf32>
        %get3A_675 = arith.index_cast %scan3A_263 : i32 to index
        %get3A_676 = arith.constant 544 : index
        %get3A_677 = tpu.vector_load %arg4[%get3A_675, %get3A_676] {strides = array<i32>} : memref<64x640xf32, #tpu.memory_space<vmem>>, vector<1x16xf32>,
        %get3A_678 = vector.shape_cast %get3A_677 : vector<1x16xf32> to vector<16xf32>
        %add3A_679 = arith.addf %get3A_674, %get3A_678 : vector<16xf32>
        %swap3A_680 = arith.constant 544 : index
        %swap3A_681 = tpu.vector_load %arg5[%swap3A_680] {strides = array<i32>} : memref<640xf32, #tpu.memory_space<vmem>>, vector<16xf32>,
        %swap3A_682 = vector.shape_cast %swap3A_681 : vector<16xf32> to vector<16xf32>
        %swap3A_683 = vector.shape_cast %add3A_679 : vector<16xf32> to vector<16xf32>
        tpu.vector_store %arg5[%swap3A_680], %swap3A_683 {strides = array<i32>} : memref<640xf32, #tpu.memory_space<vmem>>, vector<16xf32>,
        %get3A_684 = arith.constant 560 : index
        %get3A_685 = tpu.vector_load %arg5[%get3A_684] {strides = array<i32>} : memref<640xf32, #tpu.memory_space<vmem>>, vector<16xf32>,
        %get3A_686 = vector.shape_cast %get3A_685 : vector<16xf32> to vector<16xf32>
        %get3A_687 = arith.index_cast %scan3A_263 : i32 to index
        %get3A_688 = arith.constant 560 : index
        %get3A_689 = tpu.vector_load %arg4[%get3A_687, %get3A_688] {strides = array<i32>} : memref<64x640xf32, #tpu.memory_space<vmem>>, vector<1x16xf32>,
        %get3A_690 = vector.shape_cast %get3A_689 : vector<1x16xf32> to vector<16xf32>
        %add3A_691 = arith.addf %get3A_686, %get3A_690 : vector<16xf32>
        %swap3A_692 = arith.constant 560 : index
        %swap3A_693 = tpu.vector_load %arg5[%swap3A_692] {strides = array<i32>} : memref<640xf32, #tpu.memory_space<vmem>>, vector<16xf32>,
        %swap3A_694 = vector.shape_cast %swap3A_693 : vector<16xf32> to vector<16xf32>
        %swap3A_695 = vector.shape_cast %add3A_691 : vector<16xf32> to vector<16xf32>
        tpu.vector_store %arg5[%swap3A_692], %swap3A_695 {strides = array<i32>} : memref<640xf32, #tpu.memory_space<vmem>>, vector<16xf32>,
        %get3A_696 = arith.constant 576 : index
        %get3A_697 = tpu.vector_load %arg5[%get3A_696] {strides = array<i32>} : memref<640xf32, #tpu.memory_space<vmem>>, vector<16xf32>,
        %get3A_698 = vector.shape_cast %get3A_697 : vector<16xf32> to vector<16xf32>
        %get3A_699 = arith.index_cast %scan3A_263 : i32 to index
        %get3A_700 = arith.constant 576 : index
        %get3A_701 = tpu.vector_load %arg4[%get3A_699, %get3A_700] {strides = array<i32>} : memref<64x640xf32, #tpu.memory_space<vmem>>, vector<1x16xf32>,
        %get3A_702 = vector.shape_cast %get3A_701 : vector<1x16xf32> to vector<16xf32>
        %add3A_703 = arith.addf %get3A_698, %get3A_702 : vector<16xf32>
        %swap3A_704 = arith.constant 576 : index
        %swap3A_705 = tpu.vector_load %arg5[%swap3A_704] {strides = array<i32>} : memref<640xf32, #tpu.memory_space<vmem>>, vector<16xf32>,
        %swap3A_706 = vector.shape_cast %swap3A_705 : vector<16xf32> to vector<16xf32>
        %swap3A_707 = vector.shape_cast %add3A_703 : vector<16xf32> to vector<16xf32>
        tpu.vector_store %arg5[%swap3A_704], %swap3A_707 {strides = array<i32>} : memref<640xf32, #tpu.memory_space<vmem>>, vector<16xf32>,
        %get3A_708 = arith.constant 592 : index
        %get3A_709 = tpu.vector_load %arg5[%get3A_708] {strides = array<i32>} : memref<640xf32, #tpu.memory_space<vmem>>, vector<16xf32>,
        %get3A_710 = vector.shape_cast %get3A_709 : vector<16xf32> to vector<16xf32>
        %get3A_711 = arith.index_cast %scan3A_263 : i32 to index
        %get3A_712 = arith.constant 592 : index
        %get3A_713 = tpu.vector_load %arg4[%get3A_711, %get3A_712] {strides = array<i32>} : memref<64x640xf32, #tpu.memory_space<vmem>>, vector<1x16xf32>,
        %get3A_714 = vector.shape_cast %get3A_713 : vector<1x16xf32> to vector<16xf32>
        %add3A_715 = arith.addf %get3A_710, %get3A_714 : vector<16xf32>
        %swap3A_716 = arith.constant 592 : index
        %swap3A_717 = tpu.vector_load %arg5[%swap3A_716] {strides = array<i32>} : memref<640xf32, #tpu.memory_space<vmem>>, vector<16xf32>,
        %swap3A_718 = vector.shape_cast %swap3A_717 : vector<16xf32> to vector<16xf32>
        %swap3A_719 = vector.shape_cast %add3A_715 : vector<16xf32> to vector<16xf32>
        tpu.vector_store %arg5[%swap3A_716], %swap3A_719 {strides = array<i32>} : memref<640xf32, #tpu.memory_space<vmem>>, vector<16xf32>,
        %get3A_720 = arith.constant 608 : index
        %get3A_721 = tpu.vector_load %arg5[%get3A_720] {strides = array<i32>} : memref<640xf32, #tpu.memory_space<vmem>>, vector<16xf32>,
        %get3A_722 = vector.shape_cast %get3A_721 : vector<16xf32> to vector<16xf32>
        %get3A_723 = arith.index_cast %scan3A_263 : i32 to index
        %get3A_724 = arith.constant 608 : index
        %get3A_725 = tpu.vector_load %arg4[%get3A_723, %get3A_724] {strides = array<i32>} : memref<64x640xf32, #tpu.memory_space<vmem>>, vector<1x16xf32>,
        %get3A_726 = vector.shape_cast %get3A_725 : vector<1x16xf32> to vector<16xf32>
        %add3A_727 = arith.addf %get3A_722, %get3A_726 : vector<16xf32>
        %swap3A_728 = arith.constant 608 : index
        %swap3A_729 = tpu.vector_load %arg5[%swap3A_728] {strides = array<i32>} : memref<640xf32, #tpu.memory_space<vmem>>, vector<16xf32>,
        %swap3A_730 = vector.shape_cast %swap3A_729 : vector<16xf32> to vector<16xf32>
        %swap3A_731 = vector.shape_cast %add3A_727 : vector<16xf32> to vector<16xf32>
        tpu.vector_store %arg5[%swap3A_728], %swap3A_731 {strides = array<i32>} : memref<640xf32, #tpu.memory_space<vmem>>, vector<16xf32>,
        %get3A_732 = arith.constant 624 : index
        %get3A_733 = tpu.vector_load %arg5[%get3A_732] {strides = array<i32>} : memref<640xf32, #tpu.memory_space<vmem>>, vector<16xf32>,
        %get3A_734 = vector.shape_cast %get3A_733 : vector<16xf32> to vector<16xf32>
        %get3A_735 = arith.index_cast %scan3A_263 : i32 to index
        %get3A_736 = arith.constant 624 : index
        %get3A_737 = tpu.vector_load %arg4[%get3A_735, %get3A_736] {strides = array<i32>} : memref<64x640xf32, #tpu.memory_space<vmem>>, vector<1x16xf32>,
        %get3A_738 = vector.shape_cast %get3A_737 : vector<1x16xf32> to vector<16xf32>
        %add3A_739 = arith.addf %get3A_734, %get3A_738 : vector<16xf32>
        %swap3A_740 = arith.constant 624 : index
        %swap3A_741 = tpu.vector_load %arg5[%swap3A_740] {strides = array<i32>} : memref<640xf32, #tpu.memory_space<vmem>>, vector<16xf32>,
        %swap3A_742 = vector.shape_cast %swap3A_741 : vector<16xf32> to vector<16xf32>
        %swap3A_743 = vector.shape_cast %add3A_739 : vector<16xf32> to vector<16xf32>
        tpu.vector_store %arg5[%swap3A_740], %swap3A_743 {strides = array<i32>} : memref<640xf32, #tpu.memory_space<vmem>>, vector<16xf32>,
        %scan3A_744 = arith.constant 0 : i32
        scf.yield %scan3A_744 : i32
      }
      %scan3A_258 = arith.constant 64 : i32
      %mul3A_259 = arith.constant 84 : i32
      %mul3A_260 = arith.muli %add3A, %mul3A_259 : i32
      %add3A_261 = arith.addi %mul3A_260, %scan3A_9 : i32
      "tpu.region"() ({
        %run_scoped3A = tpu.sem_alloc : memref<!tpu.dma_semaphore, #tpu.memory_space<semaphore_mem>>
        %dma_start3A = arith.constant 0 : i32
        %dma_start3A_263 = tpu.memref_slice %arg3[%add3A_261, %dma_start3A] : memref<2688x640xf32, #tpu.memory_space<hbm>> -> memref<1x640xf32, #tpu.memory_space<hbm>>
        %dma_start3A_264 = tpu.memref_squeeze %dma_start3A_263 : memref<1x640xf32, #tpu.memory_space<hbm>> -> memref<640xf32, #tpu.memory_space<hbm>>
        %dma_start3A_265 = arith.constant 0 : i32
        %dma_start3A_266 = tpu.memref_slice %arg3[%add3A_261, %dma_start3A_265] : memref<2688x640xf32, #tpu.memory_space<hbm>> -> memref<1x640xf32, #tpu.memory_space<hbm>>
        %dma_start3A_267 = tpu.memref_squeeze %dma_start3A_266 : memref<1x640xf32, #tpu.memory_space<hbm>> -> memref<640xf32, #tpu.memory_space<hbm>>
        tpu.enqueue_dma source(%arg5 : memref<640xf32, #tpu.memory_space<vmem>>) target(%dma_start3A_267 : memref<640xf32, #tpu.memory_space<hbm>>) target_semaphore(%run_scoped3A : memref<!tpu.dma_semaphore, #tpu.memory_space<semaphore_mem>>)
        %dma_wait3A = arith.constant 0 : i32
        %dma_wait3A_268 = tpu.memref_slice %arg3[%add3A_261, %dma_wait3A] : memref<2688x640xf32, #tpu.memory_space<hbm>> -> memref<1x640xf32, #tpu.memory_space<hbm>>
        %dma_wait3A_269 = tpu.memref_squeeze %dma_wait3A_268 : memref<1x640xf32, #tpu.memory_space<hbm>> -> memref<640xf32, #tpu.memory_space<hbm>>
        %dma_wait3A_270 = arith.constant 0 : i32
        %dma_wait3A_271 = tpu.memref_slice %arg3[%add3A_261, %dma_wait3A_270] : memref<2688x640xf32, #tpu.memory_space<hbm>> -> memref<1x640xf32, #tpu.memory_space<hbm>>
        %dma_wait3A_272 = tpu.memref_squeeze %dma_wait3A_271 : memref<1x640xf32, #tpu.memory_space<hbm>> -> memref<640xf32, #tpu.memory_space<hbm>>
        tpu.wait_dma2 semaphore(%run_scoped3A : memref<!tpu.dma_semaphore, #tpu.memory_space<semaphore_mem>>) src(%arg5 : memref<640xf32, #tpu.memory_space<vmem>>) dst(%dma_wait3A_272 : memref<640xf32, #tpu.memory_space<hbm>>)
        tpu.yield
      }) : () -> ()
      %scan3A_262 = arith.constant 0 : i32
      scf.yield %scan3A_262 : i32
    }
    %scan3A_8 = arith.constant 84 : i32
    return
  }
}

#map = affine_map<(d0, d1) -> (0, 0)>
#map1 = affine_map<(d0, d1) -> (0)>
module attributes {stable_mosaic.version = 14 : i64} {
  func.func @_g(%arg0: i32, %arg1: i32, %arg2: memref<172032x640xf32, #tpu.memory_space<hbm>>, %arg3: memref<22528xi32, #tpu.memory_space<hbm>>, %arg4: memref<22528x640xf32, #tpu.memory_space<hbm>>, %arg5: memref<64xi32, #tpu.memory_space<vmem>>, %arg6: memref<64x640xf32, #tpu.memory_space<vmem>>, %arg7: memref<!tpu.dma_semaphore, #tpu.memory_space<semaphore_mem>>) attributes {dimension_semantics = [#tpu.dimension_semantics<core_parallel>, #tpu.dimension_semantics<subcore_parallel>], iteration_bounds = array<i64: 2, 16>, scalar_prefetch = 0 : i64, scratch_operands = 3 : i64, tpu.core_type = #tpu.core_type<sc_vector_subcore>, window_params = [{transform_indices = #map}, {transform_indices = #map1}, {transform_indices = #map}]} {
    %mul3A = arith.constant 2 : i32
    %mul3A_0 = arith.muli %arg1, %mul3A : i32
    %add3A = arith.addi %mul3A_0, %arg0 : i32
    %mul3A_1 = arith.constant 704 : i32
    %mul3A_2 = arith.muli %add3A, %mul3A_1 : i32
    %scan3A = arith.constant 0 : i32
    %scan3A_3 = arith.constant 0 : i32
    %scan3A_4 = arith.constant 11 : i32
    %scan3A_5 = arith.addi %scan3A_3, %scan3A_4 : i32
    %scan3A_6 = arith.constant 1 : i32
    %scan3A_7 = scf.for %scan3A_9 = %scan3A_3 to %scan3A_5 step %scan3A_6 iter_args(%scan3A_10 = %scan3A) -> (i32)  : i32 {
      %mul3A_11 = arith.constant 64 : i32
      %mul3A_12 = arith.muli %scan3A_9, %mul3A_11 : i32
      %add3A_13 = arith.addi %mul3A_2, %mul3A_12 : i32
      "tpu.region"() ({
        %run_scoped3A = tpu.sem_alloc : memref<!tpu.dma_semaphore, #tpu.memory_space<semaphore_mem>>
        %dma_start3A_19 = tpu.memref_slice %arg3[%add3A_13] : memref<22528xi32, #tpu.memory_space<hbm>> -> memref<64xi32, #tpu.memory_space<hbm>>
        %dma_start3A_20 = tpu.memref_slice %arg3[%add3A_13] : memref<22528xi32, #tpu.memory_space<hbm>> -> memref<64xi32, #tpu.memory_space<hbm>>
        tpu.enqueue_dma source(%dma_start3A_20 : memref<64xi32, #tpu.memory_space<hbm>>) target(%arg5 : memref<64xi32, #tpu.memory_space<vmem>>) target_semaphore(%run_scoped3A : memref<!tpu.dma_semaphore, #tpu.memory_space<semaphore_mem>>)
        %dma_wait3A_21 = tpu.memref_slice %arg3[%add3A_13] : memref<22528xi32, #tpu.memory_space<hbm>> -> memref<64xi32, #tpu.memory_space<hbm>>
        %dma_wait3A_22 = tpu.memref_slice %arg3[%add3A_13] : memref<22528xi32, #tpu.memory_space<hbm>> -> memref<64xi32, #tpu.memory_space<hbm>>
        tpu.wait_dma2 semaphore(%run_scoped3A : memref<!tpu.dma_semaphore, #tpu.memory_space<semaphore_mem>>) src(%dma_wait3A_22 : memref<64xi32, #tpu.memory_space<hbm>>) dst(%arg5 : memref<64xi32, #tpu.memory_space<vmem>>)
        tpu.yield
      }) : () -> ()
      %dma_start3A = arith.constant 0 : i32
      %dma_start3A_14 = arith.constant 0 : i32
      %dma_start3A_15 = tpu.memref_slice %arg2[%dma_start3A, %dma_start3A_14] : memref<172032x640xf32, #tpu.memory_space<hbm>> -> memref<172032x640xf32, #tpu.memory_space<hbm>>
      tpu.enqueue_indirect_dma source(%dma_start3A_15 : memref<172032x640xf32, #tpu.memory_space<hbm>>) target(%arg6 : memref<64x640xf32, #tpu.memory_space<vmem>>) offsets(%arg5 : memref<64xi32, #tpu.memory_space<vmem>>) semaphore(%arg7 : memref<!tpu.dma_semaphore, #tpu.memory_space<semaphore_mem>>)
      %dma_wait3A = arith.constant 0 : i32
      %dma_wait3A_16 = arith.constant 0 : i32
      %dma_wait3A_17 = tpu.memref_slice %arg2[%dma_wait3A, %dma_wait3A_16] : memref<172032x640xf32, #tpu.memory_space<hbm>> -> memref<172032x640xf32, #tpu.memory_space<hbm>>
      tpu.wait_indirect_dma semaphore(%arg7 : memref<!tpu.dma_semaphore, #tpu.memory_space<semaphore_mem>>) src(%dma_wait3A_17 : memref<172032x640xf32, #tpu.memory_space<hbm>>) dst(%arg6 : memref<64x640xf32, #tpu.memory_space<vmem>>)
      "tpu.region"() ({
        %run_scoped3A = tpu.sem_alloc : memref<!tpu.dma_semaphore, #tpu.memory_space<semaphore_mem>>
        %dma_start3A_19 = arith.constant 0 : i32
        %dma_start3A_20 = tpu.memref_slice %arg4[%add3A_13, %dma_start3A_19] : memref<22528x640xf32, #tpu.memory_space<hbm>> -> memref<64x640xf32, #tpu.memory_space<hbm>>
        %dma_start3A_21 = arith.constant 0 : i32
        %dma_start3A_22 = tpu.memref_slice %arg4[%add3A_13, %dma_start3A_21] : memref<22528x640xf32, #tpu.memory_space<hbm>> -> memref<64x640xf32, #tpu.memory_space<hbm>>
        tpu.enqueue_dma source(%arg6 : memref<64x640xf32, #tpu.memory_space<vmem>>) target(%dma_start3A_22 : memref<64x640xf32, #tpu.memory_space<hbm>>) target_semaphore(%run_scoped3A : memref<!tpu.dma_semaphore, #tpu.memory_space<semaphore_mem>>)
        %dma_wait3A_23 = arith.constant 0 : i32
        %dma_wait3A_24 = tpu.memref_slice %arg4[%add3A_13, %dma_wait3A_23] : memref<22528x640xf32, #tpu.memory_space<hbm>> -> memref<64x640xf32, #tpu.memory_space<hbm>>
        %dma_wait3A_25 = arith.constant 0 : i32
        %dma_wait3A_26 = tpu.memref_slice %arg4[%add3A_13, %dma_wait3A_25] : memref<22528x640xf32, #tpu.memory_space<hbm>> -> memref<64x640xf32, #tpu.memory_space<hbm>>
        tpu.wait_dma2 semaphore(%run_scoped3A : memref<!tpu.dma_semaphore, #tpu.memory_space<semaphore_mem>>) src(%arg6 : memref<64x640xf32, #tpu.memory_space<vmem>>) dst(%dma_wait3A_26 : memref<64x640xf32, #tpu.memory_space<hbm>>)
        tpu.yield
      }) : () -> ()
      %scan3A_18 = arith.constant 0 : i32
      scf.yield %scan3A_18 : i32
    }
    %scan3A_8 = arith.constant 11 : i32
    return
  }
}

module attributes {stable_mosaic.version = 14 : i64} {
  func.func @_proj_body(%arg0: i32, %arg1: memref<1000x16xf32, #tpu.memory_space<vmem>>, %arg2: memref<16x512xf32, #tpu.memory_space<vmem>>, %arg3: memref<1x512xf32, #tpu.memory_space<vmem>>, %arg4: memref<16x512xf32, #tpu.memory_space<vmem>>, %arg5: memref<1x512xf32, #tpu.memory_space<vmem>>, %arg6: memref<1000x512xf32, #tpu.memory_space<vmem>>, %arg7: memref<1000x512xf32, #tpu.memory_space<vmem>>) attributes {dimension_semantics = [#tpu.dimension_semantics<arbitrary>], iteration_bounds = array<i64: 10>, scalar_prefetch = 0 : i64, scratch_operands = 0 : i64, tpu.core_type = #tpu.core_type<tc>, window_params = [{transform_indices = @transform_0, window_bounds = array<i64: 1000, 16>}, {pipeline_mode = #tpu.pipeline_mode<synchronous>, transform_indices = @transform_1, window_bounds = array<i64: 16, 512>}, {pipeline_mode = #tpu.pipeline_mode<synchronous>, transform_indices = @transform_2, window_bounds = array<i64: 1, 512>}, {pipeline_mode = #tpu.pipeline_mode<synchronous>, transform_indices = @transform_3, window_bounds = array<i64: 16, 512>}, {pipeline_mode = #tpu.pipeline_mode<synchronous>, transform_indices = @transform_4, window_bounds = array<i64: 1, 512>}, {transform_indices = @transform_5, window_bounds = array<i64: 1000, 512>}, {transform_indices = @transform_6, window_bounds = array<i64: 1000, 512>}]} {
    %get3A = arith.constant 0 : index
    %get3A_0 = arith.constant 0 : index
    %get3A_1 = vector.load %arg1[%get3A, %get3A_0] : memref<1000x16xf32, #tpu.memory_space<vmem>>, vector<1000x16xf32>
    %get3A_2 = arith.constant 0 : index
    %get3A_3 = arith.constant 0 : index
    %get3A_4 = vector.load %arg2[%get3A_2, %get3A_3] : memref<16x512xf32, #tpu.memory_space<vmem>>, vector<16x512xf32>
    %dot_general3A = arith.constant dense<0.000000e+00> : vector<1000x512xf32>
    %dot_general3A_5 = tpu.matmul %get3A_1, %get3A_4, %dot_general3A {dimension_numbers = #tpu.dot_dimension_numbers<[1], [0], [0], [1], [0, 0, 1, 1], [], []>, transpose_lhs_hint = false} : vector<1000x16xf32>, vector<16x512xf32>, vector<1000x512xf32> -> vector<1000x512xf32>
    %get3A_6 = arith.constant 0 : index
    %get3A_7 = arith.constant 0 : index
    %get3A_8 = vector.load %arg3[%get3A_6, %get3A_7] : memref<1x512xf32, #tpu.memory_space<vmem>>, vector<1x512xf32>
    %add3A = vector.broadcast %get3A_8 : vector<1x512xf32> to vector<1000x512xf32>
    %add3A_9 = arith.addf %dot_general3A_5, %add3A : vector<1000x512xf32>
    %swap3A = arith.constant 0 : index
    %swap3A_10 = arith.constant 0 : index
    %swap3A_11 = vector.load %arg6[%swap3A, %swap3A_10] : memref<1000x512xf32, #tpu.memory_space<vmem>>, vector<1000x512xf32>
    tpu.vector_store %arg6[%swap3A, %swap3A_10], %add3A_9 {strides = array<i32>} : memref<1000x512xf32, #tpu.memory_space<vmem>>, vector<1000x512xf32>,
    %get3A_12 = arith.constant 0 : index
    %get3A_13 = arith.constant 0 : index
    %get3A_14 = vector.load %arg4[%get3A_12, %get3A_13] : memref<16x512xf32, #tpu.memory_space<vmem>>, vector<16x512xf32>
    %dot_general3A_15 = arith.constant dense<0.000000e+00> : vector<1000x512xf32>
    %dot_general3A_16 = tpu.matmul %get3A_1, %get3A_14, %dot_general3A_15 {dimension_numbers = #tpu.dot_dimension_numbers<[1], [0], [0], [1], [0, 0, 1, 1], [], []>, transpose_lhs_hint = false} : vector<1000x16xf32>, vector<16x512xf32>, vector<1000x512xf32> -> vector<1000x512xf32>
    %get3A_17 = arith.constant 0 : index
    %get3A_18 = arith.constant 0 : index
    %get3A_19 = vector.load %arg5[%get3A_17, %get3A_18] : memref<1x512xf32, #tpu.memory_space<vmem>>, vector<1x512xf32>
    %add3A_20 = vector.broadcast %get3A_19 : vector<1x512xf32> to vector<1000x512xf32>
    %add3A_21 = arith.addf %dot_general3A_16, %add3A_20 : vector<1000x512xf32>
    %swap3A_22 = arith.constant 0 : index
    %swap3A_23 = arith.constant 0 : index
    %swap3A_24 = vector.load %arg7[%swap3A_22, %swap3A_23] : memref<1000x512xf32, #tpu.memory_space<vmem>>, vector<1000x512xf32>
    tpu.vector_store %arg7[%swap3A_22, %swap3A_23], %add3A_21 {strides = array<i32>} : memref<1000x512xf32, #tpu.memory_space<vmem>>, vector<1000x512xf32>,
    return
  }
  func.func @transform_0(%arg0: i32) -> (i32, i32) {
    %c0_i32 = arith.constant 0 : i32
    %c0_i32_0 = arith.constant 0 : i32
    return %arg0, %c0_i32 : i32, i32
  }
  func.func @transform_1(%arg0: i32) -> (i32, i32) {
    %c0_i32 = arith.constant 0 : i32
    %c0_i32_0 = arith.constant 0 : i32
    %c0_i32_1 = arith.constant 0 : i32
    return %c0_i32, %c0_i32_0 : i32, i32
  }
  func.func @transform_2(%arg0: i32) -> (i32, i32) {
    %c0_i32 = arith.constant 0 : i32
    %c0_i32_0 = arith.constant 0 : i32
    %c0_i32_1 = arith.constant 0 : i32
    return %c0_i32, %c0_i32_0 : i32, i32
  }
  func.func @transform_3(%arg0: i32) -> (i32, i32) {
    %c0_i32 = arith.constant 0 : i32
    %c0_i32_0 = arith.constant 0 : i32
    %c0_i32_1 = arith.constant 0 : i32
    return %c0_i32, %c0_i32_0 : i32, i32
  }
  func.func @transform_4(%arg0: i32) -> (i32, i32) {
    %c0_i32 = arith.constant 0 : i32
    %c0_i32_0 = arith.constant 0 : i32
    %c0_i32_1 = arith.constant 0 : i32
    return %c0_i32, %c0_i32_0 : i32, i32
  }
  func.func @transform_5(%arg0: i32) -> (i32, i32) {
    %c0_i32 = arith.constant 0 : i32
    %c0_i32_0 = arith.constant 0 : i32
    return %arg0, %c0_i32 : i32, i32
  }
  func.func @transform_6(%arg0: i32) -> (i32, i32) {
    %c0_i32 = arith.constant 0 : i32
    %c0_i32_0 = arith.constant 0 : i32
    return %arg0, %c0_i32 : i32, i32
  }
}

module attributes {stable_mosaic.version = 14 : i64} {
  func.func @_edge_body(%arg0: i32, %arg1: memref<2048x512xf32, #tpu.memory_space<vmem>>, %arg2: memref<2048x512xf32, #tpu.memory_space<vmem>>, %arg3: memref<1x512xf32, #tpu.memory_space<vmem>>, %arg4: memref<512x4xf32, #tpu.memory_space<vmem>>, %arg5: memref<4x512xf32, #tpu.memory_space<vmem>>, %arg6: memref<4x128xf32, #tpu.memory_space<vmem>>, %arg7: memref<2048x640xf32, #tpu.memory_space<vmem>>) attributes {dimension_semantics = [#tpu.dimension_semantics<arbitrary>], iteration_bounds = array<i64: 84>, scalar_prefetch = 0 : i64, scratch_operands = 0 : i64, tpu.core_type = #tpu.core_type<tc>, window_params = [{transform_indices = @transform_0, window_bounds = array<i64: 2048, 512>}, {transform_indices = @transform_1, window_bounds = array<i64: 2048, 512>}, {pipeline_mode = #tpu.pipeline_mode<synchronous>, transform_indices = @transform_2, window_bounds = array<i64: 1, 512>}, {pipeline_mode = #tpu.pipeline_mode<synchronous>, transform_indices = @transform_3, window_bounds = array<i64: 512, 4>}, {pipeline_mode = #tpu.pipeline_mode<synchronous>, transform_indices = @transform_4, window_bounds = array<i64: 4, 512>}, {pipeline_mode = #tpu.pipeline_mode<synchronous>, transform_indices = @transform_5, window_bounds = array<i64: 4, 128>}, {transform_indices = @transform_6, window_bounds = array<i64: 2048, 640>}]} {
    %get3A = arith.constant 0 : index
    %get3A_0 = arith.constant 0 : index
    %get3A_1 = vector.load %arg1[%get3A, %get3A_0] : memref<2048x512xf32, #tpu.memory_space<vmem>>, vector<2048x512xf32>
    %get3A_2 = arith.constant 0 : index
    %get3A_3 = arith.constant 0 : index
    %get3A_4 = vector.load %arg2[%get3A_2, %get3A_3] : memref<2048x512xf32, #tpu.memory_space<vmem>>, vector<2048x512xf32>
    %add3A = arith.addf %get3A_1, %get3A_4 : vector<2048x512xf32>
    %gt3A = arith.constant 0.000000e+00 : f32
    %gt3A_5 = vector.broadcast %gt3A : f32 to vector<2048x512xf32>
    %gt3A_6 = arith.cmpf ogt, %add3A, %gt3A_5 : vector<2048x512xf32>
    %mul3A = arith.constant 2.000000e-01 : f32
    %mul3A_7 = vector.broadcast %mul3A : f32 to vector<2048x512xf32>
    %mul3A_8 = arith.mulf %mul3A_7, %add3A : vector<2048x512xf32>
    %select_n3A = arith.select %gt3A_6, %add3A, %mul3A_8 : vector<2048x512xi1>, vector<2048x512xf32>
    %get3A_9 = arith.constant 0 : index
    %get3A_10 = arith.constant 0 : index
    %get3A_11 = vector.load %arg3[%get3A_9, %get3A_10] : memref<1x512xf32, #tpu.memory_space<vmem>>, vector<1x512xf32>
    %mul3A_12 = vector.broadcast %get3A_11 : vector<1x512xf32> to vector<2048x512xf32>
    %mul3A_13 = arith.mulf %select_n3A, %mul3A_12 : vector<2048x512xf32>
    %get3A_14 = arith.constant 0 : index
    %get3A_15 = arith.constant 0 : index
    %get3A_16 = vector.load %arg4[%get3A_14, %get3A_15] : memref<512x4xf32, #tpu.memory_space<vmem>>, vector<512x4xf32>
    %dot_general3A = arith.constant dense<0.000000e+00> : vector<2048x4xf32>
    %dot_general3A_17 = tpu.matmul %mul3A_13, %get3A_16, %dot_general3A {dimension_numbers = #tpu.dot_dimension_numbers<[1], [0], [0], [1], [0, 0, 1, 1], [], []>, transpose_lhs_hint = false} : vector<2048x512xf32>, vector<512x4xf32>, vector<2048x4xf32> -> vector<2048x4xf32>
    %exp3A = math.exp %dot_general3A_17 : vector<2048x4xf32>
    %get3A_18 = arith.constant 0 : index
    %get3A_19 = arith.constant 0 : index
    %get3A_20 = vector.load %arg5[%get3A_18, %get3A_19] : memref<4x512xf32, #tpu.memory_space<vmem>>, vector<4x512xf32>
    %dot_general3A_21 = arith.constant dense<0.000000e+00> : vector<2048x512xf32>
    %dot_general3A_22 = tpu.matmul %exp3A, %get3A_20, %dot_general3A_21 {dimension_numbers = #tpu.dot_dimension_numbers<[1], [0], [0], [1], [0, 0, 1, 1], [], []>, transpose_lhs_hint = false} : vector<2048x4xf32>, vector<4x512xf32>, vector<2048x512xf32> -> vector<2048x512xf32>
    %get3A_23 = arith.constant 0 : index
    %get3A_24 = arith.constant 0 : index
    %get3A_25 = vector.load %arg6[%get3A_23, %get3A_24] : memref<4x128xf32, #tpu.memory_space<vmem>>, vector<4x128xf32>
    %dot_general3A_26 = arith.constant dense<0.000000e+00> : vector<2048x128xf32>
    %dot_general3A_27 = tpu.matmul %exp3A, %get3A_25, %dot_general3A_26 {dimension_numbers = #tpu.dot_dimension_numbers<[1], [0], [0], [1], [0, 0, 1, 1], [], []>, transpose_lhs_hint = false} : vector<2048x4xf32>, vector<4x128xf32>, vector<2048x128xf32> -> vector<2048x128xf32>
    %get3A_28 = arith.constant 0 : index
    %get3A_29 = arith.constant 0 : index
    %get3A_30 = vector.load %arg1[%get3A_28, %get3A_29] : memref<2048x512xf32, #tpu.memory_space<vmem>>, vector<2048x512xf32>
    %mul3A_31 = arith.mulf %get3A_30, %dot_general3A_22 : vector<2048x512xf32>
    %concatenate3A = tpu.concatenate %mul3A_31, %dot_general3A_27 in 1 : vector<2048x512xf32>, vector<2048x128xf32> -> vector<2048x640xf32>
    %swap3A = arith.constant 0 : index
    %swap3A_32 = arith.constant 0 : index
    %swap3A_33 = vector.load %arg7[%swap3A, %swap3A_32] : memref<2048x640xf32, #tpu.memory_space<vmem>>, vector<2048x640xf32>
    tpu.vector_store %arg7[%swap3A, %swap3A_32], %concatenate3A {strides = array<i32>} : memref<2048x640xf32, #tpu.memory_space<vmem>>, vector<2048x640xf32>,
    return
  }
  func.func @transform_0(%arg0: i32) -> (i32, i32) {
    %c0_i32 = arith.constant 0 : i32
    %c0_i32_0 = arith.constant 0 : i32
    return %arg0, %c0_i32 : i32, i32
  }
  func.func @transform_1(%arg0: i32) -> (i32, i32) {
    %c0_i32 = arith.constant 0 : i32
    %c0_i32_0 = arith.constant 0 : i32
    return %arg0, %c0_i32 : i32, i32
  }
  func.func @transform_2(%arg0: i32) -> (i32, i32) {
    %c0_i32 = arith.constant 0 : i32
    %c0_i32_0 = arith.constant 0 : i32
    %c0_i32_1 = arith.constant 0 : i32
    return %c0_i32, %c0_i32_0 : i32, i32
  }
  func.func @transform_3(%arg0: i32) -> (i32, i32) {
    %c0_i32 = arith.constant 0 : i32
    %c0_i32_0 = arith.constant 0 : i32
    %c0_i32_1 = arith.constant 0 : i32
    return %c0_i32, %c0_i32_0 : i32, i32
  }
  func.func @transform_4(%arg0: i32) -> (i32, i32) {
    %c0_i32 = arith.constant 0 : i32
    %c0_i32_0 = arith.constant 0 : i32
    %c0_i32_1 = arith.constant 0 : i32
    return %c0_i32, %c0_i32_0 : i32, i32
  }
  func.func @transform_5(%arg0: i32) -> (i32, i32) {
    %c0_i32 = arith.constant 0 : i32
    %c0_i32_0 = arith.constant 0 : i32
    %c0_i32_1 = arith.constant 0 : i32
    return %c0_i32, %c0_i32_0 : i32, i32
  }
  func.func @transform_6(%arg0: i32) -> (i32, i32) {
    %c0_i32 = arith.constant 0 : i32
    %c0_i32_0 = arith.constant 0 : i32
    return %arg0, %c0_i32 : i32, i32
  }
}

module attributes {stable_mosaic.version = 14 : i64} {
  func.func @_scan_body(%arg0: i32, %arg1: memref<1000x2688xf32, #tpu.memory_space<vmem>>, %arg2: memref<2688x640xf32, #tpu.memory_space<vmem>>, %arg3: memref<1000x640xf32, #tpu.memory_space<vmem>>) attributes {dimension_semantics = [#tpu.dimension_semantics<arbitrary>], iteration_bounds = array<i64: 10>, scalar_prefetch = 0 : i64, scratch_operands = 0 : i64, tpu.core_type = #tpu.core_type<tc>, window_params = [{transform_indices = @transform_0, window_bounds = array<i64: 1000, 2688>}, {pipeline_mode = #tpu.pipeline_mode<synchronous>, transform_indices = @transform_1, window_bounds = array<i64: 2688, 640>}, {transform_indices = @transform_2, window_bounds = array<i64: 1000, 640>}]} {
    %get3A = arith.constant 0 : index
    %get3A_0 = arith.constant 0 : index
    %get3A_1 = vector.load %arg1[%get3A, %get3A_0] : memref<1000x2688xf32, #tpu.memory_space<vmem>>, vector<1000x2688xf32>
    %get3A_2 = arith.constant 0 : index
    %get3A_3 = arith.constant 0 : index
    %get3A_4 = vector.load %arg2[%get3A_2, %get3A_3] : memref<2688x640xf32, #tpu.memory_space<vmem>>, vector<2688x640xf32>
    %dot_general3A = arith.constant dense<0.000000e+00> : vector<1000x640xf32>
    %dot_general3A_5 = tpu.matmul %get3A_1, %get3A_4, %dot_general3A {dimension_numbers = #tpu.dot_dimension_numbers<[1], [0], [0], [1], [0, 0, 1, 1], [], []>, transpose_lhs_hint = false} : vector<1000x2688xf32>, vector<2688x640xf32>, vector<1000x640xf32> -> vector<1000x640xf32>
    %swap3A = arith.constant 0 : index
    %swap3A_6 = arith.constant 0 : index
    %swap3A_7 = vector.load %arg3[%swap3A, %swap3A_6] : memref<1000x640xf32, #tpu.memory_space<vmem>>, vector<1000x640xf32>
    tpu.vector_store %arg3[%swap3A, %swap3A_6], %dot_general3A_5 {strides = array<i32>} : memref<1000x640xf32, #tpu.memory_space<vmem>>, vector<1000x640xf32>,
    return
  }
  func.func @transform_0(%arg0: i32) -> (i32, i32) {
    %c0_i32 = arith.constant 0 : i32
    %c0_i32_0 = arith.constant 0 : i32
    return %arg0, %c0_i32 : i32, i32
  }
  func.func @transform_1(%arg0: i32) -> (i32, i32) {
    %c0_i32 = arith.constant 0 : i32
    %c0_i32_0 = arith.constant 0 : i32
    %c0_i32_1 = arith.constant 0 : i32
    return %c0_i32, %c0_i32_0 : i32, i32
  }
  func.func @transform_2(%arg0: i32) -> (i32, i32) {
    %c0_i32 = arith.constant 0 : i32
    %c0_i32_0 = arith.constant 0 : i32
    return %arg0, %c0_i32 : i32, i32
  }
}

module attributes {stable_mosaic.version = 14 : i64} {
  func.func @_final_body(%arg0: i32, %arg1: memref<1000x640xf32, #tpu.memory_space<vmem>>, %arg2: memref<1000x640xf32, #tpu.memory_space<vmem>>, %arg3: memref<1000x1xf32, #tpu.memory_space<vmem>>, %arg4: memref<1000x640xf32, #tpu.memory_space<vmem>>, %arg5: memref<640x512xf32, #tpu.memory_space<vmem>>, %arg6: memref<1x512xf32, #tpu.memory_space<vmem>>, %arg7: memref<1000x512xf32, #tpu.memory_space<vmem>>) attributes {dimension_semantics = [#tpu.dimension_semantics<arbitrary>], iteration_bounds = array<i64: 10>, scalar_prefetch = 0 : i64, scratch_operands = 0 : i64, tpu.core_type = #tpu.core_type<tc>, window_params = [{transform_indices = @transform_0, window_bounds = array<i64: 1000, 640>}, {transform_indices = @transform_1, window_bounds = array<i64: 1000, 640>}, {transform_indices = @transform_2, window_bounds = array<i64: 1000, 1>}, {transform_indices = @transform_3, window_bounds = array<i64: 1000, 640>}, {pipeline_mode = #tpu.pipeline_mode<synchronous>, transform_indices = @transform_4, window_bounds = array<i64: 640, 512>}, {pipeline_mode = #tpu.pipeline_mode<synchronous>, transform_indices = @transform_5, window_bounds = array<i64: 1, 512>}, {transform_indices = @transform_6, window_bounds = array<i64: 1000, 512>}]} {
    %get3A = arith.constant 0 : index
    %get3A_0 = arith.constant 0 : index
    %get3A_1 = vector.load %arg1[%get3A, %get3A_0] : memref<1000x640xf32, #tpu.memory_space<vmem>>, vector<1000x640xf32>
    %get3A_2 = arith.constant 0 : index
    %get3A_3 = arith.constant 0 : index
    %get3A_4 = vector.load %arg2[%get3A_2, %get3A_3] : memref<1000x640xf32, #tpu.memory_space<vmem>>, vector<1000x640xf32>
    %get3A_5 = arith.constant 0 : index
    %get3A_6 = arith.constant 0 : index
    %get3A_7 = vector.load %arg3[%get3A_5, %get3A_6] : memref<1000x1xf32, #tpu.memory_space<vmem>>, vector<1000x1xf32>
    %mul3A = vector.broadcast %get3A_7 : vector<1000x1xf32> to vector<1000x640xf32>
    %mul3A_8 = arith.mulf %get3A_4, %mul3A : vector<1000x640xf32>
    %sub3A = arith.subf %get3A_1, %mul3A_8 : vector<1000x640xf32>
    %get3A_9 = arith.constant 0 : index
    %get3A_10 = arith.constant 0 : index
    %get3A_11 = vector.load %arg4[%get3A_9, %get3A_10] : memref<1000x640xf32, #tpu.memory_space<vmem>>, vector<1000x640xf32>
    %add3A = arith.addf %sub3A, %get3A_11 : vector<1000x640xf32>
    %get3A_12 = arith.constant 0 : index
    %get3A_13 = arith.constant 0 : index
    %get3A_14 = vector.load %arg5[%get3A_12, %get3A_13] : memref<640x512xf32, #tpu.memory_space<vmem>>, vector<640x512xf32>
    %dot_general3A = arith.constant dense<0.000000e+00> : vector<1000x512xf32>
    %dot_general3A_15 = tpu.matmul %add3A, %get3A_14, %dot_general3A {dimension_numbers = #tpu.dot_dimension_numbers<[1], [0], [0], [1], [0, 0, 1, 1], [], []>, transpose_lhs_hint = false} : vector<1000x640xf32>, vector<640x512xf32>, vector<1000x512xf32> -> vector<1000x512xf32>
    %slice3A = vector.extract_strided_slice %add3A {offsets = [0, 0], sizes = [1000, 512], strides = [1, 1]} : vector<1000x640xf32> to vector<1000x512xf32>
    %div3A = arith.divf %slice3A, %dot_general3A_15 : vector<1000x512xf32>
    %get3A_16 = arith.constant 0 : index
    %get3A_17 = arith.constant 0 : index
    %get3A_18 = vector.load %arg6[%get3A_16, %get3A_17] : memref<1x512xf32, #tpu.memory_space<vmem>>, vector<1x512xf32>
    %add3A_19 = vector.broadcast %get3A_18 : vector<1x512xf32> to vector<1000x512xf32>
    %add3A_20 = arith.addf %div3A, %add3A_19 : vector<1000x512xf32>
    %swap3A = arith.constant 0 : index
    %swap3A_21 = arith.constant 0 : index
    %swap3A_22 = vector.load %arg7[%swap3A, %swap3A_21] : memref<1000x512xf32, #tpu.memory_space<vmem>>, vector<1000x512xf32>
    tpu.vector_store %arg7[%swap3A, %swap3A_21], %add3A_20 {strides = array<i32>} : memref<1000x512xf32, #tpu.memory_space<vmem>>, vector<1000x512xf32>,
    return
  }
  func.func @transform_0(%arg0: i32) -> (i32, i32) {
    %c0_i32 = arith.constant 0 : i32
    %c0_i32_0 = arith.constant 0 : i32
    return %arg0, %c0_i32 : i32, i32
  }
  func.func @transform_1(%arg0: i32) -> (i32, i32) {
    %add3A = arith.constant 10 : i32
    %add3A_0 = arith.addi %arg0, %add3A : i32
    %c0_i32 = arith.constant 0 : i32
    %c0_i32_1 = arith.constant 0 : i32
    return %add3A_0, %c0_i32 : i32, i32
  }
  func.func @transform_2(%arg0: i32) -> (i32, i32) {
    %c0_i32 = arith.constant 0 : i32
    %c0_i32_0 = arith.constant 0 : i32
    return %arg0, %c0_i32 : i32, i32
  }
  func.func @transform_3(%arg0: i32) -> (i32, i32) {
    %c0_i32 = arith.constant 0 : i32
    %c0_i32_0 = arith.constant 0 : i32
    return %arg0, %c0_i32 : i32, i32
  }
  func.func @transform_4(%arg0: i32) -> (i32, i32) {
    %c0_i32 = arith.constant 0 : i32
    %c0_i32_0 = arith.constant 0 : i32
    %c0_i32_1 = arith.constant 0 : i32
    return %c0_i32, %c0_i32_0 : i32, i32
  }
  func.func @transform_5(%arg0: i32) -> (i32, i32) {
    %c0_i32 = arith.constant 0 : i32
    %c0_i32_0 = arith.constant 0 : i32
    %c0_i32_1 = arith.constant 0 : i32
    return %c0_i32, %c0_i32_0 : i32, i32
  }
  func.func @transform_6(%arg0: i32) -> (i32, i32) {
    %c0_i32 = arith.constant 0 : i32
    %c0_i32_0 = arith.constant 0 : i32
    return %arg0, %c0_i32 : i32, i32
  }
}

</mosaic_0001>

<sc_bundles>
// kernel: gather_offload_async_start.1
scs
__scs_entry_jumppad:
0x0: {  	(pc) =	sbr.rel $0x88, $3  }
0x1: {  	(tag) =	ssettag $0x0;
	lr =	simm.s32 $0x1  }
0x2: {  	[smem:$0x3F99] =	sst lr;
	_ =	strace $0xD0000000  }
0x3: {  	_ = 	snop  }
0x4: {  	_ = 	snop  }
0x5: {  	_ = 	snop  }
0x6: {  	_ = 	snop  }
0x7: {  	_ = 	snop  }
__scs_overlays_trampoline_lowered:
0x8: {  	[smem:$0x3FA8] =	sst s0  }
0x9: {  	[smem:$0x3FA9] =	sst s1  }
0xa: {  	[smem:$0x3FAA] =	sst s2  }
0xb: {  	[smem:$0x3FAB] =	sst s3  }
0xc: {  	[smem:$0x3FAC] =	sst s4  }
0xd: {  	[smem:$0x3FAD] =	sst s5  }
0xe: {  	[smem:$0x3FAE] =	sst s6  }
0xf: {  	[smem:$0x3FAF] =	sst s7  }
0x10: {  	[smem:$0x3FB0] =	sst s8  }
0x11: {  	[smem:$0x3FB1] =	sst s9;
	s0 =	simm.s32 @!p0 $0x0  }
0x12: {  	s1 =	sld [smem:$0x3F97];
	s0 =	simm.s32 @p0 $0x1  }
0x13: {  	[smem:$0x3FB2] =	sst s0;
	s0 =	simm.s32 @!p1 $0x0  }
0x14: {  	s2 =	sld [smem:$0x3F96];
	s0 =	simm.s32 @p1 $0x1  }
0x15: {  	[smem:$0x3FB3] =	sst s0;
	s0 =	simm.s32 @!p2 $0x0  }
0x16: {  	s3 =	sld [smem:$0x3FDB];
	s0 =	simm.s32 @p2 $0x1  }
0x17: {  	s4 =	simm.s32 $0x1BF5;
	[smem:$0x3FB5] =	sst s0  }
0x18: {  	s0 =	sld [smem:$0x3F98];
	_ =	swait.ge [sflag:s4], $0x0  }
0x19: {  	s7 =	sld [smem:$0x3F99]  }
0x1a: {  	s8 =	sadd.s32 $0xFFFFE003, lr  }
0x1b: {  	s9 =	sadd.s32 $0xFFFFFEF7, lr;
	s5 =	simm.s32 $0xFFFFFFFF;
	p2 =	slt.u32 s8, $0xFFFFF086  }
0x1c: {  	p1 =	slt.u32 s9, $0xF7A;
	s5 =	simm.s32 @!p2 $0x0  }
0x1d: {  	s5 =	simm.s32 @p1 $0x1;
	p0 =	seq.s32 s7, s2  }
0x1e: {  	s7 =	smul.u32 @!p0 $0xF7A, s2;
	p2 =	seq.s32 @!p0 s5, $0x0  }
0x1f: {  	s9 =	smul.u32 $0xF7A, s1;
	s8 =	simm.s32 @!p0 $0x1BF5;
	p2 =	por !p2, p0  }
0x20: {  	[sflag:s8] =	ssyncset.s32 @!p0 $0xFFFFF086;
	s6 =	sadd.s32 @!p0 s3, s7;
	s7 =	simm.s32 @!p0 $0x108  }
0x21: {  	s3 =	sadd.s32 s3, s9;
	s6 =	sadd.s32 @!p0 $0x88, s6;
	s7 =	simm.s32 @p2 $0x1082  }
0x22: {  	[simem:s7], [sflag:s8] =	dma.local @!p0 [hbm:s6], $0xF7A  }
0x23: {  	s9 =	sor.u32 $0xD0000000, s2;
	s6 =	simm.s32 $0x108;
	_ =	swait.ge @!p0 [sflag:s8], $0x0  }
0x24: {  	s3 =	sadd.s32 $0x88, s3;
	s6 =	simm.s32 @!p1 $0x1082;
	[sflag:s4] =	ssyncset.s32 $0xFFFFF086  }
0x25: {  	[simem:s6], [sflag:s4] =	dma.local [hbm:s3], $0xF7A  }
0x26: {  	[smem:$0x3F99] =	sst s1;
	(tag) =	ssettag s2;
	_ =	strace s9  }
0x27: {  	s1 =	sld [smem:$0x3FA9]  }
0x28: {  	s2 =	sld [smem:$0x3FAA]  }
0x29: {  	s4 =	sld [smem:$0x3FAC]  }
0x2a: {  	p0 =	seq.s32 s5, $0x0;
	s5 =	sld [smem:$0x3FAD]  }
0x2b: {  	s6 =	sld [smem:$0x3FAE]  }
0x2c: {  	s7 =	sld [smem:$0x3FAF]  }
0x2d: {  	s3 =	simm.s32 $0x108;
	s8 =	sld [smem:$0x3FB0]  }
0x2e: {  	s3 =	simm.s32 @!p0 $0x1082;
	s9 =	sld [smem:$0x3FB1]  }
0x2f: {  	lr =	sadd.s32 s0, s3;
	s0 =	sld [smem:$0x3FA8]  }
0x30: {  	s3 =	sld [smem:$0x3FAB]  }
0x31: {  	[smem:$0x3FB4] =	sst s10  }
0x32: {  	s10 =	sld [smem:$0x3FB2];
	_ =	sdelay $0x3  }
0x33: {  	p0 =	seq.s32 s10, $0x1;
	s10 =	sld [smem:$0x3FB4];
	_ =	sdelay $0x3  }
0x34: {  	[smem:$0x3FB4] =	sst s10  }
0x35: {  	s10 =	sld [smem:$0x3FB3];
	_ =	sdelay $0x3  }
0x36: {  	p1 =	seq.s32 s10, $0x1;
	s10 =	sld [smem:$0x3FB4];
	_ =	sdelay $0x3  }
0x37: {  	[smem:$0x3FB4] =	sst s10  }
0x38: {  	s10 =	sld [smem:$0x3FB5]  }
0x39: {  	_ = 	snop;
	(pc) =	sbr.ind lr, $3  }
0x3a: {  	_ = 	snop  }
0x3b: {  	_ = 	snop  }
0x3c: {  	p2 =	seq.s32 s10, $0x1;
	s10 =	sld [smem:$0x3FB4]  }
0x3d: {  	_ =	shalt  }
0x3e: {  	_ =	shalt  }
0x3f: {  	_ =	shalt  }
0x40: {  	_ =	shalt  }
0x41: {  	_ =	shalt  }
0x42: {  	_ =	shalt  }
0x43: {  	_ =	shalt  }
0x44: {  	_ =	shalt  }
0x45: {  	_ =	shalt  }
0x46: {  	_ =	shalt  }
0x47: {  	_ =	shalt  }
0x48: {  	_ =	shalt  }
0x49: {  	_ =	shalt  }
0x4a: {  	_ =	shalt  }
0x4b: {  	_ =	shalt  }
0x4c: {  	_ =	shalt  }
0x4d: {  	_ =	shalt  }
0x4e: {  	_ =	shalt  }
0x4f: {  	_ =	shalt  }
0x50: {  	_ =	shalt  }
0x51: {  	_ =	shalt  }
0x52: {  	_ =	shalt  }
0x53: {  	_ =	shalt  }
0x54: {  	_ =	shalt  }
0x55: {  	_ =	shalt  }
0x56: {  	_ =	shalt  }
0x57: {  	_ =	shalt  }
0x58: {  	_ =	shalt  }
0x59: {  	_ =	shalt  }
0x5a: {  	_ =	shalt  }
0x5b: {  	_ =	shalt  }
0x5c: {  	_ =	shalt  }
0x5d: {  	_ =	shalt  }
0x5e: {  	_ =	shalt  }
0x5f: {  	_ =	shalt  }
0x60: {  	_ =	shalt  }
0x61: {  	_ =	shalt  }
0x62: {  	_ =	shalt  }
0x63: {  	_ =	shalt  }
0x64: {  	_ =	shalt  }
0x65: {  	_ =	shalt  }
0x66: {  	_ =	shalt  }
0x67: {  	_ =	shalt  }
0x68: {  	_ =	shalt  }
0x69: {  	_ =	shalt  }
0x6a: {  	_ =	shalt  }
0x6b: {  	_ =	shalt  }
0x6c: {  	_ =	shalt  }
0x6d: {  	_ =	shalt  }
0x6e: {  	_ =	shalt  }
0x6f: {  	_ =	shalt  }
0x70: {  	_ =	shalt  }
0x71: {  	_ =	shalt  }
0x72: {  	_ =	shalt  }
0x73: {  	_ =	shalt  }
0x74: {  	_ =	shalt  }
0x75: {  	_ =	shalt  }
0x76: {  	_ =	shalt  }
0x77: {  	_ =	shalt  }
0x78: {  	_ =	shalt  }
0x79: {  	_ =	shalt  }
0x7a: {  	_ =	shalt  }
0x7b: {  	_ =	shalt  }
0x7c: {  	_ =	shalt  }
0x7d: {  	_ =	shalt  }
0x7e: {  	_ =	shalt  }
0x7f: {  	_ =	shalt  }
0x80: {  	_ =	shalt  }
0x81: {  	_ =	shalt  }
0x82: {  	_ =	shalt  }
0x83: {  	_ =	shalt  }
0x84: {  	_ =	shalt  }
0x85: {  	_ =	shalt  }
0x86: {  	_ =	shalt  }
0x87: {  	_ =	shalt  }
.Lfunc_end0:
.L_simem_size_0:
called_computation.1_lowered:
.L_overlay_start_0:
0x88: {  	s0 =	sld [smem:$0x3FD9]  }
0x89: {  	s1 =	sld [smem:$0x3FFE];
	_ =	sdelay $0x3  }
0x8a: {  	s0 =	sadd.s32 s1, s0  }
0x8b: {  	[smem:$0x3FC0] =	sst s0  }
0x8c: {  	_ = 	snop  }
0x8d: {  	(tm) =	ssettm $0x1  }
0x8e: {  	s15 =	sld [smem:$0x3FFB];
	_ =	sdelay $0x3  }
0x8f: {  	_ =	strace s15  }
0x90: {  	s0 =	sld [smem:$0x3FFC];
	_ =	sdelay $0x3  }
0x91: {  	_ =	strace s0  }
0x92: {  	s0 =	sld [smem:$0x3FFD];
	_ =	sdelay $0x3  }
0x93: {  	_ =	strace s0  }
0x94: {  	_ =	strace $0x8FFFFFFF  }
0x95: {  	s16 =	sld [smem:$0x3FDB];
	_ =	sdelay $0x1  }
0x96: {  	s17 =	simm.s32 $_scs_section_size  }
0x97: {  	s2 =	simm.s32 $_size__tile_overlayer_lowered;
	s3 =	simm.s32 $_tile_overlayer_lowered  }
0x98: {  	s20 =	simm.s32 $0x1BFF;
	s19 =	sshll.u32 s3, $0x1;
	s0 =	sadd.s32 s17, s16  }
0x99: {  	s4 =	simm.s32 $0x0;
	s18 =	sshll.u32 s2, $0x1;
	s2 =	sadd.s32 s19, s0  }
0x9a: {  	[timem:s4], [sflag:s20] =	dma.local [hbm:s2], s18  }
0x9b: {  	_ =	swait.ge [sflag:s20], s18  }
0x9c: {  	s1 =	ssub.s32 $0x0, s18;
	[sflag:s20] =	ssyncset.done $0x0  }
0x9d: {  	[sflag:s20] =	ssyncadd.s32 s1;
	_ =	sdelay $0x1  }
0x9e: {  	s21 =	simm.s32 $0x1B8B  }
0x9f: {  	_ =	swait.ge [sflag:s21], $0x1  }
0xa0: {  	[sflag:s21] =	ssyncset.done $0x0  }
0xa1: {  	s23 =	simm.s32 $0x1B8E;
	s22 =	sld [smem:$0x3FFE];
	[sflag:s21] =	ssyncadd.s32 $0xFFFFFFFF  }
0xa2: {  	s24 =	simm.s32 $execute0_lowered;
	[smem:$0x3FD2] =	sst s23  }
0xa3: {  	s2 =	sshll.u32 s24, $0x1;
	_ =	strace $0x8000005E;
	[dreg:$0x1] =	wrdreg $0xFFFFFFFF  }
0xa4: {  	s25 =	simm.s32 $_size_execute0_lowered;
	s0 =	sadd.s32 s0, s2;
	[dreg:$0x0] =	wrdreg $0x0  }
0xa5: {  	s2 =	sshll.u32 s25, $0x1;
	[dreg:$0x2] =	wrdreg s0  }
0xa6: {  	[dreg:$0x3] =	wrdreg s2  }
0xa7: {  	[dreg:$0x4] =	wrdreg $0xC0  }
0xa8: {  	_ =	task [dreg:s4], $0x5FFFF  }
0xa9: {  	[dreg:$0x1] =	wrdreg $0xFFFFFFFF  }
0xaa: {  	[dreg:$0x0] =	wrdreg $0x60  }
0xab: {  	[dreg:$0x2] =	wrdreg s22  }
0xac: {  	[dreg:$0x3] =	wrdreg $0x9  }
0xad: {  	_ =	task.clear_ibuf [dreg:s4], $0x4FFFF;
	_ =	strace $0x9000005E  }
0xae: {  	s26 =	simm.s32 $0x9;
	_ =	strace $0x80000060  }
0xaf: {  	_ =	swait.ge [sflag:s26], $0x1  }
0xb0: {  	[sflag:s26] =	ssyncadd.s32 $0xFFFFFFFF  }
0xb1: {  	_ =	strace $0x90000060  }
0xb2: {  	_ =	sfence  }
0xb3: {  	s28 =	sld [smem:$0x0];
	_ =	sdelay $0x1  }
0xb4: {  	s29 =	srdreg.scid  }
0xb5: {  	s30 =	sshll.u32 s29, $0xD;
	s31 =	sshrl.u32 s29, $0x2  }
0xb6: {  	s1 =	sand.u32 $0x1, s29;
	s2 =	sand.u32 $0x4000, s30;
	s0 =	sadd.s32 s31, s28  }
0xb7: {  	s1 =	sor.u32 s2, s1;
	s0 =	sshll.u32 s0, $0x11  }
0xb8: {  	s0 =	sor.u32 s0, s1  }
0xb9: {  	s0 =	sadd.s32 $0x8F2B, s0  }
0xba: {  	[sflag:s0] =	ssyncadd.remote.s32 $0x1  }
0xbb: {  	_ =	sfence.sel $0xFFFF  }
0xbc: {  	[dreg:$0x0] =	wrdreg $0xFFFFFFFF;
	(pc) =	sbr.abs _section_cstart, $3  }
0xbd: {  	[dreg:$0x1] =	wrdreg $0xFFFFFFFF  }
0xbe: {  	_ =	task.clear_ibuf [dreg:s4], $0x2FFFF;
	_ =	strace $0x9FFFFFFF  }
0xbf: {  	(tm) =	ssettm $0x7FFFFFFF  }
tec
execute0_lowered:
.L_overlay_start_1:
0x0: {  	(tag) =	ssettag $0x1  }
0x1: {  	s8 =	rddreg [dreg:$0x0]  }
0x2: {  	s0 =	rddreg [dreg:$0x1];
	_ =	strace $0x8000005F  }
0x3: {  	s4 =	simm.s32 $0x1;
	s1 =	stileid.u32;
	s7 =	simm.s32 $0x1  }
0x4: {  	s9 =	simm.s32 $0x1;
	s6 =	simm.s32 $0x2;
	s10 =	simm.s32 $0x3  }
0x5: {  	s13 =	simm.s32 $0x0;
	s12 =	simm.s32 $0x0;
	s2 =	sadd.s32 $0x13800, s8  }
.Ltmp0:
0x6: {  	s3 =	sadd.s32 $0x4600, s8;
	p0 =	slt.u32 s1, $0xA;
	(pc) =	sbr.rel .LBB2_1-.Ltmp0, $4  }
0x7: {  	[sflag:s4] =	ssyncpa.u1 $0x0;
	s7 =	simm.s32 @!p0 $0x0;
	p0 =	sne.s32 s1, $0x9  }
0x8: {  	s5 =	smul.u32 $0x190, s1;
	[sflag:s6] =	ssyncpa.u1 $0x0;
	s9 =	simm.s32 @!p0 $0x0  }
0x9: {  	s8 =	sadd.s32 $0x4C00, s8;
	[sflag:s10] =	ssyncpa.u1 $0x0;
	s7 =	sadd.s32 s9, s7  }
0xa: {  	vm0 =	vmmov $0xffff;
	s10 =	simm.s32 $0x0;
	s11 =	smov.u32 s5;
	s9 =	sadd.s32 $0x1, s7  }
.LBB2_4:
0xb: {  	v2 =	vnsel vm1, $0x0, v2  }
0xc: {  	vm1 =	vgt.s32 v0, $0x0;
	v2 =	vmin.u32 v2, $0x29FFF  }
0xd: {  	v0 =	vnsel vm1, $0x0, v0  }
0xe: {  	v0 =	vmin.u32 v0, $0x29FFF  }
0xf: {  	[tilespmem:s18], [sflag:$0x1] =	stream.indirect_vreg.gather [hbm4b:s2+s10], $0x1, v1, vm0, $0x4038;
	[tilespmem:$0x640] =	vst v63  }
0x10: {  	(ifvalue) =	ssetifvalue $0x7FFFFFFF  }
0x11: {  	[tilespmem:s15], [sflag:$0x1] =	stream.indirect_vreg.gather [hbm4b:s2+s10], $0x1, v2, vm0, $0x4038;
	[tilespmem:$0x640] =	vst v63  }
0x12: {  	s29 =	sadd.s32 $0x10, s15;
	(ifvalue) =	ssetifvalue $0x7FFFFFFF  }
0x13: {  	[tilespmem:s29], [sflag:$0x1] =	stream.indirect_vreg.gather [hbm4b:s2+s10], $0x1, v0, vm0, $0x4038;
	[tilespmem:$0x640] =	vst v63  }
0x14: {  	_ =	swait.ge [sflag:s4], $0x190  }
0x15: {  	s30 =	sshrl.u32 s13, $0x3;
	[sflag:s4] =	ssyncset.done $0x0  }
0x16: {  	s31 =	sand.u32 $0x7, s13;
	s15 =	sadd.s32 s8, s30;
	[sflag:s4] =	ssyncadd.s32 $0xFFFFFE70  }
0x17: {  	[hbm4b:s15+s31] =	stream.linear.scatter [tilespmem:s14], [sflag:$0x3], $0x190, $0x38;
	[tilespmem:$0x640] =	vst v63  }
.LBB2_5:
0x18: {  	s15 =	sadd.s32 $0x1900, s11  }
0x19: {  	p1 =	sgt.s32 s15, $0x270F  }
0x1a: {  	s15 =	smov.u32 @p1 s5;
	p1 =	sne.s32 s12, s9  }
.Ltmp1:
0x1b: {  	p0 =	slt.u32 s12, $0x2;
	(pc) =	sbr.rel @!p1 .LBB2_6-.Ltmp1, $4  }
0x1c: {  	s14 =	simm.s32 @!p0 $0x3  }
0x1d: {  	_ =	swait.ge @!p0 [sflag:s14], $0x190  }
0x1e: {  	s16 =	sadd.s32 $0x1, s12;
	s13 =	smov.u32 s11;
	[sflag:s14] =	ssyncset.done @!p0 $0x0  }
0x1f: {  	s12 =	smov.u32 s16;
	s11 =	smov.u32 s15;
	[sflag:s14] =	ssyncadd.s32 @!p0 $0xFFFFFE70  }
.LBB2_1:
0x20: {  	p0 =	sge.u32 s12, s7  }
0x21: {  	s14 =	sxor.u32 @!p0 $0x1, s12  }
0x22: {  	s14 =	smul.u32 @!p0 $0x640, s14  }
0x23: {  	s31 =	sadd.s32 $0xFFFFFFFF, s12;
	s15 =	sshrl.u32 @!p0 s11, $0x3  }
0x24: {  	s16 =	sand.u32 @!p0 $0x7, s11;
	s15 =	sadd.s32 @!p0 s3, s15;
	s14 =	sshra.s32 @!p0 s14, $0x2  }
0x25: {  	[tilespmem:s14], [sflag:$0x2] =	stream.linear.gather @!p0 [hbm4b:s15+s16], $0x190, $0x38;
	[tilespmem:$0x640] =	vst v63  }
0x26: {  	p0 =	sge.u32 s31, s7  }
.Ltmp2:
0x27: {  	_ = 	snop;
	(pc) =	sbr.rel @p0 .LBB2_5-.Ltmp2, $1  }
0x28: {  	_ =	sdelay $0x3  }
0x29: {  	s14 =	sand.u32 $0x1, s12  }
0x2a: {  	_ =	swait.ge [sflag:s6], $0x190;
	p0 =	seq.s32 s14, $0x1;
	s14 =	simm.s32 $0x190  }
0x2b: {  	[sflag:s6] =	ssyncset.done $0x0;
	s14 =	simm.s32 @!p0 $0x0  }
0x2c: {  	[sflag:s6] =	ssyncadd.s32 $0xFFFFFE70;
	(ifvalue) =	ssetifvalue $0x7FFFFFFF;
	v0 =	vld.msk [tilespmem:s14+$0x0 ss:$0x1], $0xffff;
	_ =	sdelay $0x4  }
0x2d: {  	s15 =	sadd.s32 $0x10, s14;
	vm1 =	vgt.s32 v0, $0x0  }
0x2e: {  	v2 =	vld.msk [tilespmem:s15+$0x0 ss:$0x1], $0xffff;
	v1 =	vnsel vm1, $0x0, v0  }
0x2f: {  	v1 =	vmin.u32 v1, $0x29FFF;
	_ =	sdelay $0x2  }
0x30: {  	s17 =	simm.s32 $0x20;
	s14 =	sadd.s32 $0x320, s14;
	s16 =	sadd.s32 $0x10, s15  }
0x31: {  	s15 =	sadd.s32 $0x10, s14;
	s18 =	smov.u32 s14;
	v0 =	vld.msk [tilespmem:s16+$0x0 ss:$0x1], $0xffff;
	vm1 =	vgt.s32 v2, $0x0;
	(ifvalue) =	ssetifvalue $0x7FFFFFFF  }
.LBB2_3:
0x32: {  	[tilespmem:s18], [sflag:$0x1] =	stream.indirect_vreg.gather [hbm4b:s2+s10], $0x1, v1, vm0, $0x4038;
	[tilespmem:$0x640] =	vst v63  }
0x33: {  	s17 =	sadd.s32 $0x10, s17  }
0x34: {  	v2 =	vnsel vm1, $0x0, v2;
	p0 =	slt.u32 s17, $0x180  }
.Ltmp3:
0x35: {  	s18 =	smov.u32 s15;
	v1 =	vmin.u32 v2, $0x29FFF;
	(pc) =	sbr.rel @p0 .LBB2_3-.Ltmp3, $3  }
0x36: {  	_ =	sdelay $0x1  }
0x37: {  	s16 =	sadd.s32 $0x10, s16  }
0x38: {  	vm1 =	vgt.s32 v0, $0x0;
	s15 =	sadd.s32 $0x10, s15;
	v2 =	vmov v0;
	(ifvalue) =	ssetifvalue $0x7FFFFFFF;
	v0 =	vld.msk [tilespmem:s16+$0x0 ss:$0x1], $0xffff  }
.Ltmp4:
0x39: {  	_ = 	snop;
	(pc) =	sbr.rel .LBB2_4-.Ltmp4, $1  }
0x3a: {  	_ =	sdelay $0x3  }
.LBB2_6:
0x3b: {  	_ =	sfence.sel $0x180000  }
0x3c: {  	s2 =	simm.s32 $0x2;
	[bflag:$0x0] =	sbarrier.arrive $0xFFFF  }
0x3d: {  	s30 =	simm.s32 $0x3;
	[sflag:s2] =	ssyncpa.u1 $0x1  }
0x3e: {  	s31 =	simm.s32 $0x1;
	[sflag:s30] =	ssyncpa.u1 $0x1  }
0x3f: {  	[sflag:s31] =	ssyncpa.u1 $0x1  }
0x40: {  	p0 =	sne.s32 s1, $0x0;
	_ =	strace $0x9000005F  }
0x41: {  	s0 =	sadd.s32 @!p0 $0x100000, s0;
	[bflag:$0x2] =	sbarrier.arrive $0xFFFF  }
0x42: {  	[sflag:s0] =	ssyncadd.tile.s32 @!p0 $0x1;
	_ =	shalt  }
.Lfunc_end2:
_tile_overlayer_lowered:
.L_overlay_start_2:
0x43: {  	(tag) =	ssettag $0x2  }
0x44: {  	s0 =	rddreg [dreg:$0x0];
	s2 =	stileid.u32  }
0x45: {  	s1 =	rddreg [dreg:$0x1];
	p0 =	sne.s32 s2, $0x0  }
0x46: {  	s3 =	rddreg [dreg:$0x2];
	[bflag:$0x3] =	sbarrier.arrive $0xFFFF;
	s2 =	simm.s32 @!p0 $0x1C01  }
0x47: {  	[timem:s3], [sflag:s2] =	dma.local @!p0 [hbm:s0], s1  }
0x48: {  	s0 =	simm.s32 @!p0 $0x1  }
0x49: {  	_ =	swait.ge @!p0 [sflag:s0], s1  }
0x4a: {  	s1 =	ssub.s32 @!p0 $0x0, s1;
	[sflag:s0] =	ssyncset.done @!p0 $0x0  }
0x4b: {  	[sflag:s0] =	ssyncadd.s32 @!p0 s1  }
0x4c: {  	[bflag:$0x3] =	sbarrier.arrive $0xFFFF  }
0x4d: {  	_ =	shalt  }

// kernel: gather_offload_async_start.2
scs
__scs_entry_jumppad:
0x0: {  	(pc) =	sbr.rel $0x88, $3  }
0x1: {  	(tag) =	ssettag $0x0;
	lr =	simm.s32 $0x1  }
0x2: {  	[smem:$0x3F99] =	sst lr;
	_ =	strace $0xD0000000  }
0x3: {  	_ = 	snop  }
0x4: {  	_ = 	snop  }
0x5: {  	_ = 	snop  }
0x6: {  	_ = 	snop  }
0x7: {  	_ = 	snop  }
__scs_overlays_trampoline_lowered:
0x8: {  	[smem:$0x3FA8] =	sst s0  }
0x9: {  	[smem:$0x3FA9] =	sst s1  }
0xa: {  	[smem:$0x3FAA] =	sst s2  }
0xb: {  	[smem:$0x3FAB] =	sst s3  }
0xc: {  	[smem:$0x3FAC] =	sst s4  }
0xd: {  	[smem:$0x3FAD] =	sst s5  }
0xe: {  	[smem:$0x3FAE] =	sst s6  }
0xf: {  	[smem:$0x3FAF] =	sst s7  }
0x10: {  	[smem:$0x3FB0] =	sst s8  }
0x11: {  	[smem:$0x3FB1] =	sst s9;
	s0 =	simm.s32 @!p0 $0x0  }
0x12: {  	s1 =	sld [smem:$0x3F97];
	s0 =	simm.s32 @p0 $0x1  }
0x13: {  	[smem:$0x3FB2] =	sst s0;
	s0 =	simm.s32 @!p1 $0x0  }
0x14: {  	s2 =	sld [smem:$0x3F96];
	s0 =	simm.s32 @p1 $0x1  }
0x15: {  	[smem:$0x3FB3] =	sst s0;
	s0 =	simm.s32 @!p2 $0x0  }
0x16: {  	s3 =	sld [smem:$0x3FDB];
	s0 =	simm.s32 @p2 $0x1  }
0x17: {  	s4 =	simm.s32 $0x1BF5;
	[smem:$0x3FB5] =	sst s0  }
0x18: {  	s0 =	sld [smem:$0x3F98];
	_ =	swait.ge [sflag:s4], $0x0  }
0x19: {  	s7 =	sld [smem:$0x3F99]  }
0x1a: {  	s8 =	sadd.s32 $0xFFFFE003, lr  }
0x1b: {  	s9 =	sadd.s32 $0xFFFFFEF7, lr;
	s5 =	simm.s32 $0xFFFFFFFF;
	p2 =	slt.u32 s8, $0xFFFFF086  }
0x1c: {  	p1 =	slt.u32 s9, $0xF7A;
	s5 =	simm.s32 @!p2 $0x0  }
0x1d: {  	s5 =	simm.s32 @p1 $0x1;
	p0 =	seq.s32 s7, s2  }
0x1e: {  	s7 =	smul.u32 @!p0 $0xF7A, s2;
	p2 =	seq.s32 @!p0 s5, $0x0  }
0x1f: {  	s9 =	smul.u32 $0xF7A, s1;
	s8 =	simm.s32 @!p0 $0x1BF5;
	p2 =	por !p2, p0  }
0x20: {  	[sflag:s8] =	ssyncset.s32 @!p0 $0xFFFFF086;
	s6 =	sadd.s32 @!p0 s3, s7;
	s7 =	simm.s32 @!p0 $0x108  }
0x21: {  	s3 =	sadd.s32 s3, s9;
	s6 =	sadd.s32 @!p0 $0x88, s6;
	s7 =	simm.s32 @p2 $0x1082  }
0x22: {  	[simem:s7], [sflag:s8] =	dma.local @!p0 [hbm:s6], $0xF7A  }
0x23: {  	s9 =	sor.u32 $0xD0000000, s2;
	s6 =	simm.s32 $0x108;
	_ =	swait.ge @!p0 [sflag:s8], $0x0  }
0x24: {  	s3 =	sadd.s32 $0x88, s3;
	s6 =	simm.s32 @!p1 $0x1082;
	[sflag:s4] =	ssyncset.s32 $0xFFFFF086  }
0x25: {  	[simem:s6], [sflag:s4] =	dma.local [hbm:s3], $0xF7A  }
0x26: {  	[smem:$0x3F99] =	sst s1;
	(tag) =	ssettag s2;
	_ =	strace s9  }
0x27: {  	s1 =	sld [smem:$0x3FA9]  }
0x28: {  	s2 =	sld [smem:$0x3FAA]  }
0x29: {  	s4 =	sld [smem:$0x3FAC]  }
0x2a: {  	p0 =	seq.s32 s5, $0x0;
	s5 =	sld [smem:$0x3FAD]  }
0x2b: {  	s6 =	sld [smem:$0x3FAE]  }
0x2c: {  	s7 =	sld [smem:$0x3FAF]  }
0x2d: {  	s3 =	simm.s32 $0x108;
	s8 =	sld [smem:$0x3FB0]  }
0x2e: {  	s3 =	simm.s32 @!p0 $0x1082;
	s9 =	sld [smem:$0x3FB1]  }
0x2f: {  	lr =	sadd.s32 s0, s3;
	s0 =	sld [smem:$0x3FA8]  }
0x30: {  	s3 =	sld [smem:$0x3FAB]  }
0x31: {  	[smem:$0x3FB4] =	sst s10  }
0x32: {  	s10 =	sld [smem:$0x3FB2];
	_ =	sdelay $0x3  }
0x33: {  	p0 =	seq.s32 s10, $0x1;
	s10 =	sld [smem:$0x3FB4];
	_ =	sdelay $0x3  }
0x34: {  	[smem:$0x3FB4] =	sst s10  }
0x35: {  	s10 =	sld [smem:$0x3FB3];
	_ =	sdelay $0x3  }
0x36: {  	p1 =	seq.s32 s10, $0x1;
	s10 =	sld [smem:$0x3FB4];
	_ =	sdelay $0x3  }
0x37: {  	[smem:$0x3FB4] =	sst s10  }
0x38: {  	s10 =	sld [smem:$0x3FB5]  }
0x39: {  	_ = 	snop;
	(pc) =	sbr.ind lr, $3  }
0x3a: {  	_ = 	snop  }
0x3b: {  	_ = 	snop  }
0x3c: {  	p2 =	seq.s32 s10, $0x1;
	s10 =	sld [smem:$0x3FB4]  }
0x3d: {  	_ =	shalt  }
0x3e: {  	_ =	shalt  }
0x3f: {  	_ =	shalt  }
0x40: {  	_ =	shalt  }
0x41: {  	_ =	shalt  }
0x42: {  	_ =	shalt  }
0x43: {  	_ =	shalt  }
0x44: {  	_ =	shalt  }
0x45: {  	_ =	shalt  }
0x46: {  	_ =	shalt  }
0x47: {  	_ =	shalt  }
0x48: {  	_ =	shalt  }
0x49: {  	_ =	shalt  }
0x4a: {  	_ =	shalt  }
0x4b: {  	_ =	shalt  }
0x4c: {  	_ =	shalt  }
0x4d: {  	_ =	shalt  }
0x4e: {  	_ =	shalt  }
0x4f: {  	_ =	shalt  }
0x50: {  	_ =	shalt  }
0x51: {  	_ =	shalt  }
0x52: {  	_ =	shalt  }
0x53: {  	_ =	shalt  }
0x54: {  	_ =	shalt  }
0x55: {  	_ =	shalt  }
0x56: {  	_ =	shalt  }
0x57: {  	_ =	shalt  }
0x58: {  	_ =	shalt  }
0x59: {  	_ =	shalt  }
0x5a: {  	_ =	shalt  }
0x5b: {  	_ =	shalt  }
0x5c: {  	_ =	shalt  }
0x5d: {  	_ =	shalt  }
0x5e: {  	_ =	shalt  }
0x5f: {  	_ =	shalt  }
0x60: {  	_ =	shalt  }
0x61: {  	_ =	shalt  }
0x62: {  	_ =	shalt  }
0x63: {  	_ =	shalt  }
0x64: {  	_ =	shalt  }
0x65: {  	_ =	shalt  }
0x66: {  	_ =	shalt  }
0x67: {  	_ =	shalt  }
0x68: {  	_ =	shalt  }
0x69: {  	_ =	shalt  }
0x6a: {  	_ =	shalt  }
0x6b: {  	_ =	shalt  }
0x6c: {  	_ =	shalt  }
0x6d: {  	_ =	shalt  }
0x6e: {  	_ =	shalt  }
0x6f: {  	_ =	shalt  }
0x70: {  	_ =	shalt  }
0x71: {  	_ =	shalt  }
0x72: {  	_ =	shalt  }
0x73: {  	_ =	shalt  }
0x74: {  	_ =	shalt  }
0x75: {  	_ =	shalt  }
0x76: {  	_ =	shalt  }
0x77: {  	_ =	shalt  }
0x78: {  	_ =	shalt  }
0x79: {  	_ =	shalt  }
0x7a: {  	_ =	shalt  }
0x7b: {  	_ =	shalt  }
0x7c: {  	_ =	shalt  }
0x7d: {  	_ =	shalt  }
0x7e: {  	_ =	shalt  }
0x7f: {  	_ =	shalt  }
0x80: {  	_ =	shalt  }
0x81: {  	_ =	shalt  }
0x82: {  	_ =	shalt  }
0x83: {  	_ =	shalt  }
0x84: {  	_ =	shalt  }
0x85: {  	_ =	shalt  }
0x86: {  	_ =	shalt  }
0x87: {  	_ =	shalt  }
.Lfunc_end0:
.L_simem_size_0:
called_computation.2_lowered:
.L_overlay_start_0:
0x88: {  	s2 =	sld [smem:$0x3FD9]  }
0x89: {  	s3 =	sld [smem:$0x3FFE];
	_ =	sdelay $0x1  }
0x8a: {  	s1 =	srdreg.scid  }
0x8b: {  	s0 =	sand.u32 $0x1, s1  }
0x8c: {  	s16 =	sshll.u32 s0, $0xA;
	s2 =	sadd.s32 s3, s2  }
0x8d: {  	s2 =	sadd.s32 s2, s16  }
0x8e: {  	[smem:$0x3FC0] =	sst s2  }
0x8f: {  	_ = 	snop  }
0x90: {  	(tm) =	ssettm $0x1  }
0x91: {  	s17 =	sld [smem:$0x3FFB];
	_ =	sdelay $0x3  }
0x92: {  	_ =	strace s17  }
0x93: {  	s2 =	sld [smem:$0x3FFC];
	_ =	sdelay $0x3  }
0x94: {  	_ =	strace s2  }
0x95: {  	s2 =	sld [smem:$0x3FFD];
	_ =	sdelay $0x3  }
0x96: {  	_ =	strace s2  }
0x97: {  	_ =	strace $0x8FFFFFFF  }
0x98: {  	s18 =	sld [smem:$0x3FDB];
	_ =	sdelay $0x1  }
0x99: {  	s19 =	simm.s32 $_scs_section_size  }
0x9a: {  	s4 =	simm.s32 $_size__tile_overlayer_lowered;
	s5 =	simm.s32 $_tile_overlayer_lowered  }
0x9b: {  	s22 =	simm.s32 $0x1BFF;
	s21 =	sshll.u32 s5, $0x1;
	s2 =	sadd.s32 s19, s18  }
0x9c: {  	s6 =	simm.s32 $0x0;
	s20 =	sshll.u32 s4, $0x1;
	s4 =	sadd.s32 s21, s2  }
0x9d: {  	[timem:s6], [sflag:s22] =	dma.local [hbm:s4], s20  }
0x9e: {  	_ =	swait.ge [sflag:s22], s20  }
0x9f: {  	s3 =	ssub.s32 $0x0, s20;
	[sflag:s22] =	ssyncset.done $0x0  }
0xa0: {  	[sflag:s22] =	ssyncadd.s32 s3;
	_ =	sdelay $0x1  }
0xa1: {  	s23 =	simm.s32 $0x1B8B  }
0xa2: {  	_ =	swait.ge [sflag:s23], $0x1  }
0xa3: {  	[sflag:s23] =	ssyncset.done $0x0  }
0xa4: {  	s25 =	simm.s32 $0x1B8E;
	s24 =	sld [smem:$0x3FFE];
	[sflag:s23] =	ssyncadd.s32 $0xFFFFFFFF  }
0xa5: {  	s26 =	simm.s32 $execute0_lowered;
	[smem:$0x3FD2] =	sst s25  }
0xa6: {  	s4 =	sshll.u32 s26, $0x1;
	_ =	strace $0x80000046;
	[dreg:$0x1] =	wrdreg $0xFFFFFFFF  }
0xa7: {  	s28 =	simm.s32 $_size_execute0_lowered;
	s2 =	sadd.s32 s2, s4;
	[dreg:$0x0] =	wrdreg $0x0  }
0xa8: {  	s4 =	sshll.u32 s28, $0x1;
	[dreg:$0x2] =	wrdreg s2  }
0xa9: {  	[dreg:$0x3] =	wrdreg s4  }
0xaa: {  	[dreg:$0x4] =	wrdreg $0xC0  }
0xab: {  	_ =	task [dreg:s6], $0x5FFFF  }
0xac: {  	[dreg:$0x1] =	wrdreg $0xFFFFFFFF  }
0xad: {  	[dreg:$0x0] =	wrdreg $0x60  }
0xae: {  	[dreg:$0x2] =	wrdreg s24  }
0xaf: {  	[dreg:$0x3] =	wrdreg $0x9  }
0xb0: {  	_ =	task.clear_ibuf [dreg:s6], $0x4FFFF;
	_ =	strace $0x90000046  }
0xb1: {  	s29 =	simm.s32 $0x9;
	_ =	strace $0x80000048  }
0xb2: {  	_ =	swait.ge [sflag:s29], $0x1  }
0xb3: {  	[sflag:s29] =	ssyncadd.s32 $0xFFFFFFFF  }
0xb4: {  	_ =	strace $0x90000048  }
0xb5: {  	_ =	sfence  }
0xb6: {  	s30 =	sld [smem:$0x0];
	_ =	sdelay $0x2  }
0xb7: {  	s31 =	sshll.u32 s1, $0xD;
	s1 =	sshrl.u32 s1, $0x2  }
0xb8: {  	s3 =	sand.u32 $0x4000, s31;
	s1 =	sadd.s32 s1, s30  }
0xb9: {  	s0 =	sor.u32 s3, s0;
	s1 =	sshll.u32 s1, $0x11  }
0xba: {  	s0 =	sor.u32 s1, s0  }
0xbb: {  	s0 =	sadd.s32 $0x8F2B, s0  }
0xbc: {  	[sflag:s0] =	ssyncadd.remote.s32 $0x1  }
0xbd: {  	_ =	sfence.sel $0xFFFF  }
0xbe: {  	[dreg:$0x0] =	wrdreg $0xFFFFFFFF;
	(pc) =	sbr.abs _section_cstart, $3  }
0xbf: {  	[dreg:$0x1] =	wrdreg $0xFFFFFFFF  }
0xc0: {  	_ =	task.clear_ibuf [dreg:s6], $0x2FFFF;
	_ =	strace $0x9FFFFFFF  }
0xc1: {  	(tm) =	ssettm $0x7FFFFFFF  }
tec
execute0_lowered:
.L_overlay_start_1:
0x0: {  	(tag) =	ssettag $0x1  }
0x1: {  	s0 =	srdreg.scid;
	s5 =	rddreg [dreg:$0x0]  }
0x2: {  	s1 =	stileid.u32;
	s6 =	simm.s32 $0x1;
	s9 =	simm.s32 $0x1  }
0x3: {  	s10 =	simm.s32 $0x3;
	s13 =	simm.s32 $0x0;
	s2 =	sshll.u32 s0, $0xC  }
0x4: {  	s12 =	simm.s32 $0x0;
	s3 =	sshll.u32 s1, $0xD;
	s2 =	sand.u32 $0x1000, s2  }
0x5: {  	s0 =	rddreg [dreg:$0x1];
	_ =	strace $0x80000047;
	s2 =	sor.u32 s3, s2  }
0x6: {  	s4 =	sadd.s32 $0x9000, s5;
	[sflag:s6] =	ssyncpa.u1 $0x0;
	s8 =	ssub.s32 $0x2A000, s2  }
.Ltmp0:
0x7: {  	s3 =	sadd.s32 $0xE400, s5;
	s7 =	sand.u32 $0x1F000, s8;
	(pc) =	sbr.rel .LBB2_1-.Ltmp0, $4  }
0x8: {  	s5 =	sadd.s32 $0x13800, s5;
	s11 =	smov.u32 s2;
	p0 =	sne.s32 s7, $0x0  }
0x9: {  	s8 =	sshrl.u32 s8, $0x11;
	s7 =	simm.s32 $0x2;
	s9 =	simm.s32 @!p0 $0x0  }
0xa: {  	[sflag:s7] =	ssyncpa.u1 $0x0;
	p0 =	por $0x0, $0x0;
	s8 =	sadd.s32 s9, s8  }
0xb: {  	vm0 =	vmmov $0xffff;
	[sflag:s10] =	ssyncpa.u1 $0x0;
	s10 =	simm.s32 $0x0;
	s9 =	sadd.s32 $0x1, s8  }
.LBB2_4:
0xc: {  	v2 =	vnsel vm1, $0x0, v2  }
0xd: {  	vm1 =	vgt.s32 v0, $0x0;
	v2 =	vmin.u32 v2, $0x29FFF  }
0xe: {  	v0 =	vnsel vm1, $0x0, v0  }
0xf: {  	v0 =	vmin.u32 v0, $0x29FFF  }
0x10: {  	[tilespmem:s15], [sflag:$0x1] =	stream.indirect_vreg.gather [hbm4b:s3+s10], $0x1, v1, vm0, $0x4038;
	[tilespmem:$0x4000] =	vst v63  }
0x11: {  	(ifvalue) =	ssetifvalue $0x7FFFFFFF  }
0x12: {  	[tilespmem:s16], [sflag:$0x1] =	stream.indirect_vreg.gather [hbm4b:s3+s10], $0x1, v2, vm0, $0x4038;
	[tilespmem:$0x4000] =	vst v63  }
0x13: {  	s29 =	sadd.s32 $0x10, s16;
	(ifvalue) =	ssetifvalue $0x7FFFFFFF  }
0x14: {  	[tilespmem:s29], [sflag:$0x1] =	stream.indirect_vreg.gather [hbm4b:s3+s10], $0x1, v0, vm0, $0x4038;
	[tilespmem:$0x4000] =	vst v63  }
0x15: {  	_ =	swait.ge [sflag:s6], $0x1000  }
0x16: {  	s30 =	sshrl.u32 s13, $0x3;
	[sflag:s6] =	ssyncset.done $0x0  }
0x17: {  	s31 =	sand.u32 $0x7, s13;
	s15 =	sadd.s32 s5, s30;
	[sflag:s6] =	ssyncadd.s32 $0xFFFFF000  }
0x18: {  	[hbm4b:s15+s31] =	stream.linear.scatter [tilespmem:s14], [sflag:$0x3], $0x1000, $0x38;
	[tilespmem:$0x4000] =	vst v63  }
.LBB2_5:
0x19: {  	s15 =	sadd.s32 $0x20000, s11  }
0x1a: {  	p2 =	sgt.s32 s15, $0x29FFF  }
0x1b: {  	s15 =	smov.u32 @p2 s2;
	p2 =	sne.s32 s12, s9  }
.Ltmp1:
0x1c: {  	p1 =	slt.u32 s12, $0x2;
	(pc) =	sbr.rel @!p2 .LBB2_6-.Ltmp1, $4  }
0x1d: {  	s14 =	simm.s32 @!p1 $0x3  }
0x1e: {  	s16 =	sadd.s32 $0x1, s12;
	_ =	swait.ge @!p1 [sflag:s14], $0x1000  }
0x1f: {  	s13 =	smov.u32 s11;
	p0 =	por !p0, !p0;
	[sflag:s14] =	ssyncset.done @!p1 $0x0  }
0x20: {  	s12 =	smov.u32 s16;
	s11 =	smov.u32 s15;
	[sflag:s14] =	ssyncadd.s32 @!p1 $0xFFFFF000  }
.LBB2_1:
0x21: {  	p1 =	sge.u32 s12, s8  }
0x22: {  	s14 =	sxor.u32 @!p1 $0xFFFFFFFF, s12  }
0x23: {  	s31 =	sadd.s32 $0xFFFFFFFF, s12;
	s15 =	sshrl.u32 @!p1 s11, $0x3;
	s14 =	sshll.u32 @!p1 s14, $0xC  }
0x24: {  	s16 =	sand.u32 @!p1 $0x7, s11;
	s15 =	sadd.s32 @!p1 s4, s15;
	s14 =	sand.u32 @!p1 $0x1000, s14  }
0x25: {  	[tilespmem:s14], [sflag:$0x2] =	stream.linear.gather @!p1 [hbm4b:s15+s16], $0x1000, $0x38;
	[tilespmem:$0x4000] =	vst v63  }
0x26: {  	p1 =	sge.u32 s31, s8  }
.Ltmp2:
0x27: {  	_ = 	snop;
	(pc) =	sbr.rel @p1 .LBB2_5-.Ltmp2, $1  }
0x28: {  	_ =	sdelay $0x3  }
0x29: {  	s14 =	simm.s32 $0x1  }
0x2a: {  	_ =	swait.ge [sflag:s7], $0x1000;
	s14 =	simm.s32 @!p0 $0x0  }
0x2b: {  	[sflag:s7] =	ssyncset.done $0x0;
	s14 =	sshll.u32 s14, $0xC  }
0x2c: {  	[sflag:s7] =	ssyncadd.s32 $0xFFFFF000;
	(ifvalue) =	ssetifvalue $0x7FFFFFFF;
	v0 =	vld.msk [tilespmem:s14+$0x0 ss:$0x1], $0xffff;
	_ =	sdelay $0x4  }
0x2d: {  	s15 =	sadd.s32 $0x10, s14;
	vm1 =	vgt.s32 v0, $0x0  }
0x2e: {  	v2 =	vld.msk [tilespmem:s15+$0x0 ss:$0x1], $0xffff;
	v1 =	vnsel vm1, $0x0, v0  }
0x2f: {  	v1 =	vmin.u32 v1, $0x29FFF;
	_ =	sdelay $0x1  }
0x30: {  	s16 =	sshll.u32 s12, $0xC;
	s18 =	simm.s32 $0x20  }
0x31: {  	s16 =	sand.u32 $0x1000, s16;
	s17 =	sadd.s32 $0x10, s15;
	s15 =	sor.u32 $0x2000, s14  }
0x32: {  	s14 =	sor.u32 $0x2000, s16;
	s16 =	sadd.s32 $0x10, s15;
	v0 =	vld.msk [tilespmem:s17+$0x0 ss:$0x1], $0xffff;
	vm1 =	vgt.s32 v2, $0x0;
	(ifvalue) =	ssetifvalue $0x7FFFFFFF  }
.LBB2_3:
0x33: {  	[tilespmem:s15], [sflag:$0x1] =	stream.indirect_vreg.gather [hbm4b:s3+s10], $0x1, v1, vm0, $0x4038;
	[tilespmem:$0x4000] =	vst v63  }
0x34: {  	s18 =	sadd.s32 $0x10, s18  }
0x35: {  	v2 =	vnsel vm1, $0x0, v2;
	p1 =	slt.u32 s18, $0xFF0  }
.Ltmp3:
0x36: {  	s15 =	smov.u32 s16;
	v1 =	vmin.u32 v2, $0x29FFF;
	(pc) =	sbr.rel @p1 .LBB2_3-.Ltmp3, $3  }
0x37: {  	_ =	sdelay $0x1  }
0x38: {  	s17 =	sadd.s32 $0x10, s17  }
0x39: {  	vm1 =	vgt.s32 v0, $0x0;
	s16 =	sadd.s32 $0x10, s16;
	v2 =	vmov v0;
	(ifvalue) =	ssetifvalue $0x7FFFFFFF;
	v0 =	vld.msk [tilespmem:s17+$0x0 ss:$0x1], $0xffff  }
.Ltmp4:
0x3a: {  	_ = 	snop;
	(pc) =	sbr.rel .LBB2_4-.Ltmp4, $1  }
0x3b: {  	_ =	sdelay $0x3  }
.LBB2_6:
0x3c: {  	_ =	sfence.sel $0x180000  }
0x3d: {  	s2 =	simm.s32 $0x2;
	[bflag:$0x0] =	sbarrier.arrive $0xFFFF  }
0x3e: {  	s30 =	simm.s32 $0x3;
	[sflag:s2] =	ssyncpa.u1 $0x1  }
0x3f: {  	s31 =	simm.s32 $0x1;
	[sflag:s30] =	ssyncpa.u1 $0x1  }
0x40: {  	[sflag:s31] =	ssyncpa.u1 $0x1  }
0x41: {  	p0 =	sne.s32 s1, $0x0;
	_ =	strace $0x90000047  }
0x42: {  	s0 =	sadd.s32 @!p0 $0x100000, s0;
	[bflag:$0x2] =	sbarrier.arrive $0xFFFF  }
0x43: {  	[sflag:s0] =	ssyncadd.tile.s32 @!p0 $0x1;
	_ =	shalt  }
.Lfunc_end2:
_tile_overlayer_lowered:
.L_overlay_start_2:
0x44: {  	(tag) =	ssettag $0x2  }
0x45: {  	s0 =	rddreg [dreg:$0x0];
	s2 =	stileid.u32  }
0x46: {  	s1 =	rddreg [dreg:$0x1];
	p0 =	sne.s32 s2, $0x0  }
0x47: {  	s3 =	rddreg [dreg:$0x2];
	[bflag:$0x3] =	sbarrier.arrive $0xFFFF;
	s2 =	simm.s32 @!p0 $0x1C01  }
0x48: {  	[timem:s3], [sflag:s2] =	dma.local @!p0 [hbm:s0], s1  }
0x49: {  	s0 =	simm.s32 @!p0 $0x1  }
0x4a: {  	_ =	swait.ge @!p0 [sflag:s0], s1  }
0x4b: {  	s1 =	ssub.s32 @!p0 $0x0, s1;
	[sflag:s0] =	ssyncset.done @!p0 $0x0  }
0x4c: {  	[sflag:s0] =	ssyncadd.s32 @!p0 s1  }
0x4d: {  	[bflag:$0x3] =	sbarrier.arrive $0xFFFF  }
0x4e: {  	_ =	shalt  }

// kernel: gather_offload_async_start.3
scs
__scs_entry_jumppad:
0x0: {  	(pc) =	sbr.rel $0x88, $3  }
0x1: {  	(tag) =	ssettag $0x0;
	lr =	simm.s32 $0x1  }
0x2: {  	[smem:$0x3F99] =	sst lr;
	_ =	strace $0xD0000000  }
0x3: {  	_ = 	snop  }
0x4: {  	_ = 	snop  }
0x5: {  	_ = 	snop  }
0x6: {  	_ = 	snop  }
0x7: {  	_ = 	snop  }
__scs_overlays_trampoline_lowered:
0x8: {  	[smem:$0x3FA8] =	sst s0  }
0x9: {  	[smem:$0x3FA9] =	sst s1  }
0xa: {  	[smem:$0x3FAA] =	sst s2  }
0xb: {  	[smem:$0x3FAB] =	sst s3  }
0xc: {  	[smem:$0x3FAC] =	sst s4  }
0xd: {  	[smem:$0x3FAD] =	sst s5  }
0xe: {  	[smem:$0x3FAE] =	sst s6  }
0xf: {  	[smem:$0x3FAF] =	sst s7  }
0x10: {  	[smem:$0x3FB0] =	sst s8  }
0x11: {  	[smem:$0x3FB1] =	sst s9;
	s0 =	simm.s32 @!p0 $0x0  }
0x12: {  	s1 =	sld [smem:$0x3F97];
	s0 =	simm.s32 @p0 $0x1  }
0x13: {  	[smem:$0x3FB2] =	sst s0;
	s0 =	simm.s32 @!p1 $0x0  }
0x14: {  	s2 =	sld [smem:$0x3F96];
	s0 =	simm.s32 @p1 $0x1  }
0x15: {  	[smem:$0x3FB3] =	sst s0;
	s0 =	simm.s32 @!p2 $0x0  }
0x16: {  	s3 =	sld [smem:$0x3FDB];
	s0 =	simm.s32 @p2 $0x1  }
0x17: {  	s4 =	simm.s32 $0x1BF5;
	[smem:$0x3FB5] =	sst s0  }
0x18: {  	s0 =	sld [smem:$0x3F98];
	_ =	swait.ge [sflag:s4], $0x0  }
0x19: {  	s7 =	sld [smem:$0x3F99]  }
0x1a: {  	s8 =	sadd.s32 $0xFFFFE003, lr  }
0x1b: {  	s9 =	sadd.s32 $0xFFFFFEF7, lr;
	s5 =	simm.s32 $0xFFFFFFFF;
	p2 =	slt.u32 s8, $0xFFFFF086  }
0x1c: {  	p1 =	slt.u32 s9, $0xF7A;
	s5 =	simm.s32 @!p2 $0x0  }
0x1d: {  	s5 =	simm.s32 @p1 $0x1;
	p0 =	seq.s32 s7, s2  }
0x1e: {  	s7 =	smul.u32 @!p0 $0xF7A, s2;
	p2 =	seq.s32 @!p0 s5, $0x0  }
0x1f: {  	s9 =	smul.u32 $0xF7A, s1;
	s8 =	simm.s32 @!p0 $0x1BF5;
	p2 =	por !p2, p0  }
0x20: {  	[sflag:s8] =	ssyncset.s32 @!p0 $0xFFFFF086;
	s6 =	sadd.s32 @!p0 s3, s7;
	s7 =	simm.s32 @!p0 $0x108  }
0x21: {  	s3 =	sadd.s32 s3, s9;
	s6 =	sadd.s32 @!p0 $0x88, s6;
	s7 =	simm.s32 @p2 $0x1082  }
0x22: {  	[simem:s7], [sflag:s8] =	dma.local @!p0 [hbm:s6], $0xF7A  }
0x23: {  	s9 =	sor.u32 $0xD0000000, s2;
	s6 =	simm.s32 $0x108;
	_ =	swait.ge @!p0 [sflag:s8], $0x0  }
0x24: {  	s3 =	sadd.s32 $0x88, s3;
	s6 =	simm.s32 @!p1 $0x1082;
	[sflag:s4] =	ssyncset.s32 $0xFFFFF086  }
0x25: {  	[simem:s6], [sflag:s4] =	dma.local [hbm:s3], $0xF7A  }
0x26: {  	[smem:$0x3F99] =	sst s1;
	(tag) =	ssettag s2;
	_ =	strace s9  }
0x27: {  	s1 =	sld [smem:$0x3FA9]  }
0x28: {  	s2 =	sld [smem:$0x3FAA]  }
0x29: {  	s4 =	sld [smem:$0x3FAC]  }
0x2a: {  	p0 =	seq.s32 s5, $0x0;
	s5 =	sld [smem:$0x3FAD]  }
0x2b: {  	s6 =	sld [smem:$0x3FAE]  }
0x2c: {  	s7 =	sld [smem:$0x3FAF]  }
0x2d: {  	s3 =	simm.s32 $0x108;
	s8 =	sld [smem:$0x3FB0]  }
0x2e: {  	s3 =	simm.s32 @!p0 $0x1082;
	s9 =	sld [smem:$0x3FB1]  }
0x2f: {  	lr =	sadd.s32 s0, s3;
	s0 =	sld [smem:$0x3FA8]  }
0x30: {  	s3 =	sld [smem:$0x3FAB]  }
0x31: {  	[smem:$0x3FB4] =	sst s10  }
0x32: {  	s10 =	sld [smem:$0x3FB2];
	_ =	sdelay $0x3  }
0x33: {  	p0 =	seq.s32 s10, $0x1;
	s10 =	sld [smem:$0x3FB4];
	_ =	sdelay $0x3  }
0x34: {  	[smem:$0x3FB4] =	sst s10  }
0x35: {  	s10 =	sld [smem:$0x3FB3];
	_ =	sdelay $0x3  }
0x36: {  	p1 =	seq.s32 s10, $0x1;
	s10 =	sld [smem:$0x3FB4];
	_ =	sdelay $0x3  }
0x37: {  	[smem:$0x3FB4] =	sst s10  }
0x38: {  	s10 =	sld [smem:$0x3FB5]  }
0x39: {  	_ = 	snop;
	(pc) =	sbr.ind lr, $3  }
0x3a: {  	_ = 	snop  }
0x3b: {  	_ = 	snop  }
0x3c: {  	p2 =	seq.s32 s10, $0x1;
	s10 =	sld [smem:$0x3FB4]  }
0x3d: {  	_ =	shalt  }
0x3e: {  	_ =	shalt  }
0x3f: {  	_ =	shalt  }
0x40: {  	_ =	shalt  }
0x41: {  	_ =	shalt  }
0x42: {  	_ =	shalt  }
0x43: {  	_ =	shalt  }
0x44: {  	_ =	shalt  }
0x45: {  	_ =	shalt  }
0x46: {  	_ =	shalt  }
0x47: {  	_ =	shalt  }
0x48: {  	_ =	shalt  }
0x49: {  	_ =	shalt  }
0x4a: {  	_ =	shalt  }
0x4b: {  	_ =	shalt  }
0x4c: {  	_ =	shalt  }
0x4d: {  	_ =	shalt  }
0x4e: {  	_ =	shalt  }
0x4f: {  	_ =	shalt  }
0x50: {  	_ =	shalt  }
0x51: {  	_ =	shalt  }
0x52: {  	_ =	shalt  }
0x53: {  	_ =	shalt  }
0x54: {  	_ =	shalt  }
0x55: {  	_ =	shalt  }
0x56: {  	_ =	shalt  }
0x57: {  	_ =	shalt  }
0x58: {  	_ =	shalt  }
0x59: {  	_ =	shalt  }
0x5a: {  	_ =	shalt  }
0x5b: {  	_ =	shalt  }
0x5c: {  	_ =	shalt  }
0x5d: {  	_ =	shalt  }
0x5e: {  	_ =	shalt  }
0x5f: {  	_ =	shalt  }
0x60: {  	_ =	shalt  }
0x61: {  	_ =	shalt  }
0x62: {  	_ =	shalt  }
0x63: {  	_ =	shalt  }
0x64: {  	_ =	shalt  }
0x65: {  	_ =	shalt  }
0x66: {  	_ =	shalt  }
0x67: {  	_ =	shalt  }
0x68: {  	_ =	shalt  }
0x69: {  	_ =	shalt  }
0x6a: {  	_ =	shalt  }
0x6b: {  	_ =	shalt  }
0x6c: {  	_ =	shalt  }
0x6d: {  	_ =	shalt  }
0x6e: {  	_ =	shalt  }
0x6f: {  	_ =	shalt  }
0x70: {  	_ =	shalt  }
0x71: {  	_ =	shalt  }
0x72: {  	_ =	shalt  }
0x73: {  	_ =	shalt  }
0x74: {  	_ =	shalt  }
0x75: {  	_ =	shalt  }
0x76: {  	_ =	shalt  }
0x77: {  	_ =	shalt  }
0x78: {  	_ =	shalt  }
0x79: {  	_ =	shalt  }
0x7a: {  	_ =	shalt  }
0x7b: {  	_ =	shalt  }
0x7c: {  	_ =	shalt  }
0x7d: {  	_ =	shalt  }
0x7e: {  	_ =	shalt  }
0x7f: {  	_ =	shalt  }
0x80: {  	_ =	shalt  }
0x81: {  	_ =	shalt  }
0x82: {  	_ =	shalt  }
0x83: {  	_ =	shalt  }
0x84: {  	_ =	shalt  }
0x85: {  	_ =	shalt  }
0x86: {  	_ =	shalt  }
0x87: {  	_ =	shalt  }
.Lfunc_end0:
.L_simem_size_0:
called_computation.3_lowered:
.L_overlay_start_0:
0x88: {  	s2 =	sld [smem:$0x3FD9]  }
0x89: {  	s3 =	sld [smem:$0x3FFE];
	_ =	sdelay $0x1  }
0x8a: {  	s1 =	srdreg.scid  }
0x8b: {  	s0 =	sand.u32 $0x1, s1  }
0x8c: {  	s16 =	sshll.u32 s0, $0xA;
	s2 =	sadd.s32 s3, s2  }
0x8d: {  	s2 =	sadd.s32 s2, s16  }
0x8e: {  	[smem:$0x3FC0] =	sst s2  }
0x8f: {  	_ = 	snop  }
0x90: {  	(tm) =	ssettm $0x1  }
0x91: {  	s17 =	sld [smem:$0x3FFB];
	_ =	sdelay $0x3  }
0x92: {  	_ =	strace s17  }
0x93: {  	s2 =	sld [smem:$0x3FFC];
	_ =	sdelay $0x3  }
0x94: {  	_ =	strace s2  }
0x95: {  	s2 =	sld [smem:$0x3FFD];
	_ =	sdelay $0x3  }
0x96: {  	_ =	strace s2  }
0x97: {  	_ =	strace $0x8FFFFFFF  }
0x98: {  	s18 =	sld [smem:$0x3FDB];
	_ =	sdelay $0x1  }
0x99: {  	s19 =	simm.s32 $_scs_section_size  }
0x9a: {  	s4 =	simm.s32 $_size__tile_overlayer_lowered;
	s5 =	simm.s32 $_tile_overlayer_lowered  }
0x9b: {  	s22 =	simm.s32 $0x1BFF;
	s21 =	sshll.u32 s5, $0x1;
	s2 =	sadd.s32 s19, s18  }
0x9c: {  	s6 =	simm.s32 $0x0;
	s20 =	sshll.u32 s4, $0x1;
	s4 =	sadd.s32 s21, s2  }
0x9d: {  	[timem:s6], [sflag:s22] =	dma.local [hbm:s4], s20  }
0x9e: {  	_ =	swait.ge [sflag:s22], s20  }
0x9f: {  	s3 =	ssub.s32 $0x0, s20;
	[sflag:s22] =	ssyncset.done $0x0  }
0xa0: {  	[sflag:s22] =	ssyncadd.s32 s3;
	_ =	sdelay $0x1  }
0xa1: {  	s23 =	simm.s32 $0x1B8B  }
0xa2: {  	_ =	swait.ge [sflag:s23], $0x1  }
0xa3: {  	[sflag:s23] =	ssyncset.done $0x0  }
0xa4: {  	s25 =	simm.s32 $0x1B8E;
	s24 =	sld [smem:$0x3FFE];
	[sflag:s23] =	ssyncadd.s32 $0xFFFFFFFF  }
0xa5: {  	s26 =	simm.s32 $execute0_lowered;
	[smem:$0x3FD2] =	sst s25  }
0xa6: {  	s4 =	sshll.u32 s26, $0x1;
	_ =	strace $0x80000049;
	[dreg:$0x1] =	wrdreg $0xFFFFFFFF  }
0xa7: {  	s28 =	simm.s32 $_size_execute0_lowered;
	s2 =	sadd.s32 s2, s4;
	[dreg:$0x0] =	wrdreg $0x0  }
0xa8: {  	s4 =	sshll.u32 s28, $0x1;
	[dreg:$0x2] =	wrdreg s2  }
0xa9: {  	[dreg:$0x3] =	wrdreg s4  }
0xaa: {  	[dreg:$0x4] =	wrdreg $0xC0  }
0xab: {  	_ =	task [dreg:s6], $0x5FFFF  }
0xac: {  	[dreg:$0x1] =	wrdreg $0xFFFFFFFF  }
0xad: {  	[dreg:$0x0] =	wrdreg $0x60  }
0xae: {  	[dreg:$0x2] =	wrdreg s24  }
0xaf: {  	[dreg:$0x3] =	wrdreg $0xA  }
0xb0: {  	_ =	task.clear_ibuf [dreg:s6], $0x4FFFF;
	_ =	strace $0x90000049  }
0xb1: {  	s29 =	simm.s32 $0xA;
	_ =	strace $0x8000004B  }
0xb2: {  	_ =	swait.ge [sflag:s29], $0x1  }
0xb3: {  	[sflag:s29] =	ssyncadd.s32 $0xFFFFFFFF  }
0xb4: {  	_ =	strace $0x9000004B  }
0xb5: {  	_ =	sfence  }
0xb6: {  	s30 =	sld [smem:$0x0];
	_ =	sdelay $0x2  }
0xb7: {  	s31 =	sshll.u32 s1, $0xD;
	s1 =	sshrl.u32 s1, $0x2  }
0xb8: {  	s3 =	sand.u32 $0x4000, s31;
	s1 =	sadd.s32 s1, s30  }
0xb9: {  	s0 =	sor.u32 s3, s0;
	s1 =	sshll.u32 s1, $0x11  }
0xba: {  	s0 =	sor.u32 s1, s0  }
0xbb: {  	s0 =	sadd.s32 $0x8F2B, s0  }
0xbc: {  	[sflag:s0] =	ssyncadd.remote.s32 $0x1  }
0xbd: {  	_ =	sfence.sel $0xFFFF  }
0xbe: {  	[dreg:$0x0] =	wrdreg $0xFFFFFFFF;
	(pc) =	sbr.abs _section_cstart, $3  }
0xbf: {  	[dreg:$0x1] =	wrdreg $0xFFFFFFFF  }
0xc0: {  	_ =	task.clear_ibuf [dreg:s6], $0x2FFFF;
	_ =	strace $0x9FFFFFFF  }
0xc1: {  	(tm) =	ssettm $0x7FFFFFFF  }
tec
execute0_lowered:
.L_overlay_start_1:
0x0: {  	(tag) =	ssettag $0x1  }
0x1: {  	s0 =	srdreg.scid;
	s5 =	rddreg [dreg:$0x0]  }
0x2: {  	s1 =	stileid.u32;
	s6 =	simm.s32 $0x1;
	s9 =	simm.s32 $0x1  }
0x3: {  	s10 =	simm.s32 $0x3;
	s13 =	simm.s32 $0x0;
	s2 =	sshll.u32 s0, $0xC  }
0x4: {  	s12 =	simm.s32 $0x0;
	s3 =	sshll.u32 s1, $0xD;
	s2 =	sand.u32 $0x1000, s2  }
0x5: {  	s0 =	rddreg [dreg:$0x1];
	_ =	strace $0x8000004A;
	s2 =	sor.u32 s3, s2  }
0x6: {  	s4 =	sadd.s32 $0x9000, s5;
	[sflag:s6] =	ssyncpa.u1 $0x0;
	s8 =	ssub.s32 $0x2A000, s2  }
.Ltmp0:
0x7: {  	s3 =	sadd.s32 $0x3C00, s5;
	s7 =	sand.u32 $0x1F000, s8;
	(pc) =	sbr.rel .LBB2_1-.Ltmp0, $4  }
0x8: {  	s5 =	sadd.s32 $0x13800, s5;
	s11 =	smov.u32 s2;
	p0 =	sne.s32 s7, $0x0  }
0x9: {  	s8 =	sshrl.u32 s8, $0x11;
	s7 =	simm.s32 $0x2;
	s9 =	simm.s32 @!p0 $0x0  }
0xa: {  	[sflag:s7] =	ssyncpa.u1 $0x0;
	p0 =	por $0x0, $0x0;
	s8 =	sadd.s32 s9, s8  }
0xb: {  	vm0 =	vmmov $0xffff;
	[sflag:s10] =	ssyncpa.u1 $0x0;
	s10 =	simm.s32 $0x0;
	s9 =	sadd.s32 $0x1, s8  }
.LBB2_4:
0xc: {  	v2 =	vnsel vm1, $0x0, v2  }
0xd: {  	vm1 =	vgt.s32 v0, $0x0;
	v2 =	vmin.u32 v2, $0x29FFF  }
0xe: {  	v0 =	vnsel vm1, $0x0, v0  }
0xf: {  	v0 =	vmin.u32 v0, $0x29FFF  }
0x10: {  	[tilespmem:s15], [sflag:$0x1] =	stream.indirect_vreg.gather [hbm4b:s3+s10], $0x1, v1, vm0, $0x4038;
	[tilespmem:$0x4000] =	vst v63  }
0x11: {  	(ifvalue) =	ssetifvalue $0x7FFFFFFF  }
0x12: {  	[tilespmem:s16], [sflag:$0x1] =	stream.indirect_vreg.gather [hbm4b:s3+s10], $0x1, v2, vm0, $0x4038;
	[tilespmem:$0x4000] =	vst v63  }
0x13: {  	s29 =	sadd.s32 $0x10, s16;
	(ifvalue) =	ssetifvalue $0x7FFFFFFF  }
0x14: {  	[tilespmem:s29], [sflag:$0x1] =	stream.indirect_vreg.gather [hbm4b:s3+s10], $0x1, v0, vm0, $0x4038;
	[tilespmem:$0x4000] =	vst v63  }
0x15: {  	_ =	swait.ge [sflag:s6], $0x1000  }
0x16: {  	s30 =	sshrl.u32 s13, $0x3;
	[sflag:s6] =	ssyncset.done $0x0  }
0x17: {  	s31 =	sand.u32 $0x7, s13;
	s15 =	sadd.s32 s5, s30;
	[sflag:s6] =	ssyncadd.s32 $0xFFFFF000  }
0x18: {  	[hbm4b:s15+s31] =	stream.linear.scatter [tilespmem:s14], [sflag:$0x3], $0x1000, $0x38;
	[tilespmem:$0x4000] =	vst v63  }
.LBB2_5:
0x19: {  	s15 =	sadd.s32 $0x20000, s11  }
0x1a: {  	p2 =	sgt.s32 s15, $0x29FFF  }
0x1b: {  	s15 =	smov.u32 @p2 s2;
	p2 =	sne.s32 s12, s9  }
.Ltmp1:
0x1c: {  	p1 =	slt.u32 s12, $0x2;
	(pc) =	sbr.rel @!p2 .LBB2_6-.Ltmp1, $4  }
0x1d: {  	s14 =	simm.s32 @!p1 $0x3  }
0x1e: {  	s16 =	sadd.s32 $0x1, s12;
	_ =	swait.ge @!p1 [sflag:s14], $0x1000  }
0x1f: {  	s13 =	smov.u32 s11;
	p0 =	por !p0, !p0;
	[sflag:s14] =	ssyncset.done @!p1 $0x0  }
0x20: {  	s12 =	smov.u32 s16;
	s11 =	smov.u32 s15;
	[sflag:s14] =	ssyncadd.s32 @!p1 $0xFFFFF000  }
.LBB2_1:
0x21: {  	p1 =	sge.u32 s12, s8  }
0x22: {  	s14 =	sxor.u32 @!p1 $0xFFFFFFFF, s12  }
0x23: {  	s31 =	sadd.s32 $0xFFFFFFFF, s12;
	s15 =	sshrl.u32 @!p1 s11, $0x3;
	s14 =	sshll.u32 @!p1 s14, $0xC  }
0x24: {  	s16 =	sand.u32 @!p1 $0x7, s11;
	s15 =	sadd.s32 @!p1 s4, s15;
	s14 =	sand.u32 @!p1 $0x1000, s14  }
0x25: {  	[tilespmem:s14], [sflag:$0x2] =	stream.linear.gather @!p1 [hbm4b:s15+s16], $0x1000, $0x38;
	[tilespmem:$0x4000] =	vst v63  }
0x26: {  	p1 =	sge.u32 s31, s8  }
.Ltmp2:
0x27: {  	_ = 	snop;
	(pc) =	sbr.rel @p1 .LBB2_5-.Ltmp2, $1  }
0x28: {  	_ =	sdelay $0x3  }
0x29: {  	s14 =	simm.s32 $0x1  }
0x2a: {  	_ =	swait.ge [sflag:s7], $0x1000;
	s14 =	simm.s32 @!p0 $0x0  }
0x2b: {  	[sflag:s7] =	ssyncset.done $0x0;
	s14 =	sshll.u32 s14, $0xC  }
0x2c: {  	[sflag:s7] =	ssyncadd.s32 $0xFFFFF000;
	(ifvalue) =	ssetifvalue $0x7FFFFFFF;
	v0 =	vld.msk [tilespmem:s14+$0x0 ss:$0x1], $0xffff;
	_ =	sdelay $0x4  }
0x2d: {  	s15 =	sadd.s32 $0x10, s14;
	vm1 =	vgt.s32 v0, $0x0  }
0x2e: {  	v2 =	vld.msk [tilespmem:s15+$0x0 ss:$0x1], $0xffff;
	v1 =	vnsel vm1, $0x0, v0  }
0x2f: {  	v1 =	vmin.u32 v1, $0x29FFF;
	_ =	sdelay $0x1  }
0x30: {  	s16 =	sshll.u32 s12, $0xC;
	s18 =	simm.s32 $0x20  }
0x31: {  	s16 =	sand.u32 $0x1000, s16;
	s17 =	sadd.s32 $0x10, s15;
	s15 =	sor.u32 $0x2000, s14  }
0x32: {  	s14 =	sor.u32 $0x2000, s16;
	s16 =	sadd.s32 $0x10, s15;
	v0 =	vld.msk [tilespmem:s17+$0x0 ss:$0x1], $0xffff;
	vm1 =	vgt.s32 v2, $0x0;
	(ifvalue) =	ssetifvalue $0x7FFFFFFF  }
.LBB2_3:
0x33: {  	[tilespmem:s15], [sflag:$0x1] =	stream.indirect_vreg.gather [hbm4b:s3+s10], $0x1, v1, vm0, $0x4038;
	[tilespmem:$0x4000] =	vst v63  }
0x34: {  	s18 =	sadd.s32 $0x10, s18  }
0x35: {  	v2 =	vnsel vm1, $0x0, v2;
	p1 =	slt.u32 s18, $0xFF0  }
.Ltmp3:
0x36: {  	s15 =	smov.u32 s16;
	v1 =	vmin.u32 v2, $0x29FFF;
	(pc) =	sbr.rel @p1 .LBB2_3-.Ltmp3, $3  }
0x37: {  	_ =	sdelay $0x1  }
0x38: {  	s17 =	sadd.s32 $0x10, s17  }
0x39: {  	vm1 =	vgt.s32 v0, $0x0;
	s16 =	sadd.s32 $0x10, s16;
	v2 =	vmov v0;
	(ifvalue) =	ssetifvalue $0x7FFFFFFF;
	v0 =	vld.msk [tilespmem:s17+$0x0 ss:$0x1], $0xffff  }
.Ltmp4:
0x3a: {  	_ = 	snop;
	(pc) =	sbr.rel .LBB2_4-.Ltmp4, $1  }
0x3b: {  	_ =	sdelay $0x3  }
.LBB2_6:
0x3c: {  	_ =	sfence.sel $0x180000  }
0x3d: {  	s2 =	simm.s32 $0x2;
	[bflag:$0x0] =	sbarrier.arrive $0xFFFF  }
0x3e: {  	s30 =	simm.s32 $0x3;
	[sflag:s2] =	ssyncpa.u1 $0x1  }
0x3f: {  	s31 =	simm.s32 $0x1;
	[sflag:s30] =	ssyncpa.u1 $0x1  }
0x40: {  	[sflag:s31] =	ssyncpa.u1 $0x1  }
0x41: {  	p0 =	sne.s32 s1, $0x0;
	_ =	strace $0x9000004A  }
0x42: {  	s0 =	sadd.s32 @!p0 $0x100000, s0;
	[bflag:$0x2] =	sbarrier.arrive $0xFFFF  }
0x43: {  	[sflag:s0] =	ssyncadd.tile.s32 @!p0 $0x1;
	_ =	shalt  }
.Lfunc_end2:
_tile_overlayer_lowered:
.L_overlay_start_2:
0x44: {  	(tag) =	ssettag $0x2  }
0x45: {  	s0 =	rddreg [dreg:$0x0];
	s2 =	stileid.u32  }
0x46: {  	s1 =	rddreg [dreg:$0x1];
	p0 =	sne.s32 s2, $0x0  }
0x47: {  	s3 =	rddreg [dreg:$0x2];
	[bflag:$0x3] =	sbarrier.arrive $0xFFFF;
	s2 =	simm.s32 @!p0 $0x1C01  }
0x48: {  	[timem:s3], [sflag:s2] =	dma.local @!p0 [hbm:s0], s1  }
0x49: {  	s0 =	simm.s32 @!p0 $0x1  }
0x4a: {  	_ =	swait.ge @!p0 [sflag:s0], s1  }
0x4b: {  	s1 =	ssub.s32 @!p0 $0x0, s1;
	[sflag:s0] =	ssyncset.done @!p0 $0x0  }
0x4c: {  	[sflag:s0] =	ssyncadd.s32 @!p0 s1  }
0x4d: {  	[bflag:$0x3] =	sbarrier.arrive $0xFFFF  }
0x4e: {  	_ =	shalt  }

// kernel: gather_offload_async_start
scs
__scs_entry_jumppad:
0x0: {  	(pc) =	sbr.rel $0x88, $3  }
0x1: {  	(tag) =	ssettag $0x0;
	lr =	simm.s32 $0x1  }
0x2: {  	[smem:$0x3F99] =	sst lr;
	_ =	strace $0xD0000000  }
0x3: {  	_ = 	snop  }
0x4: {  	_ = 	snop  }
0x5: {  	_ = 	snop  }
0x6: {  	_ = 	snop  }
0x7: {  	_ = 	snop  }
__scs_overlays_trampoline_lowered:
0x8: {  	[smem:$0x3FA8] =	sst s0  }
0x9: {  	[smem:$0x3FA9] =	sst s1  }
0xa: {  	[smem:$0x3FAA] =	sst s2  }
0xb: {  	[smem:$0x3FAB] =	sst s3  }
0xc: {  	[smem:$0x3FAC] =	sst s4  }
0xd: {  	[smem:$0x3FAD] =	sst s5  }
0xe: {  	[smem:$0x3FAE] =	sst s6  }
0xf: {  	[smem:$0x3FAF] =	sst s7  }
0x10: {  	[smem:$0x3FB0] =	sst s8  }
0x11: {  	[smem:$0x3FB1] =	sst s9;
	s0 =	simm.s32 @!p0 $0x0  }
0x12: {  	s1 =	sld [smem:$0x3F97];
	s0 =	simm.s32 @p0 $0x1  }
0x13: {  	[smem:$0x3FB2] =	sst s0;
	s0 =	simm.s32 @!p1 $0x0  }
0x14: {  	s2 =	sld [smem:$0x3F96];
	s0 =	simm.s32 @p1 $0x1  }
0x15: {  	[smem:$0x3FB3] =	sst s0;
	s0 =	simm.s32 @!p2 $0x0  }
0x16: {  	s3 =	sld [smem:$0x3FDB];
	s0 =	simm.s32 @p2 $0x1  }
0x17: {  	s4 =	simm.s32 $0x1BF5;
	[smem:$0x3FB5] =	sst s0  }
0x18: {  	s0 =	sld [smem:$0x3F98];
	_ =	swait.ge [sflag:s4], $0x0  }
0x19: {  	s7 =	sld [smem:$0x3F99]  }
0x1a: {  	s8 =	sadd.s32 $0xFFFFE003, lr  }
0x1b: {  	s9 =	sadd.s32 $0xFFFFFEF7, lr;
	s5 =	simm.s32 $0xFFFFFFFF;
	p2 =	slt.u32 s8, $0xFFFFF086  }
0x1c: {  	p1 =	slt.u32 s9, $0xF7A;
	s5 =	simm.s32 @!p2 $0x0  }
0x1d: {  	s5 =	simm.s32 @p1 $0x1;
	p0 =	seq.s32 s7, s2  }
0x1e: {  	s7 =	smul.u32 @!p0 $0xF7A, s2;
	p2 =	seq.s32 @!p0 s5, $0x0  }
0x1f: {  	s9 =	smul.u32 $0xF7A, s1;
	s8 =	simm.s32 @!p0 $0x1BF5;
	p2 =	por !p2, p0  }
0x20: {  	[sflag:s8] =	ssyncset.s32 @!p0 $0xFFFFF086;
	s6 =	sadd.s32 @!p0 s3, s7;
	s7 =	simm.s32 @!p0 $0x108  }
0x21: {  	s3 =	sadd.s32 s3, s9;
	s6 =	sadd.s32 @!p0 $0x88, s6;
	s7 =	simm.s32 @p2 $0x1082  }
0x22: {  	[simem:s7], [sflag:s8] =	dma.local @!p0 [hbm:s6], $0xF7A  }
0x23: {  	s9 =	sor.u32 $0xD0000000, s2;
	s6 =	simm.s32 $0x108;
	_ =	swait.ge @!p0 [sflag:s8], $0x0  }
0x24: {  	s3 =	sadd.s32 $0x88, s3;
	s6 =	simm.s32 @!p1 $0x1082;
	[sflag:s4] =	ssyncset.s32 $0xFFFFF086  }
0x25: {  	[simem:s6], [sflag:s4] =	dma.local [hbm:s3], $0xF7A  }
0x26: {  	[smem:$0x3F99] =	sst s1;
	(tag) =	ssettag s2;
	_ =	strace s9  }
0x27: {  	s1 =	sld [smem:$0x3FA9]  }
0x28: {  	s2 =	sld [smem:$0x3FAA]  }
0x29: {  	s4 =	sld [smem:$0x3FAC]  }
0x2a: {  	p0 =	seq.s32 s5, $0x0;
	s5 =	sld [smem:$0x3FAD]  }
0x2b: {  	s6 =	sld [smem:$0x3FAE]  }
0x2c: {  	s7 =	sld [smem:$0x3FAF]  }
0x2d: {  	s3 =	simm.s32 $0x108;
	s8 =	sld [smem:$0x3FB0]  }
0x2e: {  	s3 =	simm.s32 @!p0 $0x1082;
	s9 =	sld [smem:$0x3FB1]  }
0x2f: {  	lr =	sadd.s32 s0, s3;
	s0 =	sld [smem:$0x3FA8]  }
0x30: {  	s3 =	sld [smem:$0x3FAB]  }
0x31: {  	[smem:$0x3FB4] =	sst s10  }
0x32: {  	s10 =	sld [smem:$0x3FB2];
	_ =	sdelay $0x3  }
0x33: {  	p0 =	seq.s32 s10, $0x1;
	s10 =	sld [smem:$0x3FB4];
	_ =	sdelay $0x3  }
0x34: {  	[smem:$0x3FB4] =	sst s10  }
0x35: {  	s10 =	sld [smem:$0x3FB3];
	_ =	sdelay $0x3  }
0x36: {  	p1 =	seq.s32 s10, $0x1;
	s10 =	sld [smem:$0x3FB4];
	_ =	sdelay $0x3  }
0x37: {  	[smem:$0x3FB4] =	sst s10  }
0x38: {  	s10 =	sld [smem:$0x3FB5]  }
0x39: {  	_ = 	snop;
	(pc) =	sbr.ind lr, $3  }
0x3a: {  	_ = 	snop  }
0x3b: {  	_ = 	snop  }
0x3c: {  	p2 =	seq.s32 s10, $0x1;
	s10 =	sld [smem:$0x3FB4]  }
0x3d: {  	_ =	shalt  }
0x3e: {  	_ =	shalt  }
0x3f: {  	_ =	shalt  }
0x40: {  	_ =	shalt  }
0x41: {  	_ =	shalt  }
0x42: {  	_ =	shalt  }
0x43: {  	_ =	shalt  }
0x44: {  	_ =	shalt  }
0x45: {  	_ =	shalt  }
0x46: {  	_ =	shalt  }
0x47: {  	_ =	shalt  }
0x48: {  	_ =	shalt  }
0x49: {  	_ =	shalt  }
0x4a: {  	_ =	shalt  }
0x4b: {  	_ =	shalt  }
0x4c: {  	_ =	shalt  }
0x4d: {  	_ =	shalt  }
0x4e: {  	_ =	shalt  }
0x4f: {  	_ =	shalt  }
0x50: {  	_ =	shalt  }
0x51: {  	_ =	shalt  }
0x52: {  	_ =	shalt  }
0x53: {  	_ =	shalt  }
0x54: {  	_ =	shalt  }
0x55: {  	_ =	shalt  }
0x56: {  	_ =	shalt  }
0x57: {  	_ =	shalt  }
0x58: {  	_ =	shalt  }
0x59: {  	_ =	shalt  }
0x5a: {  	_ =	shalt  }
0x5b: {  	_ =	shalt  }
0x5c: {  	_ =	shalt  }
0x5d: {  	_ =	shalt  }
0x5e: {  	_ =	shalt  }
0x5f: {  	_ =	shalt  }
0x60: {  	_ =	shalt  }
0x61: {  	_ =	shalt  }
0x62: {  	_ =	shalt  }
0x63: {  	_ =	shalt  }
0x64: {  	_ =	shalt  }
0x65: {  	_ =	shalt  }
0x66: {  	_ =	shalt  }
0x67: {  	_ =	shalt  }
0x68: {  	_ =	shalt  }
0x69: {  	_ =	shalt  }
0x6a: {  	_ =	shalt  }
0x6b: {  	_ =	shalt  }
0x6c: {  	_ =	shalt  }
0x6d: {  	_ =	shalt  }
0x6e: {  	_ =	shalt  }
0x6f: {  	_ =	shalt  }
0x70: {  	_ =	shalt  }
0x71: {  	_ =	shalt  }
0x72: {  	_ =	shalt  }
0x73: {  	_ =	shalt  }
0x74: {  	_ =	shalt  }
0x75: {  	_ =	shalt  }
0x76: {  	_ =	shalt  }
0x77: {  	_ =	shalt  }
0x78: {  	_ =	shalt  }
0x79: {  	_ =	shalt  }
0x7a: {  	_ =	shalt  }
0x7b: {  	_ =	shalt  }
0x7c: {  	_ =	shalt  }
0x7d: {  	_ =	shalt  }
0x7e: {  	_ =	shalt  }
0x7f: {  	_ =	shalt  }
0x80: {  	_ =	shalt  }
0x81: {  	_ =	shalt  }
0x82: {  	_ =	shalt  }
0x83: {  	_ =	shalt  }
0x84: {  	_ =	shalt  }
0x85: {  	_ =	shalt  }
0x86: {  	_ =	shalt  }
0x87: {  	_ =	shalt  }
.Lfunc_end0:
.L_simem_size_0:
called_computation_lowered:
.L_overlay_start_0:
0x88: {  	s0 =	sld [smem:$0x3FD9]  }
0x89: {  	s1 =	sld [smem:$0x3FFE];
	_ =	sdelay $0x3  }
0x8a: {  	s0 =	sadd.s32 s1, s0  }
0x8b: {  	[smem:$0x3FC0] =	sst s0  }
0x8c: {  	_ = 	snop  }
0x8d: {  	(tm) =	ssettm $0x1  }
0x8e: {  	s15 =	sld [smem:$0x3FFB];
	_ =	sdelay $0x3  }
0x8f: {  	_ =	strace s15  }
0x90: {  	s0 =	sld [smem:$0x3FFC];
	_ =	sdelay $0x3  }
0x91: {  	_ =	strace s0  }
0x92: {  	s0 =	sld [smem:$0x3FFD];
	_ =	sdelay $0x3  }
0x93: {  	_ =	strace s0  }
0x94: {  	_ =	strace $0x8FFFFFFF  }
0x95: {  	s16 =	sld [smem:$0x3FDB];
	_ =	sdelay $0x1  }
0x96: {  	s17 =	simm.s32 $_scs_section_size  }
0x97: {  	s2 =	simm.s32 $_size__tile_overlayer_lowered;
	s3 =	simm.s32 $_tile_overlayer_lowered  }
0x98: {  	s20 =	simm.s32 $0x1BFF;
	s19 =	sshll.u32 s3, $0x1;
	s0 =	sadd.s32 s17, s16  }
0x99: {  	s4 =	simm.s32 $0x0;
	s18 =	sshll.u32 s2, $0x1;
	s2 =	sadd.s32 s19, s0  }
0x9a: {  	[timem:s4], [sflag:s20] =	dma.local [hbm:s2], s18  }
0x9b: {  	_ =	swait.ge [sflag:s20], s18  }
0x9c: {  	s1 =	ssub.s32 $0x0, s18;
	[sflag:s20] =	ssyncset.done $0x0  }
0x9d: {  	[sflag:s20] =	ssyncadd.s32 s1;
	_ =	sdelay $0x1  }
0x9e: {  	s21 =	simm.s32 $0x1B8B  }
0x9f: {  	_ =	swait.ge [sflag:s21], $0x1  }
0xa0: {  	[sflag:s21] =	ssyncset.done $0x0  }
0xa1: {  	s23 =	simm.s32 $0x1B8E;
	s22 =	sld [smem:$0x3FFE];
	[sflag:s21] =	ssyncadd.s32 $0xFFFFFFFF  }
0xa2: {  	s24 =	simm.s32 $execute0_lowered;
	[smem:$0x3FD2] =	sst s23  }
0xa3: {  	s2 =	sshll.u32 s24, $0x1;
	_ =	strace $0x8000005B;
	[dreg:$0x1] =	wrdreg $0xFFFFFFFF  }
0xa4: {  	s25 =	simm.s32 $_size_execute0_lowered;
	s0 =	sadd.s32 s0, s2;
	[dreg:$0x0] =	wrdreg $0x0  }
0xa5: {  	s2 =	sshll.u32 s25, $0x1;
	[dreg:$0x2] =	wrdreg s0  }
0xa6: {  	[dreg:$0x3] =	wrdreg s2  }
0xa7: {  	[dreg:$0x4] =	wrdreg $0xC0  }
0xa8: {  	_ =	task [dreg:s4], $0x5FFFF  }
0xa9: {  	[dreg:$0x1] =	wrdreg $0xFFFFFFFF  }
0xaa: {  	[dreg:$0x0] =	wrdreg $0x60  }
0xab: {  	[dreg:$0x2] =	wrdreg s22  }
0xac: {  	[dreg:$0x3] =	wrdreg $0x9  }
0xad: {  	_ =	task.clear_ibuf [dreg:s4], $0x4FFFF;
	_ =	strace $0x9000005B  }
0xae: {  	s26 =	simm.s32 $0x9;
	_ =	strace $0x8000005D  }
0xaf: {  	_ =	swait.ge [sflag:s26], $0x1  }
0xb0: {  	[sflag:s26] =	ssyncadd.s32 $0xFFFFFFFF  }
0xb1: {  	_ =	strace $0x9000005D  }
0xb2: {  	_ =	sfence  }
0xb3: {  	s28 =	sld [smem:$0x0];
	_ =	sdelay $0x1  }
0xb4: {  	s29 =	srdreg.scid  }
0xb5: {  	s30 =	sshll.u32 s29, $0xD;
	s31 =	sshrl.u32 s29, $0x2  }
0xb6: {  	s1 =	sand.u32 $0x1, s29;
	s2 =	sand.u32 $0x4000, s30;
	s0 =	sadd.s32 s31, s28  }
0xb7: {  	s1 =	sor.u32 s2, s1;
	s0 =	sshll.u32 s0, $0x11  }
0xb8: {  	s0 =	sor.u32 s0, s1  }
0xb9: {  	s0 =	sadd.s32 $0x8F2B, s0  }
0xba: {  	[sflag:s0] =	ssyncadd.remote.s32 $0x1  }
0xbb: {  	_ =	sfence.sel $0xFFFF  }
0xbc: {  	[dreg:$0x0] =	wrdreg $0xFFFFFFFF;
	(pc) =	sbr.abs _section_cstart, $3  }
0xbd: {  	[dreg:$0x1] =	wrdreg $0xFFFFFFFF  }
0xbe: {  	_ =	task.clear_ibuf [dreg:s4], $0x2FFFF;
	_ =	strace $0x9FFFFFFF  }
0xbf: {  	(tm) =	ssettm $0x7FFFFFFF  }
tec
execute0_lowered:
.L_overlay_start_1:
0x0: {  	(tag) =	ssettag $0x1  }
0x1: {  	s8 =	rddreg [dreg:$0x0]  }
0x2: {  	s0 =	rddreg [dreg:$0x1];
	_ =	strace $0x8000005C  }
0x3: {  	s4 =	simm.s32 $0x1;
	s1 =	stileid.u32;
	s7 =	simm.s32 $0x1  }
0x4: {  	s9 =	simm.s32 $0x1;
	s6 =	simm.s32 $0x2;
	s10 =	simm.s32 $0x3  }
0x5: {  	s13 =	simm.s32 $0x0;
	s12 =	simm.s32 $0x0;
	s2 =	sadd.s32 $0x13800, s8  }
.Ltmp0:
0x6: {  	s3 =	sadd.s32 $0x4C00, s8;
	p0 =	slt.u32 s1, $0xA;
	(pc) =	sbr.rel .LBB2_1-.Ltmp0, $4  }
0x7: {  	[sflag:s4] =	ssyncpa.u1 $0x0;
	s7 =	simm.s32 @!p0 $0x0;
	p0 =	sne.s32 s1, $0x9  }
0x8: {  	s5 =	smul.u32 $0x190, s1;
	[sflag:s6] =	ssyncpa.u1 $0x0;
	s9 =	simm.s32 @!p0 $0x0  }
0x9: {  	s8 =	sadd.s32 $0x5200, s8;
	[sflag:s10] =	ssyncpa.u1 $0x0;
	s7 =	sadd.s32 s9, s7  }
0xa: {  	vm0 =	vmmov $0xffff;
	s10 =	simm.s32 $0x0;
	s11 =	smov.u32 s5;
	s9 =	sadd.s32 $0x1, s7  }
.LBB2_4:
0xb: {  	v2 =	vnsel vm1, $0x0, v2  }
0xc: {  	vm1 =	vgt.s32 v0, $0x0;
	v2 =	vmin.u32 v2, $0x29FFF  }
0xd: {  	v0 =	vnsel vm1, $0x0, v0  }
0xe: {  	v0 =	vmin.u32 v0, $0x29FFF  }
0xf: {  	[tilespmem:s18], [sflag:$0x1] =	stream.indirect_vreg.gather [hbm4b:s2+s10], $0x1, v1, vm0, $0x4038;
	[tilespmem:$0x640] =	vst v63  }
0x10: {  	(ifvalue) =	ssetifvalue $0x7FFFFFFF  }
0x11: {  	[tilespmem:s15], [sflag:$0x1] =	stream.indirect_vreg.gather [hbm4b:s2+s10], $0x1, v2, vm0, $0x4038;
	[tilespmem:$0x640] =	vst v63  }
0x12: {  	s29 =	sadd.s32 $0x10, s15;
	(ifvalue) =	ssetifvalue $0x7FFFFFFF  }
0x13: {  	[tilespmem:s29], [sflag:$0x1] =	stream.indirect_vreg.gather [hbm4b:s2+s10], $0x1, v0, vm0, $0x4038;
	[tilespmem:$0x640] =	vst v63  }
0x14: {  	_ =	swait.ge [sflag:s4], $0x190  }
0x15: {  	s30 =	sshrl.u32 s13, $0x3;
	[sflag:s4] =	ssyncset.done $0x0  }
0x16: {  	s31 =	sand.u32 $0x7, s13;
	s15 =	sadd.s32 s8, s30;
	[sflag:s4] =	ssyncadd.s32 $0xFFFFFE70  }
0x17: {  	[hbm4b:s15+s31] =	stream.linear.scatter [tilespmem:s14], [sflag:$0x3], $0x190, $0x38;
	[tilespmem:$0x640] =	vst v63  }
.LBB2_5:
0x18: {  	s15 =	sadd.s32 $0x1900, s11  }
0x19: {  	p1 =	sgt.s32 s15, $0x270F  }
0x1a: {  	s15 =	smov.u32 @p1 s5;
	p1 =	sne.s32 s12, s9  }
.Ltmp1:
0x1b: {  	p0 =	slt.u32 s12, $0x2;
	(pc) =	sbr.rel @!p1 .LBB2_6-.Ltmp1, $4  }
0x1c: {  	s14 =	simm.s32 @!p0 $0x3  }
0x1d: {  	_ =	swait.ge @!p0 [sflag:s14], $0x190  }
0x1e: {  	s16 =	sadd.s32 $0x1, s12;
	s13 =	smov.u32 s11;
	[sflag:s14] =	ssyncset.done @!p0 $0x0  }
0x1f: {  	s12 =	smov.u32 s16;
	s11 =	smov.u32 s15;
	[sflag:s14] =	ssyncadd.s32 @!p0 $0xFFFFFE70  }
.LBB2_1:
0x20: {  	p0 =	sge.u32 s12, s7  }
0x21: {  	s14 =	sxor.u32 @!p0 $0x1, s12  }
0x22: {  	s14 =	smul.u32 @!p0 $0x640, s14  }
0x23: {  	s31 =	sadd.s32 $0xFFFFFFFF, s12;
	s15 =	sshrl.u32 @!p0 s11, $0x3  }
0x24: {  	s16 =	sand.u32 @!p0 $0x7, s11;
	s15 =	sadd.s32 @!p0 s3, s15;
	s14 =	sshra.s32 @!p0 s14, $0x2  }
0x25: {  	[tilespmem:s14], [sflag:$0x2] =	stream.linear.gather @!p0 [hbm4b:s15+s16], $0x190, $0x38;
	[tilespmem:$0x640] =	vst v63  }
0x26: {  	p0 =	sge.u32 s31, s7  }
.Ltmp2:
0x27: {  	_ = 	snop;
	(pc) =	sbr.rel @p0 .LBB2_5-.Ltmp2, $1  }
0x28: {  	_ =	sdelay $0x3  }
0x29: {  	s14 =	sand.u32 $0x1, s12  }
0x2a: {  	_ =	swait.ge [sflag:s6], $0x190;
	p0 =	seq.s32 s14, $0x1;
	s14 =	simm.s32 $0x190  }
0x2b: {  	[sflag:s6] =	ssyncset.done $0x0;
	s14 =	simm.s32 @!p0 $0x0  }
0x2c: {  	[sflag:s6] =	ssyncadd.s32 $0xFFFFFE70;
	(ifvalue) =	ssetifvalue $0x7FFFFFFF;
	v0 =	vld.msk [tilespmem:s14+$0x0 ss:$0x1], $0xffff;
	_ =	sdelay $0x4  }
0x2d: {  	s15 =	sadd.s32 $0x10, s14;
	vm1 =	vgt.s32 v0, $0x0  }
0x2e: {  	v2 =	vld.msk [tilespmem:s15+$0x0 ss:$0x1], $0xffff;
	v1 =	vnsel vm1, $0x0, v0  }
0x2f: {  	v1 =	vmin.u32 v1, $0x29FFF;
	_ =	sdelay $0x2  }
0x30: {  	s17 =	simm.s32 $0x20;
	s14 =	sadd.s32 $0x320, s14;
	s16 =	sadd.s32 $0x10, s15  }
0x31: {  	s15 =	sadd.s32 $0x10, s14;
	s18 =	smov.u32 s14;
	v0 =	vld.msk [tilespmem:s16+$0x0 ss:$0x1], $0xffff;
	vm1 =	vgt.s32 v2, $0x0;
	(ifvalue) =	ssetifvalue $0x7FFFFFFF  }
.LBB2_3:
0x32: {  	[tilespmem:s18], [sflag:$0x1] =	stream.indirect_vreg.gather [hbm4b:s2+s10], $0x1, v1, vm0, $0x4038;
	[tilespmem:$0x640] =	vst v63  }
0x33: {  	s17 =	sadd.s32 $0x10, s17  }
0x34: {  	v2 =	vnsel vm1, $0x0, v2;
	p0 =	slt.u32 s17, $0x180  }
.Ltmp3:
0x35: {  	s18 =	smov.u32 s15;
	v1 =	vmin.u32 v2, $0x29FFF;
	(pc) =	sbr.rel @p0 .LBB2_3-.Ltmp3, $3  }
0x36: {  	_ =	sdelay $0x1  }
0x37: {  	s16 =	sadd.s32 $0x10, s16  }
0x38: {  	vm1 =	vgt.s32 v0, $0x0;
	s15 =	sadd.s32 $0x10, s15;
	v2 =	vmov v0;
	(ifvalue) =	ssetifvalue $0x7FFFFFFF;
	v0 =	vld.msk [tilespmem:s16+$0x0 ss:$0x1], $0xffff  }
.Ltmp4:
0x39: {  	_ = 	snop;
	(pc) =	sbr.rel .LBB2_4-.Ltmp4, $1  }
0x3a: {  	_ =	sdelay $0x3  }
.LBB2_6:
0x3b: {  	_ =	sfence.sel $0x180000  }
0x3c: {  	s2 =	simm.s32 $0x2;
	[bflag:$0x0] =	sbarrier.arrive $0xFFFF  }
0x3d: {  	s30 =	simm.s32 $0x3;
	[sflag:s2] =	ssyncpa.u1 $0x1  }
0x3e: {  	s31 =	simm.s32 $0x1;
	[sflag:s30] =	ssyncpa.u1 $0x1  }
0x3f: {  	[sflag:s31] =	ssyncpa.u1 $0x1  }
0x40: {  	p0 =	sne.s32 s1, $0x0;
	_ =	strace $0x9000005C  }
0x41: {  	s0 =	sadd.s32 @!p0 $0x100000, s0;
	[bflag:$0x2] =	sbarrier.arrive $0xFFFF  }
0x42: {  	[sflag:s0] =	ssyncadd.tile.s32 @!p0 $0x1;
	_ =	shalt  }
.Lfunc_end2:
_tile_overlayer_lowered:
.L_overlay_start_2:
0x43: {  	(tag) =	ssettag $0x2  }
0x44: {  	s0 =	rddreg [dreg:$0x0];
	s2 =	stileid.u32  }
0x45: {  	s1 =	rddreg [dreg:$0x1];
	p0 =	sne.s32 s2, $0x0  }
0x46: {  	s3 =	rddreg [dreg:$0x2];
	[bflag:$0x3] =	sbarrier.arrive $0xFFFF;
	s2 =	simm.s32 @!p0 $0x1C01  }
0x47: {  	[timem:s3], [sflag:s2] =	dma.local @!p0 [hbm:s0], s1  }
0x48: {  	s0 =	simm.s32 @!p0 $0x1  }
0x49: {  	_ =	swait.ge @!p0 [sflag:s0], s1  }
0x4a: {  	s1 =	ssub.s32 @!p0 $0x0, s1;
	[sflag:s0] =	ssyncset.done @!p0 $0x0  }
0x4b: {  	[sflag:s0] =	ssyncadd.s32 @!p0 s1  }
0x4c: {  	[bflag:$0x3] =	sbarrier.arrive $0xFFFF  }
0x4d: {  	_ =	shalt  }

// kernel: kernel.11.cloned.1.call-start
scs
__scs_entry_jumppad:
0x0: {  	(pc) =	sbr.rel $0x88, $3  }
0x1: {  	(tag) =	ssettag $0x0;
	lr =	simm.s32 $0x1  }
0x2: {  	[smem:$0x3F99] =	sst lr;
	_ =	strace $0xD0000000  }
0x3: {  	_ = 	snop  }
0x4: {  	_ = 	snop  }
0x5: {  	_ = 	snop  }
0x6: {  	_ = 	snop  }
0x7: {  	_ = 	snop  }
__scs_overlays_trampoline_lowered:
0x8: {  	[smem:$0x3FA8] =	sst s0  }
0x9: {  	[smem:$0x3FA9] =	sst s1  }
0xa: {  	[smem:$0x3FAA] =	sst s2  }
0xb: {  	[smem:$0x3FAB] =	sst s3  }
0xc: {  	[smem:$0x3FAC] =	sst s4  }
0xd: {  	[smem:$0x3FAD] =	sst s5  }
0xe: {  	[smem:$0x3FAE] =	sst s6  }
0xf: {  	[smem:$0x3FAF] =	sst s7  }
0x10: {  	[smem:$0x3FB0] =	sst s8  }
0x11: {  	[smem:$0x3FB1] =	sst s9;
	s0 =	simm.s32 @!p0 $0x0  }
0x12: {  	s1 =	sld [smem:$0x3F97];
	s0 =	simm.s32 @p0 $0x1  }
0x13: {  	[smem:$0x3FB2] =	sst s0;
	s0 =	simm.s32 @!p1 $0x0  }
0x14: {  	s2 =	sld [smem:$0x3F96];
	s0 =	simm.s32 @p1 $0x1  }
0x15: {  	[smem:$0x3FB3] =	sst s0;
	s0 =	simm.s32 @!p2 $0x0  }
0x16: {  	s3 =	sld [smem:$0x3FDB];
	s0 =	simm.s32 @p2 $0x1  }
0x17: {  	s4 =	simm.s32 $0x1BF5;
	[smem:$0x3FB5] =	sst s0  }
0x18: {  	s0 =	sld [smem:$0x3F98];
	_ =	swait.ge [sflag:s4], $0x0  }
0x19: {  	s7 =	sld [smem:$0x3F99]  }
0x1a: {  	s8 =	sadd.s32 $0xFFFFE003, lr  }
0x1b: {  	s9 =	sadd.s32 $0xFFFFFEF7, lr;
	s5 =	simm.s32 $0xFFFFFFFF;
	p2 =	slt.u32 s8, $0xFFFFF086  }
0x1c: {  	p1 =	slt.u32 s9, $0xF7A;
	s5 =	simm.s32 @!p2 $0x0  }
0x1d: {  	s5 =	simm.s32 @p1 $0x1;
	p0 =	seq.s32 s7, s2  }
0x1e: {  	s7 =	smul.u32 @!p0 $0xF7A, s2;
	p2 =	seq.s32 @!p0 s5, $0x0  }
0x1f: {  	s9 =	smul.u32 $0xF7A, s1;
	s8 =	simm.s32 @!p0 $0x1BF5;
	p2 =	por !p2, p0  }
0x20: {  	[sflag:s8] =	ssyncset.s32 @!p0 $0xFFFFF086;
	s6 =	sadd.s32 @!p0 s3, s7;
	s7 =	simm.s32 @!p0 $0x108  }
0x21: {  	s3 =	sadd.s32 s3, s9;
	s6 =	sadd.s32 @!p0 $0x88, s6;
	s7 =	simm.s32 @p2 $0x1082  }
0x22: {  	[simem:s7], [sflag:s8] =	dma.local @!p0 [hbm:s6], $0xF7A  }
0x23: {  	s9 =	sor.u32 $0xD0000000, s2;
	s6 =	simm.s32 $0x108;
	_ =	swait.ge @!p0 [sflag:s8], $0x0  }
0x24: {  	s3 =	sadd.s32 $0x88, s3;
	s6 =	simm.s32 @!p1 $0x1082;
	[sflag:s4] =	ssyncset.s32 $0xFFFFF086  }
0x25: {  	[simem:s6], [sflag:s4] =	dma.local [hbm:s3], $0xF7A  }
0x26: {  	[smem:$0x3F99] =	sst s1;
	(tag) =	ssettag s2;
	_ =	strace s9  }
0x27: {  	s1 =	sld [smem:$0x3FA9]  }
0x28: {  	s2 =	sld [smem:$0x3FAA]  }
0x29: {  	s4 =	sld [smem:$0x3FAC]  }
0x2a: {  	p0 =	seq.s32 s5, $0x0;
	s5 =	sld [smem:$0x3FAD]  }
0x2b: {  	s6 =	sld [smem:$0x3FAE]  }
0x2c: {  	s7 =	sld [smem:$0x3FAF]  }
0x2d: {  	s3 =	simm.s32 $0x108;
	s8 =	sld [smem:$0x3FB0]  }
0x2e: {  	s3 =	simm.s32 @!p0 $0x1082;
	s9 =	sld [smem:$0x3FB1]  }
0x2f: {  	lr =	sadd.s32 s0, s3;
	s0 =	sld [smem:$0x3FA8]  }
0x30: {  	s3 =	sld [smem:$0x3FAB]  }
0x31: {  	[smem:$0x3FB4] =	sst s10  }
0x32: {  	s10 =	sld [smem:$0x3FB2];
	_ =	sdelay $0x3  }
0x33: {  	p0 =	seq.s32 s10, $0x1;
	s10 =	sld [smem:$0x3FB4];
	_ =	sdelay $0x3  }
0x34: {  	[smem:$0x3FB4] =	sst s10  }
0x35: {  	s10 =	sld [smem:$0x3FB3];
	_ =	sdelay $0x3  }
0x36: {  	p1 =	seq.s32 s10, $0x1;
	s10 =	sld [smem:$0x3FB4];
	_ =	sdelay $0x3  }
0x37: {  	[smem:$0x3FB4] =	sst s10  }
0x38: {  	s10 =	sld [smem:$0x3FB5]  }
0x39: {  	_ = 	snop;
	(pc) =	sbr.ind lr, $3  }
0x3a: {  	_ = 	snop  }
0x3b: {  	_ = 	snop  }
0x3c: {  	p2 =	seq.s32 s10, $0x1;
	s10 =	sld [smem:$0x3FB4]  }
0x3d: {  	_ =	shalt  }
0x3e: {  	_ =	shalt  }
0x3f: {  	_ =	shalt  }
0x40: {  	_ =	shalt  }
0x41: {  	_ =	shalt  }
0x42: {  	_ =	shalt  }
0x43: {  	_ =	shalt  }
0x44: {  	_ =	shalt  }
0x45: {  	_ =	shalt  }
0x46: {  	_ =	shalt  }
0x47: {  	_ =	shalt  }
0x48: {  	_ =	shalt  }
0x49: {  	_ =	shalt  }
0x4a: {  	_ =	shalt  }
0x4b: {  	_ =	shalt  }
0x4c: {  	_ =	shalt  }
0x4d: {  	_ =	shalt  }
0x4e: {  	_ =	shalt  }
0x4f: {  	_ =	shalt  }
0x50: {  	_ =	shalt  }
0x51: {  	_ =	shalt  }
0x52: {  	_ =	shalt  }
0x53: {  	_ =	shalt  }
0x54: {  	_ =	shalt  }
0x55: {  	_ =	shalt  }
0x56: {  	_ =	shalt  }
0x57: {  	_ =	shalt  }
0x58: {  	_ =	shalt  }
0x59: {  	_ =	shalt  }
0x5a: {  	_ =	shalt  }
0x5b: {  	_ =	shalt  }
0x5c: {  	_ =	shalt  }
0x5d: {  	_ =	shalt  }
0x5e: {  	_ =	shalt  }
0x5f: {  	_ =	shalt  }
0x60: {  	_ =	shalt  }
0x61: {  	_ =	shalt  }
0x62: {  	_ =	shalt  }
0x63: {  	_ =	shalt  }
0x64: {  	_ =	shalt  }
0x65: {  	_ =	shalt  }
0x66: {  	_ =	shalt  }
0x67: {  	_ =	shalt  }
0x68: {  	_ =	shalt  }
0x69: {  	_ =	shalt  }
0x6a: {  	_ =	shalt  }
0x6b: {  	_ =	shalt  }
0x6c: {  	_ =	shalt  }
0x6d: {  	_ =	shalt  }
0x6e: {  	_ =	shalt  }
0x6f: {  	_ =	shalt  }
0x70: {  	_ =	shalt  }
0x71: {  	_ =	shalt  }
0x72: {  	_ =	shalt  }
0x73: {  	_ =	shalt  }
0x74: {  	_ =	shalt  }
0x75: {  	_ =	shalt  }
0x76: {  	_ =	shalt  }
0x77: {  	_ =	shalt  }
0x78: {  	_ =	shalt  }
0x79: {  	_ =	shalt  }
0x7a: {  	_ =	shalt  }
0x7b: {  	_ =	shalt  }
0x7c: {  	_ =	shalt  }
0x7d: {  	_ =	shalt  }
0x7e: {  	_ =	shalt  }
0x7f: {  	_ =	shalt  }
0x80: {  	_ =	shalt  }
0x81: {  	_ =	shalt  }
0x82: {  	_ =	shalt  }
0x83: {  	_ =	shalt  }
0x84: {  	_ =	shalt  }
0x85: {  	_ =	shalt  }
0x86: {  	_ =	shalt  }
0x87: {  	_ =	shalt  }
.Lfunc_end0:
.L_simem_size_0:
called_computation.4_lowered:
.L_overlay_start_0:
0x88: {  	s2 =	sld [smem:$0x3FD9]  }
0x89: {  	s3 =	sld [smem:$0x3FFE];
	_ =	sdelay $0x1  }
0x8a: {  	s1 =	srdreg.scid  }
0x8b: {  	s0 =	sand.u32 $0x1, s1  }
0x8c: {  	s17 =	sshll.u32 s0, $0xA;
	s2 =	sadd.s32 s3, s2  }
0x8d: {  	s2 =	sadd.s32 s2, s17  }
0x8e: {  	[smem:$0x3FC0] =	sst s2  }
0x8f: {  	_ = 	snop  }
0x90: {  	s18 =	sld [smem:$0x3FD0];
	(tm) =	ssettm $0x1  }
0x91: {  	s19 =	sld [smem:$0x3FFB];
	_ =	sdelay $0x3  }
0x92: {  	_ =	strace s19  }
0x93: {  	s2 =	sld [smem:$0x3FFC];
	_ =	sdelay $0x3  }
0x94: {  	_ =	strace s2  }
0x95: {  	s2 =	sld [smem:$0x3FFD];
	_ =	sdelay $0x3  }
0x96: {  	_ =	strace s2  }
0x97: {  	_ =	strace $0x8FFFFFFF  }
0x98: {  	s20 =	sld [smem:$0x3FDB];
	_ =	sdelay $0x1  }
0x99: {  	s4 =	simm.s32 $_scs_section_size  }
0x9a: {  	s5 =	simm.s32 $_size__tile_overlayer_lowered;
	s6 =	simm.s32 $_tile_overlayer_lowered  }
0x9b: {  	s7 =	simm.s32 $0x1BFF;
	s21 =	sshll.u32 s6, $0x1;
	s4 =	sadd.s32 s4, s20  }
0x9c: {  	s22 =	simm.s32 $0x0;
	s5 =	sshll.u32 s5, $0x1;
	s6 =	sadd.s32 s21, s4  }
0x9d: {  	[timem:s22], [sflag:s7] =	dma.local [hbm:s6], s5  }
0x9e: {  	_ =	swait.ge [sflag:s7], s5  }
0x9f: {  	s5 =	ssub.s32 $0x0, s5;
	[sflag:s7] =	ssyncset.done $0x0  }
0xa0: {  	[sflag:s7] =	ssyncadd.s32 s5;
	_ =	sdelay $0x1  }
0xa1: {  	s23 =	simm.s32 $0x1B8B  }
0xa2: {  	_ =	swait.ge [sflag:s23], $0x1  }
0xa3: {  	[sflag:s23] =	ssyncset.done $0x0  }
0xa4: {  	[sflag:s23] =	ssyncadd.s32 $0xFFFFFFFF  }
0xa5: {  	s5 =	sld [smem:$0x0]  }
0xa6: {  	s6 =	sand.u32 $0xFFFFFFFE, s1  }
0xa7: {  	p0 =	sne.s32 s1, s6  }
0xa8: {  	s6 =	sshll.u32 @p0 s6, $0xE  }
0xa9: {  	s6 =	sadd.s32 @p0 $0x11B8D, s6;
	s7 =	sshll.u32 @p0 s5, $0x11  }
0xaa: {  	s6 =	sor.u32 @p0 s7, s6  }
0xab: {  	[sflag:s6] =	ssyncadd.remote.s32 @p0 $0x1;
	_ =	sdelay $0x1  }
0xac: {  	s6 =	simm.s32 @p0 $0x1B8D  }
0xad: {  	_ =	swait.eq @p0 [sflag:s6], $0x1  }
0xae: {  	[sflag:s6] =	ssyncadd.s32 @p0 $0xFFFFFFFF  }
0xaf: {  	s7 =	sshll.u32 @!p0 s1, $0xE  }
0xb0: {  	s7 =	sor.u32 @!p0 $0x4000, s7;
	s6 =	simm.s32 @!p0 $0x1B8D  }
0xb1: {  	s5 =	sshll.u32 @!p0 s5, $0x11;
	s7 =	sadd.s32 @!p0 $0x11B8D, s7;
	_ =	swait.eq @!p0 [sflag:s6], $0x1  }
0xb2: {  	s5 =	sor.u32 @!p0 s5, s7;
	[sflag:s6] =	ssyncadd.s32 @!p0 $0xFFFFFFFF  }
0xb3: {  	s25 =	simm.s32 $0x1B8E;
	s24 =	sld [smem:$0x3FFE];
	[sflag:s5] =	ssyncadd.remote.s32 @!p0 $0x1  }
0xb4: {  	s26 =	simm.s32 $execute0_lowered;
	[smem:$0x3FD2] =	sst s25  }
0xb5: {  	s6 =	sshll.u32 s26, $0x1;
	_ =	strace $0x8000004C;
	[dreg:$0x1] =	wrdreg $0xFFFFFFFF  }
0xb6: {  	s28 =	simm.s32 $_size_execute0_lowered;
	s4 =	sadd.s32 s4, s6;
	[dreg:$0x0] =	wrdreg $0x0  }
0xb7: {  	s6 =	sshll.u32 s28, $0x1;
	[dreg:$0x2] =	wrdreg s4  }
0xb8: {  	[dreg:$0x3] =	wrdreg s6  }
0xb9: {  	[dreg:$0x4] =	wrdreg $0xC0  }
0xba: {  	_ =	task [dreg:s22], $0x5FFFF  }
0xbb: {  	[dreg:$0x1] =	wrdreg $0xFFFFFFFF  }
0xbc: {  	[dreg:$0x0] =	wrdreg $0x60  }
0xbd: {  	[dreg:$0x2] =	wrdreg s18  }
0xbe: {  	[dreg:$0x3] =	wrdreg s24  }
0xbf: {  	[dreg:$0x4] =	wrdreg $0x9  }
0xc0: {  	_ =	task.clear_ibuf [dreg:s22], $0x5FFFF;
	_ =	strace $0x9000004C  }
0xc1: {  	s29 =	simm.s32 $0x9;
	_ =	strace $0x8000004E  }
0xc2: {  	_ =	swait.ge [sflag:s29], $0x1  }
0xc3: {  	[sflag:s29] =	ssyncadd.s32 $0xFFFFFFFF  }
0xc4: {  	_ =	strace $0x9000004E  }
0xc5: {  	_ =	sfence  }
0xc6: {  	s30 =	sld [smem:$0x0];
	_ =	sdelay $0x2  }
0xc7: {  	s31 =	sshll.u32 s1, $0xD;
	s1 =	sshrl.u32 s1, $0x2  }
0xc8: {  	s4 =	sand.u32 $0x4000, s31;
	s1 =	sadd.s32 s1, s30  }
0xc9: {  	s0 =	sor.u32 s4, s0;
	s1 =	sshll.u32 s1, $0x11  }
0xca: {  	s0 =	sor.u32 s1, s0  }
0xcb: {  	s0 =	sadd.s32 $0x8F2B, s0  }
0xcc: {  	[sflag:s0] =	ssyncadd.remote.s32 $0x1  }
0xcd: {  	_ =	sfence.sel $0xFFFF  }
0xce: {  	[dreg:$0x0] =	wrdreg $0xFFFFFFFF;
	(pc) =	sbr.abs _section_cstart, $3  }
0xcf: {  	[dreg:$0x1] =	wrdreg $0xFFFFFFFF  }
0xd0: {  	_ =	task.clear_ibuf [dreg:s22], $0x2FFFF;
	_ =	strace $0x9FFFFFFF  }
0xd1: {  	(tm) =	ssettm $0x7FFFFFFF  }
tec
execute0_lowered:
.L_overlay_start_1:
0x0: {  	(tag) =	ssettag $0x1  }
0x1: {  	s2 =	rddreg [dreg:$0x0]  }
0x2: {  	s4 =	rddreg [dreg:$0x1]  }
0x3: {  	s0 =	rddreg [dreg:$0x2]  }
0x4: {  	s5 =	srdreg.scid;
	s1 =	stileid.u32  }
0x5: {  	s3 =	simm.s32 $0x0;
	s12 =	simm.s32 $0x1880;
	s13 =	simm.s32 $0x2080  }
0x6: {  	s14 =	simm.s32 $0x2880;
	s15 =	simm.s32 $0x3080;
	s16 =	simm.s32 $0x3880  }
0x7: {  	s17 =	simm.s32 $0x4080;
	s18 =	simm.s32 $0x4880;
	s19 =	simm.s32 $0x5080  }
0x8: {  	s20 =	simm.s32 $0x5880;
	s21 =	simm.s32 $0x6080;
	s22 =	simm.s32 $0x6880  }
0x9: {  	s23 =	simm.s32 $0x7080;
	s24 =	simm.s32 $0x7880;
	s6 =	smul.u32 $0x2A00, s1  }
0xa: {  	s25 =	simm.s32 $0x1;
	s5 =	sand.u32 $0x1, s5;
	s29 =	smul.u32 $0xA8000, s1  }
0xb: {  	s26 =	simm.s32 $0x0;
	[smem:$0x7FF] =	sst s3;
	s7 =	smul.u32 $0x1500, s5  }
0xc: {  	_ =	strace $0x8000004D;
	s8 =	ssub.s32 $0x2, s5;
	s10 =	smul.u32 $0x54000, s5  }
0xd: {  	s9 =	sshrl.u32 s8, $0x1;
	s30 =	sadd.s32 s29, s4;
	s6 =	sadd.s32 s7, s6  }
0xe: {  	s31 =	ssub.s32 s8, s9;
	s8 =	simm.s32 $0x2;
	s6 =	sshrl.u32 s6, $0x3  }
0xf: {  	v2 =	vlaneseq.u32;
	s9 =	simm.s32 $0x80;
	s5 =	smax.u32 s31, $0x1;
	s11 =	sadd.s32 s6, s4  }
0x10: {  	vm0 =	vmmov $0xffff;
	v1 =	vshrl.u32 v2, $0x3;
	s4 =	sadd.s32 $0x100, s2;
	s6 =	sadd.s32 s10, s30;
	s10 =	simm.s32 $0x880  }
0x11: {  	v0 =	vand.u32 $0x7, v2;
	v2 =	vor.u32 $0x8, v2;
	v1 =	vmul.u32 $0x8, v1;
	s6 =	sadd.s32 $0xB5000, s6;
	s7 =	sadd.s32 $0xE400, s11;
	s11 =	simm.s32 $0x1080  }
.LBB2_1:
0x12: {  	s28 =	smov.u32 s6;
	s29 =	simm.s32 $0x0  }
.LBB2_2:
0x13: {  	s30 =	sadd.s32 s29, s7  }
0x14: {  	[tilespmem:s3], [sflag:$0x2] =	stream.linear.gather [hbm4b:s30+s3], $0x40, $0x38;
	[tilespmem:$0x8080] =	vst v63  }
0x15: {  	_ =	swait.ge [sflag:s8], $0x40  }
0x16: {  	[sflag:s8] =	ssyncset.done $0x0  }
0x17: {  	[sflag:s8] =	ssyncadd.s32 $0xFFFFFFC0  }
0x18: {  	v3 =	vld [tilespmem:$0x0];
	_ =	sdelay $0x4  }
0x19: {  	v4 =	vshll.u32 v3, $0x2  }
0x1a: {  	v3 =	vand.u32 $0x7, v3;
	v4 =	vand.u32 $0xFFFFFFE0, v4  }
0x1b: {  	v3 =	vor.u32 v3, v4  }
0x1c: {  	v4 =	vperm.xlane v3, v0;
	_ =	sdelay $0x1  }
0x1d: {  	v4 =	vadd.s32 v1, v4;
	_ =	sdelay $0x1  }
0x1e: {  	v3 =	vperm.xlane v3, v2;
	_ =	sdelay $0x1  }
0x1f: {  	v3 =	vadd.s32 v1, v3  }
0x20: {  	[tilespmem:s9], [sflag:$0x1] =	stream.indirect_vreg.gather [hbm4b:s2+s3], $0x80, v4, vm0, $0xb8;
	[tilespmem:$0x8080] =	vst v63  }
0x21: {  	_ = 	snop  }
0x22: {  	[tilespmem:s10], [sflag:$0x1] =	stream.indirect_vreg.gather [hbm4b:s4+s3], $0x80, v4, vm0, $0xb8;
	[tilespmem:$0x8080] =	vst v63  }
0x23: {  	_ = 	snop  }
0x24: {  	[tilespmem:s11], [sflag:$0x1] =	stream.indirect_vreg.gather [hbm4b:s2+s3], $0x80, v3, vm0, $0xb8;
	[tilespmem:$0x8080] =	vst v63  }
0x25: {  	_ = 	snop  }
0x26: {  	[tilespmem:s12], [sflag:$0x1] =	stream.indirect_vreg.gather [hbm4b:s4+s3], $0x80, v3, vm0, $0xb8;
	[tilespmem:$0x8080] =	vst v63  }
0x27: {  	v3 =	vld [tilespmem:$0x10];
	_ =	sdelay $0x4  }
0x28: {  	v61 =	vshll.u32 v3, $0x2  }
0x29: {  	v3 =	vand.u32 $0x7, v3;
	v4 =	vand.u32 $0xFFFFFFE0, v61  }
0x2a: {  	v3 =	vor.u32 v3, v4  }
0x2b: {  	v4 =	vperm.xlane v3, v0;
	_ =	sdelay $0x1  }
0x2c: {  	v4 =	vadd.s32 v1, v4;
	_ =	sdelay $0x1  }
0x2d: {  	v3 =	vperm.xlane v3, v2;
	_ =	sdelay $0x1  }
0x2e: {  	v3 =	vadd.s32 v1, v3  }
0x2f: {  	[tilespmem:s13], [sflag:$0x1] =	stream.indirect_vreg.gather [hbm4b:s2+s3], $0x80, v4, vm0, $0xb8;
	[tilespmem:$0x8080] =	vst v63  }
0x30: {  	_ = 	snop  }
0x31: {  	[tilespmem:s14], [sflag:$0x1] =	stream.indirect_vreg.gather [hbm4b:s4+s3], $0x80, v4, vm0, $0xb8;
	[tilespmem:$0x8080] =	vst v63  }
0x32: {  	_ = 	snop  }
0x33: {  	[tilespmem:s15], [sflag:$0x1] =	stream.indirect_vreg.gather [hbm4b:s2+s3], $0x80, v3, vm0, $0xb8;
	[tilespmem:$0x8080] =	vst v63  }
0x34: {  	_ = 	snop  }
0x35: {  	[tilespmem:s16], [sflag:$0x1] =	stream.indirect_vreg.gather [hbm4b:s4+s3], $0x80, v3, vm0, $0xb8;
	[tilespmem:$0x8080] =	vst v63  }
0x36: {  	v3 =	vld [tilespmem:$0x20];
	_ =	sdelay $0x4  }
0x37: {  	v62 =	vshll.u32 v3, $0x2  }
0x38: {  	v3 =	vand.u32 $0x7, v3;
	v4 =	vand.u32 $0xFFFFFFE0, v62  }
0x39: {  	v3 =	vor.u32 v3, v4  }
0x3a: {  	v4 =	vperm.xlane v3, v0;
	_ =	sdelay $0x1  }
0x3b: {  	v4 =	vadd.s32 v1, v4;
	_ =	sdelay $0x1  }
0x3c: {  	v3 =	vperm.xlane v3, v2;
	_ =	sdelay $0x1  }
0x3d: {  	v3 =	vadd.s32 v1, v3  }
0x3e: {  	[tilespmem:s17], [sflag:$0x1] =	stream.indirect_vreg.gather [hbm4b:s2+s3], $0x80, v4, vm0, $0xb8;
	[tilespmem:$0x8080] =	vst v63  }
0x3f: {  	_ = 	snop  }
0x40: {  	[tilespmem:s18], [sflag:$0x1] =	stream.indirect_vreg.gather [hbm4b:s4+s3], $0x80, v4, vm0, $0xb8;
	[tilespmem:$0x8080] =	vst v63  }
0x41: {  	_ = 	snop  }
0x42: {  	[tilespmem:s19], [sflag:$0x1] =	stream.indirect_vreg.gather [hbm4b:s2+s3], $0x80, v3, vm0, $0xb8;
	[tilespmem:$0x8080] =	vst v63  }
0x43: {  	_ = 	snop  }
0x44: {  	[tilespmem:s20], [sflag:$0x1] =	stream.indirect_vreg.gather [hbm4b:s4+s3], $0x80, v3, vm0, $0xb8;
	[tilespmem:$0x8080] =	vst v63  }
0x45: {  	v3 =	vld [tilespmem:$0x30];
	_ =	sdelay $0x4  }
0x46: {  	v63 =	vshll.u32 v3, $0x2  }
0x47: {  	v3 =	vand.u32 $0x7, v3;
	v4 =	vand.u32 $0xFFFFFFE0, v63  }
0x48: {  	v3 =	vor.u32 v3, v4  }
0x49: {  	v4 =	vperm.xlane v3, v0;
	_ =	sdelay $0x1  }
0x4a: {  	v4 =	vadd.s32 v1, v4;
	_ =	sdelay $0x1  }
0x4b: {  	v3 =	vperm.xlane v3, v2;
	_ =	sdelay $0x1  }
0x4c: {  	v3 =	vadd.s32 v1, v3  }
0x4d: {  	[tilespmem:s21], [sflag:$0x1] =	stream.indirect_vreg.gather [hbm4b:s2+s3], $0x80, v4, vm0, $0xb8;
	[tilespmem:$0x8080] =	vst v63  }
0x4e: {  	_ = 	snop  }
0x4f: {  	[tilespmem:s22], [sflag:$0x1] =	stream.indirect_vreg.gather [hbm4b:s4+s3], $0x80, v4, vm0, $0xb8;
	[tilespmem:$0x8080] =	vst v63  }
0x50: {  	_ = 	snop  }
0x51: {  	[tilespmem:s23], [sflag:$0x1] =	stream.indirect_vreg.gather [hbm4b:s2+s3], $0x80, v3, vm0, $0xb8;
	[tilespmem:$0x8080] =	vst v63  }
0x52: {  	_ = 	snop  }
0x53: {  	[tilespmem:s24], [sflag:$0x1] =	stream.indirect_vreg.gather [hbm4b:s4+s3], $0x80, v3, vm0, $0xb8;
	[tilespmem:$0x8080] =	vst v63  }
0x54: {  	_ =	swait.ge [sflag:s25], $0x8000  }
0x55: {  	p0 =	sne.s32 s29, $0x298;
	[sflag:s25] =	ssyncset.done $0x0  }
.Ltmp0:
0x56: {  	[sflag:s25] =	ssyncadd.s32 $0xFFFF8000;
	(pc) =	sbr.rel @p0 .LBB2_2-.Ltmp0, $4  }
0x57: {  	[hbm4b:s28+s3] =	stream.linear.scatter [tilespmem:s9], [sflag:$0x2], $0x8000, $0x38;
	[tilespmem:$0x8080] =	vst v63  }
0x58: {  	_ =	swait.ge [sflag:s8], $0x8000  }
0x59: {  	[sflag:s8] =	ssyncset.done $0x0  }
0x5a: {  	s29 =	sadd.s32 $0x8, s29;
	s28 =	sadd.s32 $0x1000, s28;
	[sflag:s8] =	ssyncadd.s32 $0xFFFF8000  }
0x5b: {  	s26 =	sadd.s32 $0x1, s26  }
0x5c: {  	p0 =	sne.s32 s26, s5  }
.Ltmp1:
0x5d: {  	_ = 	snop;
	(pc) =	sbr.rel @p0 .LBB2_1-.Ltmp1, $1  }
0x5e: {  	_ =	sdelay $0x3  }
0x5f: {  	_ =	sfence.sel $0x180000  }
0x60: {  	[bflag:$0x0] =	sbarrier.arrive $0xFFFF  }
0x61: {  	p0 =	sne.s32 s1, $0x0;
	_ =	strace $0x9000004D  }
0x62: {  	s0 =	sadd.s32 @!p0 $0x100000, s0;
	[bflag:$0x2] =	sbarrier.arrive $0xFFFF  }
0x63: {  	[sflag:s0] =	ssyncadd.tile.s32 @!p0 $0x1;
	_ =	shalt  }
.Lfunc_end2:
_tile_overlayer_lowered:
.L_overlay_start_2:
0x64: {  	(tag) =	ssettag $0x2  }
0x65: {  	s0 =	rddreg [dreg:$0x0];
	s2 =	stileid.u32  }
0x66: {  	s1 =	rddreg [dreg:$0x1];
	p0 =	sne.s32 s2, $0x0  }
0x67: {  	s3 =	rddreg [dreg:$0x2];
	[bflag:$0x3] =	sbarrier.arrive $0xFFFF;
	s2 =	simm.s32 @!p0 $0x1C02  }
0x68: {  	[timem:s3], [sflag:s2] =	dma.local @!p0 [hbm:s0], s1  }
0x69: {  	s0 =	simm.s32 @!p0 $0x2  }
0x6a: {  	_ =	swait.ge @!p0 [sflag:s0], s1  }
0x6b: {  	s1 =	ssub.s32 @!p0 $0x0, s1;
	[sflag:s0] =	ssyncset.done @!p0 $0x0  }
0x6c: {  	[sflag:s0] =	ssyncadd.s32 @!p0 s1  }
0x6d: {  	[bflag:$0x3] =	sbarrier.arrive $0xFFFF  }
0x6e: {  	_ =	shalt  }

// kernel: kernel.14.cloned.1.call-start
scs
__scs_entry_jumppad:
0x0: {  	(pc) =	sbr.rel $0x88, $3  }
0x1: {  	(tag) =	ssettag $0x0;
	lr =	simm.s32 $0x1  }
0x2: {  	[smem:$0x3F99] =	sst lr;
	_ =	strace $0xD0000000  }
0x3: {  	_ = 	snop  }
0x4: {  	_ = 	snop  }
0x5: {  	_ = 	snop  }
0x6: {  	_ = 	snop  }
0x7: {  	_ = 	snop  }
__scs_overlays_trampoline_lowered:
0x8: {  	[smem:$0x3FA8] =	sst s0  }
0x9: {  	[smem:$0x3FA9] =	sst s1  }
0xa: {  	[smem:$0x3FAA] =	sst s2  }
0xb: {  	[smem:$0x3FAB] =	sst s3  }
0xc: {  	[smem:$0x3FAC] =	sst s4  }
0xd: {  	[smem:$0x3FAD] =	sst s5  }
0xe: {  	[smem:$0x3FAE] =	sst s6  }
0xf: {  	[smem:$0x3FAF] =	sst s7  }
0x10: {  	[smem:$0x3FB0] =	sst s8  }
0x11: {  	[smem:$0x3FB1] =	sst s9;
	s0 =	simm.s32 @!p0 $0x0  }
0x12: {  	s1 =	sld [smem:$0x3F97];
	s0 =	simm.s32 @p0 $0x1  }
0x13: {  	[smem:$0x3FB2] =	sst s0;
	s0 =	simm.s32 @!p1 $0x0  }
0x14: {  	s2 =	sld [smem:$0x3F96];
	s0 =	simm.s32 @p1 $0x1  }
0x15: {  	[smem:$0x3FB3] =	sst s0;
	s0 =	simm.s32 @!p2 $0x0  }
0x16: {  	s3 =	sld [smem:$0x3FDB];
	s0 =	simm.s32 @p2 $0x1  }
0x17: {  	s4 =	simm.s32 $0x1BF5;
	[smem:$0x3FB5] =	sst s0  }
0x18: {  	s0 =	sld [smem:$0x3F98];
	_ =	swait.ge [sflag:s4], $0x0  }
0x19: {  	s7 =	sld [smem:$0x3F99]  }
0x1a: {  	s8 =	sadd.s32 $0xFFFFE003, lr  }
0x1b: {  	s9 =	sadd.s32 $0xFFFFFEF7, lr;
	s5 =	simm.s32 $0xFFFFFFFF;
	p2 =	slt.u32 s8, $0xFFFFF086  }
0x1c: {  	p1 =	slt.u32 s9, $0xF7A;
	s5 =	simm.s32 @!p2 $0x0  }
0x1d: {  	s5 =	simm.s32 @p1 $0x1;
	p0 =	seq.s32 s7, s2  }
0x1e: {  	s7 =	smul.u32 @!p0 $0xF7A, s2;
	p2 =	seq.s32 @!p0 s5, $0x0  }
0x1f: {  	s9 =	smul.u32 $0xF7A, s1;
	s8 =	simm.s32 @!p0 $0x1BF5;
	p2 =	por !p2, p0  }
0x20: {  	[sflag:s8] =	ssyncset.s32 @!p0 $0xFFFFF086;
	s6 =	sadd.s32 @!p0 s3, s7;
	s7 =	simm.s32 @!p0 $0x108  }
0x21: {  	s3 =	sadd.s32 s3, s9;
	s6 =	sadd.s32 @!p0 $0x88, s6;
	s7 =	simm.s32 @p2 $0x1082  }
0x22: {  	[simem:s7], [sflag:s8] =	dma.local @!p0 [hbm:s6], $0xF7A  }
0x23: {  	s9 =	sor.u32 $0xD0000000, s2;
	s6 =	simm.s32 $0x108;
	_ =	swait.ge @!p0 [sflag:s8], $0x0  }
0x24: {  	s3 =	sadd.s32 $0x88, s3;
	s6 =	simm.s32 @!p1 $0x1082;
	[sflag:s4] =	ssyncset.s32 $0xFFFFF086  }
0x25: {  	[simem:s6], [sflag:s4] =	dma.local [hbm:s3], $0xF7A  }
0x26: {  	[smem:$0x3F99] =	sst s1;
	(tag) =	ssettag s2;
	_ =	strace s9  }
0x27: {  	s1 =	sld [smem:$0x3FA9]  }
0x28: {  	s2 =	sld [smem:$0x3FAA]  }
0x29: {  	s4 =	sld [smem:$0x3FAC]  }
0x2a: {  	p0 =	seq.s32 s5, $0x0;
	s5 =	sld [smem:$0x3FAD]  }
0x2b: {  	s6 =	sld [smem:$0x3FAE]  }
0x2c: {  	s7 =	sld [smem:$0x3FAF]  }
0x2d: {  	s3 =	simm.s32 $0x108;
	s8 =	sld [smem:$0x3FB0]  }
0x2e: {  	s3 =	simm.s32 @!p0 $0x1082;
	s9 =	sld [smem:$0x3FB1]  }
0x2f: {  	lr =	sadd.s32 s0, s3;
	s0 =	sld [smem:$0x3FA8]  }
0x30: {  	s3 =	sld [smem:$0x3FAB]  }
0x31: {  	[smem:$0x3FB4] =	sst s10  }
0x32: {  	s10 =	sld [smem:$0x3FB2];
	_ =	sdelay $0x3  }
0x33: {  	p0 =	seq.s32 s10, $0x1;
	s10 =	sld [smem:$0x3FB4];
	_ =	sdelay $0x3  }
0x34: {  	[smem:$0x3FB4] =	sst s10  }
0x35: {  	s10 =	sld [smem:$0x3FB3];
	_ =	sdelay $0x3  }
0x36: {  	p1 =	seq.s32 s10, $0x1;
	s10 =	sld [smem:$0x3FB4];
	_ =	sdelay $0x3  }
0x37: {  	[smem:$0x3FB4] =	sst s10  }
0x38: {  	s10 =	sld [smem:$0x3FB5]  }
0x39: {  	_ = 	snop;
	(pc) =	sbr.ind lr, $3  }
0x3a: {  	_ = 	snop  }
0x3b: {  	_ = 	snop  }
0x3c: {  	p2 =	seq.s32 s10, $0x1;
	s10 =	sld [smem:$0x3FB4]  }
0x3d: {  	_ =	shalt  }
0x3e: {  	_ =	shalt  }
0x3f: {  	_ =	shalt  }
0x40: {  	_ =	shalt  }
0x41: {  	_ =	shalt  }
0x42: {  	_ =	shalt  }
0x43: {  	_ =	shalt  }
0x44: {  	_ =	shalt  }
0x45: {  	_ =	shalt  }
0x46: {  	_ =	shalt  }
0x47: {  	_ =	shalt  }
0x48: {  	_ =	shalt  }
0x49: {  	_ =	shalt  }
0x4a: {  	_ =	shalt  }
0x4b: {  	_ =	shalt  }
0x4c: {  	_ =	shalt  }
0x4d: {  	_ =	shalt  }
0x4e: {  	_ =	shalt  }
0x4f: {  	_ =	shalt  }
0x50: {  	_ =	shalt  }
0x51: {  	_ =	shalt  }
0x52: {  	_ =	shalt  }
0x53: {  	_ =	shalt  }
0x54: {  	_ =	shalt  }
0x55: {  	_ =	shalt  }
0x56: {  	_ =	shalt  }
0x57: {  	_ =	shalt  }
0x58: {  	_ =	shalt  }
0x59: {  	_ =	shalt  }
0x5a: {  	_ =	shalt  }
0x5b: {  	_ =	shalt  }
0x5c: {  	_ =	shalt  }
0x5d: {  	_ =	shalt  }
0x5e: {  	_ =	shalt  }
0x5f: {  	_ =	shalt  }
0x60: {  	_ =	shalt  }
0x61: {  	_ =	shalt  }
0x62: {  	_ =	shalt  }
0x63: {  	_ =	shalt  }
0x64: {  	_ =	shalt  }
0x65: {  	_ =	shalt  }
0x66: {  	_ =	shalt  }
0x67: {  	_ =	shalt  }
0x68: {  	_ =	shalt  }
0x69: {  	_ =	shalt  }
0x6a: {  	_ =	shalt  }
0x6b: {  	_ =	shalt  }
0x6c: {  	_ =	shalt  }
0x6d: {  	_ =	shalt  }
0x6e: {  	_ =	shalt  }
0x6f: {  	_ =	shalt  }
0x70: {  	_ =	shalt  }
0x71: {  	_ =	shalt  }
0x72: {  	_ =	shalt  }
0x73: {  	_ =	shalt  }
0x74: {  	_ =	shalt  }
0x75: {  	_ =	shalt  }
0x76: {  	_ =	shalt  }
0x77: {  	_ =	shalt  }
0x78: {  	_ =	shalt  }
0x79: {  	_ =	shalt  }
0x7a: {  	_ =	shalt  }
0x7b: {  	_ =	shalt  }
0x7c: {  	_ =	shalt  }
0x7d: {  	_ =	shalt  }
0x7e: {  	_ =	shalt  }
0x7f: {  	_ =	shalt  }
0x80: {  	_ =	shalt  }
0x81: {  	_ =	shalt  }
0x82: {  	_ =	shalt  }
0x83: {  	_ =	shalt  }
0x84: {  	_ =	shalt  }
0x85: {  	_ =	shalt  }
0x86: {  	_ =	shalt  }
0x87: {  	_ =	shalt  }
.Lfunc_end0:
.L_simem_size_0:
called_computation.5_lowered:
.L_overlay_start_0:
0x88: {  	s2 =	sld [smem:$0x3FD9]  }
0x89: {  	s3 =	sld [smem:$0x3FFE];
	_ =	sdelay $0x1  }
0x8a: {  	s1 =	srdreg.scid  }
0x8b: {  	s0 =	sand.u32 $0x1, s1  }
0x8c: {  	s17 =	sshll.u32 s0, $0xA;
	s2 =	sadd.s32 s3, s2  }
0x8d: {  	s2 =	sadd.s32 s2, s17  }
0x8e: {  	[smem:$0x3FC0] =	sst s2  }
0x8f: {  	_ = 	snop  }
0x90: {  	(tm) =	ssettm $0x1  }
0x91: {  	s18 =	sld [smem:$0x3FFB];
	_ =	sdelay $0x3  }
0x92: {  	_ =	strace s18  }
0x93: {  	s2 =	sld [smem:$0x3FFC];
	_ =	sdelay $0x3  }
0x94: {  	_ =	strace s2  }
0x95: {  	s2 =	sld [smem:$0x3FFD];
	_ =	sdelay $0x3  }
0x96: {  	_ =	strace s2  }
0x97: {  	_ =	strace $0x8FFFFFFF  }
0x98: {  	s19 =	sld [smem:$0x3FDB];
	_ =	sdelay $0x1  }
0x99: {  	s20 =	simm.s32 $_scs_section_size  }
0x9a: {  	s4 =	simm.s32 $_size__tile_overlayer_lowered;
	s5 =	simm.s32 $_tile_overlayer_lowered  }
0x9b: {  	s6 =	simm.s32 $0x1BFF;
	s21 =	sshll.u32 s5, $0x1;
	s3 =	sadd.s32 s20, s19  }
0x9c: {  	s22 =	simm.s32 $0x0;
	s4 =	sshll.u32 s4, $0x1;
	s5 =	sadd.s32 s21, s3  }
0x9d: {  	[timem:s22], [sflag:s6] =	dma.local [hbm:s5], s4  }
0x9e: {  	_ =	swait.ge [sflag:s6], s4  }
0x9f: {  	s4 =	ssub.s32 $0x0, s4;
	[sflag:s6] =	ssyncset.done $0x0  }
0xa0: {  	[sflag:s6] =	ssyncadd.s32 s4;
	_ =	sdelay $0x1  }
0xa1: {  	s23 =	simm.s32 $0x1B8B  }
0xa2: {  	_ =	swait.ge [sflag:s23], $0x1  }
0xa3: {  	[sflag:s23] =	ssyncset.done $0x0  }
0xa4: {  	[sflag:s23] =	ssyncadd.s32 $0xFFFFFFFF  }
0xa5: {  	s4 =	sld [smem:$0x0]  }
0xa6: {  	s5 =	sand.u32 $0xFFFFFFFE, s1  }
0xa7: {  	p0 =	sne.s32 s1, s5  }
0xa8: {  	s5 =	sshll.u32 @p0 s5, $0xE  }
0xa9: {  	s5 =	sadd.s32 @p0 $0x11B8D, s5;
	s6 =	sshll.u32 @p0 s4, $0x11  }
0xaa: {  	s5 =	sor.u32 @p0 s6, s5  }
0xab: {  	[sflag:s5] =	ssyncadd.remote.s32 @p0 $0x1;
	_ =	sdelay $0x1  }
0xac: {  	s5 =	simm.s32 @p0 $0x1B8D  }
0xad: {  	_ =	swait.eq @p0 [sflag:s5], $0x1  }
0xae: {  	[sflag:s5] =	ssyncadd.s32 @p0 $0xFFFFFFFF  }
0xaf: {  	s6 =	sshll.u32 @!p0 s1, $0xE  }
0xb0: {  	s6 =	sor.u32 @!p0 $0x4000, s6;
	s5 =	simm.s32 @!p0 $0x1B8D  }
0xb1: {  	s4 =	sshll.u32 @!p0 s4, $0x11;
	s6 =	sadd.s32 @!p0 $0x11B8D, s6;
	_ =	swait.eq @!p0 [sflag:s5], $0x1  }
0xb2: {  	s4 =	sor.u32 @!p0 s4, s6;
	[sflag:s5] =	ssyncadd.s32 @!p0 $0xFFFFFFFF  }
0xb3: {  	s25 =	simm.s32 $0x1B8E;
	s24 =	sld [smem:$0x3FFE];
	[sflag:s4] =	ssyncadd.remote.s32 @!p0 $0x1  }
0xb4: {  	s26 =	simm.s32 $execute0_lowered;
	[smem:$0x3FD2] =	sst s25  }
0xb5: {  	s5 =	sshll.u32 s26, $0x1;
	_ =	strace $0x8000004F;
	[dreg:$0x1] =	wrdreg $0xFFFFFFFF  }
0xb6: {  	s28 =	simm.s32 $_size_execute0_lowered;
	s3 =	sadd.s32 s3, s5;
	[dreg:$0x0] =	wrdreg $0x0  }
0xb7: {  	s5 =	sshll.u32 s28, $0x1;
	[dreg:$0x2] =	wrdreg s3  }
0xb8: {  	[dreg:$0x3] =	wrdreg s5  }
0xb9: {  	[dreg:$0x4] =	wrdreg $0xC0  }
0xba: {  	_ =	task [dreg:s22], $0x5FFFF  }
0xbb: {  	[dreg:$0x1] =	wrdreg $0xFFFFFFFF  }
0xbc: {  	[dreg:$0x0] =	wrdreg $0x60  }
0xbd: {  	[dreg:$0x2] =	wrdreg s24  }
0xbe: {  	[dreg:$0x3] =	wrdreg $0xA  }
0xbf: {  	_ =	task.clear_ibuf [dreg:s22], $0x4FFFF;
	_ =	strace $0x9000004F  }
0xc0: {  	s29 =	simm.s32 $0xA;
	_ =	strace $0x80000051  }
0xc1: {  	_ =	swait.ge [sflag:s29], $0x1  }
0xc2: {  	[sflag:s29] =	ssyncadd.s32 $0xFFFFFFFF  }
0xc3: {  	_ =	strace $0x90000051  }
0xc4: {  	_ =	sfence  }
0xc5: {  	s30 =	sld [smem:$0x0];
	_ =	sdelay $0x2  }
0xc6: {  	s31 =	sshll.u32 s1, $0xD;
	s1 =	sshrl.u32 s1, $0x2  }
0xc7: {  	s4 =	sand.u32 $0x4000, s31;
	s1 =	sadd.s32 s1, s30  }
0xc8: {  	s0 =	sor.u32 s4, s0;
	s1 =	sshll.u32 s1, $0x11  }
0xc9: {  	s0 =	sor.u32 s1, s0  }
0xca: {  	s0 =	sadd.s32 $0x8F2B, s0  }
0xcb: {  	[sflag:s0] =	ssyncadd.remote.s32 $0x1  }
0xcc: {  	_ =	sfence.sel $0xFFFF  }
0xcd: {  	[dreg:$0x0] =	wrdreg $0xFFFFFFFF;
	(pc) =	sbr.abs _section_cstart, $3  }
0xce: {  	[dreg:$0x1] =	wrdreg $0xFFFFFFFF  }
0xcf: {  	_ =	task.clear_ibuf [dreg:s22], $0x2FFFF;
	_ =	strace $0x9FFFFFFF  }
0xd0: {  	(tm) =	ssettm $0x7FFFFFFF  }
0xd1: {  	_ =	shalt  }
tec
execute0_lowered:
.L_overlay_start_1:
0x0: {  	(tag) =	ssettag $0x1  }
0x1: {  	s4 =	rddreg [dreg:$0x0]  }
0x2: {  	s0 =	rddreg [dreg:$0x1]  }
0x3: {  	s3 =	srdreg.scid;
	s1 =	stileid.u32;
	s2 =	simm.s32 $0x0  }
0x4: {  	s12 =	simm.s32 $0x1880;
	s13 =	simm.s32 $0x2080;
	s14 =	simm.s32 $0x2880  }
0x5: {  	s15 =	simm.s32 $0x3080;
	s16 =	simm.s32 $0x3880;
	s17 =	simm.s32 $0x4080  }
0x6: {  	s18 =	simm.s32 $0x4880;
	s19 =	simm.s32 $0x5080;
	s20 =	simm.s32 $0x5880  }
0x7: {  	s21 =	simm.s32 $0x6080;
	s22 =	simm.s32 $0x6880;
	s23 =	simm.s32 $0x7080  }
0x8: {  	s24 =	simm.s32 $0x7880;
	s25 =	simm.s32 $0x1;
	s6 =	smul.u32 $0x2A00, s1  }
0x9: {  	s26 =	simm.s32 $0x0;
	s5 =	sand.u32 $0x1, s3;
	s29 =	smul.u32 $0xA8000, s1  }
0xa: {  	[smem:$0x7FF] =	sst s2;
	s3 =	sadd.s32 $0x18C00, s4;
	s7 =	smul.u32 $0x1500, s5  }
0xb: {  	_ =	strace $0x80000050;
	s8 =	ssub.s32 $0x2, s5;
	s10 =	smul.u32 $0x54000, s5  }
0xc: {  	s9 =	sshrl.u32 s8, $0x1;
	s30 =	sadd.s32 s29, s4;
	s6 =	sadd.s32 s7, s6  }
0xd: {  	s31 =	ssub.s32 s8, s9;
	s8 =	simm.s32 $0x2;
	s6 =	sshrl.u32 s6, $0x3  }
0xe: {  	v2 =	vlaneseq.u32;
	s9 =	simm.s32 $0x80;
	s5 =	smax.u32 s31, $0x1;
	s11 =	sadd.s32 s6, s4  }
0xf: {  	vm0 =	vmmov $0xffff;
	v1 =	vshrl.u32 v2, $0x3;
	s4 =	sadd.s32 $0x18D00, s4;
	s6 =	sadd.s32 s10, s30;
	s10 =	simm.s32 $0x880  }
0x10: {  	v0 =	vand.u32 $0x7, v2;
	v2 =	vor.u32 $0x8, v2;
	v1 =	vmul.u32 $0x8, v1;
	s6 =	sadd.s32 $0xB35000, s6;
	s7 =	sadd.s32 $0x3C00, s11;
	s11 =	simm.s32 $0x1080  }
.LBB2_1:
0x11: {  	s28 =	smov.u32 s6;
	s29 =	simm.s32 $0x0  }
.LBB2_2:
0x12: {  	s30 =	sadd.s32 s29, s7  }
0x13: {  	[tilespmem:s2], [sflag:$0x2] =	stream.linear.gather [hbm4b:s30+s2], $0x40, $0x38;
	[tilespmem:$0x8080] =	vst v63  }
0x14: {  	_ =	swait.ge [sflag:s8], $0x40  }
0x15: {  	[sflag:s8] =	ssyncset.done $0x0  }
0x16: {  	[sflag:s8] =	ssyncadd.s32 $0xFFFFFFC0  }
0x17: {  	v3 =	vld [tilespmem:$0x0];
	_ =	sdelay $0x4  }
0x18: {  	v4 =	vshll.u32 v3, $0x2  }
0x19: {  	v3 =	vand.u32 $0x7, v3;
	v4 =	vand.u32 $0xFFFFFFE0, v4  }
0x1a: {  	v3 =	vor.u32 v3, v4  }
0x1b: {  	v4 =	vperm.xlane v3, v0;
	_ =	sdelay $0x1  }
0x1c: {  	v4 =	vadd.s32 v1, v4;
	_ =	sdelay $0x1  }
0x1d: {  	v3 =	vperm.xlane v3, v2;
	_ =	sdelay $0x1  }
0x1e: {  	v3 =	vadd.s32 v1, v3  }
0x1f: {  	[tilespmem:s9], [sflag:$0x1] =	stream.indirect_vreg.gather [hbm4b:s3+s2], $0x80, v4, vm0, $0xb8;
	[tilespmem:$0x8080] =	vst v63  }
0x20: {  	_ = 	snop  }
0x21: {  	[tilespmem:s10], [sflag:$0x1] =	stream.indirect_vreg.gather [hbm4b:s4+s2], $0x80, v4, vm0, $0xb8;
	[tilespmem:$0x8080] =	vst v63  }
0x22: {  	_ = 	snop  }
0x23: {  	[tilespmem:s11], [sflag:$0x1] =	stream.indirect_vreg.gather [hbm4b:s3+s2], $0x80, v3, vm0, $0xb8;
	[tilespmem:$0x8080] =	vst v63  }
0x24: {  	_ = 	snop  }
0x25: {  	[tilespmem:s12], [sflag:$0x1] =	stream.indirect_vreg.gather [hbm4b:s4+s2], $0x80, v3, vm0, $0xb8;
	[tilespmem:$0x8080] =	vst v63  }
0x26: {  	v3 =	vld [tilespmem:$0x10];
	_ =	sdelay $0x4  }
0x27: {  	v61 =	vshll.u32 v3, $0x2  }
0x28: {  	v3 =	vand.u32 $0x7, v3;
	v4 =	vand.u32 $0xFFFFFFE0, v61  }
0x29: {  	v3 =	vor.u32 v3, v4  }
0x2a: {  	v4 =	vperm.xlane v3, v0;
	_ =	sdelay $0x1  }
0x2b: {  	v4 =	vadd.s32 v1, v4;
	_ =	sdelay $0x1  }
0x2c: {  	v3 =	vperm.xlane v3, v2;
	_ =	sdelay $0x1  }
0x2d: {  	v3 =	vadd.s32 v1, v3  }
0x2e: {  	[tilespmem:s13], [sflag:$0x1] =	stream.indirect_vreg.gather [hbm4b:s3+s2], $0x80, v4, vm0, $0xb8;
	[tilespmem:$0x8080] =	vst v63  }
0x2f: {  	_ = 	snop  }
0x30: {  	[tilespmem:s14], [sflag:$0x1] =	stream.indirect_vreg.gather [hbm4b:s4+s2], $0x80, v4, vm0, $0xb8;
	[tilespmem:$0x8080] =	vst v63  }
0x31: {  	_ = 	snop  }
0x32: {  	[tilespmem:s15], [sflag:$0x1] =	stream.indirect_vreg.gather [hbm4b:s3+s2], $0x80, v3, vm0, $0xb8;
	[tilespmem:$0x8080] =	vst v63  }
0x33: {  	_ = 	snop  }
0x34: {  	[tilespmem:s16], [sflag:$0x1] =	stream.indirect_vreg.gather [hbm4b:s4+s2], $0x80, v3, vm0, $0xb8;
	[tilespmem:$0x8080] =	vst v63  }
0x35: {  	v3 =	vld [tilespmem:$0x20];
	_ =	sdelay $0x4  }
0x36: {  	v62 =	vshll.u32 v3, $0x2  }
0x37: {  	v3 =	vand.u32 $0x7, v3;
	v4 =	vand.u32 $0xFFFFFFE0, v62  }
0x38: {  	v3 =	vor.u32 v3, v4  }
0x39: {  	v4 =	vperm.xlane v3, v0;
	_ =	sdelay $0x1  }
0x3a: {  	v4 =	vadd.s32 v1, v4;
	_ =	sdelay $0x1  }
0x3b: {  	v3 =	vperm.xlane v3, v2;
	_ =	sdelay $0x1  }
0x3c: {  	v3 =	vadd.s32 v1, v3  }
0x3d: {  	[tilespmem:s17], [sflag:$0x1] =	stream.indirect_vreg.gather [hbm4b:s3+s2], $0x80, v4, vm0, $0xb8;
	[tilespmem:$0x8080] =	vst v63  }
0x3e: {  	_ = 	snop  }
0x3f: {  	[tilespmem:s18], [sflag:$0x1] =	stream.indirect_vreg.gather [hbm4b:s4+s2], $0x80, v4, vm0, $0xb8;
	[tilespmem:$0x8080] =	vst v63  }
0x40: {  	_ = 	snop  }
0x41: {  	[tilespmem:s19], [sflag:$0x1] =	stream.indirect_vreg.gather [hbm4b:s3+s2], $0x80, v3, vm0, $0xb8;
	[tilespmem:$0x8080] =	vst v63  }
0x42: {  	_ = 	snop  }
0x43: {  	[tilespmem:s20], [sflag:$0x1] =	stream.indirect_vreg.gather [hbm4b:s4+s2], $0x80, v3, vm0, $0xb8;
	[tilespmem:$0x8080] =	vst v63  }
0x44: {  	v3 =	vld [tilespmem:$0x30];
	_ =	sdelay $0x4  }
0x45: {  	v63 =	vshll.u32 v3, $0x2  }
0x46: {  	v3 =	vand.u32 $0x7, v3;
	v4 =	vand.u32 $0xFFFFFFE0, v63  }
0x47: {  	v3 =	vor.u32 v3, v4  }
0x48: {  	v4 =	vperm.xlane v3, v0;
	_ =	sdelay $0x1  }
0x49: {  	v4 =	vadd.s32 v1, v4;
	_ =	sdelay $0x1  }
0x4a: {  	v3 =	vperm.xlane v3, v2;
	_ =	sdelay $0x1  }
0x4b: {  	v3 =	vadd.s32 v1, v3  }
0x4c: {  	[tilespmem:s21], [sflag:$0x1] =	stream.indirect_vreg.gather [hbm4b:s3+s2], $0x80, v4, vm0, $0xb8;
	[tilespmem:$0x8080] =	vst v63  }
0x4d: {  	_ = 	snop  }
0x4e: {  	[tilespmem:s22], [sflag:$0x1] =	stream.indirect_vreg.gather [hbm4b:s4+s2], $0x80, v4, vm0, $0xb8;
	[tilespmem:$0x8080] =	vst v63  }
0x4f: {  	_ = 	snop  }
0x50: {  	[tilespmem:s23], [sflag:$0x1] =	stream.indirect_vreg.gather [hbm4b:s3+s2], $0x80, v3, vm0, $0xb8;
	[tilespmem:$0x8080] =	vst v63  }
0x51: {  	_ = 	snop  }
0x52: {  	[tilespmem:s24], [sflag:$0x1] =	stream.indirect_vreg.gather [hbm4b:s4+s2], $0x80, v3, vm0, $0xb8;
	[tilespmem:$0x8080] =	vst v63  }
0x53: {  	_ =	swait.ge [sflag:s25], $0x8000  }
0x54: {  	p0 =	sne.s32 s29, $0x298;
	[sflag:s25] =	ssyncset.done $0x0  }
.Ltmp0:
0x55: {  	[sflag:s25] =	ssyncadd.s32 $0xFFFF8000;
	(pc) =	sbr.rel @p0 .LBB2_2-.Ltmp0, $4  }
0x56: {  	[hbm4b:s28+s2] =	stream.linear.scatter [tilespmem:s9], [sflag:$0x2], $0x8000, $0x38;
	[tilespmem:$0x8080] =	vst v63  }
0x57: {  	_ =	swait.ge [sflag:s8], $0x8000  }
0x58: {  	[sflag:s8] =	ssyncset.done $0x0  }
0x59: {  	s29 =	sadd.s32 $0x8, s29;
	s28 =	sadd.s32 $0x1000, s28;
	[sflag:s8] =	ssyncadd.s32 $0xFFFF8000  }
0x5a: {  	s26 =	sadd.s32 $0x1, s26  }
0x5b: {  	p0 =	sne.s32 s26, s5  }
.Ltmp1:
0x5c: {  	_ = 	snop;
	(pc) =	sbr.rel @p0 .LBB2_1-.Ltmp1, $1  }
0x5d: {  	_ =	sdelay $0x3  }
0x5e: {  	_ =	sfence.sel $0x180000  }
0x5f: {  	[bflag:$0x0] =	sbarrier.arrive $0xFFFF  }
0x60: {  	p0 =	sne.s32 s1, $0x0;
	_ =	strace $0x90000050  }
0x61: {  	s0 =	sadd.s32 @!p0 $0x100000, s0;
	[bflag:$0x2] =	sbarrier.arrive $0xFFFF  }
0x62: {  	[sflag:s0] =	ssyncadd.tile.s32 @!p0 $0x1;
	_ =	shalt  }
.Lfunc_end2:
_tile_overlayer_lowered:
.L_overlay_start_2:
0x63: {  	(tag) =	ssettag $0x2  }
0x64: {  	s0 =	rddreg [dreg:$0x0];
	s2 =	stileid.u32  }
0x65: {  	s1 =	rddreg [dreg:$0x1];
	p0 =	sne.s32 s2, $0x0  }
0x66: {  	s3 =	rddreg [dreg:$0x2];
	[bflag:$0x3] =	sbarrier.arrive $0xFFFF;
	s2 =	simm.s32 @!p0 $0x1C02  }
0x67: {  	[timem:s3], [sflag:s2] =	dma.local @!p0 [hbm:s0], s1  }
0x68: {  	s0 =	simm.s32 @!p0 $0x2  }
0x69: {  	_ =	swait.ge @!p0 [sflag:s0], s1  }
0x6a: {  	s1 =	ssub.s32 @!p0 $0x0, s1;
	[sflag:s0] =	ssyncset.done @!p0 $0x0  }
0x6b: {  	[sflag:s0] =	ssyncadd.s32 @!p0 s1  }
0x6c: {  	[bflag:$0x3] =	sbarrier.arrive $0xFFFF  }
0x6d: {  	_ =	shalt  }

// kernel: kernel.17.cloned.1.call-start
scs
__scs_entry_jumppad:
0x0: {  	(pc) =	sbr.rel $0x88, $3  }
0x1: {  	(tag) =	ssettag $0x0;
	lr =	simm.s32 $0x1  }
0x2: {  	[smem:$0x3F99] =	sst lr;
	_ =	strace $0xD0000000  }
0x3: {  	_ = 	snop  }
0x4: {  	_ = 	snop  }
0x5: {  	_ = 	snop  }
0x6: {  	_ = 	snop  }
0x7: {  	_ = 	snop  }
__scs_overlays_trampoline_lowered:
0x8: {  	[smem:$0x3FA8] =	sst s0  }
0x9: {  	[smem:$0x3FA9] =	sst s1  }
0xa: {  	[smem:$0x3FAA] =	sst s2  }
0xb: {  	[smem:$0x3FAB] =	sst s3  }
0xc: {  	[smem:$0x3FAC] =	sst s4  }
0xd: {  	[smem:$0x3FAD] =	sst s5  }
0xe: {  	[smem:$0x3FAE] =	sst s6  }
0xf: {  	[smem:$0x3FAF] =	sst s7  }
0x10: {  	[smem:$0x3FB0] =	sst s8  }
0x11: {  	[smem:$0x3FB1] =	sst s9;
	s0 =	simm.s32 @!p0 $0x0  }
0x12: {  	s1 =	sld [smem:$0x3F97];
	s0 =	simm.s32 @p0 $0x1  }
0x13: {  	[smem:$0x3FB2] =	sst s0;
	s0 =	simm.s32 @!p1 $0x0  }
0x14: {  	s2 =	sld [smem:$0x3F96];
	s0 =	simm.s32 @p1 $0x1  }
0x15: {  	[smem:$0x3FB3] =	sst s0;
	s0 =	simm.s32 @!p2 $0x0  }
0x16: {  	s3 =	sld [smem:$0x3FDB];
	s0 =	simm.s32 @p2 $0x1  }
0x17: {  	s4 =	simm.s32 $0x1BF5;
	[smem:$0x3FB5] =	sst s0  }
0x18: {  	s0 =	sld [smem:$0x3F98];
	_ =	swait.ge [sflag:s4], $0x0  }
0x19: {  	s7 =	sld [smem:$0x3F99]  }
0x1a: {  	s8 =	sadd.s32 $0xFFFFE003, lr  }
0x1b: {  	s9 =	sadd.s32 $0xFFFFFEF7, lr;
	s5 =	simm.s32 $0xFFFFFFFF;
	p2 =	slt.u32 s8, $0xFFFFF086  }
0x1c: {  	p1 =	slt.u32 s9, $0xF7A;
	s5 =	simm.s32 @!p2 $0x0  }
0x1d: {  	s5 =	simm.s32 @p1 $0x1;
	p0 =	seq.s32 s7, s2  }
0x1e: {  	s7 =	smul.u32 @!p0 $0xF7A, s2;
	p2 =	seq.s32 @!p0 s5, $0x0  }
0x1f: {  	s9 =	smul.u32 $0xF7A, s1;
	s8 =	simm.s32 @!p0 $0x1BF5;
	p2 =	por !p2, p0  }
0x20: {  	[sflag:s8] =	ssyncset.s32 @!p0 $0xFFFFF086;
	s6 =	sadd.s32 @!p0 s3, s7;
	s7 =	simm.s32 @!p0 $0x108  }
0x21: {  	s3 =	sadd.s32 s3, s9;
	s6 =	sadd.s32 @!p0 $0x88, s6;
	s7 =	simm.s32 @p2 $0x1082  }
0x22: {  	[simem:s7], [sflag:s8] =	dma.local @!p0 [hbm:s6], $0xF7A  }
0x23: {  	s9 =	sor.u32 $0xD0000000, s2;
	s6 =	simm.s32 $0x108;
	_ =	swait.ge @!p0 [sflag:s8], $0x0  }
0x24: {  	s3 =	sadd.s32 $0x88, s3;
	s6 =	simm.s32 @!p1 $0x1082;
	[sflag:s4] =	ssyncset.s32 $0xFFFFF086  }
0x25: {  	[simem:s6], [sflag:s4] =	dma.local [hbm:s3], $0xF7A  }
0x26: {  	[smem:$0x3F99] =	sst s1;
	(tag) =	ssettag s2;
	_ =	strace s9  }
0x27: {  	s1 =	sld [smem:$0x3FA9]  }
0x28: {  	s2 =	sld [smem:$0x3FAA]  }
0x29: {  	s4 =	sld [smem:$0x3FAC]  }
0x2a: {  	p0 =	seq.s32 s5, $0x0;
	s5 =	sld [smem:$0x3FAD]  }
0x2b: {  	s6 =	sld [smem:$0x3FAE]  }
0x2c: {  	s7 =	sld [smem:$0x3FAF]  }
0x2d: {  	s3 =	simm.s32 $0x108;
	s8 =	sld [smem:$0x3FB0]  }
0x2e: {  	s3 =	simm.s32 @!p0 $0x1082;
	s9 =	sld [smem:$0x3FB1]  }
0x2f: {  	lr =	sadd.s32 s0, s3;
	s0 =	sld [smem:$0x3FA8]  }
0x30: {  	s3 =	sld [smem:$0x3FAB]  }
0x31: {  	[smem:$0x3FB4] =	sst s10  }
0x32: {  	s10 =	sld [smem:$0x3FB2];
	_ =	sdelay $0x3  }
0x33: {  	p0 =	seq.s32 s10, $0x1;
	s10 =	sld [smem:$0x3FB4];
	_ =	sdelay $0x3  }
0x34: {  	[smem:$0x3FB4] =	sst s10  }
0x35: {  	s10 =	sld [smem:$0x3FB3];
	_ =	sdelay $0x3  }
0x36: {  	p1 =	seq.s32 s10, $0x1;
	s10 =	sld [smem:$0x3FB4];
	_ =	sdelay $0x3  }
0x37: {  	[smem:$0x3FB4] =	sst s10  }
0x38: {  	s10 =	sld [smem:$0x3FB5]  }
0x39: {  	_ = 	snop;
	(pc) =	sbr.ind lr, $3  }
0x3a: {  	_ = 	snop  }
0x3b: {  	_ = 	snop  }
0x3c: {  	p2 =	seq.s32 s10, $0x1;
	s10 =	sld [smem:$0x3FB4]  }
0x3d: {  	_ =	shalt  }
0x3e: {  	_ =	shalt  }
0x3f: {  	_ =	shalt  }
0x40: {  	_ =	shalt  }
0x41: {  	_ =	shalt  }
0x42: {  	_ =	shalt  }
0x43: {  	_ =	shalt  }
0x44: {  	_ =	shalt  }
0x45: {  	_ =	shalt  }
0x46: {  	_ =	shalt  }
0x47: {  	_ =	shalt  }
0x48: {  	_ =	shalt  }
0x49: {  	_ =	shalt  }
0x4a: {  	_ =	shalt  }
0x4b: {  	_ =	shalt  }
0x4c: {  	_ =	shalt  }
0x4d: {  	_ =	shalt  }
0x4e: {  	_ =	shalt  }
0x4f: {  	_ =	shalt  }
0x50: {  	_ =	shalt  }
0x51: {  	_ =	shalt  }
0x52: {  	_ =	shalt  }
0x53: {  	_ =	shalt  }
0x54: {  	_ =	shalt  }
0x55: {  	_ =	shalt  }
0x56: {  	_ =	shalt  }
0x57: {  	_ =	shalt  }
0x58: {  	_ =	shalt  }
0x59: {  	_ =	shalt  }
0x5a: {  	_ =	shalt  }
0x5b: {  	_ =	shalt  }
0x5c: {  	_ =	shalt  }
0x5d: {  	_ =	shalt  }
0x5e: {  	_ =	shalt  }
0x5f: {  	_ =	shalt  }
0x60: {  	_ =	shalt  }
0x61: {  	_ =	shalt  }
0x62: {  	_ =	shalt  }
0x63: {  	_ =	shalt  }
0x64: {  	_ =	shalt  }
0x65: {  	_ =	shalt  }
0x66: {  	_ =	shalt  }
0x67: {  	_ =	shalt  }
0x68: {  	_ =	shalt  }
0x69: {  	_ =	shalt  }
0x6a: {  	_ =	shalt  }
0x6b: {  	_ =	shalt  }
0x6c: {  	_ =	shalt  }
0x6d: {  	_ =	shalt  }
0x6e: {  	_ =	shalt  }
0x6f: {  	_ =	shalt  }
0x70: {  	_ =	shalt  }
0x71: {  	_ =	shalt  }
0x72: {  	_ =	shalt  }
0x73: {  	_ =	shalt  }
0x74: {  	_ =	shalt  }
0x75: {  	_ =	shalt  }
0x76: {  	_ =	shalt  }
0x77: {  	_ =	shalt  }
0x78: {  	_ =	shalt  }
0x79: {  	_ =	shalt  }
0x7a: {  	_ =	shalt  }
0x7b: {  	_ =	shalt  }
0x7c: {  	_ =	shalt  }
0x7d: {  	_ =	shalt  }
0x7e: {  	_ =	shalt  }
0x7f: {  	_ =	shalt  }
0x80: {  	_ =	shalt  }
0x81: {  	_ =	shalt  }
0x82: {  	_ =	shalt  }
0x83: {  	_ =	shalt  }
0x84: {  	_ =	shalt  }
0x85: {  	_ =	shalt  }
0x86: {  	_ =	shalt  }
0x87: {  	_ =	shalt  }
.Lfunc_end0:
.L_simem_size_0:
called_computation.6_lowered:
.L_overlay_start_0:
0x88: {  	s2 =	sld [smem:$0x3FD9]  }
0x89: {  	s3 =	sld [smem:$0x3FFE];
	_ =	sdelay $0x1  }
0x8a: {  	s1 =	srdreg.scid  }
0x8b: {  	s0 =	sand.u32 $0x1, s1  }
0x8c: {  	s17 =	sshll.u32 s0, $0xA;
	s2 =	sadd.s32 s3, s2  }
0x8d: {  	s2 =	sadd.s32 s2, s17  }
0x8e: {  	[smem:$0x3FC0] =	sst s2  }
0x8f: {  	_ = 	snop  }
0x90: {  	s18 =	sld [smem:$0x3FD0];
	(tm) =	ssettm $0x1  }
0x91: {  	s19 =	sld [smem:$0x3FFB];
	_ =	sdelay $0x3  }
0x92: {  	_ =	strace s19  }
0x93: {  	s2 =	sld [smem:$0x3FFC];
	_ =	sdelay $0x3  }
0x94: {  	_ =	strace s2  }
0x95: {  	s2 =	sld [smem:$0x3FFD];
	_ =	sdelay $0x3  }
0x96: {  	_ =	strace s2  }
0x97: {  	_ =	strace $0x8FFFFFFF  }
0x98: {  	s20 =	sld [smem:$0x3FDB];
	_ =	sdelay $0x1  }
0x99: {  	s4 =	simm.s32 $_scs_section_size  }
0x9a: {  	s5 =	simm.s32 $_size__tile_overlayer_lowered;
	s6 =	simm.s32 $_tile_overlayer_lowered  }
0x9b: {  	s7 =	simm.s32 $0x1BFF;
	s21 =	sshll.u32 s6, $0x1;
	s4 =	sadd.s32 s4, s20  }
0x9c: {  	s22 =	simm.s32 $0x0;
	s5 =	sshll.u32 s5, $0x1;
	s6 =	sadd.s32 s21, s4  }
0x9d: {  	[timem:s22], [sflag:s7] =	dma.local [hbm:s6], s5  }
0x9e: {  	_ =	swait.ge [sflag:s7], s5  }
0x9f: {  	s5 =	ssub.s32 $0x0, s5;
	[sflag:s7] =	ssyncset.done $0x0  }
0xa0: {  	[sflag:s7] =	ssyncadd.s32 s5;
	_ =	sdelay $0x1  }
0xa1: {  	s23 =	simm.s32 $0x1B8B  }
0xa2: {  	_ =	swait.ge [sflag:s23], $0x1  }
0xa3: {  	[sflag:s23] =	ssyncset.done $0x0  }
0xa4: {  	[sflag:s23] =	ssyncadd.s32 $0xFFFFFFFF  }
0xa5: {  	s5 =	sld [smem:$0x0]  }
0xa6: {  	s6 =	sand.u32 $0xFFFFFFFE, s1  }
0xa7: {  	p0 =	sne.s32 s1, s6  }
0xa8: {  	s6 =	sshll.u32 @p0 s6, $0xE  }
0xa9: {  	s6 =	sadd.s32 @p0 $0x11B8D, s6;
	s7 =	sshll.u32 @p0 s5, $0x11  }
0xaa: {  	s6 =	sor.u32 @p0 s7, s6  }
0xab: {  	[sflag:s6] =	ssyncadd.remote.s32 @p0 $0x1;
	_ =	sdelay $0x1  }
0xac: {  	s6 =	simm.s32 @p0 $0x1B8D  }
0xad: {  	_ =	swait.eq @p0 [sflag:s6], $0x1  }
0xae: {  	[sflag:s6] =	ssyncadd.s32 @p0 $0xFFFFFFFF  }
0xaf: {  	s7 =	sshll.u32 @!p0 s1, $0xE  }
0xb0: {  	s7 =	sor.u32 @!p0 $0x4000, s7;
	s6 =	simm.s32 @!p0 $0x1B8D  }
0xb1: {  	s5 =	sshll.u32 @!p0 s5, $0x11;
	s7 =	sadd.s32 @!p0 $0x11B8D, s7;
	_ =	swait.eq @!p0 [sflag:s6], $0x1  }
0xb2: {  	s5 =	sor.u32 @!p0 s5, s7;
	[sflag:s6] =	ssyncadd.s32 @!p0 $0xFFFFFFFF  }
0xb3: {  	s25 =	simm.s32 $0x1B8E;
	s24 =	sld [smem:$0x3FFE];
	[sflag:s5] =	ssyncadd.remote.s32 @!p0 $0x1  }
0xb4: {  	s26 =	simm.s32 $execute0_lowered;
	[smem:$0x3FD2] =	sst s25  }
0xb5: {  	s6 =	sshll.u32 s26, $0x1;
	_ =	strace $0x80000055;
	[dreg:$0x1] =	wrdreg $0xFFFFFFFF  }
0xb6: {  	s28 =	simm.s32 $_size_execute0_lowered;
	s4 =	sadd.s32 s4, s6;
	[dreg:$0x0] =	wrdreg $0x0  }
0xb7: {  	s6 =	sshll.u32 s28, $0x1;
	[dreg:$0x2] =	wrdreg s4  }
0xb8: {  	[dreg:$0x3] =	wrdreg s6  }
0xb9: {  	[dreg:$0x4] =	wrdreg $0xC0  }
0xba: {  	_ =	task [dreg:s22], $0x5FFFF  }
0xbb: {  	[dreg:$0x1] =	wrdreg $0xFFFFFFFF  }
0xbc: {  	[dreg:$0x0] =	wrdreg $0x60  }
0xbd: {  	[dreg:$0x2] =	wrdreg s24  }
0xbe: {  	[dreg:$0x3] =	wrdreg s18  }
0xbf: {  	[dreg:$0x4] =	wrdreg $0x9  }
0xc0: {  	_ =	task.clear_ibuf [dreg:s22], $0x5FFFF;
	_ =	strace $0x90000055  }
0xc1: {  	s29 =	simm.s32 $0x9;
	_ =	strace $0x80000057  }
0xc2: {  	_ =	swait.ge [sflag:s29], $0x1  }
0xc3: {  	[sflag:s29] =	ssyncadd.s32 $0xFFFFFFFF  }
0xc4: {  	_ =	strace $0x90000057  }
0xc5: {  	_ =	sfence  }
0xc6: {  	s30 =	sld [smem:$0x0];
	_ =	sdelay $0x2  }
0xc7: {  	s31 =	sshll.u32 s1, $0xD;
	s1 =	sshrl.u32 s1, $0x2  }
0xc8: {  	s4 =	sand.u32 $0x4000, s31;
	s1 =	sadd.s32 s1, s30  }
0xc9: {  	s0 =	sor.u32 s4, s0;
	s1 =	sshll.u32 s1, $0x11  }
0xca: {  	s0 =	sor.u32 s1, s0  }
0xcb: {  	s0 =	sadd.s32 $0x8F2B, s0  }
0xcc: {  	[sflag:s0] =	ssyncadd.remote.s32 $0x1  }
0xcd: {  	_ =	sfence.sel $0xFFFF  }
0xce: {  	[dreg:$0x0] =	wrdreg $0xFFFFFFFF;
	(pc) =	sbr.abs _section_cstart, $3  }
0xcf: {  	[dreg:$0x1] =	wrdreg $0xFFFFFFFF  }
0xd0: {  	_ =	task.clear_ibuf [dreg:s22], $0x2FFFF;
	_ =	strace $0x9FFFFFFF  }
0xd1: {  	(tm) =	ssettm $0x7FFFFFFF  }
tec
execute0_lowered:
.L_overlay_start_1:
0x0: {  	(tag) =	ssettag $0x1  }
0x1: {  	s4 =	rddreg [dreg:$0x0]  }
0x2: {  	s2 =	rddreg [dreg:$0x1]  }
0x3: {  	s0 =	rddreg [dreg:$0x2];
	s5 =	srdreg.scid  }
0x4: {  	s3 =	simm.s32 $0x0;
	s1 =	stileid.u32;
	s9 =	simm.s32 $0x80  }
0x5: {  	s10 =	simm.s32 $0x400;
	s11 =	simm.s32 $0xA000;
	s5 =	sand.u32 $0x1, s5  }
0x6: {  	[smem:$0x7FF] =	sst s3;
	s7 =	sshll.u32 s1, $0x1;
	s6 =	ssub.s32 $0x2, s5  }
0x7: {  	s4 =	sadd.s32 $0x15B5000, s4;
	s7 =	sor.u32 s5, s7;
	s8 =	sshrl.u32 s6, $0x1  }
0x8: {  	_ =	strace $0x80000056;
	s5 =	smul.u32 $0x1500, s7;
	s8 =	ssub.s32 s6, s8  }
0x9: {  	s6 =	smul.u32 $0x54, s7;
	s7 =	smax.u32 s8, $0x1;
	s8 =	simm.s32 $0x1  }
.LBB2_1:
0xa: {  	s12 =	simm.s32 $0x0  }
.LBB2_2:
0xb: {  	s13 =	sshll.u32 s12, $0x6  }
0xc: {  	s13 =	sadd.s32 s5, s13  }
0xd: {  	s13 =	sshrl.u32 s13, $0x3  }
0xe: {  	s13 =	smul.u32 $0x280, s13;
	_ =	sdelay $0x1  }
0xf: {  	s14 =	sadd.s32 s4, s13;
	s13 =	simm.s32 $0x0  }
0x10: {  	[tilespmem:s13], [sflag:$0x1] =	stream.linear.gather [hbm4b:s14+s13], $0xA000, $0x38;
	[tilespmem:$0xA280] =	vst v63  }
0x11: {  	_ =	swait.ge [sflag:s8], $0xA000  }
0x12: {  	[sflag:s8] =	ssyncset.done $0x0  }
0x13: {  	v0 =	vimm.f32 $0.0e+00;
	[sflag:s8] =	ssyncadd.s32 $0xFFFF6000  }
0x14: {  	[tilespmem:$0xA000] =	vst v0  }
0x15: {  	[tilespmem:$0xA010] =	vst v0  }
0x16: {  	[tilespmem:$0xA020] =	vst v0  }
0x17: {  	[tilespmem:$0xA030] =	vst v0  }
0x18: {  	[tilespmem:$0xA040] =	vst v0  }
0x19: {  	[tilespmem:$0xA050] =	vst v0  }
0x1a: {  	[tilespmem:$0xA060] =	vst v0  }
0x1b: {  	[tilespmem:$0xA070] =	vst v0  }
0x1c: {  	[tilespmem:$0xA080] =	vst v0  }
0x1d: {  	[tilespmem:$0xA090] =	vst v0  }
0x1e: {  	[tilespmem:$0xA0A0] =	vst v0  }
0x1f: {  	[tilespmem:$0xA0B0] =	vst v0  }
0x20: {  	[tilespmem:$0xA0C0] =	vst v0  }
0x21: {  	[tilespmem:$0xA0D0] =	vst v0  }
0x22: {  	[tilespmem:$0xA0E0] =	vst v0  }
0x23: {  	[tilespmem:$0xA0F0] =	vst v0  }
0x24: {  	[tilespmem:$0xA100] =	vst v0  }
0x25: {  	[tilespmem:$0xA110] =	vst v0  }
0x26: {  	[tilespmem:$0xA120] =	vst v0  }
0x27: {  	[tilespmem:$0xA130] =	vst v0  }
0x28: {  	[tilespmem:$0xA140] =	vst v0  }
0x29: {  	[tilespmem:$0xA150] =	vst v0  }
0x2a: {  	[tilespmem:$0xA160] =	vst v0  }
0x2b: {  	[tilespmem:$0xA170] =	vst v0  }
0x2c: {  	[tilespmem:$0xA180] =	vst v0  }
0x2d: {  	[tilespmem:$0xA190] =	vst v0  }
0x2e: {  	[tilespmem:$0xA1A0] =	vst v0  }
0x2f: {  	[tilespmem:$0xA1B0] =	vst v0  }
0x30: {  	[tilespmem:$0xA1C0] =	vst v0  }
0x31: {  	[tilespmem:$0xA1D0] =	vst v0  }
0x32: {  	[tilespmem:$0xA1E0] =	vst v0  }
0x33: {  	[tilespmem:$0xA1F0] =	vst v0  }
0x34: {  	[tilespmem:$0xA200] =	vst v0  }
0x35: {  	[tilespmem:$0xA210] =	vst v0  }
0x36: {  	[tilespmem:$0xA220] =	vst v0  }
0x37: {  	s31 =	simm.s32 $0x0;
	[tilespmem:$0xA230] =	vst v0  }
0x38: {  	s14 =	smul.u32 $0x5000, s31;
	[tilespmem:$0xA240] =	vst v0  }
0x39: {  	[tilespmem:$0xA250] =	vst v0  }
0x3a: {  	s15 =	sand.u32 $0x380, s13;
	s14 =	sshra.s32 s14, $0x2;
	[tilespmem:$0xA260] =	vst v0  }
0x3b: {  	s14 =	sor.u32 s15, s14;
	[tilespmem:$0xA270] =	vst v0  }
0x3c: {  	v1 =	vld [tilespmem:s14+$0x0];
	_ =	sdelay $0x4  }
0x3d: {  	v1 =	vadd.f32 v1, v0;
	_ =	sdelay $0x1  }
0x3e: {  	[tilespmem:$0xA000] =	vst v1  }
0x3f: {  	v2 =	vld [tilespmem:s14+$0x10];
	_ =	sdelay $0x4  }
0x40: {  	v2 =	vadd.f32 v2, v0;
	_ =	sdelay $0x1  }
0x41: {  	[tilespmem:$0xA010] =	vst v2  }
0x42: {  	v3 =	vld [tilespmem:s14+$0x20];
	_ =	sdelay $0x4  }
0x43: {  	v3 =	vadd.f32 v3, v0;
	_ =	sdelay $0x1  }
0x44: {  	[tilespmem:$0xA020] =	vst v3  }
0x45: {  	v4 =	vld [tilespmem:s14+$0x30];
	_ =	sdelay $0x4  }
0x46: {  	v4 =	vadd.f32 v4, v0;
	_ =	sdelay $0x1  }
0x47: {  	[tilespmem:$0xA030] =	vst v4  }
0x48: {  	v5 =	vld [tilespmem:s14+$0x40];
	_ =	sdelay $0x4  }
0x49: {  	v5 =	vadd.f32 v5, v0;
	_ =	sdelay $0x1  }
0x4a: {  	[tilespmem:$0xA040] =	vst v5  }
0x4b: {  	v6 =	vld [tilespmem:s14+$0x50];
	_ =	sdelay $0x4  }
0x4c: {  	v6 =	vadd.f32 v6, v0;
	_ =	sdelay $0x1  }
0x4d: {  	[tilespmem:$0xA050] =	vst v6  }
0x4e: {  	v7 =	vld [tilespmem:s14+$0x60];
	_ =	sdelay $0x4  }
0x4f: {  	v7 =	vadd.f32 v7, v0;
	_ =	sdelay $0x1  }
0x50: {  	[tilespmem:$0xA060] =	vst v7  }
0x51: {  	v8 =	vld [tilespmem:s14+$0x70];
	_ =	sdelay $0x4  }
0x52: {  	v8 =	vadd.f32 v8, v0;
	_ =	sdelay $0x1  }
0x53: {  	[tilespmem:$0xA070] =	vst v8  }
0x54: {  	v9 =	vld [tilespmem:s14+$0x400];
	_ =	sdelay $0x4  }
0x55: {  	v9 =	vadd.f32 v9, v0;
	_ =	sdelay $0x1  }
0x56: {  	[tilespmem:$0xA080] =	vst v9  }
0x57: {  	v10 =	vld [tilespmem:s14+$0x410];
	_ =	sdelay $0x4  }
0x58: {  	v10 =	vadd.f32 v10, v0;
	_ =	sdelay $0x1  }
0x59: {  	[tilespmem:$0xA090] =	vst v10  }
0x5a: {  	v11 =	vld [tilespmem:s14+$0x420];
	_ =	sdelay $0x4  }
0x5b: {  	v11 =	vadd.f32 v11, v0;
	_ =	sdelay $0x1  }
0x5c: {  	[tilespmem:$0xA0A0] =	vst v11  }
0x5d: {  	v12 =	vld [tilespmem:s14+$0x430];
	_ =	sdelay $0x4  }
0x5e: {  	v12 =	vadd.f32 v12, v0;
	_ =	sdelay $0x1  }
0x5f: {  	[tilespmem:$0xA0B0] =	vst v12  }
0x60: {  	v13 =	vld [tilespmem:s14+$0x440];
	_ =	sdelay $0x4  }
0x61: {  	v13 =	vadd.f32 v13, v0;
	_ =	sdelay $0x1  }
0x62: {  	[tilespmem:$0xA0C0] =	vst v13  }
0x63: {  	v14 =	vld [tilespmem:s14+$0x450];
	_ =	sdelay $0x4  }
0x64: {  	v14 =	vadd.f32 v14, v0;
	_ =	sdelay $0x1  }
0x65: {  	[tilespmem:$0xA0D0] =	vst v14  }
0x66: {  	v15 =	vld [tilespmem:s14+$0x460];
	_ =	sdelay $0x4  }
0x67: {  	v15 =	vadd.f32 v15, v0;
	_ =	sdelay $0x1  }
0x68: {  	[tilespmem:$0xA0E0] =	vst v15  }
0x69: {  	v16 =	vld [tilespmem:s14+$0x470];
	_ =	sdelay $0x4  }
0x6a: {  	v16 =	vadd.f32 v16, v0;
	_ =	sdelay $0x1  }
0x6b: {  	[tilespmem:$0xA0F0] =	vst v16  }
0x6c: {  	v17 =	vld [tilespmem:s14+$0x800];
	_ =	sdelay $0x4  }
0x6d: {  	v17 =	vadd.f32 v17, v0;
	_ =	sdelay $0x1  }
0x6e: {  	[tilespmem:$0xA100] =	vst v17  }
0x6f: {  	v18 =	vld [tilespmem:s14+$0x810];
	_ =	sdelay $0x4  }
0x70: {  	v18 =	vadd.f32 v18, v0;
	_ =	sdelay $0x1  }
0x71: {  	[tilespmem:$0xA110] =	vst v18  }
0x72: {  	v19 =	vld [tilespmem:s14+$0x820];
	_ =	sdelay $0x4  }
0x73: {  	v19 =	vadd.f32 v19, v0;
	_ =	sdelay $0x1  }
0x74: {  	[tilespmem:$0xA120] =	vst v19  }
0x75: {  	v20 =	vld [tilespmem:s14+$0x830];
	_ =	sdelay $0x4  }
0x76: {  	v20 =	vadd.f32 v20, v0;
	_ =	sdelay $0x1  }
0x77: {  	[tilespmem:$0xA130] =	vst v20  }
0x78: {  	v21 =	vld [tilespmem:s14+$0x840];
	_ =	sdelay $0x4  }
0x79: {  	v21 =	vadd.f32 v21, v0;
	_ =	sdelay $0x1  }
0x7a: {  	[tilespmem:$0xA140] =	vst v21  }
0x7b: {  	v22 =	vld [tilespmem:s14+$0x850];
	_ =	sdelay $0x4  }
0x7c: {  	v22 =	vadd.f32 v22, v0;
	_ =	sdelay $0x1  }
0x7d: {  	[tilespmem:$0xA150] =	vst v22  }
0x7e: {  	v23 =	vld [tilespmem:s14+$0x860];
	_ =	sdelay $0x4  }
0x7f: {  	v23 =	vadd.f32 v23, v0;
	_ =	sdelay $0x1  }
0x80: {  	[tilespmem:$0xA160] =	vst v23  }
0x81: {  	v24 =	vld [tilespmem:s14+$0x870];
	_ =	sdelay $0x4  }
0x82: {  	v24 =	vadd.f32 v24, v0;
	_ =	sdelay $0x1  }
0x83: {  	[tilespmem:$0xA170] =	vst v24  }
0x84: {  	v25 =	vld [tilespmem:s14+$0xC00];
	_ =	sdelay $0x4  }
0x85: {  	v25 =	vadd.f32 v25, v0;
	_ =	sdelay $0x1  }
0x86: {  	[tilespmem:$0xA180] =	vst v25  }
0x87: {  	v26 =	vld [tilespmem:s14+$0xC10];
	_ =	sdelay $0x4  }
0x88: {  	v26 =	vadd.f32 v26, v0;
	_ =	sdelay $0x1  }
0x89: {  	[tilespmem:$0xA190] =	vst v26  }
0x8a: {  	v27 =	vld [tilespmem:s14+$0xC20];
	_ =	sdelay $0x4  }
0x8b: {  	v27 =	vadd.f32 v27, v0;
	_ =	sdelay $0x1  }
0x8c: {  	[tilespmem:$0xA1A0] =	vst v27  }
0x8d: {  	v28 =	vld [tilespmem:s14+$0xC30];
	_ =	sdelay $0x4  }
0x8e: {  	v28 =	vadd.f32 v28, v0;
	_ =	sdelay $0x1  }
0x8f: {  	[tilespmem:$0xA1B0] =	vst v28  }
0x90: {  	v29 =	vld [tilespmem:s14+$0xC40];
	_ =	sdelay $0x4  }
0x91: {  	v29 =	vadd.f32 v29, v0;
	_ =	sdelay $0x1  }
0x92: {  	[tilespmem:$0xA1C0] =	vst v29  }
0x93: {  	v30 =	vld [tilespmem:s14+$0xC50];
	_ =	sdelay $0x4  }
0x94: {  	v30 =	vadd.f32 v30, v0;
	_ =	sdelay $0x1  }
0x95: {  	[tilespmem:$0xA1D0] =	vst v30  }
0x96: {  	v31 =	vld [tilespmem:s14+$0xC60];
	_ =	sdelay $0x4  }
0x97: {  	v31 =	vadd.f32 v31, v0;
	_ =	sdelay $0x1  }
0x98: {  	[tilespmem:$0xA1E0] =	vst v31  }
0x99: {  	v32 =	vld [tilespmem:s14+$0xC70];
	_ =	sdelay $0x4  }
0x9a: {  	v32 =	vadd.f32 v32, v0;
	_ =	sdelay $0x1  }
0x9b: {  	[tilespmem:$0xA1F0] =	vst v32  }
0x9c: {  	v33 =	vld [tilespmem:s14+$0x1000];
	_ =	sdelay $0x4  }
0x9d: {  	v33 =	vadd.f32 v33, v0;
	_ =	sdelay $0x1  }
0x9e: {  	[tilespmem:$0xA200] =	vst v33  }
0x9f: {  	v34 =	vld [tilespmem:s14+$0x1010];
	_ =	sdelay $0x4  }
0xa0: {  	v34 =	vadd.f32 v34, v0;
	_ =	sdelay $0x1  }
0xa1: {  	[tilespmem:$0xA210] =	vst v34  }
0xa2: {  	v35 =	vld [tilespmem:s14+$0x1020];
	_ =	sdelay $0x4  }
0xa3: {  	v35 =	vadd.f32 v35, v0;
	_ =	sdelay $0x1  }
0xa4: {  	[tilespmem:$0xA220] =	vst v35  }
0xa5: {  	v36 =	vld [tilespmem:s14+$0x1030];
	_ =	sdelay $0x4  }
0xa6: {  	v36 =	vadd.f32 v36, v0;
	_ =	sdelay $0x1  }
0xa7: {  	[tilespmem:$0xA230] =	vst v36  }
0xa8: {  	v37 =	vld [tilespmem:s14+$0x1040];
	_ =	sdelay $0x4  }
0xa9: {  	v37 =	vadd.f32 v37, v0;
	_ =	sdelay $0x1  }
0xaa: {  	[tilespmem:$0xA240] =	vst v37  }
0xab: {  	v38 =	vld [tilespmem:s14+$0x1050];
	_ =	sdelay $0x4  }
0xac: {  	v38 =	vadd.f32 v38, v0;
	_ =	sdelay $0x1  }
0xad: {  	[tilespmem:$0xA250] =	vst v38  }
0xae: {  	v39 =	vld [tilespmem:s14+$0x1060];
	_ =	sdelay $0x4  }
0xaf: {  	v39 =	vadd.f32 v39, v0;
	_ =	sdelay $0x1  }
0xb0: {  	[tilespmem:$0xA260] =	vst v39  }
0xb1: {  	v40 =	vld [tilespmem:s14+$0x1070];
	_ =	sdelay $0x2  }
0xb2: {  	s15 =	simm.s32 $0x0;
	s14 =	simm.s32 $0x2  }
.LBB2_3:
0xb3: {  	p0 =	sne.s32 s14, $0x3F;
	s15 =	smul.u32 $0x5000, s15  }
0xb4: {  	s13 =	sadd.s32 $0x80, s13;
	v0 =	vadd.f32 v40, v0  }
0xb5: {  	s16 =	sand.u32 $0x380, s13;
	s15 =	sshra.s32 s15, $0x2  }
0xb6: {  	s15 =	sor.u32 s16, s15;
	[tilespmem:$0xA270] =	vst v0  }
0xb7: {  	v40 =	vld [tilespmem:s15+$0x0];
	_ =	sdelay $0x4  }
0xb8: {  	v1 =	vadd.f32 v40, v1;
	_ =	sdelay $0x1  }
0xb9: {  	[tilespmem:$0xA000] =	vst v1  }
0xba: {  	v40 =	vld [tilespmem:s15+$0x10];
	_ =	sdelay $0x4  }
0xbb: {  	v2 =	vadd.f32 v40, v2;
	_ =	sdelay $0x1  }
0xbc: {  	[tilespmem:$0xA010] =	vst v2  }
0xbd: {  	v40 =	vld [tilespmem:s15+$0x20];
	_ =	sdelay $0x4  }
0xbe: {  	v3 =	vadd.f32 v40, v3;
	_ =	sdelay $0x1  }
0xbf: {  	[tilespmem:$0xA020] =	vst v3  }
0xc0: {  	v40 =	vld [tilespmem:s15+$0x30];
	_ =	sdelay $0x4  }
0xc1: {  	v4 =	vadd.f32 v40, v4;
	_ =	sdelay $0x1  }
0xc2: {  	[tilespmem:$0xA030] =	vst v4  }
0xc3: {  	v40 =	vld [tilespmem:s15+$0x40];
	_ =	sdelay $0x4  }
0xc4: {  	v5 =	vadd.f32 v40, v5;
	_ =	sdelay $0x1  }
0xc5: {  	[tilespmem:$0xA040] =	vst v5  }
0xc6: {  	v40 =	vld [tilespmem:s15+$0x50];
	_ =	sdelay $0x4  }
0xc7: {  	v6 =	vadd.f32 v40, v6;
	_ =	sdelay $0x1  }
0xc8: {  	[tilespmem:$0xA050] =	vst v6  }
0xc9: {  	v40 =	vld [tilespmem:s15+$0x60];
	_ =	sdelay $0x4  }
0xca: {  	v7 =	vadd.f32 v40, v7;
	_ =	sdelay $0x1  }
0xcb: {  	[tilespmem:$0xA060] =	vst v7  }
0xcc: {  	v40 =	vld [tilespmem:s15+$0x70];
	_ =	sdelay $0x4  }
0xcd: {  	v8 =	vadd.f32 v40, v8;
	_ =	sdelay $0x1  }
0xce: {  	[tilespmem:$0xA070] =	vst v8  }
0xcf: {  	v40 =	vld [tilespmem:s15+$0x400];
	_ =	sdelay $0x4  }
0xd0: {  	v9 =	vadd.f32 v40, v9;
	_ =	sdelay $0x1  }
0xd1: {  	[tilespmem:$0xA080] =	vst v9  }
0xd2: {  	v40 =	vld [tilespmem:s15+$0x410];
	_ =	sdelay $0x4  }
0xd3: {  	v10 =	vadd.f32 v40, v10;
	_ =	sdelay $0x1  }
0xd4: {  	[tilespmem:$0xA090] =	vst v10  }
0xd5: {  	v40 =	vld [tilespmem:s15+$0x420];
	_ =	sdelay $0x4  }
0xd6: {  	v11 =	vadd.f32 v40, v11;
	_ =	sdelay $0x1  }
0xd7: {  	[tilespmem:$0xA0A0] =	vst v11  }
0xd8: {  	v40 =	vld [tilespmem:s15+$0x430];
	_ =	sdelay $0x4  }
0xd9: {  	v12 =	vadd.f32 v40, v12;
	_ =	sdelay $0x1  }
0xda: {  	[tilespmem:$0xA0B0] =	vst v12  }
0xdb: {  	v40 =	vld [tilespmem:s15+$0x440];
	_ =	sdelay $0x4  }
0xdc: {  	v13 =	vadd.f32 v40, v13;
	_ =	sdelay $0x1  }
0xdd: {  	[tilespmem:$0xA0C0] =	vst v13  }
0xde: {  	v40 =	vld [tilespmem:s15+$0x450];
	_ =	sdelay $0x4  }
0xdf: {  	v14 =	vadd.f32 v40, v14;
	_ =	sdelay $0x1  }
0xe0: {  	[tilespmem:$0xA0D0] =	vst v14  }
0xe1: {  	v40 =	vld [tilespmem:s15+$0x460];
	_ =	sdelay $0x4  }
0xe2: {  	v15 =	vadd.f32 v40, v15;
	_ =	sdelay $0x1  }
0xe3: {  	[tilespmem:$0xA0E0] =	vst v15  }
0xe4: {  	v40 =	vld [tilespmem:s15+$0x470];
	_ =	sdelay $0x4  }
0xe5: {  	v16 =	vadd.f32 v40, v16;
	_ =	sdelay $0x1  }
0xe6: {  	[tilespmem:$0xA0F0] =	vst v16  }
0xe7: {  	v40 =	vld [tilespmem:s15+$0x800];
	_ =	sdelay $0x4  }
0xe8: {  	v17 =	vadd.f32 v40, v17;
	_ =	sdelay $0x1  }
0xe9: {  	[tilespmem:$0xA100] =	vst v17  }
0xea: {  	v40 =	vld [tilespmem:s15+$0x810];
	_ =	sdelay $0x4  }
0xeb: {  	v18 =	vadd.f32 v40, v18;
	_ =	sdelay $0x1  }
0xec: {  	[tilespmem:$0xA110] =	vst v18  }
0xed: {  	v40 =	vld [tilespmem:s15+$0x820];
	_ =	sdelay $0x4  }
0xee: {  	v19 =	vadd.f32 v40, v19;
	_ =	sdelay $0x1  }
0xef: {  	[tilespmem:$0xA120] =	vst v19  }
0xf0: {  	v40 =	vld [tilespmem:s15+$0x830];
	_ =	sdelay $0x4  }
0xf1: {  	v20 =	vadd.f32 v40, v20;
	_ =	sdelay $0x1  }
0xf2: {  	[tilespmem:$0xA130] =	vst v20  }
0xf3: {  	v40 =	vld [tilespmem:s15+$0x840];
	_ =	sdelay $0x4  }
0xf4: {  	v21 =	vadd.f32 v40, v21;
	_ =	sdelay $0x1  }
0xf5: {  	[tilespmem:$0xA140] =	vst v21  }
0xf6: {  	v40 =	vld [tilespmem:s15+$0x850];
	_ =	sdelay $0x4  }
0xf7: {  	v22 =	vadd.f32 v40, v22;
	_ =	sdelay $0x1  }
0xf8: {  	[tilespmem:$0xA150] =	vst v22  }
0xf9: {  	v40 =	vld [tilespmem:s15+$0x860];
	_ =	sdelay $0x4  }
0xfa: {  	v23 =	vadd.f32 v40, v23;
	_ =	sdelay $0x1  }
0xfb: {  	[tilespmem:$0xA160] =	vst v23  }
0xfc: {  	v40 =	vld [tilespmem:s15+$0x870];
	_ =	sdelay $0x4  }
0xfd: {  	v24 =	vadd.f32 v40, v24;
	_ =	sdelay $0x1  }
0xfe: {  	[tilespmem:$0xA170] =	vst v24  }
0xff: {  	v40 =	vld [tilespmem:s15+$0xC00];
	_ =	sdelay $0x4  }
0x100: {  	v25 =	vadd.f32 v40, v25;
	_ =	sdelay $0x1  }
0x101: {  	[tilespmem:$0xA180] =	vst v25  }
0x102: {  	v40 =	vld [tilespmem:s15+$0xC10];
	_ =	sdelay $0x4  }
0x103: {  	v26 =	vadd.f32 v40, v26;
	_ =	sdelay $0x1  }
0x104: {  	[tilespmem:$0xA190] =	vst v26  }
0x105: {  	v40 =	vld [tilespmem:s15+$0xC20];
	_ =	sdelay $0x4  }
0x106: {  	v27 =	vadd.f32 v40, v27;
	_ =	sdelay $0x1  }
0x107: {  	[tilespmem:$0xA1A0] =	vst v27  }
0x108: {  	v40 =	vld [tilespmem:s15+$0xC30];
	_ =	sdelay $0x4  }
0x109: {  	v28 =	vadd.f32 v40, v28;
	_ =	sdelay $0x1  }
0x10a: {  	[tilespmem:$0xA1B0] =	vst v28  }
0x10b: {  	v40 =	vld [tilespmem:s15+$0xC40];
	_ =	sdelay $0x4  }
0x10c: {  	v29 =	vadd.f32 v40, v29;
	_ =	sdelay $0x1  }
0x10d: {  	[tilespmem:$0xA1C0] =	vst v29  }
0x10e: {  	v40 =	vld [tilespmem:s15+$0xC50];
	_ =	sdelay $0x4  }
0x10f: {  	v30 =	vadd.f32 v40, v30;
	_ =	sdelay $0x1  }
0x110: {  	[tilespmem:$0xA1D0] =	vst v30  }
0x111: {  	v40 =	vld [tilespmem:s15+$0xC60];
	_ =	sdelay $0x4  }
0x112: {  	v31 =	vadd.f32 v40, v31;
	_ =	sdelay $0x1  }
0x113: {  	[tilespmem:$0xA1E0] =	vst v31  }
0x114: {  	v40 =	vld [tilespmem:s15+$0xC70];
	_ =	sdelay $0x4  }
0x115: {  	v32 =	vadd.f32 v40, v32;
	_ =	sdelay $0x1  }
0x116: {  	[tilespmem:$0xA1F0] =	vst v32  }
0x117: {  	v40 =	vld [tilespmem:s15+$0x1000];
	_ =	sdelay $0x4  }
0x118: {  	v33 =	vadd.f32 v40, v33;
	_ =	sdelay $0x1  }
0x119: {  	[tilespmem:$0xA200] =	vst v33  }
0x11a: {  	v40 =	vld [tilespmem:s15+$0x1010];
	_ =	sdelay $0x4  }
0x11b: {  	v34 =	vadd.f32 v40, v34;
	_ =	sdelay $0x1  }
0x11c: {  	[tilespmem:$0xA210] =	vst v34  }
0x11d: {  	v40 =	vld [tilespmem:s15+$0x1020];
	_ =	sdelay $0x4  }
0x11e: {  	v35 =	vadd.f32 v40, v35;
	_ =	sdelay $0x1  }
0x11f: {  	[tilespmem:$0xA220] =	vst v35  }
0x120: {  	v40 =	vld [tilespmem:s15+$0x1030];
	_ =	sdelay $0x4  }
0x121: {  	v36 =	vadd.f32 v40, v36;
	_ =	sdelay $0x1  }
0x122: {  	[tilespmem:$0xA230] =	vst v36  }
0x123: {  	v40 =	vld [tilespmem:s15+$0x1040];
	_ =	sdelay $0x4  }
0x124: {  	v37 =	vadd.f32 v40, v37;
	_ =	sdelay $0x1  }
0x125: {  	[tilespmem:$0xA240] =	vst v37  }
0x126: {  	v40 =	vld [tilespmem:s15+$0x1050];
	_ =	sdelay $0x4  }
0x127: {  	v38 =	vadd.f32 v40, v38;
	_ =	sdelay $0x1  }
0x128: {  	[tilespmem:$0xA250] =	vst v38  }
0x129: {  	v40 =	vld [tilespmem:s15+$0x1060];
	_ =	sdelay $0x4  }
0x12a: {  	v39 =	vadd.f32 v40, v39;
	_ =	sdelay $0x1  }
.Ltmp0:
0x12b: {  	[tilespmem:$0xA260] =	vst v39;
	(pc) =	sbr.rel @p0 .LBB2_3-.Ltmp0, $2  }
0x12c: {  	v40 =	vld [tilespmem:s15+$0x1070];
	_ =	sdelay $0x2  }
0x12d: {  	s15 =	sshrl.u32 s14, $0x3;
	s14 =	sadd.s32 $0x1, s14  }
0x12e: {  	s14 =	smul.u32 $0x5000, s15  }
0x12f: {  	s13 =	sadd.s32 $0x80, s13;
	v0 =	vadd.f32 v40, v0  }
0x130: {  	s13 =	sand.u32 $0x380, s13;
	s14 =	sshra.s32 s14, $0x2  }
0x131: {  	s13 =	sor.u32 s13, s14;
	[tilespmem:$0xA270] =	vst v0  }
0x132: {  	v63 =	vld [tilespmem:s13+$0x0];
	_ =	sdelay $0x4  }
0x133: {  	v1 =	vadd.f32 v63, v1;
	_ =	sdelay $0x1  }
0x134: {  	[tilespmem:$0xA000] =	vst v1  }
0x135: {  	v1 =	vld [tilespmem:s13+$0x10];
	_ =	sdelay $0x4  }
0x136: {  	v1 =	vadd.f32 v1, v2;
	_ =	sdelay $0x1  }
0x137: {  	[tilespmem:$0xA010] =	vst v1  }
0x138: {  	v1 =	vld [tilespmem:s13+$0x20];
	_ =	sdelay $0x4  }
0x139: {  	v1 =	vadd.f32 v1, v3;
	_ =	sdelay $0x1  }
0x13a: {  	[tilespmem:$0xA020] =	vst v1  }
0x13b: {  	v1 =	vld [tilespmem:s13+$0x30];
	_ =	sdelay $0x4  }
0x13c: {  	v1 =	vadd.f32 v1, v4;
	_ =	sdelay $0x1  }
0x13d: {  	[tilespmem:$0xA030] =	vst v1  }
0x13e: {  	v1 =	vld [tilespmem:s13+$0x40];
	_ =	sdelay $0x4  }
0x13f: {  	v1 =	vadd.f32 v1, v5;
	_ =	sdelay $0x1  }
0x140: {  	[tilespmem:$0xA040] =	vst v1  }
0x141: {  	v1 =	vld [tilespmem:s13+$0x50];
	_ =	sdelay $0x4  }
0x142: {  	v1 =	vadd.f32 v1, v6;
	_ =	sdelay $0x1  }
0x143: {  	[tilespmem:$0xA050] =	vst v1  }
0x144: {  	v1 =	vld [tilespmem:s13+$0x60];
	_ =	sdelay $0x4  }
0x145: {  	v1 =	vadd.f32 v1, v7;
	_ =	sdelay $0x1  }
0x146: {  	[tilespmem:$0xA060] =	vst v1  }
0x147: {  	v1 =	vld [tilespmem:s13+$0x70];
	_ =	sdelay $0x4  }
0x148: {  	v1 =	vadd.f32 v1, v8;
	_ =	sdelay $0x1  }
0x149: {  	[tilespmem:$0xA070] =	vst v1  }
0x14a: {  	v1 =	vld [tilespmem:s13+$0x400];
	_ =	sdelay $0x4  }
0x14b: {  	v1 =	vadd.f32 v1, v9;
	_ =	sdelay $0x1  }
0x14c: {  	[tilespmem:$0xA080] =	vst v1  }
0x14d: {  	v1 =	vld [tilespmem:s13+$0x410];
	_ =	sdelay $0x4  }
0x14e: {  	v1 =	vadd.f32 v1, v10;
	_ =	sdelay $0x1  }
0x14f: {  	[tilespmem:$0xA090] =	vst v1  }
0x150: {  	v1 =	vld [tilespmem:s13+$0x420];
	_ =	sdelay $0x4  }
0x151: {  	v1 =	vadd.f32 v1, v11;
	_ =	sdelay $0x1  }
0x152: {  	[tilespmem:$0xA0A0] =	vst v1  }
0x153: {  	v1 =	vld [tilespmem:s13+$0x430];
	_ =	sdelay $0x4  }
0x154: {  	v1 =	vadd.f32 v1, v12;
	_ =	sdelay $0x1  }
0x155: {  	[tilespmem:$0xA0B0] =	vst v1  }
0x156: {  	v1 =	vld [tilespmem:s13+$0x440];
	_ =	sdelay $0x4  }
0x157: {  	v1 =	vadd.f32 v1, v13;
	_ =	sdelay $0x1  }
0x158: {  	[tilespmem:$0xA0C0] =	vst v1  }
0x159: {  	v1 =	vld [tilespmem:s13+$0x450];
	_ =	sdelay $0x4  }
0x15a: {  	v1 =	vadd.f32 v1, v14;
	_ =	sdelay $0x1  }
0x15b: {  	[tilespmem:$0xA0D0] =	vst v1  }
0x15c: {  	v1 =	vld [tilespmem:s13+$0x460];
	_ =	sdelay $0x4  }
0x15d: {  	v1 =	vadd.f32 v1, v15;
	_ =	sdelay $0x1  }
0x15e: {  	[tilespmem:$0xA0E0] =	vst v1  }
0x15f: {  	v1 =	vld [tilespmem:s13+$0x470];
	_ =	sdelay $0x4  }
0x160: {  	v1 =	vadd.f32 v1, v16;
	_ =	sdelay $0x1  }
0x161: {  	[tilespmem:$0xA0F0] =	vst v1  }
0x162: {  	v1 =	vld [tilespmem:s13+$0x800];
	_ =	sdelay $0x4  }
0x163: {  	v1 =	vadd.f32 v1, v17;
	_ =	sdelay $0x1  }
0x164: {  	[tilespmem:$0xA100] =	vst v1  }
0x165: {  	v1 =	vld [tilespmem:s13+$0x810];
	_ =	sdelay $0x4  }
0x166: {  	v1 =	vadd.f32 v1, v18;
	_ =	sdelay $0x1  }
0x167: {  	[tilespmem:$0xA110] =	vst v1  }
0x168: {  	v1 =	vld [tilespmem:s13+$0x820];
	_ =	sdelay $0x4  }
0x169: {  	v1 =	vadd.f32 v1, v19;
	_ =	sdelay $0x1  }
0x16a: {  	[tilespmem:$0xA120] =	vst v1  }
0x16b: {  	v1 =	vld [tilespmem:s13+$0x830];
	_ =	sdelay $0x4  }
0x16c: {  	v1 =	vadd.f32 v1, v20;
	_ =	sdelay $0x1  }
0x16d: {  	[tilespmem:$0xA130] =	vst v1  }
0x16e: {  	v1 =	vld [tilespmem:s13+$0x840];
	_ =	sdelay $0x4  }
0x16f: {  	v1 =	vadd.f32 v1, v21;
	_ =	sdelay $0x1  }
0x170: {  	[tilespmem:$0xA140] =	vst v1  }
0x171: {  	v1 =	vld [tilespmem:s13+$0x850];
	_ =	sdelay $0x4  }
0x172: {  	v1 =	vadd.f32 v1, v22;
	_ =	sdelay $0x1  }
0x173: {  	[tilespmem:$0xA150] =	vst v1  }
0x174: {  	v1 =	vld [tilespmem:s13+$0x860];
	_ =	sdelay $0x4  }
0x175: {  	v1 =	vadd.f32 v1, v23;
	_ =	sdelay $0x1  }
0x176: {  	[tilespmem:$0xA160] =	vst v1  }
0x177: {  	v1 =	vld [tilespmem:s13+$0x870];
	_ =	sdelay $0x4  }
0x178: {  	v1 =	vadd.f32 v1, v24;
	_ =	sdelay $0x1  }
0x179: {  	[tilespmem:$0xA170] =	vst v1  }
0x17a: {  	v1 =	vld [tilespmem:s13+$0xC00];
	_ =	sdelay $0x4  }
0x17b: {  	v1 =	vadd.f32 v1, v25;
	_ =	sdelay $0x1  }
0x17c: {  	[tilespmem:$0xA180] =	vst v1  }
0x17d: {  	v1 =	vld [tilespmem:s13+$0xC10];
	_ =	sdelay $0x4  }
0x17e: {  	v1 =	vadd.f32 v1, v26;
	_ =	sdelay $0x1  }
0x17f: {  	[tilespmem:$0xA190] =	vst v1  }
0x180: {  	v1 =	vld [tilespmem:s13+$0xC20];
	_ =	sdelay $0x4  }
0x181: {  	v1 =	vadd.f32 v1, v27;
	_ =	sdelay $0x1  }
0x182: {  	[tilespmem:$0xA1A0] =	vst v1  }
0x183: {  	v1 =	vld [tilespmem:s13+$0xC30];
	_ =	sdelay $0x4  }
0x184: {  	v1 =	vadd.f32 v1, v28;
	_ =	sdelay $0x1  }
0x185: {  	[tilespmem:$0xA1B0] =	vst v1  }
0x186: {  	v1 =	vld [tilespmem:s13+$0xC40];
	_ =	sdelay $0x4  }
0x187: {  	v1 =	vadd.f32 v1, v29;
	_ =	sdelay $0x1  }
0x188: {  	[tilespmem:$0xA1C0] =	vst v1  }
0x189: {  	v1 =	vld [tilespmem:s13+$0xC50];
	_ =	sdelay $0x4  }
0x18a: {  	v1 =	vadd.f32 v1, v30;
	_ =	sdelay $0x1  }
0x18b: {  	[tilespmem:$0xA1D0] =	vst v1  }
0x18c: {  	v1 =	vld [tilespmem:s13+$0xC60];
	_ =	sdelay $0x4  }
0x18d: {  	v1 =	vadd.f32 v1, v31;
	_ =	sdelay $0x1  }
0x18e: {  	[tilespmem:$0xA1E0] =	vst v1  }
0x18f: {  	v1 =	vld [tilespmem:s13+$0xC70];
	_ =	sdelay $0x4  }
0x190: {  	v1 =	vadd.f32 v1, v32;
	_ =	sdelay $0x1  }
0x191: {  	[tilespmem:$0xA1F0] =	vst v1  }
0x192: {  	v1 =	vld [tilespmem:s13+$0x1000];
	_ =	sdelay $0x4  }
0x193: {  	v1 =	vadd.f32 v1, v33;
	_ =	sdelay $0x1  }
0x194: {  	[tilespmem:$0xA200] =	vst v1  }
0x195: {  	v1 =	vld [tilespmem:s13+$0x1010];
	_ =	sdelay $0x4  }
0x196: {  	v1 =	vadd.f32 v1, v34;
	_ =	sdelay $0x1  }
0x197: {  	[tilespmem:$0xA210] =	vst v1  }
0x198: {  	v1 =	vld [tilespmem:s13+$0x1020];
	_ =	sdelay $0x4  }
0x199: {  	v1 =	vadd.f32 v1, v35;
	_ =	sdelay $0x1  }
0x19a: {  	[tilespmem:$0xA220] =	vst v1  }
0x19b: {  	v1 =	vld [tilespmem:s13+$0x1030];
	_ =	sdelay $0x4  }
0x19c: {  	v1 =	vadd.f32 v1, v36;
	_ =	sdelay $0x1  }
0x19d: {  	[tilespmem:$0xA230] =	vst v1  }
0x19e: {  	v1 =	vld [tilespmem:s13+$0x1040];
	_ =	sdelay $0x4  }
0x19f: {  	v1 =	vadd.f32 v1, v37;
	_ =	sdelay $0x1  }
0x1a0: {  	[tilespmem:$0xA240] =	vst v1  }
0x1a1: {  	v1 =	vld [tilespmem:s13+$0x1050];
	_ =	sdelay $0x4  }
0x1a2: {  	v1 =	vadd.f32 v1, v38;
	_ =	sdelay $0x1  }
0x1a3: {  	[tilespmem:$0xA250] =	vst v1  }
0x1a4: {  	v1 =	vld [tilespmem:s13+$0x1060];
	_ =	sdelay $0x4  }
0x1a5: {  	v1 =	vadd.f32 v1, v39;
	_ =	sdelay $0x1  }
0x1a6: {  	[tilespmem:$0xA260] =	vst v1  }
0x1a7: {  	v1 =	vld [tilespmem:s13+$0x1070]  }
0x1a8: {  	s30 =	sadd.s32 s6, s12  }
0x1a9: {  	s31 =	sshrl.u32 s30, $0x3  }
0x1aa: {  	s14 =	smul.u32 $0x1400, s31;
	s13 =	sshll.u32 s30, $0x7  }
0x1ab: {  	s13 =	sand.u32 $0x380, s13  }
0x1ac: {  	s12 =	sadd.s32 $0x1, s12;
	s13 =	sor.u32 s13, s14;
	v0 =	vadd.f32 v1, v0  }
0x1ad: {  	p0 =	sne.s32 s12, $0x54;
	s13 =	sshrl.u32 s13, $0x3  }
.Ltmp1:
0x1ae: {  	s13 =	sadd.s32 s2, s13;
	[tilespmem:$0xA270] =	vst v0;
	(pc) =	sbr.rel @p0 .LBB2_2-.Ltmp1, $4  }
0x1af: {  	[hbm4b:s13+s9] =	stream.strided.scatter [tilespmem:s11], [sflag:$0x1], $0x280, s10, s9, $0x38;
	[tilespmem:$0xA280] =	vst v63  }
0x1b0: {  	_ =	swait.ge [sflag:s8], $0x280  }
0x1b1: {  	[sflag:s8] =	ssyncset.done $0x0  }
0x1b2: {  	[sflag:s8] =	ssyncadd.s32 $0xFFFFFD80  }
0x1b3: {  	s3 =	sadd.s32 $0x1, s3  }
0x1b4: {  	p0 =	sne.s32 s3, s7  }
.Ltmp2:
0x1b5: {  	_ = 	snop;
	(pc) =	sbr.rel @p0 .LBB2_1-.Ltmp2, $1  }
0x1b6: {  	_ =	sdelay $0x3  }
0x1b7: {  	_ =	sfence.sel $0x180000  }
0x1b8: {  	[bflag:$0x0] =	sbarrier.arrive $0xFFFF  }
0x1b9: {  	p0 =	sne.s32 s1, $0x0;
	_ =	strace $0x90000056  }
0x1ba: {  	s0 =	sadd.s32 @!p0 $0x100000, s0;
	[bflag:$0x2] =	sbarrier.arrive $0xFFFF  }
0x1bb: {  	[sflag:s0] =	ssyncadd.tile.s32 @!p0 $0x1;
	_ =	shalt  }
.Lfunc_end2:
_tile_overlayer_lowered:
.L_overlay_start_2:
0x1bc: {  	(tag) =	ssettag $0x2  }
0x1bd: {  	s0 =	rddreg [dreg:$0x0];
	s2 =	stileid.u32  }
0x1be: {  	s1 =	rddreg [dreg:$0x1];
	p0 =	sne.s32 s2, $0x0  }
0x1bf: {  	s3 =	rddreg [dreg:$0x2];
	[bflag:$0x3] =	sbarrier.arrive $0xFFFF;
	s2 =	simm.s32 @!p0 $0x1C01  }
0x1c0: {  	[timem:s3], [sflag:s2] =	dma.local @!p0 [hbm:s0], s1  }
0x1c1: {  	s0 =	simm.s32 @!p0 $0x1  }
0x1c2: {  	_ =	swait.ge @!p0 [sflag:s0], s1  }
0x1c3: {  	s1 =	ssub.s32 @!p0 $0x0, s1;
	[sflag:s0] =	ssyncset.done @!p0 $0x0  }
0x1c4: {  	[sflag:s0] =	ssyncadd.s32 @!p0 s1  }
0x1c5: {  	[bflag:$0x3] =	sbarrier.arrive $0xFFFF  }
0x1c6: {  	_ =	shalt  }

// kernel: kernel.20.cloned.1.call-start
scs
__scs_entry_jumppad:
0x0: {  	(pc) =	sbr.rel $0x88, $3  }
0x1: {  	(tag) =	ssettag $0x0;
	lr =	simm.s32 $0x1  }
0x2: {  	[smem:$0x3F99] =	sst lr;
	_ =	strace $0xD0000000  }
0x3: {  	_ = 	snop  }
0x4: {  	_ = 	snop  }
0x5: {  	_ = 	snop  }
0x6: {  	_ = 	snop  }
0x7: {  	_ = 	snop  }
__scs_overlays_trampoline_lowered:
0x8: {  	[smem:$0x3FA8] =	sst s0  }
0x9: {  	[smem:$0x3FA9] =	sst s1  }
0xa: {  	[smem:$0x3FAA] =	sst s2  }
0xb: {  	[smem:$0x3FAB] =	sst s3  }
0xc: {  	[smem:$0x3FAC] =	sst s4  }
0xd: {  	[smem:$0x3FAD] =	sst s5  }
0xe: {  	[smem:$0x3FAE] =	sst s6  }
0xf: {  	[smem:$0x3FAF] =	sst s7  }
0x10: {  	[smem:$0x3FB0] =	sst s8  }
0x11: {  	[smem:$0x3FB1] =	sst s9;
	s0 =	simm.s32 @!p0 $0x0  }
0x12: {  	s1 =	sld [smem:$0x3F97];
	s0 =	simm.s32 @p0 $0x1  }
0x13: {  	[smem:$0x3FB2] =	sst s0;
	s0 =	simm.s32 @!p1 $0x0  }
0x14: {  	s2 =	sld [smem:$0x3F96];
	s0 =	simm.s32 @p1 $0x1  }
0x15: {  	[smem:$0x3FB3] =	sst s0;
	s0 =	simm.s32 @!p2 $0x0  }
0x16: {  	s3 =	sld [smem:$0x3FDB];
	s0 =	simm.s32 @p2 $0x1  }
0x17: {  	s4 =	simm.s32 $0x1BF5;
	[smem:$0x3FB5] =	sst s0  }
0x18: {  	s0 =	sld [smem:$0x3F98];
	_ =	swait.ge [sflag:s4], $0x0  }
0x19: {  	s7 =	sld [smem:$0x3F99]  }
0x1a: {  	s8 =	sadd.s32 $0xFFFFE003, lr  }
0x1b: {  	s9 =	sadd.s32 $0xFFFFFEF7, lr;
	s5 =	simm.s32 $0xFFFFFFFF;
	p2 =	slt.u32 s8, $0xFFFFF086  }
0x1c: {  	p1 =	slt.u32 s9, $0xF7A;
	s5 =	simm.s32 @!p2 $0x0  }
0x1d: {  	s5 =	simm.s32 @p1 $0x1;
	p0 =	seq.s32 s7, s2  }
0x1e: {  	s7 =	smul.u32 @!p0 $0xF7A, s2;
	p2 =	seq.s32 @!p0 s5, $0x0  }
0x1f: {  	s9 =	smul.u32 $0xF7A, s1;
	s8 =	simm.s32 @!p0 $0x1BF5;
	p2 =	por !p2, p0  }
0x20: {  	[sflag:s8] =	ssyncset.s32 @!p0 $0xFFFFF086;
	s6 =	sadd.s32 @!p0 s3, s7;
	s7 =	simm.s32 @!p0 $0x108  }
0x21: {  	s3 =	sadd.s32 s3, s9;
	s6 =	sadd.s32 @!p0 $0x88, s6;
	s7 =	simm.s32 @p2 $0x1082  }
0x22: {  	[simem:s7], [sflag:s8] =	dma.local @!p0 [hbm:s6], $0xF7A  }
0x23: {  	s9 =	sor.u32 $0xD0000000, s2;
	s6 =	simm.s32 $0x108;
	_ =	swait.ge @!p0 [sflag:s8], $0x0  }
0x24: {  	s3 =	sadd.s32 $0x88, s3;
	s6 =	simm.s32 @!p1 $0x1082;
	[sflag:s4] =	ssyncset.s32 $0xFFFFF086  }
0x25: {  	[simem:s6], [sflag:s4] =	dma.local [hbm:s3], $0xF7A  }
0x26: {  	[smem:$0x3F99] =	sst s1;
	(tag) =	ssettag s2;
	_ =	strace s9  }
0x27: {  	s1 =	sld [smem:$0x3FA9]  }
0x28: {  	s2 =	sld [smem:$0x3FAA]  }
0x29: {  	s4 =	sld [smem:$0x3FAC]  }
0x2a: {  	p0 =	seq.s32 s5, $0x0;
	s5 =	sld [smem:$0x3FAD]  }
0x2b: {  	s6 =	sld [smem:$0x3FAE]  }
0x2c: {  	s7 =	sld [smem:$0x3FAF]  }
0x2d: {  	s3 =	simm.s32 $0x108;
	s8 =	sld [smem:$0x3FB0]  }
0x2e: {  	s3 =	simm.s32 @!p0 $0x1082;
	s9 =	sld [smem:$0x3FB1]  }
0x2f: {  	lr =	sadd.s32 s0, s3;
	s0 =	sld [smem:$0x3FA8]  }
0x30: {  	s3 =	sld [smem:$0x3FAB]  }
0x31: {  	[smem:$0x3FB4] =	sst s10  }
0x32: {  	s10 =	sld [smem:$0x3FB2];
	_ =	sdelay $0x3  }
0x33: {  	p0 =	seq.s32 s10, $0x1;
	s10 =	sld [smem:$0x3FB4];
	_ =	sdelay $0x3  }
0x34: {  	[smem:$0x3FB4] =	sst s10  }
0x35: {  	s10 =	sld [smem:$0x3FB3];
	_ =	sdelay $0x3  }
0x36: {  	p1 =	seq.s32 s10, $0x1;
	s10 =	sld [smem:$0x3FB4];
	_ =	sdelay $0x3  }
0x37: {  	[smem:$0x3FB4] =	sst s10  }
0x38: {  	s10 =	sld [smem:$0x3FB5]  }
0x39: {  	_ = 	snop;
	(pc) =	sbr.ind lr, $3  }
0x3a: {  	_ = 	snop  }
0x3b: {  	_ = 	snop  }
0x3c: {  	p2 =	seq.s32 s10, $0x1;
	s10 =	sld [smem:$0x3FB4]  }
0x3d: {  	_ =	shalt  }
0x3e: {  	_ =	shalt  }
0x3f: {  	_ =	shalt  }
0x40: {  	_ =	shalt  }
0x41: {  	_ =	shalt  }
0x42: {  	_ =	shalt  }
0x43: {  	_ =	shalt  }
0x44: {  	_ =	shalt  }
0x45: {  	_ =	shalt  }
0x46: {  	_ =	shalt  }
0x47: {  	_ =	shalt  }
0x48: {  	_ =	shalt  }
0x49: {  	_ =	shalt  }
0x4a: {  	_ =	shalt  }
0x4b: {  	_ =	shalt  }
0x4c: {  	_ =	shalt  }
0x4d: {  	_ =	shalt  }
0x4e: {  	_ =	shalt  }
0x4f: {  	_ =	shalt  }
0x50: {  	_ =	shalt  }
0x51: {  	_ =	shalt  }
0x52: {  	_ =	shalt  }
0x53: {  	_ =	shalt  }
0x54: {  	_ =	shalt  }
0x55: {  	_ =	shalt  }
0x56: {  	_ =	shalt  }
0x57: {  	_ =	shalt  }
0x58: {  	_ =	shalt  }
0x59: {  	_ =	shalt  }
0x5a: {  	_ =	shalt  }
0x5b: {  	_ =	shalt  }
0x5c: {  	_ =	shalt  }
0x5d: {  	_ =	shalt  }
0x5e: {  	_ =	shalt  }
0x5f: {  	_ =	shalt  }
0x60: {  	_ =	shalt  }
0x61: {  	_ =	shalt  }
0x62: {  	_ =	shalt  }
0x63: {  	_ =	shalt  }
0x64: {  	_ =	shalt  }
0x65: {  	_ =	shalt  }
0x66: {  	_ =	shalt  }
0x67: {  	_ =	shalt  }
0x68: {  	_ =	shalt  }
0x69: {  	_ =	shalt  }
0x6a: {  	_ =	shalt  }
0x6b: {  	_ =	shalt  }
0x6c: {  	_ =	shalt  }
0x6d: {  	_ =	shalt  }
0x6e: {  	_ =	shalt  }
0x6f: {  	_ =	shalt  }
0x70: {  	_ =	shalt  }
0x71: {  	_ =	shalt  }
0x72: {  	_ =	shalt  }
0x73: {  	_ =	shalt  }
0x74: {  	_ =	shalt  }
0x75: {  	_ =	shalt  }
0x76: {  	_ =	shalt  }
0x77: {  	_ =	shalt  }
0x78: {  	_ =	shalt  }
0x79: {  	_ =	shalt  }
0x7a: {  	_ =	shalt  }
0x7b: {  	_ =	shalt  }
0x7c: {  	_ =	shalt  }
0x7d: {  	_ =	shalt  }
0x7e: {  	_ =	shalt  }
0x7f: {  	_ =	shalt  }
0x80: {  	_ =	shalt  }
0x81: {  	_ =	shalt  }
0x82: {  	_ =	shalt  }
0x83: {  	_ =	shalt  }
0x84: {  	_ =	shalt  }
0x85: {  	_ =	shalt  }
0x86: {  	_ =	shalt  }
0x87: {  	_ =	shalt  }
.Lfunc_end0:
.L_simem_size_0:
called_computation.7_lowered:
.L_overlay_start_0:
0x88: {  	s2 =	sld [smem:$0x3FD9]  }
0x89: {  	s3 =	sld [smem:$0x3FFE];
	_ =	sdelay $0x1  }
0x8a: {  	s1 =	srdreg.scid  }
0x8b: {  	s0 =	sand.u32 $0x1, s1  }
0x8c: {  	s16 =	sshll.u32 s0, $0xA;
	s2 =	sadd.s32 s3, s2  }
0x8d: {  	s2 =	sadd.s32 s2, s16  }
0x8e: {  	[smem:$0x3FC0] =	sst s2  }
0x8f: {  	_ = 	snop  }
0x90: {  	(tm) =	ssettm $0x1  }
0x91: {  	s17 =	sld [smem:$0x3FFB];
	_ =	sdelay $0x3  }
0x92: {  	_ =	strace s17  }
0x93: {  	s2 =	sld [smem:$0x3FFC];
	_ =	sdelay $0x3  }
0x94: {  	_ =	strace s2  }
0x95: {  	s2 =	sld [smem:$0x3FFD];
	_ =	sdelay $0x3  }
0x96: {  	_ =	strace s2  }
0x97: {  	_ =	strace $0x8FFFFFFF  }
0x98: {  	s18 =	sld [smem:$0x3FDB];
	_ =	sdelay $0x1  }
0x99: {  	s19 =	simm.s32 $_scs_section_size  }
0x9a: {  	s4 =	simm.s32 $_size__tile_overlayer_lowered;
	s5 =	simm.s32 $_tile_overlayer_lowered  }
0x9b: {  	s22 =	simm.s32 $0x1BFF;
	s21 =	sshll.u32 s5, $0x1;
	s2 =	sadd.s32 s19, s18  }
0x9c: {  	s6 =	simm.s32 $0x0;
	s20 =	sshll.u32 s4, $0x1;
	s4 =	sadd.s32 s21, s2  }
0x9d: {  	[timem:s6], [sflag:s22] =	dma.local [hbm:s4], s20  }
0x9e: {  	_ =	swait.ge [sflag:s22], s20  }
0x9f: {  	s3 =	ssub.s32 $0x0, s20;
	[sflag:s22] =	ssyncset.done $0x0  }
0xa0: {  	[sflag:s22] =	ssyncadd.s32 s3;
	_ =	sdelay $0x1  }
0xa1: {  	s23 =	simm.s32 $0x1B8B  }
0xa2: {  	_ =	swait.ge [sflag:s23], $0x1  }
0xa3: {  	[sflag:s23] =	ssyncset.done $0x0  }
0xa4: {  	s25 =	simm.s32 $0x1B8E;
	s24 =	sld [smem:$0x3FFE];
	[sflag:s23] =	ssyncadd.s32 $0xFFFFFFFF  }
0xa5: {  	s26 =	simm.s32 $execute0_lowered;
	[smem:$0x3FD2] =	sst s25  }
0xa6: {  	s4 =	sshll.u32 s26, $0x1;
	_ =	strace $0x80000052;
	[dreg:$0x1] =	wrdreg $0xFFFFFFFF  }
0xa7: {  	s28 =	simm.s32 $_size_execute0_lowered;
	s2 =	sadd.s32 s2, s4;
	[dreg:$0x0] =	wrdreg $0x0  }
0xa8: {  	s4 =	sshll.u32 s28, $0x1;
	[dreg:$0x2] =	wrdreg s2  }
0xa9: {  	[dreg:$0x3] =	wrdreg s4  }
0xaa: {  	[dreg:$0x4] =	wrdreg $0xC0  }
0xab: {  	_ =	task [dreg:s6], $0x5FFFF  }
0xac: {  	[dreg:$0x1] =	wrdreg $0xFFFFFFFF  }
0xad: {  	[dreg:$0x0] =	wrdreg $0x60  }
0xae: {  	[dreg:$0x2] =	wrdreg s24  }
0xaf: {  	[dreg:$0x3] =	wrdreg $0xA  }
0xb0: {  	_ =	task.clear_ibuf [dreg:s6], $0x4FFFF;
	_ =	strace $0x90000052  }
0xb1: {  	s29 =	simm.s32 $0xA;
	_ =	strace $0x80000054  }
0xb2: {  	_ =	swait.ge [sflag:s29], $0x1  }
0xb3: {  	[sflag:s29] =	ssyncadd.s32 $0xFFFFFFFF  }
0xb4: {  	_ =	strace $0x90000054  }
0xb5: {  	_ =	sfence  }
0xb6: {  	s30 =	sld [smem:$0x0];
	_ =	sdelay $0x2  }
0xb7: {  	s31 =	sshll.u32 s1, $0xD;
	s1 =	sshrl.u32 s1, $0x2  }
0xb8: {  	s3 =	sand.u32 $0x4000, s31;
	s1 =	sadd.s32 s1, s30  }
0xb9: {  	s0 =	sor.u32 s3, s0;
	s1 =	sshll.u32 s1, $0x11  }
0xba: {  	s0 =	sor.u32 s1, s0  }
0xbb: {  	s0 =	sadd.s32 $0x8F2B, s0  }
0xbc: {  	[sflag:s0] =	ssyncadd.remote.s32 $0x1  }
0xbd: {  	_ =	sfence.sel $0xFFFF  }
0xbe: {  	[dreg:$0x0] =	wrdreg $0xFFFFFFFF;
	(pc) =	sbr.abs _section_cstart, $3  }
0xbf: {  	[dreg:$0x1] =	wrdreg $0xFFFFFFFF  }
0xc0: {  	_ =	task.clear_ibuf [dreg:s6], $0x2FFFF;
	_ =	strace $0x9FFFFFFF  }
0xc1: {  	(tm) =	ssettm $0x7FFFFFFF  }
tec
execute0_lowered:
.L_overlay_start_1:
0x0: {  	(tag) =	ssettag $0x1  }
0x1: {  	s4 =	rddreg [dreg:$0x0]  }
0x2: {  	s0 =	rddreg [dreg:$0x1];
	s2 =	simm.s32 $0x0;
	s3 =	srdreg.scid  }
0x3: {  	s1 =	stileid.u32;
	[smem:$0x7FF] =	sst s2;
	s5 =	sand.u32 $0x1, s3  }
0x4: {  	s7 =	sshll.u32 s1, $0x1;
	s3 =	sadd.s32 $0x15B5000, s4;
	s6 =	ssub.s32 $0x2, s5  }
0x5: {  	s4 =	sadd.s32 $0x18C00, s4;
	_ =	strace $0x80000053;
	s8 =	sshrl.u32 s6, $0x1  }
0x6: {  	s5 =	sor.u32 s5, s7;
	s7 =	simm.s32 $0x1;
	s6 =	ssub.s32 s6, s8  }
0x7: {  	v0 =	vimm.f32 $0.0e+00;
	s5 =	smul.u32 $0x1500, s5;
	s8 =	simm.s32 $0x0;
	s6 =	smax.u32 s6, $0x1  }
.LBB2_1:
0x8: {  	s9 =	simm.s32 $0x0  }
.LBB2_2:
0x9: {  	s10 =	sshll.u32 s9, $0x6  }
0xa: {  	s10 =	sadd.s32 s5, s10  }
0xb: {  	s10 =	sshrl.u32 s10, $0x3  }
0xc: {  	s10 =	smul.u32 $0x280, s10;
	_ =	sdelay $0x1  }
0xd: {  	s11 =	simm.s32 $0x0;
	s12 =	sadd.s32 s3, s10  }
0xe: {  	[tilespmem:s11], [sflag:$0x1] =	stream.linear.gather [hbm4b:s12+s11], $0xA000, $0x38;
	[tilespmem:$0xA280] =	vst v63  }
0xf: {  	_ =	swait.ge [sflag:s7], $0xA000  }
0x10: {  	[sflag:s7] =	ssyncset.done $0x0  }
0x11: {  	[sflag:s7] =	ssyncadd.s32 $0xFFFF6000  }
0x12: {  	[tilespmem:$0xA000] =	vst v0  }
0x13: {  	[tilespmem:$0xA010] =	vst v0  }
0x14: {  	[tilespmem:$0xA020] =	vst v0  }
0x15: {  	[tilespmem:$0xA030] =	vst v0  }
0x16: {  	[tilespmem:$0xA040] =	vst v0  }
0x17: {  	[tilespmem:$0xA050] =	vst v0  }
0x18: {  	[tilespmem:$0xA060] =	vst v0  }
0x19: {  	[tilespmem:$0xA070] =	vst v0  }
0x1a: {  	[tilespmem:$0xA080] =	vst v0  }
0x1b: {  	[tilespmem:$0xA090] =	vst v0  }
0x1c: {  	[tilespmem:$0xA0A0] =	vst v0  }
0x1d: {  	[tilespmem:$0xA0B0] =	vst v0  }
0x1e: {  	[tilespmem:$0xA0C0] =	vst v0  }
0x1f: {  	[tilespmem:$0xA0D0] =	vst v0  }
0x20: {  	[tilespmem:$0xA0E0] =	vst v0  }
0x21: {  	[tilespmem:$0xA0F0] =	vst v0  }
0x22: {  	[tilespmem:$0xA100] =	vst v0  }
0x23: {  	[tilespmem:$0xA110] =	vst v0  }
0x24: {  	[tilespmem:$0xA120] =	vst v0  }
0x25: {  	[tilespmem:$0xA130] =	vst v0  }
0x26: {  	[tilespmem:$0xA140] =	vst v0  }
0x27: {  	[tilespmem:$0xA150] =	vst v0  }
0x28: {  	[tilespmem:$0xA160] =	vst v0  }
0x29: {  	[tilespmem:$0xA170] =	vst v0  }
0x2a: {  	[tilespmem:$0xA180] =	vst v0  }
0x2b: {  	[tilespmem:$0xA190] =	vst v0  }
0x2c: {  	[tilespmem:$0xA1A0] =	vst v0  }
0x2d: {  	[tilespmem:$0xA1B0] =	vst v0  }
0x2e: {  	[tilespmem:$0xA1C0] =	vst v0  }
0x2f: {  	[tilespmem:$0xA1D0] =	vst v0  }
0x30: {  	[tilespmem:$0xA1E0] =	vst v0  }
0x31: {  	[tilespmem:$0xA1F0] =	vst v0  }
0x32: {  	[tilespmem:$0xA200] =	vst v0  }
0x33: {  	[tilespmem:$0xA210] =	vst v0  }
0x34: {  	[tilespmem:$0xA220] =	vst v0  }
0x35: {  	[tilespmem:$0xA230] =	vst v0  }
0x36: {  	[tilespmem:$0xA240] =	vst v0  }
0x37: {  	[tilespmem:$0xA250] =	vst v0  }
0x38: {  	[tilespmem:$0xA260] =	vst v0  }
0x39: {  	s12 =	simm.s32 $0x0;
	[tilespmem:$0xA270] =	vst v0  }
.LBB2_3:
0x3a: {  	s13 =	sshrl.u32 s12, $0x3  }
0x3b: {  	s13 =	smul.u32 $0x5000, s13;
	_ =	sdelay $0x1  }
0x3c: {  	s14 =	sand.u32 $0x380, s11;
	s13 =	sshra.s32 s13, $0x2  }
0x3d: {  	v1 =	vld [tilespmem:$0xA000];
	s13 =	sor.u32 s14, s13  }
0x3e: {  	v2 =	vld [tilespmem:s13+$0x0];
	_ =	sdelay $0x4  }
0x3f: {  	v1 =	vadd.f32 v2, v1;
	_ =	sdelay $0x1  }
0x40: {  	[tilespmem:$0xA000] =	vst v1  }
0x41: {  	[tilespmem:s13+$0x0] =	vst v1;
	v2 =	vld [tilespmem:s13+$0x10]  }
0x42: {  	v1 =	vld [tilespmem:$0xA010];
	_ =	sdelay $0x4  }
0x43: {  	v1 =	vadd.f32 v2, v1;
	_ =	sdelay $0x1  }
0x44: {  	[tilespmem:$0xA010] =	vst v1  }
0x45: {  	[tilespmem:s13+$0x10] =	vst v1;
	v2 =	vld [tilespmem:s13+$0x20]  }
0x46: {  	v1 =	vld [tilespmem:$0xA020];
	_ =	sdelay $0x4  }
0x47: {  	v1 =	vadd.f32 v2, v1;
	_ =	sdelay $0x1  }
0x48: {  	[tilespmem:$0xA020] =	vst v1  }
0x49: {  	[tilespmem:s13+$0x20] =	vst v1;
	v2 =	vld [tilespmem:s13+$0x30]  }
0x4a: {  	v1 =	vld [tilespmem:$0xA030];
	_ =	sdelay $0x4  }
0x4b: {  	v1 =	vadd.f32 v2, v1;
	_ =	sdelay $0x1  }
0x4c: {  	[tilespmem:$0xA030] =	vst v1  }
0x4d: {  	[tilespmem:s13+$0x30] =	vst v1;
	v2 =	vld [tilespmem:s13+$0x40]  }
0x4e: {  	v1 =	vld [tilespmem:$0xA040];
	_ =	sdelay $0x4  }
0x4f: {  	v1 =	vadd.f32 v2, v1;
	_ =	sdelay $0x1  }
0x50: {  	[tilespmem:$0xA040] =	vst v1  }
0x51: {  	[tilespmem:s13+$0x40] =	vst v1;
	v2 =	vld [tilespmem:s13+$0x50]  }
0x52: {  	v1 =	vld [tilespmem:$0xA050];
	_ =	sdelay $0x4  }
0x53: {  	v1 =	vadd.f32 v2, v1;
	_ =	sdelay $0x1  }
0x54: {  	[tilespmem:$0xA050] =	vst v1  }
0x55: {  	[tilespmem:s13+$0x50] =	vst v1;
	v2 =	vld [tilespmem:s13+$0x60]  }
0x56: {  	v1 =	vld [tilespmem:$0xA060];
	_ =	sdelay $0x4  }
0x57: {  	v1 =	vadd.f32 v2, v1;
	_ =	sdelay $0x1  }
0x58: {  	[tilespmem:$0xA060] =	vst v1  }
0x59: {  	[tilespmem:s13+$0x60] =	vst v1;
	v2 =	vld [tilespmem:s13+$0x70]  }
0x5a: {  	v1 =	vld [tilespmem:$0xA070];
	_ =	sdelay $0x4  }
0x5b: {  	v1 =	vadd.f32 v2, v1;
	_ =	sdelay $0x1  }
0x5c: {  	[tilespmem:$0xA070] =	vst v1  }
0x5d: {  	[tilespmem:s13+$0x70] =	vst v1;
	v2 =	vld [tilespmem:s13+$0x400]  }
0x5e: {  	v1 =	vld [tilespmem:$0xA080];
	_ =	sdelay $0x4  }
0x5f: {  	v1 =	vadd.f32 v2, v1;
	_ =	sdelay $0x1  }
0x60: {  	[tilespmem:$0xA080] =	vst v1  }
0x61: {  	[tilespmem:s13+$0x400] =	vst v1;
	v2 =	vld [tilespmem:s13+$0x410]  }
0x62: {  	v1 =	vld [tilespmem:$0xA090];
	_ =	sdelay $0x4  }
0x63: {  	v1 =	vadd.f32 v2, v1;
	_ =	sdelay $0x1  }
0x64: {  	[tilespmem:$0xA090] =	vst v1  }
0x65: {  	[tilespmem:s13+$0x410] =	vst v1;
	v2 =	vld [tilespmem:s13+$0x420]  }
0x66: {  	v1 =	vld [tilespmem:$0xA0A0];
	_ =	sdelay $0x4  }
0x67: {  	v1 =	vadd.f32 v2, v1;
	_ =	sdelay $0x1  }
0x68: {  	[tilespmem:$0xA0A0] =	vst v1  }
0x69: {  	[tilespmem:s13+$0x420] =	vst v1;
	v2 =	vld [tilespmem:s13+$0x430]  }
0x6a: {  	v1 =	vld [tilespmem:$0xA0B0];
	_ =	sdelay $0x4  }
0x6b: {  	v1 =	vadd.f32 v2, v1;
	_ =	sdelay $0x1  }
0x6c: {  	[tilespmem:$0xA0B0] =	vst v1  }
0x6d: {  	[tilespmem:s13+$0x430] =	vst v1;
	v2 =	vld [tilespmem:s13+$0x440]  }
0x6e: {  	v1 =	vld [tilespmem:$0xA0C0];
	_ =	sdelay $0x4  }
0x6f: {  	v1 =	vadd.f32 v2, v1;
	_ =	sdelay $0x1  }
0x70: {  	[tilespmem:$0xA0C0] =	vst v1  }
0x71: {  	[tilespmem:s13+$0x440] =	vst v1;
	v2 =	vld [tilespmem:s13+$0x450]  }
0x72: {  	v1 =	vld [tilespmem:$0xA0D0];
	_ =	sdelay $0x4  }
0x73: {  	v1 =	vadd.f32 v2, v1;
	_ =	sdelay $0x1  }
0x74: {  	[tilespmem:$0xA0D0] =	vst v1  }
0x75: {  	[tilespmem:s13+$0x450] =	vst v1;
	v2 =	vld [tilespmem:s13+$0x460]  }
0x76: {  	v1 =	vld [tilespmem:$0xA0E0];
	_ =	sdelay $0x4  }
0x77: {  	v1 =	vadd.f32 v2, v1;
	_ =	sdelay $0x1  }
0x78: {  	[tilespmem:$0xA0E0] =	vst v1  }
0x79: {  	[tilespmem:s13+$0x460] =	vst v1;
	v2 =	vld [tilespmem:s13+$0x470]  }
0x7a: {  	v1 =	vld [tilespmem:$0xA0F0];
	_ =	sdelay $0x4  }
0x7b: {  	v1 =	vadd.f32 v2, v1;
	_ =	sdelay $0x1  }
0x7c: {  	[tilespmem:$0xA0F0] =	vst v1  }
0x7d: {  	[tilespmem:s13+$0x470] =	vst v1;
	v2 =	vld [tilespmem:s13+$0x800]  }
0x7e: {  	v1 =	vld [tilespmem:$0xA100];
	_ =	sdelay $0x4  }
0x7f: {  	v1 =	vadd.f32 v2, v1;
	_ =	sdelay $0x1  }
0x80: {  	[tilespmem:$0xA100] =	vst v1  }
0x81: {  	[tilespmem:s13+$0x800] =	vst v1;
	v2 =	vld [tilespmem:s13+$0x810]  }
0x82: {  	v1 =	vld [tilespmem:$0xA110];
	_ =	sdelay $0x4  }
0x83: {  	v1 =	vadd.f32 v2, v1;
	_ =	sdelay $0x1  }
0x84: {  	[tilespmem:$0xA110] =	vst v1  }
0x85: {  	[tilespmem:s13+$0x810] =	vst v1;
	v2 =	vld [tilespmem:s13+$0x820]  }
0x86: {  	v1 =	vld [tilespmem:$0xA120];
	_ =	sdelay $0x4  }
0x87: {  	v1 =	vadd.f32 v2, v1;
	_ =	sdelay $0x1  }
0x88: {  	[tilespmem:$0xA120] =	vst v1  }
0x89: {  	[tilespmem:s13+$0x820] =	vst v1;
	v2 =	vld [tilespmem:s13+$0x830]  }
0x8a: {  	v1 =	vld [tilespmem:$0xA130];
	_ =	sdelay $0x4  }
0x8b: {  	v1 =	vadd.f32 v2, v1;
	_ =	sdelay $0x1  }
0x8c: {  	[tilespmem:$0xA130] =	vst v1  }
0x8d: {  	[tilespmem:s13+$0x830] =	vst v1;
	v2 =	vld [tilespmem:s13+$0x840]  }
0x8e: {  	v1 =	vld [tilespmem:$0xA140];
	_ =	sdelay $0x4  }
0x8f: {  	v1 =	vadd.f32 v2, v1;
	_ =	sdelay $0x1  }
0x90: {  	[tilespmem:$0xA140] =	vst v1  }
0x91: {  	[tilespmem:s13+$0x840] =	vst v1;
	v2 =	vld [tilespmem:s13+$0x850]  }
0x92: {  	v1 =	vld [tilespmem:$0xA150];
	_ =	sdelay $0x4  }
0x93: {  	v1 =	vadd.f32 v2, v1;
	_ =	sdelay $0x1  }
0x94: {  	[tilespmem:$0xA150] =	vst v1  }
0x95: {  	[tilespmem:s13+$0x850] =	vst v1;
	v2 =	vld [tilespmem:s13+$0x860]  }
0x96: {  	v1 =	vld [tilespmem:$0xA160];
	_ =	sdelay $0x4  }
0x97: {  	v1 =	vadd.f32 v2, v1;
	_ =	sdelay $0x1  }
0x98: {  	[tilespmem:$0xA160] =	vst v1  }
0x99: {  	[tilespmem:s13+$0x860] =	vst v1;
	v2 =	vld [tilespmem:s13+$0x870]  }
0x9a: {  	v1 =	vld [tilespmem:$0xA170];
	_ =	sdelay $0x4  }
0x9b: {  	v1 =	vadd.f32 v2, v1;
	_ =	sdelay $0x1  }
0x9c: {  	[tilespmem:$0xA170] =	vst v1  }
0x9d: {  	[tilespmem:s13+$0x870] =	vst v1;
	v2 =	vld [tilespmem:s13+$0xC00]  }
0x9e: {  	v1 =	vld [tilespmem:$0xA180];
	_ =	sdelay $0x4  }
0x9f: {  	v1 =	vadd.f32 v2, v1;
	_ =	sdelay $0x1  }
0xa0: {  	[tilespmem:$0xA180] =	vst v1  }
0xa1: {  	[tilespmem:s13+$0xC00] =	vst v1;
	v2 =	vld [tilespmem:s13+$0xC10]  }
0xa2: {  	v1 =	vld [tilespmem:$0xA190];
	_ =	sdelay $0x4  }
0xa3: {  	v1 =	vadd.f32 v2, v1;
	_ =	sdelay $0x1  }
0xa4: {  	[tilespmem:$0xA190] =	vst v1  }
0xa5: {  	[tilespmem:s13+$0xC10] =	vst v1;
	v2 =	vld [tilespmem:s13+$0xC20]  }
0xa6: {  	v1 =	vld [tilespmem:$0xA1A0];
	_ =	sdelay $0x4  }
0xa7: {  	v1 =	vadd.f32 v2, v1;
	_ =	sdelay $0x1  }
0xa8: {  	[tilespmem:$0xA1A0] =	vst v1  }
0xa9: {  	[tilespmem:s13+$0xC20] =	vst v1;
	v2 =	vld [tilespmem:s13+$0xC30]  }
0xaa: {  	v1 =	vld [tilespmem:$0xA1B0];
	_ =	sdelay $0x4  }
0xab: {  	v1 =	vadd.f32 v2, v1;
	_ =	sdelay $0x1  }
0xac: {  	[tilespmem:$0xA1B0] =	vst v1  }
0xad: {  	[tilespmem:s13+$0xC30] =	vst v1;
	v2 =	vld [tilespmem:s13+$0xC40]  }
0xae: {  	v1 =	vld [tilespmem:$0xA1C0];
	_ =	sdelay $0x4  }
0xaf: {  	v1 =	vadd.f32 v2, v1;
	_ =	sdelay $0x1  }
0xb0: {  	[tilespmem:$0xA1C0] =	vst v1  }
0xb1: {  	[tilespmem:s13+$0xC40] =	vst v1;
	v2 =	vld [tilespmem:s13+$0xC50]  }
0xb2: {  	v1 =	vld [tilespmem:$0xA1D0];
	_ =	sdelay $0x4  }
0xb3: {  	v1 =	vadd.f32 v2, v1;
	_ =	sdelay $0x1  }
0xb4: {  	[tilespmem:$0xA1D0] =	vst v1  }
0xb5: {  	[tilespmem:s13+$0xC50] =	vst v1;
	v2 =	vld [tilespmem:s13+$0xC60]  }
0xb6: {  	v1 =	vld [tilespmem:$0xA1E0];
	_ =	sdelay $0x4  }
0xb7: {  	v1 =	vadd.f32 v2, v1;
	_ =	sdelay $0x1  }
0xb8: {  	[tilespmem:$0xA1E0] =	vst v1  }
0xb9: {  	[tilespmem:s13+$0xC60] =	vst v1;
	v2 =	vld [tilespmem:s13+$0xC70]  }
0xba: {  	v1 =	vld [tilespmem:$0xA1F0];
	_ =	sdelay $0x4  }
0xbb: {  	v1 =	vadd.f32 v2, v1;
	_ =	sdelay $0x1  }
0xbc: {  	[tilespmem:$0xA1F0] =	vst v1  }
0xbd: {  	[tilespmem:s13+$0xC70] =	vst v1;
	v2 =	vld [tilespmem:s13+$0x1000]  }
0xbe: {  	v1 =	vld [tilespmem:$0xA200];
	_ =	sdelay $0x4  }
0xbf: {  	v1 =	vadd.f32 v2, v1;
	_ =	sdelay $0x1  }
0xc0: {  	[tilespmem:$0xA200] =	vst v1  }
0xc1: {  	[tilespmem:s13+$0x1000] =	vst v1;
	v2 =	vld [tilespmem:s13+$0x1010]  }
0xc2: {  	v1 =	vld [tilespmem:$0xA210];
	_ =	sdelay $0x4  }
0xc3: {  	v1 =	vadd.f32 v2, v1;
	_ =	sdelay $0x1  }
0xc4: {  	[tilespmem:$0xA210] =	vst v1  }
0xc5: {  	[tilespmem:s13+$0x1010] =	vst v1;
	v2 =	vld [tilespmem:s13+$0x1020]  }
0xc6: {  	v1 =	vld [tilespmem:$0xA220];
	_ =	sdelay $0x4  }
0xc7: {  	v1 =	vadd.f32 v2, v1;
	_ =	sdelay $0x1  }
0xc8: {  	[tilespmem:$0xA220] =	vst v1  }
0xc9: {  	[tilespmem:s13+$0x1020] =	vst v1;
	v2 =	vld [tilespmem:s13+$0x1030]  }
0xca: {  	v1 =	vld [tilespmem:$0xA230];
	_ =	sdelay $0x4  }
0xcb: {  	v1 =	vadd.f32 v2, v1;
	_ =	sdelay $0x1  }
0xcc: {  	[tilespmem:$0xA230] =	vst v1  }
0xcd: {  	[tilespmem:s13+$0x1030] =	vst v1;
	v2 =	vld [tilespmem:s13+$0x1040]  }
0xce: {  	v1 =	vld [tilespmem:$0xA240];
	_ =	sdelay $0x4  }
0xcf: {  	v1 =	vadd.f32 v2, v1;
	_ =	sdelay $0x1  }
0xd0: {  	[tilespmem:$0xA240] =	vst v1  }
0xd1: {  	[tilespmem:s13+$0x1040] =	vst v1;
	v2 =	vld [tilespmem:s13+$0x1050]  }
0xd2: {  	v1 =	vld [tilespmem:$0xA250];
	_ =	sdelay $0x4  }
0xd3: {  	v1 =	vadd.f32 v2, v1;
	_ =	sdelay $0x1  }
0xd4: {  	[tilespmem:$0xA250] =	vst v1  }
0xd5: {  	[tilespmem:s13+$0x1050] =	vst v1;
	v2 =	vld [tilespmem:s13+$0x1060]  }
0xd6: {  	v1 =	vld [tilespmem:$0xA260];
	_ =	sdelay $0x4  }
0xd7: {  	v1 =	vadd.f32 v2, v1;
	_ =	sdelay $0x1  }
0xd8: {  	[tilespmem:$0xA260] =	vst v1  }
0xd9: {  	[tilespmem:s13+$0x1060] =	vst v1;
	v2 =	vld [tilespmem:s13+$0x1070]  }
0xda: {  	v1 =	vld [tilespmem:$0xA270];
	_ =	sdelay $0x2  }
0xdb: {  	p0 =	sne.s32 s12, $0x3F  }
.Ltmp0:
0xdc: {  	_ = 	snop;
	(pc) =	sbr.rel @p0 .LBB2_3-.Ltmp0, $3  }
0xdd: {  	v1 =	vadd.f32 v2, v1;
	_ =	sdelay $0x1  }
0xde: {  	[tilespmem:$0xA270] =	vst v1  }
0xdf: {  	s11 =	sadd.s32 $0x80, s11;
	s12 =	sadd.s32 $0x1, s12;
	[tilespmem:s13+$0x1070] =	vst v1  }
0xe0: {  	s9 =	sadd.s32 $0x1, s9  }
0xe1: {  	p0 =	sne.s32 s9, $0x54  }
.Ltmp1:
0xe2: {  	s10 =	sadd.s32 s4, s10;
	(pc) =	sbr.rel @p0 .LBB2_2-.Ltmp1, $4  }
0xe3: {  	[hbm4b:s10+s2] =	stream.linear.scatter [tilespmem:s2], [sflag:$0x1], $0xA000, $0x38;
	[tilespmem:$0xA280] =	vst v63  }
0xe4: {  	_ =	swait.ge [sflag:s7], $0xA000  }
0xe5: {  	[sflag:s7] =	ssyncset.done $0x0  }
0xe6: {  	[sflag:s7] =	ssyncadd.s32 $0xFFFF6000  }
0xe7: {  	s8 =	sadd.s32 $0x1, s8  }
0xe8: {  	p0 =	sne.s32 s8, s6  }
.Ltmp2:
0xe9: {  	_ = 	snop;
	(pc) =	sbr.rel @p0 .LBB2_1-.Ltmp2, $1  }
0xea: {  	_ =	sdelay $0x3  }
0xeb: {  	_ =	sfence.sel $0x180000  }
0xec: {  	[bflag:$0x0] =	sbarrier.arrive $0xFFFF  }
0xed: {  	p0 =	sne.s32 s1, $0x0;
	_ =	strace $0x90000053  }
0xee: {  	s0 =	sadd.s32 @!p0 $0x100000, s0;
	[bflag:$0x2] =	sbarrier.arrive $0xFFFF  }
0xef: {  	[sflag:s0] =	ssyncadd.tile.s32 @!p0 $0x1;
	_ =	shalt  }
.Lfunc_end2:
_tile_overlayer_lowered:
.L_overlay_start_2:
0xf0: {  	(tag) =	ssettag $0x2  }
0xf1: {  	s0 =	rddreg [dreg:$0x0];
	s2 =	stileid.u32  }
0xf2: {  	s1 =	rddreg [dreg:$0x1];
	p0 =	sne.s32 s2, $0x0  }
0xf3: {  	s3 =	rddreg [dreg:$0x2];
	[bflag:$0x3] =	sbarrier.arrive $0xFFFF;
	s2 =	simm.s32 @!p0 $0x1C01  }
0xf4: {  	[timem:s3], [sflag:s2] =	dma.local @!p0 [hbm:s0], s1  }
0xf5: {  	s0 =	simm.s32 @!p0 $0x1  }
0xf6: {  	_ =	swait.ge @!p0 [sflag:s0], s1  }
0xf7: {  	s1 =	ssub.s32 @!p0 $0x0, s1;
	[sflag:s0] =	ssyncset.done @!p0 $0x0  }
0xf8: {  	[sflag:s0] =	ssyncadd.s32 @!p0 s1  }
0xf9: {  	[bflag:$0x3] =	sbarrier.arrive $0xFFFF  }
0xfa: {  	_ =	shalt  }

// kernel: kernel.23.cloned.1.call-start
scs
__scs_entry_jumppad:
0x0: {  	(pc) =	sbr.rel $0x88, $3  }
0x1: {  	(tag) =	ssettag $0x0;
	lr =	simm.s32 $0x1  }
0x2: {  	[smem:$0x3F99] =	sst lr;
	_ =	strace $0xD0000000  }
0x3: {  	_ = 	snop  }
0x4: {  	_ = 	snop  }
0x5: {  	_ = 	snop  }
0x6: {  	_ = 	snop  }
0x7: {  	_ = 	snop  }
__scs_overlays_trampoline_lowered:
0x8: {  	[smem:$0x3FA8] =	sst s0  }
0x9: {  	[smem:$0x3FA9] =	sst s1  }
0xa: {  	[smem:$0x3FAA] =	sst s2  }
0xb: {  	[smem:$0x3FAB] =	sst s3  }
0xc: {  	[smem:$0x3FAC] =	sst s4  }
0xd: {  	[smem:$0x3FAD] =	sst s5  }
0xe: {  	[smem:$0x3FAE] =	sst s6  }
0xf: {  	[smem:$0x3FAF] =	sst s7  }
0x10: {  	[smem:$0x3FB0] =	sst s8  }
0x11: {  	[smem:$0x3FB1] =	sst s9;
	s0 =	simm.s32 @!p0 $0x0  }
0x12: {  	s1 =	sld [smem:$0x3F97];
	s0 =	simm.s32 @p0 $0x1  }
0x13: {  	[smem:$0x3FB2] =	sst s0;
	s0 =	simm.s32 @!p1 $0x0  }
0x14: {  	s2 =	sld [smem:$0x3F96];
	s0 =	simm.s32 @p1 $0x1  }
0x15: {  	[smem:$0x3FB3] =	sst s0;
	s0 =	simm.s32 @!p2 $0x0  }
0x16: {  	s3 =	sld [smem:$0x3FDB];
	s0 =	simm.s32 @p2 $0x1  }
0x17: {  	s4 =	simm.s32 $0x1BF5;
	[smem:$0x3FB5] =	sst s0  }
0x18: {  	s0 =	sld [smem:$0x3F98];
	_ =	swait.ge [sflag:s4], $0x0  }
0x19: {  	s7 =	sld [smem:$0x3F99]  }
0x1a: {  	s8 =	sadd.s32 $0xFFFFE003, lr  }
0x1b: {  	s9 =	sadd.s32 $0xFFFFFEF7, lr;
	s5 =	simm.s32 $0xFFFFFFFF;
	p2 =	slt.u32 s8, $0xFFFFF086  }
0x1c: {  	p1 =	slt.u32 s9, $0xF7A;
	s5 =	simm.s32 @!p2 $0x0  }
0x1d: {  	s5 =	simm.s32 @p1 $0x1;
	p0 =	seq.s32 s7, s2  }
0x1e: {  	s7 =	smul.u32 @!p0 $0xF7A, s2;
	p2 =	seq.s32 @!p0 s5, $0x0  }
0x1f: {  	s9 =	smul.u32 $0xF7A, s1;
	s8 =	simm.s32 @!p0 $0x1BF5;
	p2 =	por !p2, p0  }
0x20: {  	[sflag:s8] =	ssyncset.s32 @!p0 $0xFFFFF086;
	s6 =	sadd.s32 @!p0 s3, s7;
	s7 =	simm.s32 @!p0 $0x108  }
0x21: {  	s3 =	sadd.s32 s3, s9;
	s6 =	sadd.s32 @!p0 $0x88, s6;
	s7 =	simm.s32 @p2 $0x1082  }
0x22: {  	[simem:s7], [sflag:s8] =	dma.local @!p0 [hbm:s6], $0xF7A  }
0x23: {  	s9 =	sor.u32 $0xD0000000, s2;
	s6 =	simm.s32 $0x108;
	_ =	swait.ge @!p0 [sflag:s8], $0x0  }
0x24: {  	s3 =	sadd.s32 $0x88, s3;
	s6 =	simm.s32 @!p1 $0x1082;
	[sflag:s4] =	ssyncset.s32 $0xFFFFF086  }
0x25: {  	[simem:s6], [sflag:s4] =	dma.local [hbm:s3], $0xF7A  }
0x26: {  	[smem:$0x3F99] =	sst s1;
	(tag) =	ssettag s2;
	_ =	strace s9  }
0x27: {  	s1 =	sld [smem:$0x3FA9]  }
0x28: {  	s2 =	sld [smem:$0x3FAA]  }
0x29: {  	s4 =	sld [smem:$0x3FAC]  }
0x2a: {  	p0 =	seq.s32 s5, $0x0;
	s5 =	sld [smem:$0x3FAD]  }
0x2b: {  	s6 =	sld [smem:$0x3FAE]  }
0x2c: {  	s7 =	sld [smem:$0x3FAF]  }
0x2d: {  	s3 =	simm.s32 $0x108;
	s8 =	sld [smem:$0x3FB0]  }
0x2e: {  	s3 =	simm.s32 @!p0 $0x1082;
	s9 =	sld [smem:$0x3FB1]  }
0x2f: {  	lr =	sadd.s32 s0, s3;
	s0 =	sld [smem:$0x3FA8]  }
0x30: {  	s3 =	sld [smem:$0x3FAB]  }
0x31: {  	[smem:$0x3FB4] =	sst s10  }
0x32: {  	s10 =	sld [smem:$0x3FB2];
	_ =	sdelay $0x3  }
0x33: {  	p0 =	seq.s32 s10, $0x1;
	s10 =	sld [smem:$0x3FB4];
	_ =	sdelay $0x3  }
0x34: {  	[smem:$0x3FB4] =	sst s10  }
0x35: {  	s10 =	sld [smem:$0x3FB3];
	_ =	sdelay $0x3  }
0x36: {  	p1 =	seq.s32 s10, $0x1;
	s10 =	sld [smem:$0x3FB4];
	_ =	sdelay $0x3  }
0x37: {  	[smem:$0x3FB4] =	sst s10  }
0x38: {  	s10 =	sld [smem:$0x3FB5]  }
0x39: {  	_ = 	snop;
	(pc) =	sbr.ind lr, $3  }
0x3a: {  	_ = 	snop  }
0x3b: {  	_ = 	snop  }
0x3c: {  	p2 =	seq.s32 s10, $0x1;
	s10 =	sld [smem:$0x3FB4]  }
0x3d: {  	_ =	shalt  }
0x3e: {  	_ =	shalt  }
0x3f: {  	_ =	shalt  }
0x40: {  	_ =	shalt  }
0x41: {  	_ =	shalt  }
0x42: {  	_ =	shalt  }
0x43: {  	_ =	shalt  }
0x44: {  	_ =	shalt  }
0x45: {  	_ =	shalt  }
0x46: {  	_ =	shalt  }
0x47: {  	_ =	shalt  }
0x48: {  	_ =	shalt  }
0x49: {  	_ =	shalt  }
0x4a: {  	_ =	shalt  }
0x4b: {  	_ =	shalt  }
0x4c: {  	_ =	shalt  }
0x4d: {  	_ =	shalt  }
0x4e: {  	_ =	shalt  }
0x4f: {  	_ =	shalt  }
0x50: {  	_ =	shalt  }
0x51: {  	_ =	shalt  }
0x52: {  	_ =	shalt  }
0x53: {  	_ =	shalt  }
0x54: {  	_ =	shalt  }
0x55: {  	_ =	shalt  }
0x56: {  	_ =	shalt  }
0x57: {  	_ =	shalt  }
0x58: {  	_ =	shalt  }
0x59: {  	_ =	shalt  }
0x5a: {  	_ =	shalt  }
0x5b: {  	_ =	shalt  }
0x5c: {  	_ =	shalt  }
0x5d: {  	_ =	shalt  }
0x5e: {  	_ =	shalt  }
0x5f: {  	_ =	shalt  }
0x60: {  	_ =	shalt  }
0x61: {  	_ =	shalt  }
0x62: {  	_ =	shalt  }
0x63: {  	_ =	shalt  }
0x64: {  	_ =	shalt  }
0x65: {  	_ =	shalt  }
0x66: {  	_ =	shalt  }
0x67: {  	_ =	shalt  }
0x68: {  	_ =	shalt  }
0x69: {  	_ =	shalt  }
0x6a: {  	_ =	shalt  }
0x6b: {  	_ =	shalt  }
0x6c: {  	_ =	shalt  }
0x6d: {  	_ =	shalt  }
0x6e: {  	_ =	shalt  }
0x6f: {  	_ =	shalt  }
0x70: {  	_ =	shalt  }
0x71: {  	_ =	shalt  }
0x72: {  	_ =	shalt  }
0x73: {  	_ =	shalt  }
0x74: {  	_ =	shalt  }
0x75: {  	_ =	shalt  }
0x76: {  	_ =	shalt  }
0x77: {  	_ =	shalt  }
0x78: {  	_ =	shalt  }
0x79: {  	_ =	shalt  }
0x7a: {  	_ =	shalt  }
0x7b: {  	_ =	shalt  }
0x7c: {  	_ =	shalt  }
0x7d: {  	_ =	shalt  }
0x7e: {  	_ =	shalt  }
0x7f: {  	_ =	shalt  }
0x80: {  	_ =	shalt  }
0x81: {  	_ =	shalt  }
0x82: {  	_ =	shalt  }
0x83: {  	_ =	shalt  }
0x84: {  	_ =	shalt  }
0x85: {  	_ =	shalt  }
0x86: {  	_ =	shalt  }
0x87: {  	_ =	shalt  }
.Lfunc_end0:
.L_simem_size_0:
called_computation.8_lowered:
.L_overlay_start_0:
0x88: {  	s2 =	sld [smem:$0x3FD9]  }
0x89: {  	s3 =	sld [smem:$0x3FFE];
	_ =	sdelay $0x1  }
0x8a: {  	s1 =	srdreg.scid  }
0x8b: {  	s0 =	sand.u32 $0x1, s1  }
0x8c: {  	s16 =	sshll.u32 s0, $0xA;
	s2 =	sadd.s32 s3, s2  }
0x8d: {  	s2 =	sadd.s32 s2, s16  }
0x8e: {  	[smem:$0x3FC0] =	sst s2  }
0x8f: {  	_ = 	snop  }
0x90: {  	(tm) =	ssettm $0x1  }
0x91: {  	s17 =	sld [smem:$0x3FFB];
	_ =	sdelay $0x3  }
0x92: {  	_ =	strace s17  }
0x93: {  	s2 =	sld [smem:$0x3FFC];
	_ =	sdelay $0x3  }
0x94: {  	_ =	strace s2  }
0x95: {  	s2 =	sld [smem:$0x3FFD];
	_ =	sdelay $0x3  }
0x96: {  	_ =	strace s2  }
0x97: {  	_ =	strace $0x8FFFFFFF  }
0x98: {  	s18 =	sld [smem:$0x3FDB];
	_ =	sdelay $0x1  }
0x99: {  	s19 =	simm.s32 $_scs_section_size  }
0x9a: {  	s4 =	simm.s32 $_size__tile_overlayer_lowered;
	s5 =	simm.s32 $_tile_overlayer_lowered  }
0x9b: {  	s22 =	simm.s32 $0x1BFF;
	s21 =	sshll.u32 s5, $0x1;
	s2 =	sadd.s32 s19, s18  }
0x9c: {  	s6 =	simm.s32 $0x0;
	s20 =	sshll.u32 s4, $0x1;
	s4 =	sadd.s32 s21, s2  }
0x9d: {  	[timem:s6], [sflag:s22] =	dma.local [hbm:s4], s20  }
0x9e: {  	_ =	swait.ge [sflag:s22], s20  }
0x9f: {  	s3 =	ssub.s32 $0x0, s20;
	[sflag:s22] =	ssyncset.done $0x0  }
0xa0: {  	[sflag:s22] =	ssyncadd.s32 s3;
	_ =	sdelay $0x1  }
0xa1: {  	s23 =	simm.s32 $0x1B8B  }
0xa2: {  	_ =	swait.ge [sflag:s23], $0x1  }
0xa3: {  	[sflag:s23] =	ssyncset.done $0x0  }
0xa4: {  	s25 =	simm.s32 $0x1B8E;
	s24 =	sld [smem:$0x3FFE];
	[sflag:s23] =	ssyncadd.s32 $0xFFFFFFFF  }
0xa5: {  	s26 =	simm.s32 $execute0_lowered;
	[smem:$0x3FD2] =	sst s25  }
0xa6: {  	s4 =	sshll.u32 s26, $0x1;
	_ =	strace $0x80000058;
	[dreg:$0x1] =	wrdreg $0xFFFFFFFF  }
0xa7: {  	s28 =	simm.s32 $_size_execute0_lowered;
	s2 =	sadd.s32 s2, s4;
	[dreg:$0x0] =	wrdreg $0x0  }
0xa8: {  	s4 =	sshll.u32 s28, $0x1;
	[dreg:$0x2] =	wrdreg s2  }
0xa9: {  	[dreg:$0x3] =	wrdreg s4  }
0xaa: {  	[dreg:$0x4] =	wrdreg $0xC0  }
0xab: {  	_ =	task [dreg:s6], $0x5FFFF  }
0xac: {  	[dreg:$0x1] =	wrdreg $0xFFFFFFFF  }
0xad: {  	[dreg:$0x0] =	wrdreg $0x60  }
0xae: {  	[dreg:$0x2] =	wrdreg s24  }
0xaf: {  	[dreg:$0x3] =	wrdreg $0x9  }
0xb0: {  	_ =	task.clear_ibuf [dreg:s6], $0x4FFFF;
	_ =	strace $0x90000058  }
0xb1: {  	s29 =	simm.s32 $0x9;
	_ =	strace $0x8000005A  }
0xb2: {  	_ =	swait.ge [sflag:s29], $0x1  }
0xb3: {  	[sflag:s29] =	ssyncadd.s32 $0xFFFFFFFF  }
0xb4: {  	_ =	strace $0x9000005A  }
0xb5: {  	_ =	sfence  }
0xb6: {  	s30 =	sld [smem:$0x0];
	_ =	sdelay $0x2  }
0xb7: {  	s31 =	sshll.u32 s1, $0xD;
	s1 =	sshrl.u32 s1, $0x2  }
0xb8: {  	s3 =	sand.u32 $0x4000, s31;
	s1 =	sadd.s32 s1, s30  }
0xb9: {  	s0 =	sor.u32 s3, s0;
	s1 =	sshll.u32 s1, $0x11  }
0xba: {  	s0 =	sor.u32 s1, s0  }
0xbb: {  	s0 =	sadd.s32 $0x8F2B, s0  }
0xbc: {  	[sflag:s0] =	ssyncadd.remote.s32 $0x1  }
0xbd: {  	_ =	sfence.sel $0xFFFF  }
0xbe: {  	[dreg:$0x0] =	wrdreg $0xFFFFFFFF;
	(pc) =	sbr.abs _section_cstart, $3  }
0xbf: {  	[dreg:$0x1] =	wrdreg $0xFFFFFFFF  }
0xc0: {  	_ =	task.clear_ibuf [dreg:s6], $0x2FFFF;
	_ =	strace $0x9FFFFFFF  }
0xc1: {  	(tm) =	ssettm $0x7FFFFFFF  }
tec
execute0_lowered:
.L_overlay_start_1:
0x0: {  	(tag) =	ssettag $0x1  }
0x1: {  	s0 =	srdreg.scid  }
0x2: {  	s1 =	stileid.u32;
	s5 =	rddreg [dreg:$0x0]  }
0x3: {  	s2 =	simm.s32 $0x0;
	s22 =	simm.s32 $0x880;
	s23 =	simm.s32 $0x1080  }
0x4: {  	s24 =	simm.s32 $0x1480;
	s26 =	simm.s32 $0x1C80;
	s8 =	simm.s32 $0x2  }
0x5: {  	s9 =	simm.s32 $0x80;
	s10 =	simm.s32 $0x2480;
	s11 =	simm.s32 $0x2880  }
0x6: {  	s12 =	simm.s32 $0x3080;
	s13 =	simm.s32 $0x3880;
	s14 =	simm.s32 $0x3C80  }
0x7: {  	s15 =	simm.s32 $0x4480;
	s16 =	simm.s32 $0x4C80;
	s17 =	simm.s32 $0x5080  }
0x8: {  	s18 =	simm.s32 $0x5880;
	s19 =	simm.s32 $0x6080;
	s20 =	simm.s32 $0x6480  }
0x9: {  	s21 =	simm.s32 $0x6C80;
	s28 =	simm.s32 $0x9480;
	[smem:$0x7FF] =	sst s2  }
0xa: {  	s29 =	simm.s32 $0x9C80;
	_ =	strace $0x80000059;
	[dreg:$0x3] =	wrdreg s22  }
0xb: {  	s0 =	sand.u32 $0x1, s0;
	s1 =	smul.u32 $0x580, s1;
	[dreg:$0x4] =	wrdreg s23  }
0xc: {  	s30 =	simm.s32 $0x1;
	s3 =	smul.u32 $0x2C0, s0;
	[dreg:$0x5] =	wrdreg s24  }
0xd: {  	s31 =	simm.s32 $0x0;
	s0 =	ssub.s32 $0x2, s0;
	[dreg:$0x6] =	wrdreg s26  }
0xe: {  	s22 =	simm.s32 $0x7480;
	s23 =	simm.s32 $0x7880;
	s1 =	sadd.s32 s3, s1  }
0xf: {  	s24 =	simm.s32 $0x8080;
	s6 =	sshrl.u32 s0, $0x1;
	s1 =	sshrl.u32 s1, $0x3  }
0x10: {  	s26 =	simm.s32 $0x8C80;
	s0 =	ssub.s32 s0, s6;
	s4 =	smul.u32 $0x280, s1  }
0x11: {  	s3 =	sadd.s32 $0x18C00, s5;
	s0 =	smax.u32 s0, $0x1;
	s1 =	sadd.s32 s1, s5  }
0x12: {  	v2 =	vlaneseq.u32;
	[dreg:$0x7] =	wrdreg s0;
	s1 =	sadd.s32 $0x5800, s1;
	s7 =	sadd.s32 s4, s5  }
0x13: {  	vm0 =	vmmov $0xffff;
	vm1 =	vmmov $0xff;
	v1 =	vshrl.u32 v2, $0x3;
	s4 =	sadd.s32 $0x18D00, s5;
	[dreg:$0x2] =	wrdreg s1;
	s25 =	sadd.s32 $0xD38C00, s7  }
0x14: {  	v0 =	vand.u32 $0x7, v2;
	v2 =	vor.u32 $0x8, v2;
	v1 =	vmul.u32 $0x8, v1;
	s5 =	sadd.s32 $0x18E00, s5;
	[dreg:$0x8] =	wrdreg s25;
	s25 =	simm.s32 $0x8880  }
.LBB2_1:
0x15: {  	s1 =	simm.s32 $0x0;
	s7 =	rddreg [dreg:$0x8]  }
.LBB2_2:
0x16: {  	s6 =	rddreg [dreg:$0x2]  }
0x17: {  	s6 =	sadd.s32 s1, s6  }
0x18: {  	[tilespmem:s2], [sflag:$0x2] =	stream.linear.gather [hbm4b:s6+s2], $0x40, $0x38;
	[tilespmem:$0xA080] =	vst v63  }
0x19: {  	_ =	swait.ge [sflag:s8], $0x40  }
0x1a: {  	[sflag:s8] =	ssyncset.done $0x0  }
0x1b: {  	[sflag:s8] =	ssyncadd.s32 $0xFFFFFFC0  }
0x1c: {  	v3 =	vld [tilespmem:$0x0];
	_ =	sdelay $0x4  }
0x1d: {  	v4 =	vshrl.u32 v3, $0x3  }
0x1e: {  	v4 =	vmul.u32 $0x28, v4  }
0x1f: {  	v3 =	vand.u32 $0x7, v3  }
0x20: {  	v3 =	vor.u32 v3, v4  }
0x21: {  	v4 =	vperm.xlane v3, v0;
	_ =	sdelay $0x1  }
0x22: {  	v4 =	vadd.s32 v1, v4;
	_ =	sdelay $0x3  }
0x23: {  	v3 =	vperm.xlane v3, v2  }
0x24: {  	[tilespmem:s9], [sflag:$0x1] =	stream.indirect_vreg.gather [hbm4b:s3+s2], $0x80, v4, vm0, $0xb8;
	[tilespmem:$0xA080] =	vst v63  }
0x25: {  	s6 =	rddreg [dreg:$0x3];
	v3 =	vadd.s32 v1, v3  }
0x26: {  	[tilespmem:s6], [sflag:$0x1] =	stream.indirect_vreg.gather [hbm4b:s4+s2], $0x80, v4, vm0, $0xb8;
	[tilespmem:$0xA080] =	vst v63  }
0x27: {  	s0 =	rddreg [dreg:$0x4]  }
0x28: {  	[tilespmem:s0], [sflag:$0x1] =	stream.indirect_vreg.gather [hbm4b:s5+s2], $0x80, v4, vm1, $0xb8;
	[tilespmem:$0xA080] =	vst v63  }
0x29: {  	s6 =	rddreg [dreg:$0x5]  }
0x2a: {  	[tilespmem:s6], [sflag:$0x1] =	stream.indirect_vreg.gather [hbm4b:s3+s2], $0x80, v3, vm0, $0xb8;
	[tilespmem:$0xA080] =	vst v63  }
0x2b: {  	s0 =	rddreg [dreg:$0x6]  }
0x2c: {  	[tilespmem:s0], [sflag:$0x1] =	stream.indirect_vreg.gather [hbm4b:s4+s2], $0x80, v3, vm0, $0xb8;
	[tilespmem:$0xA080] =	vst v63  }
0x2d: {  	_ = 	snop  }
0x2e: {  	[tilespmem:s10], [sflag:$0x1] =	stream.indirect_vreg.gather [hbm4b:s5+s2], $0x80, v3, vm1, $0xb8;
	[tilespmem:$0xA080] =	vst v63  }
0x2f: {  	v3 =	vld [tilespmem:$0x10];
	_ =	sdelay $0x4  }
0x30: {  	v61 =	vshrl.u32 v3, $0x3  }
0x31: {  	v4 =	vmul.u32 $0x28, v61  }
0x32: {  	v3 =	vand.u32 $0x7, v3  }
0x33: {  	v3 =	vor.u32 v3, v4  }
0x34: {  	v4 =	vperm.xlane v3, v0;
	_ =	sdelay $0x1  }
0x35: {  	v4 =	vadd.s32 v1, v4;
	_ =	sdelay $0x3  }
0x36: {  	v3 =	vperm.xlane v3, v2  }
0x37: {  	[tilespmem:s11], [sflag:$0x1] =	stream.indirect_vreg.gather [hbm4b:s3+s2], $0x80, v4, vm0, $0xb8;
	[tilespmem:$0xA080] =	vst v63  }
0x38: {  	v3 =	vadd.s32 v1, v3  }
0x39: {  	[tilespmem:s12], [sflag:$0x1] =	stream.indirect_vreg.gather [hbm4b:s4+s2], $0x80, v4, vm0, $0xb8;
	[tilespmem:$0xA080] =	vst v63  }
0x3a: {  	_ = 	snop  }
0x3b: {  	[tilespmem:s13], [sflag:$0x1] =	stream.indirect_vreg.gather [hbm4b:s5+s2], $0x80, v4, vm1, $0xb8;
	[tilespmem:$0xA080] =	vst v63  }
0x3c: {  	_ = 	snop  }
0x3d: {  	[tilespmem:s14], [sflag:$0x1] =	stream.indirect_vreg.gather [hbm4b:s3+s2], $0x80, v3, vm0, $0xb8;
	[tilespmem:$0xA080] =	vst v63  }
0x3e: {  	_ = 	snop  }
0x3f: {  	[tilespmem:s15], [sflag:$0x1] =	stream.indirect_vreg.gather [hbm4b:s4+s2], $0x80, v3, vm0, $0xb8;
	[tilespmem:$0xA080] =	vst v63  }
0x40: {  	_ = 	snop  }
0x41: {  	[tilespmem:s16], [sflag:$0x1] =	stream.indirect_vreg.gather [hbm4b:s5+s2], $0x80, v3, vm1, $0xb8;
	[tilespmem:$0xA080] =	vst v63  }
0x42: {  	v3 =	vld [tilespmem:$0x20];
	_ =	sdelay $0x4  }
0x43: {  	v62 =	vshrl.u32 v3, $0x3  }
0x44: {  	v4 =	vmul.u32 $0x28, v62  }
0x45: {  	v3 =	vand.u32 $0x7, v3  }
0x46: {  	v3 =	vor.u32 v3, v4  }
0x47: {  	v4 =	vperm.xlane v3, v0;
	_ =	sdelay $0x1  }
0x48: {  	v4 =	vadd.s32 v1, v4;
	_ =	sdelay $0x3  }
0x49: {  	v3 =	vperm.xlane v3, v2  }
0x4a: {  	[tilespmem:s17], [sflag:$0x1] =	stream.indirect_vreg.gather [hbm4b:s3+s2], $0x80, v4, vm0, $0xb8;
	[tilespmem:$0xA080] =	vst v63  }
0x4b: {  	v3 =	vadd.s32 v1, v3  }
0x4c: {  	[tilespmem:s18], [sflag:$0x1] =	stream.indirect_vreg.gather [hbm4b:s4+s2], $0x80, v4, vm0, $0xb8;
	[tilespmem:$0xA080] =	vst v63  }
0x4d: {  	_ = 	snop  }
0x4e: {  	[tilespmem:s19], [sflag:$0x1] =	stream.indirect_vreg.gather [hbm4b:s5+s2], $0x80, v4, vm1, $0xb8;
	[tilespmem:$0xA080] =	vst v63  }
0x4f: {  	_ = 	snop  }
0x50: {  	[tilespmem:s20], [sflag:$0x1] =	stream.indirect_vreg.gather [hbm4b:s3+s2], $0x80, v3, vm0, $0xb8;
	[tilespmem:$0xA080] =	vst v63  }
0x51: {  	_ = 	snop  }
0x52: {  	[tilespmem:s21], [sflag:$0x1] =	stream.indirect_vreg.gather [hbm4b:s4+s2], $0x80, v3, vm0, $0xb8;
	[tilespmem:$0xA080] =	vst v63  }
0x53: {  	_ = 	snop  }
0x54: {  	[tilespmem:s22], [sflag:$0x1] =	stream.indirect_vreg.gather [hbm4b:s5+s2], $0x80, v3, vm1, $0xb8;
	[tilespmem:$0xA080] =	vst v63  }
0x55: {  	v3 =	vld [tilespmem:$0x30];
	_ =	sdelay $0x4  }
0x56: {  	v63 =	vshrl.u32 v3, $0x3  }
0x57: {  	v4 =	vmul.u32 $0x28, v63  }
0x58: {  	v3 =	vand.u32 $0x7, v3  }
0x59: {  	v3 =	vor.u32 v3, v4  }
0x5a: {  	v4 =	vperm.xlane v3, v0;
	_ =	sdelay $0x1  }
0x5b: {  	v4 =	vadd.s32 v1, v4;
	_ =	sdelay $0x3  }
0x5c: {  	v3 =	vperm.xlane v3, v2  }
0x5d: {  	[tilespmem:s23], [sflag:$0x1] =	stream.indirect_vreg.gather [hbm4b:s3+s2], $0x80, v4, vm0, $0xb8;
	[tilespmem:$0xA080] =	vst v63  }
0x5e: {  	v3 =	vadd.s32 v1, v3  }
0x5f: {  	[tilespmem:s24], [sflag:$0x1] =	stream.indirect_vreg.gather [hbm4b:s4+s2], $0x80, v4, vm0, $0xb8;
	[tilespmem:$0xA080] =	vst v63  }
0x60: {  	_ = 	snop  }
0x61: {  	[tilespmem:s25], [sflag:$0x1] =	stream.indirect_vreg.gather [hbm4b:s5+s2], $0x80, v4, vm1, $0xb8;
	[tilespmem:$0xA080] =	vst v63  }
0x62: {  	_ = 	snop  }
0x63: {  	[tilespmem:s26], [sflag:$0x1] =	stream.indirect_vreg.gather [hbm4b:s3+s2], $0x80, v3, vm0, $0xb8;
	[tilespmem:$0xA080] =	vst v63  }
0x64: {  	_ = 	snop  }
0x65: {  	[tilespmem:s28], [sflag:$0x1] =	stream.indirect_vreg.gather [hbm4b:s4+s2], $0x80, v3, vm0, $0xb8;
	[tilespmem:$0xA080] =	vst v63  }
0x66: {  	_ = 	snop  }
0x67: {  	[tilespmem:s29], [sflag:$0x1] =	stream.indirect_vreg.gather [hbm4b:s5+s2], $0x80, v3, vm1, $0xb8;
	[tilespmem:$0xA080] =	vst v63  }
0x68: {  	_ =	swait.ge [sflag:s30], $0xA000  }
0x69: {  	p0 =	sne.s32 s1, $0x50;
	[sflag:s30] =	ssyncset.done $0x0  }
.Ltmp0:
0x6a: {  	[sflag:s30] =	ssyncadd.s32 $0xFFFF6000;
	(pc) =	sbr.rel @p0 .LBB2_2-.Ltmp0, $4  }
0x6b: {  	[hbm4b:s7+s2] =	stream.linear.scatter [tilespmem:s9], [sflag:$0x2], $0xA000, $0x38;
	[tilespmem:$0xA080] =	vst v63  }
0x6c: {  	_ =	swait.ge [sflag:s8], $0xA000  }
0x6d: {  	[sflag:s8] =	ssyncset.done $0x0  }
0x6e: {  	s1 =	sadd.s32 $0x8, s1;
	s7 =	sadd.s32 $0x1400, s7;
	[sflag:s8] =	ssyncadd.s32 $0xFFFF6000  }
0x6f: {  	s31 =	sadd.s32 $0x1, s31;
	s0 =	rddreg [dreg:$0x7]  }
0x70: {  	p0 =	sne.s32 s31, s0  }
.Ltmp1:
0x71: {  	_ = 	snop;
	(pc) =	sbr.rel @p0 .LBB2_1-.Ltmp1, $1  }
0x72: {  	_ =	sdelay $0x3  }
0x73: {  	_ =	sfence.sel $0x180000  }
0x74: {  	[bflag:$0x0] =	sbarrier.arrive $0xFFFF  }
0x75: {  	_ =	strace $0x90000059  }
0x76: {  	s0 =	stileid.u32;
	[bflag:$0x2] =	sbarrier.arrive $0xFFFF  }
0x77: {  	p0 =	sne.s32 s0, $0x0;
	s0 =	rddreg [dreg:$0x1]  }
0x78: {  	s0 =	sadd.s32 @!p0 $0x100000, s0  }
0x79: {  	[sflag:s0] =	ssyncadd.tile.s32 @!p0 $0x1;
	_ =	shalt  }
.Lfunc_end2:
_tile_overlayer_lowered:
.L_overlay_start_2:
0x7a: {  	(tag) =	ssettag $0x2  }
0x7b: {  	s0 =	rddreg [dreg:$0x0];
	s2 =	stileid.u32  }
0x7c: {  	s1 =	rddreg [dreg:$0x1];
	p0 =	sne.s32 s2, $0x0  }
0x7d: {  	s3 =	rddreg [dreg:$0x2];
	[bflag:$0x3] =	sbarrier.arrive $0xFFFF;
	s2 =	simm.s32 @!p0 $0x1C02  }
0x7e: {  	[timem:s3], [sflag:s2] =	dma.local @!p0 [hbm:s0], s1  }
0x7f: {  	s0 =	simm.s32 @!p0 $0x2  }
0x80: {  	_ =	swait.ge @!p0 [sflag:s0], s1  }
0x81: {  	s1 =	ssub.s32 @!p0 $0x0, s1;
	[sflag:s0] =	ssyncset.done @!p0 $0x0  }
0x82: {  	[sflag:s0] =	ssyncadd.s32 @!p0 s1  }
0x83: {  	[bflag:$0x3] =	sbarrier.arrive $0xFFFF  }
0x84: {  	_ =	shalt  }

</sc_bundles>
